<compile_context>
chip_gen: v7x
topology: tpu7x:2x2x1
jax: 0.10.2.dev20260603
libtpu: 0.0.44.dev20260713+nightly
codegen_flags: <defaults>
</compile_context>

<pallas_src>
import functools
import math

import jax
import jax.numpy as jnp
from jax import lax
from jax.experimental import pallas as pl
from jax.experimental.pallas import tpu as pltpu
from jax.experimental.pallas import tpu_sc as plsc

_P = 0.05
_LANES = 16
_NBINS = 65536
_ROWS_PER_CHUNK = 112
_NBUF = 2


def _c16(v, dtype=jnp.int32):
    return jnp.full((_LANES,), v, dtype)


def _splat(x, dtype=None):
    v = jnp.broadcast_to(x, (_LANES,))
    return v if dtype is None else v.astype(dtype)


def _make_sc_select(rows, chans, k, nimg):
    info = plsc.get_sparse_core_info()
    nw = info.num_cores * info.num_subcores
    assert nimg == nw, (nimg, nw)
    rpc = _ROWS_PER_CHUNK
    nchunks = rows // rpc
    assert nchunks * rpc == rows and nchunks % _NBUF == 0
    vpr = chans // _LANES
    assert vpr * _LANES == chans
    kf = float(k)

    mesh = plsc.VectorSubcoreMesh(core_axis_name="c", subcore_axis_name="s")

    @functools.partial(
        pl.kernel,
        out_type=jax.ShapeDtypeStruct((nimg * _LANES,), jnp.float32),
        mesh=mesh,
        compiler_params=pltpu.CompilerParams(needs_layout_passes=False),
        scratch_types=[
            *[pltpu.VMEM((rpc, 128), jnp.float32) for _ in range(_NBUF)],
            *[pltpu.VMEM((rpc, chans - 128), jnp.float32) for _ in range(_NBUF)],
            pltpu.VMEM((_NBINS,), jnp.float32),
            pltpu.VMEM((_LANES,), jnp.float32),
            *[pltpu.SemaphoreType.DMA for _ in range(_NBUF)],
        ],
    )
    def sc_kernel(x_hbm, out_hbm, *refs):
        bufs_a = refs[:_NBUF]
        bufs_b = refs[_NBUF:2 * _NBUF]
        hist, tbuf = refs[2 * _NBUF], refs[2 * _NBUF + 1]
        sems = refs[2 * _NBUF + 2:]
        wid = lax.axis_index("s") * info.num_cores + lax.axis_index("c")
        ones = jnp.ones((_LANES,), jnp.float32)
        lanes = lax.iota(jnp.int32, _LANES)

        def zero_hist():
            @plsc.parallel_loop(0, _NBINS // _LANES, 1, unroll=8)
            def _(j):
                hist[pl.ds(j * _LANES, _LANES)] = jnp.zeros((_LANES,), jnp.float32)

        def keys_of(v):
            bi = lax.bitcast_convert_type(v, jnp.int32)
            m = lax.shift_right_arithmetic(bi, _c16(31))
            return lax.bitwise_xor(bi, lax.bitwise_or(m, _c16(-(2**31))))

        def dma_a(c, slot):
            return pltpu.make_async_copy(
                x_hbm.at[wid, pl.ds(c * rpc, rpc), pl.ds(0, 128)],
                bufs_a[slot],
                sems[slot],
            )

        def dma_b(c, slot):
            return pltpu.make_async_copy(
                x_hbm.at[wid, pl.ds(c * rpc, rpc), pl.ds(128, chans - 128)],
                bufs_b[slot],
                sems[slot],
            )

        def start(c, slot):
            dma_a(c, slot).start()
            dma_b(c, slot).start()

        def wait(c, slot):
            dma_a(c, slot).wait()
            dma_b(c, slot).wait()

        def prime():
            for u in range(_NBUF - 1):
                start(u, u)

        def histogram_pass(prefix_bin):
            zero_hist()

            def update(key):
                hi = lax.shift_right_logical(key, _c16(16))
                if prefix_bin is None:
                    plsc.addupdate_scatter(hist, [hi], ones)
                else:
                    lo = lax.bitwise_and(key, _c16(0xFFFF))
                    msk = hi == _splat(prefix_bin)
                    plsc.addupdate_scatter(hist, [lo], ones, mask=msk)

            def process(slot):
                @plsc.parallel_loop(0, rpc, 1, unroll=4)
                def _(r):
                    for u in range(128 // _LANES):
                        update(keys_of(bufs_a[slot][r, pl.ds(u * _LANES, _LANES)]))
                    for u in range(vpr - 128 // _LANES):
                        update(keys_of(bufs_b[slot][r, pl.ds(u * _LANES, _LANES)]))

            def turn(q, _):
                for u in range(_NBUF):
                    c = q * _NBUF + u
                    nxt = c + _NBUF - 1
                    slot = (u + _NBUF - 1) % _NBUF

                    @pl.when(nxt < nchunks)
                    def _():
                        start(nxt, slot)

                    wait(c, u)
                    process(u)
                return 0

            lax.fori_loop(0, nchunks // _NBUF, turn, 0)

        def select(target):
            seg_base = jnp.int32(0)
            above = jnp.float32(0.0)
            for p in (4096, 256, 16, 1):
                base_idx = _splat(seg_base) + lanes * p
                if p > 1:
                    def sb(t, acc):
                        return acc + plsc.load_gather(hist, [base_idx + _splat(t)])

                    seg = plsc.parallel_loop(
                        0, p, 1, unroll=8, carry=jnp.zeros((_LANES,), jnp.float32)
                    )(sb)
                else:
                    seg = plsc.load_gather(hist, [base_idx])
                suf = lax.rev(plsc.cumsum(lax.rev(seg, (0,))), (0,))
                cond = (_splat(above) + suf) >= _splat(jnp.float32(target))
                lsel = plsc.all_reduce_population_count(cond) - 1
                sel = lanes == lsel
                suf_sel = jnp.sum(jnp.where(sel, suf, 0.0))
                seg_sel = jnp.sum(jnp.where(sel, seg, 0.0))
                above = above + suf_sel - seg_sel
                seg_base = seg_base + jnp.max(lsel) * p
            return seg_base, above

        prime()
        histogram_pass(None)
        prime()
        b, a = select(kf)
        histogram_pass(b)
        l, _ = select(kf - a)

        key = lax.bitwise_or(lax.shift_left(b, jnp.int32(16)), l)
        kv = _splat(key)
        bits = jnp.where(
            kv < _c16(0),
            lax.bitwise_xor(kv, _c16(-(2**31))),
            lax.bitwise_not(kv),
        )
        tbuf[...] = lax.bitcast_convert_type(bits, jnp.float32)
        pltpu.sync_copy(tbuf, out_hbm.at[pl.ds(wid * _LANES, _LANES)])

    return sc_kernel


def _mask_body(t_ref, x_ref, o_ref):
    i = pl.program_id(0)
    t = t_ref[i]
    xv = x_ref[...]
    o_ref[...] = jnp.where(xv >= t, xv, 0.0)


def _tc_mask(xt, thr, nblocks):
    nimg, rows, chans = xt.shape
    blk = rows // nblocks
    assert blk * nblocks == rows
    grid_spec = pltpu.PrefetchScalarGridSpec(
        num_scalar_prefetch=1,
        grid=(nimg, nblocks),
        in_specs=[pl.BlockSpec((1, blk, chans), lambda i, j, s: (i, j, 0))],
        out_specs=pl.BlockSpec((1, blk, chans), lambda i, j, s: (i, j, 0)),
    )
    return pl.pallas_call(
        _mask_body,
        grid_spec=grid_spec,
        out_shape=jax.ShapeDtypeStruct(xt.shape, jnp.float32),
        compiler_params=pltpu.CompilerParams(
            dimension_semantics=("parallel", "parallel"),
        ),
    )(thr, xt)


def kernel(x):
    bs, nc, h, w = x.shape
    n = nc * h * w
    k = int(math.ceil(n * _P))
    sc_select = _make_sc_select(h * w, nc, k, bs)
    xt = jnp.transpose(x, (0, 2, 3, 1)).reshape(bs, h * w, nc)
    tvec = sc_select(xt)
    thr = tvec.reshape(bs, _LANES)[:, 0]
    out = _tc_mask(xt, thr, 1)
    return jnp.transpose(out.reshape(bs, h, w, nc), (0, 3, 1, 2))

# --- scband reference (transcript-rebuilt; emitter-appended) ---
"""Pipeline reference for scband-wtadropout-89489938579813 (READ-ONLY COPY).

The authoritative reference and input builder live on the scoring server;
editing this copy changes nothing except your own understanding.
"""

import jax, jax.numpy as jnp
import numpy as np

P = 0.05

def setup_inputs(seed: int = 0) -> dict:
    key = jax.random.key(seed)
    x = jax.random.normal(key, (32, 192, 56, 56), dtype=jnp.float32)
    return {"x": x}

def reference(x):
    bs, nc, sz, sz2 = x.shape
    assert sz == sz2
    # mode == 'per_image'
    k = int(np.ceil(nc * sz * sz * P))
    flat = x.reshape(bs, -1)
    topv = jax.lax.top_k(flat, k)[0]          # sorted descending, matches torch.topk
    thresh = topv[:, -1].reshape(bs, 1, 1, 1)  # k-th largest value per image
    mask = (x >= thresh).astype(x.dtype)
    return x * mask

if __name__ == "__main__":
    import jax
    _d = setup_inputs()
    print(jax.jit(kernel)(*tuple(_d.values())))

</pallas_src>

<mosaic_0001>
#map = affine_map<(d0, d1) -> (0, 0, 0)>
#map1 = affine_map<(d0, d1) -> (0)>
module attributes {stable_mosaic.version = 14 : i64} {
  func.func @sc_kernel(%arg0: i32, %arg1: i32, %arg2: memref<32x3136x192xf32, #tpu.memory_space<hbm>>, %arg3: memref<512xf32, #tpu.memory_space<hbm>>, %arg4: memref<112x128xf32, #tpu.memory_space<vmem>>, %arg5: memref<112x128xf32, #tpu.memory_space<vmem>>, %arg6: memref<112x64xf32, #tpu.memory_space<vmem>>, %arg7: memref<112x64xf32, #tpu.memory_space<vmem>>, %arg8: memref<65536xf32, #tpu.memory_space<vmem>>, %arg9: memref<16xf32, #tpu.memory_space<vmem>>, %arg10: memref<!tpu.dma_semaphore, #tpu.memory_space<semaphore_mem>>, %arg11: memref<!tpu.dma_semaphore, #tpu.memory_space<semaphore_mem>>) attributes {dimension_semantics = [#tpu.dimension_semantics<core_parallel>, #tpu.dimension_semantics<subcore_parallel>], iteration_bounds = array<i64: 2, 16>, scalar_prefetch = 0 : i64, scratch_operands = 8 : i64, tpu.core_type = #tpu.core_type<sc_vector_subcore>, window_params = [{transform_indices = #map}, {transform_indices = #map1}]} {
    %mul3A = arith.constant 2 : i32
    %mul3A_0 = arith.muli %arg1, %mul3A : i32
    %add3A = arith.addi %mul3A_0, %arg0 : i32
    %broadcast_in_dim3A = arith.constant 1.000000e+00 : f32
    %broadcast_in_dim3A_1 = vector.broadcast %broadcast_in_dim3A : f32 to vector<16xf32>
    %iota3A = tpu.iota {dimensions = array<i32: 0>} : vector<16xi32>
    %dma_start3A = arith.constant 0 : i32
    %dma_start3A_2 = arith.constant 0 : i32
    %dma_start3A_3 = tpu.memref_slice %arg2[%add3A, %dma_start3A, %dma_start3A_2] : memref<32x3136x192xf32, #tpu.memory_space<hbm>> -> memref<1x112x128xf32, #tpu.memory_space<hbm>>
    %dma_start3A_4 = tpu.memref_squeeze %dma_start3A_3 : memref<1x112x128xf32, #tpu.memory_space<hbm>> -> memref<112x128xf32, #tpu.memory_space<hbm>>
    %dma_start3A_5 = arith.constant 0 : i32
    %dma_start3A_6 = arith.constant 0 : i32
    %dma_start3A_7 = tpu.memref_slice %arg2[%add3A, %dma_start3A_5, %dma_start3A_6] : memref<32x3136x192xf32, #tpu.memory_space<hbm>> -> memref<1x112x128xf32, #tpu.memory_space<hbm>>
    %dma_start3A_8 = tpu.memref_squeeze %dma_start3A_7 : memref<1x112x128xf32, #tpu.memory_space<hbm>> -> memref<112x128xf32, #tpu.memory_space<hbm>>
    tpu.enqueue_dma source(%dma_start3A_8 : memref<112x128xf32, #tpu.memory_space<hbm>>) target(%arg4 : memref<112x128xf32, #tpu.memory_space<vmem>>) target_semaphore(%arg10 : memref<!tpu.dma_semaphore, #tpu.memory_space<semaphore_mem>>)
    %dma_start3A_9 = arith.constant 0 : i32
    %dma_start3A_10 = arith.constant 128 : i32
    %dma_start3A_11 = tpu.memref_slice %arg2[%add3A, %dma_start3A_9, %dma_start3A_10] : memref<32x3136x192xf32, #tpu.memory_space<hbm>> -> memref<1x112x64xf32, #tpu.memory_space<hbm>>
    %dma_start3A_12 = tpu.memref_squeeze %dma_start3A_11 : memref<1x112x64xf32, #tpu.memory_space<hbm>> -> memref<112x64xf32, #tpu.memory_space<hbm>>
    %dma_start3A_13 = arith.constant 0 : i32
    %dma_start3A_14 = arith.constant 128 : i32
    %dma_start3A_15 = tpu.memref_slice %arg2[%add3A, %dma_start3A_13, %dma_start3A_14] : memref<32x3136x192xf32, #tpu.memory_space<hbm>> -> memref<1x112x64xf32, #tpu.memory_space<hbm>>
    %dma_start3A_16 = tpu.memref_squeeze %dma_start3A_15 : memref<1x112x64xf32, #tpu.memory_space<hbm>> -> memref<112x64xf32, #tpu.memory_space<hbm>>
    tpu.enqueue_dma source(%dma_start3A_16 : memref<112x64xf32, #tpu.memory_space<hbm>>) target(%arg6 : memref<112x64xf32, #tpu.memory_space<vmem>>) target_semaphore(%arg10 : memref<!tpu.dma_semaphore, #tpu.memory_space<semaphore_mem>>)
    %parallel_loop3A = arith.constant 0 : i32
    %parallel_loop3A_17 = arith.constant 4096 : i32
    %parallel_loop3A_18 = arith.constant 1 : i32
    scf.for %parallel_loop3A_535 = %parallel_loop3A to %parallel_loop3A_17 step %parallel_loop3A_18  : i32 {
      %parallel_loop3A_536 = arith.constant 0.000000e+00 : f32
      %parallel_loop3A_537 = vector.broadcast %parallel_loop3A_536 : f32 to vector<16xf32>
      %parallel_loop3A_538 = arith.constant 16 : i32
      %parallel_loop3A_539 = arith.muli %parallel_loop3A_535, %parallel_loop3A_538 : i32
      %parallel_loop3A_540 = arith.index_cast %parallel_loop3A_539 : i32 to index
      %parallel_loop3A_541 = tpu.vector_load %arg8[%parallel_loop3A_540] {strides = array<i32>} : memref<65536xf32, #tpu.memory_space<vmem>>, vector<16xf32>,
      tpu.vector_store %arg8[%parallel_loop3A_540], %parallel_loop3A_537 {strides = array<i32>} : memref<65536xf32, #tpu.memory_space<vmem>>, vector<16xf32>,
    } {sc.loop_unroll_factor = 8 : i64, sc.parallel_access}
    %scan3A = arith.constant 0 : i32
    %scan3A_19 = arith.constant 0 : i32
    %scan3A_20 = arith.constant 14 : i32
    %scan3A_21 = arith.addi %scan3A_19, %scan3A_20 : i32
    %scan3A_22 = arith.constant 1 : i32
    %scan3A_23 = scf.for %scan3A_535 = %scan3A_19 to %scan3A_21 step %scan3A_22 iter_args(%scan3A_536 = %scan3A) -> (i32)  : i32 {
      %mul3A_537 = arith.constant 2 : i32
      %mul3A_538 = arith.muli %scan3A_535, %mul3A_537 : i32
      %add3A_539 = arith.constant 0 : i32
      %add3A_540 = arith.addi %mul3A_538, %add3A_539 : i32
      %add3A_541 = arith.constant 2 : i32
      %add3A_542 = arith.addi %add3A_540, %add3A_541 : i32
      %sub3A_543 = arith.constant 1 : i32
      %sub3A_544 = arith.subi %add3A_542, %sub3A_543 : i32
      %lt3A_545 = arith.constant 28 : i32
      %lt3A_546 = arith.cmpi slt, %sub3A_544, %lt3A_545 : i32
      %convert_element_type3A = arith.extui %lt3A_546 : i1 to i32
      %cond3A = arith.constant 0 : i32
      %cond3A_547 = arith.cmpi ne, %convert_element_type3A, %cond3A : i32
      scf.if %cond3A_547 {
        %mul3A_599 = arith.constant 112 : i32
        %mul3A_600 = arith.muli %sub3A_544, %mul3A_599 : i32
        %dma_start3A_601 = arith.constant 0 : i32
        %dma_start3A_602 = tpu.memref_slice %arg2[%add3A, %mul3A_600, %dma_start3A_601] : memref<32x3136x192xf32, #tpu.memory_space<hbm>> -> memref<1x112x128xf32, #tpu.memory_space<hbm>>
        %dma_start3A_603 = tpu.memref_squeeze %dma_start3A_602 : memref<1x112x128xf32, #tpu.memory_space<hbm>> -> memref<112x128xf32, #tpu.memory_space<hbm>>
        %dma_start3A_604 = arith.constant 0 : i32
        %dma_start3A_605 = tpu.memref_slice %arg2[%add3A, %mul3A_600, %dma_start3A_604] : memref<32x3136x192xf32, #tpu.memory_space<hbm>> -> memref<1x112x128xf32, #tpu.memory_space<hbm>>
        %dma_start3A_606 = tpu.memref_squeeze %dma_start3A_605 : memref<1x112x128xf32, #tpu.memory_space<hbm>> -> memref<112x128xf32, #tpu.memory_space<hbm>>
        tpu.enqueue_dma source(%dma_start3A_606 : memref<112x128xf32, #tpu.memory_space<hbm>>) target(%arg5 : memref<112x128xf32, #tpu.memory_space<vmem>>) target_semaphore(%arg11 : memref<!tpu.dma_semaphore, #tpu.memory_space<semaphore_mem>>)
        %mul3A_607 = arith.constant 112 : i32
        %mul3A_608 = arith.muli %sub3A_544, %mul3A_607 : i32
        %dma_start3A_609 = arith.constant 128 : i32
        %dma_start3A_610 = tpu.memref_slice %arg2[%add3A, %mul3A_608, %dma_start3A_609] : memref<32x3136x192xf32, #tpu.memory_space<hbm>> -> memref<1x112x64xf32, #tpu.memory_space<hbm>>
        %dma_start3A_611 = tpu.memref_squeeze %dma_start3A_610 : memref<1x112x64xf32, #tpu.memory_space<hbm>> -> memref<112x64xf32, #tpu.memory_space<hbm>>
        %dma_start3A_612 = arith.constant 128 : i32
        %dma_start3A_613 = tpu.memref_slice %arg2[%add3A, %mul3A_608, %dma_start3A_612] : memref<32x3136x192xf32, #tpu.memory_space<hbm>> -> memref<1x112x64xf32, #tpu.memory_space<hbm>>
        %dma_start3A_614 = tpu.memref_squeeze %dma_start3A_613 : memref<1x112x64xf32, #tpu.memory_space<hbm>> -> memref<112x64xf32, #tpu.memory_space<hbm>>
        tpu.enqueue_dma source(%dma_start3A_614 : memref<112x64xf32, #tpu.memory_space<hbm>>) target(%arg7 : memref<112x64xf32, #tpu.memory_space<vmem>>) target_semaphore(%arg11 : memref<!tpu.dma_semaphore, #tpu.memory_space<semaphore_mem>>)
      } else {
      }
      %mul3A_548 = arith.constant 112 : i32
      %mul3A_549 = arith.muli %add3A_540, %mul3A_548 : i32
      %dma_wait3A = arith.constant 0 : i32
      %dma_wait3A_550 = tpu.memref_slice %arg2[%add3A, %mul3A_549, %dma_wait3A] : memref<32x3136x192xf32, #tpu.memory_space<hbm>> -> memref<1x112x128xf32, #tpu.memory_space<hbm>>
      %dma_wait3A_551 = tpu.memref_squeeze %dma_wait3A_550 : memref<1x112x128xf32, #tpu.memory_space<hbm>> -> memref<112x128xf32, #tpu.memory_space<hbm>>
      %dma_wait3A_552 = arith.constant 0 : i32
      %dma_wait3A_553 = tpu.memref_slice %arg2[%add3A, %mul3A_549, %dma_wait3A_552] : memref<32x3136x192xf32, #tpu.memory_space<hbm>> -> memref<1x112x128xf32, #tpu.memory_space<hbm>>
      %dma_wait3A_554 = tpu.memref_squeeze %dma_wait3A_553 : memref<1x112x128xf32, #tpu.memory_space<hbm>> -> memref<112x128xf32, #tpu.memory_space<hbm>>
      tpu.wait_dma2 semaphore(%arg10 : memref<!tpu.dma_semaphore, #tpu.memory_space<semaphore_mem>>) src(%dma_wait3A_554 : memref<112x128xf32, #tpu.memory_space<hbm>>) dst(%arg4 : memref<112x128xf32, #tpu.memory_space<vmem>>)
      %mul3A_555 = arith.constant 112 : i32
      %mul3A_556 = arith.muli %add3A_540, %mul3A_555 : i32
      %dma_wait3A_557 = arith.constant 128 : i32
      %dma_wait3A_558 = tpu.memref_slice %arg2[%add3A, %mul3A_556, %dma_wait3A_557] : memref<32x3136x192xf32, #tpu.memory_space<hbm>> -> memref<1x112x64xf32, #tpu.memory_space<hbm>>
      %dma_wait3A_559 = tpu.memref_squeeze %dma_wait3A_558 : memref<1x112x64xf32, #tpu.memory_space<hbm>> -> memref<112x64xf32, #tpu.memory_space<hbm>>
      %dma_wait3A_560 = arith.constant 128 : i32
      %dma_wait3A_561 = tpu.memref_slice %arg2[%add3A, %mul3A_556, %dma_wait3A_560] : memref<32x3136x192xf32, #tpu.memory_space<hbm>> -> memref<1x112x64xf32, #tpu.memory_space<hbm>>
      %dma_wait3A_562 = tpu.memref_squeeze %dma_wait3A_561 : memref<1x112x64xf32, #tpu.memory_space<hbm>> -> memref<112x64xf32, #tpu.memory_space<hbm>>
      tpu.wait_dma2 semaphore(%arg10 : memref<!tpu.dma_semaphore, #tpu.memory_space<semaphore_mem>>) src(%dma_wait3A_562 : memref<112x64xf32, #tpu.memory_space<hbm>>) dst(%arg6 : memref<112x64xf32, #tpu.memory_space<vmem>>)
      %parallel_loop3A_563 = arith.constant 0 : i32
      %parallel_loop3A_564 = arith.constant 112 : i32
      %parallel_loop3A_565 = arith.constant 1 : i32
      scf.for %parallel_loop3A_599 = %parallel_loop3A_563 to %parallel_loop3A_564 step %parallel_loop3A_565  : i32 {
        %parallel_loop3A_600 = arith.index_cast %parallel_loop3A_599 : i32 to index
        %parallel_loop3A_601 = arith.constant 0 : index
        %parallel_loop3A_602 = tpu.vector_load %arg4[%parallel_loop3A_600, %parallel_loop3A_601] {strides = array<i32>} : memref<112x128xf32, #tpu.memory_space<vmem>>, vector<16xf32>,
        %parallel_loop3A_603 = tpu.bitcast %parallel_loop3A_602 : vector<16xf32> -> vector<16xi32>
        %parallel_loop3A_604 = arith.constant 31 : i32
        %parallel_loop3A_605 = vector.broadcast %parallel_loop3A_604 : i32 to vector<16xi32>
        %parallel_loop3A_606 = arith.shrsi %parallel_loop3A_603, %parallel_loop3A_605 : vector<16xi32>
        %parallel_loop3A_607 = arith.constant -2147483648 : i32
        %parallel_loop3A_608 = vector.broadcast %parallel_loop3A_607 : i32 to vector<16xi32>
        %parallel_loop3A_609 = arith.ori %parallel_loop3A_606, %parallel_loop3A_608 : vector<16xi32>
        %parallel_loop3A_610 = arith.xori %parallel_loop3A_603, %parallel_loop3A_609 : vector<16xi32>
        %parallel_loop3A_611 = arith.constant 16 : i32
        %parallel_loop3A_612 = vector.broadcast %parallel_loop3A_611 : i32 to vector<16xi32>
        %parallel_loop3A_613 = arith.shrui %parallel_loop3A_610, %parallel_loop3A_612 : vector<16xi32>
        tpu.vector_store_idx %arg8[%parallel_loop3A_613], %broadcast_in_dim3A_1 {add = true} : memref<65536xf32, #tpu.memory_space<vmem>>[vector<16xi32>], vector<16xf32>,
        %parallel_loop3A_614 = arith.index_cast %parallel_loop3A_599 : i32 to index
        %parallel_loop3A_615 = arith.constant 16 : index
        %parallel_loop3A_616 = tpu.vector_load %arg4[%parallel_loop3A_614, %parallel_loop3A_615] {strides = array<i32>} : memref<112x128xf32, #tpu.memory_space<vmem>>, vector<16xf32>,
        %parallel_loop3A_617 = tpu.bitcast %parallel_loop3A_616 : vector<16xf32> -> vector<16xi32>
        %parallel_loop3A_618 = arith.constant 31 : i32
        %parallel_loop3A_619 = vector.broadcast %parallel_loop3A_618 : i32 to vector<16xi32>
        %parallel_loop3A_620 = arith.shrsi %parallel_loop3A_617, %parallel_loop3A_619 : vector<16xi32>
        %parallel_loop3A_621 = arith.constant -2147483648 : i32
        %parallel_loop3A_622 = vector.broadcast %parallel_loop3A_621 : i32 to vector<16xi32>
        %parallel_loop3A_623 = arith.ori %parallel_loop3A_620, %parallel_loop3A_622 : vector<16xi32>
        %parallel_loop3A_624 = arith.xori %parallel_loop3A_617, %parallel_loop3A_623 : vector<16xi32>
        %parallel_loop3A_625 = arith.constant 16 : i32
        %parallel_loop3A_626 = vector.broadcast %parallel_loop3A_625 : i32 to vector<16xi32>
        %parallel_loop3A_627 = arith.shrui %parallel_loop3A_624, %parallel_loop3A_626 : vector<16xi32>
        tpu.vector_store_idx %arg8[%parallel_loop3A_627], %broadcast_in_dim3A_1 {add = true} : memref<65536xf32, #tpu.memory_space<vmem>>[vector<16xi32>], vector<16xf32>,
        %parallel_loop3A_628 = arith.index_cast %parallel_loop3A_599 : i32 to index
        %parallel_loop3A_629 = arith.constant 32 : index
        %parallel_loop3A_630 = tpu.vector_load %arg4[%parallel_loop3A_628, %parallel_loop3A_629] {strides = array<i32>} : memref<112x128xf32, #tpu.memory_space<vmem>>, vector<16xf32>,
        %parallel_loop3A_631 = tpu.bitcast %parallel_loop3A_630 : vector<16xf32> -> vector<16xi32>
        %parallel_loop3A_632 = arith.constant 31 : i32
        %parallel_loop3A_633 = vector.broadcast %parallel_loop3A_632 : i32 to vector<16xi32>
        %parallel_loop3A_634 = arith.shrsi %parallel_loop3A_631, %parallel_loop3A_633 : vector<16xi32>
        %parallel_loop3A_635 = arith.constant -2147483648 : i32
        %parallel_loop3A_636 = vector.broadcast %parallel_loop3A_635 : i32 to vector<16xi32>
        %parallel_loop3A_637 = arith.ori %parallel_loop3A_634, %parallel_loop3A_636 : vector<16xi32>
        %parallel_loop3A_638 = arith.xori %parallel_loop3A_631, %parallel_loop3A_637 : vector<16xi32>
        %parallel_loop3A_639 = arith.constant 16 : i32
        %parallel_loop3A_640 = vector.broadcast %parallel_loop3A_639 : i32 to vector<16xi32>
        %parallel_loop3A_641 = arith.shrui %parallel_loop3A_638, %parallel_loop3A_640 : vector<16xi32>
        tpu.vector_store_idx %arg8[%parallel_loop3A_641], %broadcast_in_dim3A_1 {add = true} : memref<65536xf32, #tpu.memory_space<vmem>>[vector<16xi32>], vector<16xf32>,
        %parallel_loop3A_642 = arith.index_cast %parallel_loop3A_599 : i32 to index
        %parallel_loop3A_643 = arith.constant 48 : index
        %parallel_loop3A_644 = tpu.vector_load %arg4[%parallel_loop3A_642, %parallel_loop3A_643] {strides = array<i32>} : memref<112x128xf32, #tpu.memory_space<vmem>>, vector<16xf32>,
        %parallel_loop3A_645 = tpu.bitcast %parallel_loop3A_644 : vector<16xf32> -> vector<16xi32>
        %parallel_loop3A_646 = arith.constant 31 : i32
        %parallel_loop3A_647 = vector.broadcast %parallel_loop3A_646 : i32 to vector<16xi32>
        %parallel_loop3A_648 = arith.shrsi %parallel_loop3A_645, %parallel_loop3A_647 : vector<16xi32>
        %parallel_loop3A_649 = arith.constant -2147483648 : i32
        %parallel_loop3A_650 = vector.broadcast %parallel_loop3A_649 : i32 to vector<16xi32>
        %parallel_loop3A_651 = arith.ori %parallel_loop3A_648, %parallel_loop3A_650 : vector<16xi32>
        %parallel_loop3A_652 = arith.xori %parallel_loop3A_645, %parallel_loop3A_651 : vector<16xi32>
        %parallel_loop3A_653 = arith.constant 16 : i32
        %parallel_loop3A_654 = vector.broadcast %parallel_loop3A_653 : i32 to vector<16xi32>
        %parallel_loop3A_655 = arith.shrui %parallel_loop3A_652, %parallel_loop3A_654 : vector<16xi32>
        tpu.vector_store_idx %arg8[%parallel_loop3A_655], %broadcast_in_dim3A_1 {add = true} : memref<65536xf32, #tpu.memory_space<vmem>>[vector<16xi32>], vector<16xf32>,
        %parallel_loop3A_656 = arith.index_cast %parallel_loop3A_599 : i32 to index
        %parallel_loop3A_657 = arith.constant 64 : index
        %parallel_loop3A_658 = tpu.vector_load %arg4[%parallel_loop3A_656, %parallel_loop3A_657] {strides = array<i32>} : memref<112x128xf32, #tpu.memory_space<vmem>>, vector<16xf32>,
        %parallel_loop3A_659 = tpu.bitcast %parallel_loop3A_658 : vector<16xf32> -> vector<16xi32>
        %parallel_loop3A_660 = arith.constant 31 : i32
        %parallel_loop3A_661 = vector.broadcast %parallel_loop3A_660 : i32 to vector<16xi32>
        %parallel_loop3A_662 = arith.shrsi %parallel_loop3A_659, %parallel_loop3A_661 : vector<16xi32>
        %parallel_loop3A_663 = arith.constant -2147483648 : i32
        %parallel_loop3A_664 = vector.broadcast %parallel_loop3A_663 : i32 to vector<16xi32>
        %parallel_loop3A_665 = arith.ori %parallel_loop3A_662, %parallel_loop3A_664 : vector<16xi32>
        %parallel_loop3A_666 = arith.xori %parallel_loop3A_659, %parallel_loop3A_665 : vector<16xi32>
        %parallel_loop3A_667 = arith.constant 16 : i32
        %parallel_loop3A_668 = vector.broadcast %parallel_loop3A_667 : i32 to vector<16xi32>
        %parallel_loop3A_669 = arith.shrui %parallel_loop3A_666, %parallel_loop3A_668 : vector<16xi32>
        tpu.vector_store_idx %arg8[%parallel_loop3A_669], %broadcast_in_dim3A_1 {add = true} : memref<65536xf32, #tpu.memory_space<vmem>>[vector<16xi32>], vector<16xf32>,
        %parallel_loop3A_670 = arith.index_cast %parallel_loop3A_599 : i32 to index
        %parallel_loop3A_671 = arith.constant 80 : index
        %parallel_loop3A_672 = tpu.vector_load %arg4[%parallel_loop3A_670, %parallel_loop3A_671] {strides = array<i32>} : memref<112x128xf32, #tpu.memory_space<vmem>>, vector<16xf32>,
        %parallel_loop3A_673 = tpu.bitcast %parallel_loop3A_672 : vector<16xf32> -> vector<16xi32>
        %parallel_loop3A_674 = arith.constant 31 : i32
        %parallel_loop3A_675 = vector.broadcast %parallel_loop3A_674 : i32 to vector<16xi32>
        %parallel_loop3A_676 = arith.shrsi %parallel_loop3A_673, %parallel_loop3A_675 : vector<16xi32>
        %parallel_loop3A_677 = arith.constant -2147483648 : i32
        %parallel_loop3A_678 = vector.broadcast %parallel_loop3A_677 : i32 to vector<16xi32>
        %parallel_loop3A_679 = arith.ori %parallel_loop3A_676, %parallel_loop3A_678 : vector<16xi32>
        %parallel_loop3A_680 = arith.xori %parallel_loop3A_673, %parallel_loop3A_679 : vector<16xi32>
        %parallel_loop3A_681 = arith.constant 16 : i32
        %parallel_loop3A_682 = vector.broadcast %parallel_loop3A_681 : i32 to vector<16xi32>
        %parallel_loop3A_683 = arith.shrui %parallel_loop3A_680, %parallel_loop3A_682 : vector<16xi32>
        tpu.vector_store_idx %arg8[%parallel_loop3A_683], %broadcast_in_dim3A_1 {add = true} : memref<65536xf32, #tpu.memory_space<vmem>>[vector<16xi32>], vector<16xf32>,
        %parallel_loop3A_684 = arith.index_cast %parallel_loop3A_599 : i32 to index
        %parallel_loop3A_685 = arith.constant 96 : index
        %parallel_loop3A_686 = tpu.vector_load %arg4[%parallel_loop3A_684, %parallel_loop3A_685] {strides = array<i32>} : memref<112x128xf32, #tpu.memory_space<vmem>>, vector<16xf32>,
        %parallel_loop3A_687 = tpu.bitcast %parallel_loop3A_686 : vector<16xf32> -> vector<16xi32>
        %parallel_loop3A_688 = arith.constant 31 : i32
        %parallel_loop3A_689 = vector.broadcast %parallel_loop3A_688 : i32 to vector<16xi32>
        %parallel_loop3A_690 = arith.shrsi %parallel_loop3A_687, %parallel_loop3A_689 : vector<16xi32>
        %parallel_loop3A_691 = arith.constant -2147483648 : i32
        %parallel_loop3A_692 = vector.broadcast %parallel_loop3A_691 : i32 to vector<16xi32>
        %parallel_loop3A_693 = arith.ori %parallel_loop3A_690, %parallel_loop3A_692 : vector<16xi32>
        %parallel_loop3A_694 = arith.xori %parallel_loop3A_687, %parallel_loop3A_693 : vector<16xi32>
        %parallel_loop3A_695 = arith.constant 16 : i32
        %parallel_loop3A_696 = vector.broadcast %parallel_loop3A_695 : i32 to vector<16xi32>
        %parallel_loop3A_697 = arith.shrui %parallel_loop3A_694, %parallel_loop3A_696 : vector<16xi32>
        tpu.vector_store_idx %arg8[%parallel_loop3A_697], %broadcast_in_dim3A_1 {add = true} : memref<65536xf32, #tpu.memory_space<vmem>>[vector<16xi32>], vector<16xf32>,
        %parallel_loop3A_698 = arith.index_cast %parallel_loop3A_599 : i32 to index
        %parallel_loop3A_699 = arith.constant 112 : index
        %parallel_loop3A_700 = tpu.vector_load %arg4[%parallel_loop3A_698, %parallel_loop3A_699] {strides = array<i32>} : memref<112x128xf32, #tpu.memory_space<vmem>>, vector<16xf32>,
        %parallel_loop3A_701 = tpu.bitcast %parallel_loop3A_700 : vector<16xf32> -> vector<16xi32>
        %parallel_loop3A_702 = arith.constant 31 : i32
        %parallel_loop3A_703 = vector.broadcast %parallel_loop3A_702 : i32 to vector<16xi32>
        %parallel_loop3A_704 = arith.shrsi %parallel_loop3A_701, %parallel_loop3A_703 : vector<16xi32>
        %parallel_loop3A_705 = arith.constant -2147483648 : i32
        %parallel_loop3A_706 = vector.broadcast %parallel_loop3A_705 : i32 to vector<16xi32>
        %parallel_loop3A_707 = arith.ori %parallel_loop3A_704, %parallel_loop3A_706 : vector<16xi32>
        %parallel_loop3A_708 = arith.xori %parallel_loop3A_701, %parallel_loop3A_707 : vector<16xi32>
        %parallel_loop3A_709 = arith.constant 16 : i32
        %parallel_loop3A_710 = vector.broadcast %parallel_loop3A_709 : i32 to vector<16xi32>
        %parallel_loop3A_711 = arith.shrui %parallel_loop3A_708, %parallel_loop3A_710 : vector<16xi32>
        tpu.vector_store_idx %arg8[%parallel_loop3A_711], %broadcast_in_dim3A_1 {add = true} : memref<65536xf32, #tpu.memory_space<vmem>>[vector<16xi32>], vector<16xf32>,
        %parallel_loop3A_712 = arith.index_cast %parallel_loop3A_599 : i32 to index
        %parallel_loop3A_713 = arith.constant 0 : index
        %parallel_loop3A_714 = tpu.vector_load %arg6[%parallel_loop3A_712, %parallel_loop3A_713] {strides = array<i32>} : memref<112x64xf32, #tpu.memory_space<vmem>>, vector<16xf32>,
        %parallel_loop3A_715 = tpu.bitcast %parallel_loop3A_714 : vector<16xf32> -> vector<16xi32>
        %parallel_loop3A_716 = arith.constant 31 : i32
        %parallel_loop3A_717 = vector.broadcast %parallel_loop3A_716 : i32 to vector<16xi32>
        %parallel_loop3A_718 = arith.shrsi %parallel_loop3A_715, %parallel_loop3A_717 : vector<16xi32>
        %parallel_loop3A_719 = arith.constant -2147483648 : i32
        %parallel_loop3A_720 = vector.broadcast %parallel_loop3A_719 : i32 to vector<16xi32>
        %parallel_loop3A_721 = arith.ori %parallel_loop3A_718, %parallel_loop3A_720 : vector<16xi32>
        %parallel_loop3A_722 = arith.xori %parallel_loop3A_715, %parallel_loop3A_721 : vector<16xi32>
        %parallel_loop3A_723 = arith.constant 16 : i32
        %parallel_loop3A_724 = vector.broadcast %parallel_loop3A_723 : i32 to vector<16xi32>
        %parallel_loop3A_725 = arith.shrui %parallel_loop3A_722, %parallel_loop3A_724 : vector<16xi32>
        tpu.vector_store_idx %arg8[%parallel_loop3A_725], %broadcast_in_dim3A_1 {add = true} : memref<65536xf32, #tpu.memory_space<vmem>>[vector<16xi32>], vector<16xf32>,
        %parallel_loop3A_726 = arith.index_cast %parallel_loop3A_599 : i32 to index
        %parallel_loop3A_727 = arith.constant 16 : index
        %parallel_loop3A_728 = tpu.vector_load %arg6[%parallel_loop3A_726, %parallel_loop3A_727] {strides = array<i32>} : memref<112x64xf32, #tpu.memory_space<vmem>>, vector<16xf32>,
        %parallel_loop3A_729 = tpu.bitcast %parallel_loop3A_728 : vector<16xf32> -> vector<16xi32>
        %parallel_loop3A_730 = arith.constant 31 : i32
        %parallel_loop3A_731 = vector.broadcast %parallel_loop3A_730 : i32 to vector<16xi32>
        %parallel_loop3A_732 = arith.shrsi %parallel_loop3A_729, %parallel_loop3A_731 : vector<16xi32>
        %parallel_loop3A_733 = arith.constant -2147483648 : i32
        %parallel_loop3A_734 = vector.broadcast %parallel_loop3A_733 : i32 to vector<16xi32>
        %parallel_loop3A_735 = arith.ori %parallel_loop3A_732, %parallel_loop3A_734 : vector<16xi32>
        %parallel_loop3A_736 = arith.xori %parallel_loop3A_729, %parallel_loop3A_735 : vector<16xi32>
        %parallel_loop3A_737 = arith.constant 16 : i32
        %parallel_loop3A_738 = vector.broadcast %parallel_loop3A_737 : i32 to vector<16xi32>
        %parallel_loop3A_739 = arith.shrui %parallel_loop3A_736, %parallel_loop3A_738 : vector<16xi32>
        tpu.vector_store_idx %arg8[%parallel_loop3A_739], %broadcast_in_dim3A_1 {add = true} : memref<65536xf32, #tpu.memory_space<vmem>>[vector<16xi32>], vector<16xf32>,
        %parallel_loop3A_740 = arith.index_cast %parallel_loop3A_599 : i32 to index
        %parallel_loop3A_741 = arith.constant 32 : index
        %parallel_loop3A_742 = tpu.vector_load %arg6[%parallel_loop3A_740, %parallel_loop3A_741] {strides = array<i32>} : memref<112x64xf32, #tpu.memory_space<vmem>>, vector<16xf32>,
        %parallel_loop3A_743 = tpu.bitcast %parallel_loop3A_742 : vector<16xf32> -> vector<16xi32>
        %parallel_loop3A_744 = arith.constant 31 : i32
        %parallel_loop3A_745 = vector.broadcast %parallel_loop3A_744 : i32 to vector<16xi32>
        %parallel_loop3A_746 = arith.shrsi %parallel_loop3A_743, %parallel_loop3A_745 : vector<16xi32>
        %parallel_loop3A_747 = arith.constant -2147483648 : i32
        %parallel_loop3A_748 = vector.broadcast %parallel_loop3A_747 : i32 to vector<16xi32>
        %parallel_loop3A_749 = arith.ori %parallel_loop3A_746, %parallel_loop3A_748 : vector<16xi32>
        %parallel_loop3A_750 = arith.xori %parallel_loop3A_743, %parallel_loop3A_749 : vector<16xi32>
        %parallel_loop3A_751 = arith.constant 16 : i32
        %parallel_loop3A_752 = vector.broadcast %parallel_loop3A_751 : i32 to vector<16xi32>
        %parallel_loop3A_753 = arith.shrui %parallel_loop3A_750, %parallel_loop3A_752 : vector<16xi32>
        tpu.vector_store_idx %arg8[%parallel_loop3A_753], %broadcast_in_dim3A_1 {add = true} : memref<65536xf32, #tpu.memory_space<vmem>>[vector<16xi32>], vector<16xf32>,
        %parallel_loop3A_754 = arith.index_cast %parallel_loop3A_599 : i32 to index
        %parallel_loop3A_755 = arith.constant 48 : index
        %parallel_loop3A_756 = tpu.vector_load %arg6[%parallel_loop3A_754, %parallel_loop3A_755] {strides = array<i32>} : memref<112x64xf32, #tpu.memory_space<vmem>>, vector<16xf32>,
        %parallel_loop3A_757 = tpu.bitcast %parallel_loop3A_756 : vector<16xf32> -> vector<16xi32>
        %parallel_loop3A_758 = arith.constant 31 : i32
        %parallel_loop3A_759 = vector.broadcast %parallel_loop3A_758 : i32 to vector<16xi32>
        %parallel_loop3A_760 = arith.shrsi %parallel_loop3A_757, %parallel_loop3A_759 : vector<16xi32>
        %parallel_loop3A_761 = arith.constant -2147483648 : i32
        %parallel_loop3A_762 = vector.broadcast %parallel_loop3A_761 : i32 to vector<16xi32>
        %parallel_loop3A_763 = arith.ori %parallel_loop3A_760, %parallel_loop3A_762 : vector<16xi32>
        %parallel_loop3A_764 = arith.xori %parallel_loop3A_757, %parallel_loop3A_763 : vector<16xi32>
        %parallel_loop3A_765 = arith.constant 16 : i32
        %parallel_loop3A_766 = vector.broadcast %parallel_loop3A_765 : i32 to vector<16xi32>
        %parallel_loop3A_767 = arith.shrui %parallel_loop3A_764, %parallel_loop3A_766 : vector<16xi32>
        tpu.vector_store_idx %arg8[%parallel_loop3A_767], %broadcast_in_dim3A_1 {add = true} : memref<65536xf32, #tpu.memory_space<vmem>>[vector<16xi32>], vector<16xf32>,
      } {sc.loop_unroll_factor = 4 : i64, sc.parallel_access}
      %mul3A_566 = arith.constant 2 : i32
      %mul3A_567 = arith.muli %scan3A_535, %mul3A_566 : i32
      %add3A_568 = arith.constant 1 : i32
      %add3A_569 = arith.addi %mul3A_567, %add3A_568 : i32
      %add3A_570 = arith.constant 2 : i32
      %add3A_571 = arith.addi %add3A_569, %add3A_570 : i32
      %sub3A_572 = arith.constant 1 : i32
      %sub3A_573 = arith.subi %add3A_571, %sub3A_572 : i32
      %lt3A_574 = arith.constant 28 : i32
      %lt3A_575 = arith.cmpi slt, %sub3A_573, %lt3A_574 : i32
      %convert_element_type3A_576 = arith.extui %lt3A_575 : i1 to i32
      %cond3A_577 = arith.constant 0 : i32
      %cond3A_578 = arith.cmpi ne, %convert_element_type3A_576, %cond3A_577 : i32
      scf.if %cond3A_578 {
        %mul3A_599 = arith.constant 112 : i32
        %mul3A_600 = arith.muli %sub3A_573, %mul3A_599 : i32
        %dma_start3A_601 = arith.constant 0 : i32
        %dma_start3A_602 = tpu.memref_slice %arg2[%add3A, %mul3A_600, %dma_start3A_601] : memref<32x3136x192xf32, #tpu.memory_space<hbm>> -> memref<1x112x128xf32, #tpu.memory_space<hbm>>
        %dma_start3A_603 = tpu.memref_squeeze %dma_start3A_602 : memref<1x112x128xf32, #tpu.memory_space<hbm>> -> memref<112x128xf32, #tpu.memory_space<hbm>>
        %dma_start3A_604 = arith.constant 0 : i32
        %dma_start3A_605 = tpu.memref_slice %arg2[%add3A, %mul3A_600, %dma_start3A_604] : memref<32x3136x192xf32, #tpu.memory_space<hbm>> -> memref<1x112x128xf32, #tpu.memory_space<hbm>>
        %dma_start3A_606 = tpu.memref_squeeze %dma_start3A_605 : memref<1x112x128xf32, #tpu.memory_space<hbm>> -> memref<112x128xf32, #tpu.memory_space<hbm>>
        tpu.enqueue_dma source(%dma_start3A_606 : memref<112x128xf32, #tpu.memory_space<hbm>>) target(%arg4 : memref<112x128xf32, #tpu.memory_space<vmem>>) target_semaphore(%arg10 : memref<!tpu.dma_semaphore, #tpu.memory_space<semaphore_mem>>)
        %mul3A_607 = arith.constant 112 : i32
        %mul3A_608 = arith.muli %sub3A_573, %mul3A_607 : i32
        %dma_start3A_609 = arith.constant 128 : i32
        %dma_start3A_610 = tpu.memref_slice %arg2[%add3A, %mul3A_608, %dma_start3A_609] : memref<32x3136x192xf32, #tpu.memory_space<hbm>> -> memref<1x112x64xf32, #tpu.memory_space<hbm>>
        %dma_start3A_611 = tpu.memref_squeeze %dma_start3A_610 : memref<1x112x64xf32, #tpu.memory_space<hbm>> -> memref<112x64xf32, #tpu.memory_space<hbm>>
        %dma_start3A_612 = arith.constant 128 : i32
        %dma_start3A_613 = tpu.memref_slice %arg2[%add3A, %mul3A_608, %dma_start3A_612] : memref<32x3136x192xf32, #tpu.memory_space<hbm>> -> memref<1x112x64xf32, #tpu.memory_space<hbm>>
        %dma_start3A_614 = tpu.memref_squeeze %dma_start3A_613 : memref<1x112x64xf32, #tpu.memory_space<hbm>> -> memref<112x64xf32, #tpu.memory_space<hbm>>
        tpu.enqueue_dma source(%dma_start3A_614 : memref<112x64xf32, #tpu.memory_space<hbm>>) target(%arg6 : memref<112x64xf32, #tpu.memory_space<vmem>>) target_semaphore(%arg10 : memref<!tpu.dma_semaphore, #tpu.memory_space<semaphore_mem>>)
      } else {
      }
      %mul3A_579 = arith.constant 112 : i32
      %mul3A_580 = arith.muli %add3A_569, %mul3A_579 : i32
      %dma_wait3A_581 = arith.constant 0 : i32
      %dma_wait3A_582 = tpu.memref_slice %arg2[%add3A, %mul3A_580, %dma_wait3A_581] : memref<32x3136x192xf32, #tpu.memory_space<hbm>> -> memref<1x112x128xf32, #tpu.memory_space<hbm>>
      %dma_wait3A_583 = tpu.memref_squeeze %dma_wait3A_582 : memref<1x112x128xf32, #tpu.memory_space<hbm>> -> memref<112x128xf32, #tpu.memory_space<hbm>>
      %dma_wait3A_584 = arith.constant 0 : i32
      %dma_wait3A_585 = tpu.memref_slice %arg2[%add3A, %mul3A_580, %dma_wait3A_584] : memref<32x3136x192xf32, #tpu.memory_space<hbm>> -> memref<1x112x128xf32, #tpu.memory_space<hbm>>
      %dma_wait3A_586 = tpu.memref_squeeze %dma_wait3A_585 : memref<1x112x128xf32, #tpu.memory_space<hbm>> -> memref<112x128xf32, #tpu.memory_space<hbm>>
      tpu.wait_dma2 semaphore(%arg11 : memref<!tpu.dma_semaphore, #tpu.memory_space<semaphore_mem>>) src(%dma_wait3A_586 : memref<112x128xf32, #tpu.memory_space<hbm>>) dst(%arg5 : memref<112x128xf32, #tpu.memory_space<vmem>>)
      %mul3A_587 = arith.constant 112 : i32
      %mul3A_588 = arith.muli %add3A_569, %mul3A_587 : i32
      %dma_wait3A_589 = arith.constant 128 : i32
      %dma_wait3A_590 = tpu.memref_slice %arg2[%add3A, %mul3A_588, %dma_wait3A_589] : memref<32x3136x192xf32, #tpu.memory_space<hbm>> -> memref<1x112x64xf32, #tpu.memory_space<hbm>>
      %dma_wait3A_591 = tpu.memref_squeeze %dma_wait3A_590 : memref<1x112x64xf32, #tpu.memory_space<hbm>> -> memref<112x64xf32, #tpu.memory_space<hbm>>
      %dma_wait3A_592 = arith.constant 128 : i32
      %dma_wait3A_593 = tpu.memref_slice %arg2[%add3A, %mul3A_588, %dma_wait3A_592] : memref<32x3136x192xf32, #tpu.memory_space<hbm>> -> memref<1x112x64xf32, #tpu.memory_space<hbm>>
      %dma_wait3A_594 = tpu.memref_squeeze %dma_wait3A_593 : memref<1x112x64xf32, #tpu.memory_space<hbm>> -> memref<112x64xf32, #tpu.memory_space<hbm>>
      tpu.wait_dma2 semaphore(%arg11 : memref<!tpu.dma_semaphore, #tpu.memory_space<semaphore_mem>>) src(%dma_wait3A_594 : memref<112x64xf32, #tpu.memory_space<hbm>>) dst(%arg7 : memref<112x64xf32, #tpu.memory_space<vmem>>)
      %parallel_loop3A_595 = arith.constant 0 : i32
      %parallel_loop3A_596 = arith.constant 112 : i32
      %parallel_loop3A_597 = arith.constant 1 : i32
      scf.for %parallel_loop3A_599 = %parallel_loop3A_595 to %parallel_loop3A_596 step %parallel_loop3A_597  : i32 {
        %parallel_loop3A_600 = arith.index_cast %parallel_loop3A_599 : i32 to index
        %parallel_loop3A_601 = arith.constant 0 : index
        %parallel_loop3A_602 = tpu.vector_load %arg5[%parallel_loop3A_600, %parallel_loop3A_601] {strides = array<i32>} : memref<112x128xf32, #tpu.memory_space<vmem>>, vector<16xf32>,
        %parallel_loop3A_603 = tpu.bitcast %parallel_loop3A_602 : vector<16xf32> -> vector<16xi32>
        %parallel_loop3A_604 = arith.constant 31 : i32
        %parallel_loop3A_605 = vector.broadcast %parallel_loop3A_604 : i32 to vector<16xi32>
        %parallel_loop3A_606 = arith.shrsi %parallel_loop3A_603, %parallel_loop3A_605 : vector<16xi32>
        %parallel_loop3A_607 = arith.constant -2147483648 : i32
        %parallel_loop3A_608 = vector.broadcast %parallel_loop3A_607 : i32 to vector<16xi32>
        %parallel_loop3A_609 = arith.ori %parallel_loop3A_606, %parallel_loop3A_608 : vector<16xi32>
        %parallel_loop3A_610 = arith.xori %parallel_loop3A_603, %parallel_loop3A_609 : vector<16xi32>
        %parallel_loop3A_611 = arith.constant 16 : i32
        %parallel_loop3A_612 = vector.broadcast %parallel_loop3A_611 : i32 to vector<16xi32>
        %parallel_loop3A_613 = arith.shrui %parallel_loop3A_610, %parallel_loop3A_612 : vector<16xi32>
        tpu.vector_store_idx %arg8[%parallel_loop3A_613], %broadcast_in_dim3A_1 {add = true} : memref<65536xf32, #tpu.memory_space<vmem>>[vector<16xi32>], vector<16xf32>,
        %parallel_loop3A_614 = arith.index_cast %parallel_loop3A_599 : i32 to index
        %parallel_loop3A_615 = arith.constant 16 : index
        %parallel_loop3A_616 = tpu.vector_load %arg5[%parallel_loop3A_614, %parallel_loop3A_615] {strides = array<i32>} : memref<112x128xf32, #tpu.memory_space<vmem>>, vector<16xf32>,
        %parallel_loop3A_617 = tpu.bitcast %parallel_loop3A_616 : vector<16xf32> -> vector<16xi32>
        %parallel_loop3A_618 = arith.constant 31 : i32
        %parallel_loop3A_619 = vector.broadcast %parallel_loop3A_618 : i32 to vector<16xi32>
        %parallel_loop3A_620 = arith.shrsi %parallel_loop3A_617, %parallel_loop3A_619 : vector<16xi32>
        %parallel_loop3A_621 = arith.constant -2147483648 : i32
        %parallel_loop3A_622 = vector.broadcast %parallel_loop3A_621 : i32 to vector<16xi32>
        %parallel_loop3A_623 = arith.ori %parallel_loop3A_620, %parallel_loop3A_622 : vector<16xi32>
        %parallel_loop3A_624 = arith.xori %parallel_loop3A_617, %parallel_loop3A_623 : vector<16xi32>
        %parallel_loop3A_625 = arith.constant 16 : i32
        %parallel_loop3A_626 = vector.broadcast %parallel_loop3A_625 : i32 to vector<16xi32>
        %parallel_loop3A_627 = arith.shrui %parallel_loop3A_624, %parallel_loop3A_626 : vector<16xi32>
        tpu.vector_store_idx %arg8[%parallel_loop3A_627], %broadcast_in_dim3A_1 {add = true} : memref<65536xf32, #tpu.memory_space<vmem>>[vector<16xi32>], vector<16xf32>,
        %parallel_loop3A_628 = arith.index_cast %parallel_loop3A_599 : i32 to index
        %parallel_loop3A_629 = arith.constant 32 : index
        %parallel_loop3A_630 = tpu.vector_load %arg5[%parallel_loop3A_628, %parallel_loop3A_629] {strides = array<i32>} : memref<112x128xf32, #tpu.memory_space<vmem>>, vector<16xf32>,
        %parallel_loop3A_631 = tpu.bitcast %parallel_loop3A_630 : vector<16xf32> -> vector<16xi32>
        %parallel_loop3A_632 = arith.constant 31 : i32
        %parallel_loop3A_633 = vector.broadcast %parallel_loop3A_632 : i32 to vector<16xi32>
        %parallel_loop3A_634 = arith.shrsi %parallel_loop3A_631, %parallel_loop3A_633 : vector<16xi32>
        %parallel_loop3A_635 = arith.constant -2147483648 : i32
        %parallel_loop3A_636 = vector.broadcast %parallel_loop3A_635 : i32 to vector<16xi32>
        %parallel_loop3A_637 = arith.ori %parallel_loop3A_634, %parallel_loop3A_636 : vector<16xi32>
        %parallel_loop3A_638 = arith.xori %parallel_loop3A_631, %parallel_loop3A_637 : vector<16xi32>
        %parallel_loop3A_639 = arith.constant 16 : i32
        %parallel_loop3A_640 = vector.broadcast %parallel_loop3A_639 : i32 to vector<16xi32>
        %parallel_loop3A_641 = arith.shrui %parallel_loop3A_638, %parallel_loop3A_640 : vector<16xi32>
        tpu.vector_store_idx %arg8[%parallel_loop3A_641], %broadcast_in_dim3A_1 {add = true} : memref<65536xf32, #tpu.memory_space<vmem>>[vector<16xi32>], vector<16xf32>,
        %parallel_loop3A_642 = arith.index_cast %parallel_loop3A_599 : i32 to index
        %parallel_loop3A_643 = arith.constant 48 : index
        %parallel_loop3A_644 = tpu.vector_load %arg5[%parallel_loop3A_642, %parallel_loop3A_643] {strides = array<i32>} : memref<112x128xf32, #tpu.memory_space<vmem>>, vector<16xf32>,
        %parallel_loop3A_645 = tpu.bitcast %parallel_loop3A_644 : vector<16xf32> -> vector<16xi32>
        %parallel_loop3A_646 = arith.constant 31 : i32
        %parallel_loop3A_647 = vector.broadcast %parallel_loop3A_646 : i32 to vector<16xi32>
        %parallel_loop3A_648 = arith.shrsi %parallel_loop3A_645, %parallel_loop3A_647 : vector<16xi32>
        %parallel_loop3A_649 = arith.constant -2147483648 : i32
        %parallel_loop3A_650 = vector.broadcast %parallel_loop3A_649 : i32 to vector<16xi32>
        %parallel_loop3A_651 = arith.ori %parallel_loop3A_648, %parallel_loop3A_650 : vector<16xi32>
        %parallel_loop3A_652 = arith.xori %parallel_loop3A_645, %parallel_loop3A_651 : vector<16xi32>
        %parallel_loop3A_653 = arith.constant 16 : i32
        %parallel_loop3A_654 = vector.broadcast %parallel_loop3A_653 : i32 to vector<16xi32>
        %parallel_loop3A_655 = arith.shrui %parallel_loop3A_652, %parallel_loop3A_654 : vector<16xi32>
        tpu.vector_store_idx %arg8[%parallel_loop3A_655], %broadcast_in_dim3A_1 {add = true} : memref<65536xf32, #tpu.memory_space<vmem>>[vector<16xi32>], vector<16xf32>,
        %parallel_loop3A_656 = arith.index_cast %parallel_loop3A_599 : i32 to index
        %parallel_loop3A_657 = arith.constant 64 : index
        %parallel_loop3A_658 = tpu.vector_load %arg5[%parallel_loop3A_656, %parallel_loop3A_657] {strides = array<i32>} : memref<112x128xf32, #tpu.memory_space<vmem>>, vector<16xf32>,
        %parallel_loop3A_659 = tpu.bitcast %parallel_loop3A_658 : vector<16xf32> -> vector<16xi32>
        %parallel_loop3A_660 = arith.constant 31 : i32
        %parallel_loop3A_661 = vector.broadcast %parallel_loop3A_660 : i32 to vector<16xi32>
        %parallel_loop3A_662 = arith.shrsi %parallel_loop3A_659, %parallel_loop3A_661 : vector<16xi32>
        %parallel_loop3A_663 = arith.constant -2147483648 : i32
        %parallel_loop3A_664 = vector.broadcast %parallel_loop3A_663 : i32 to vector<16xi32>
        %parallel_loop3A_665 = arith.ori %parallel_loop3A_662, %parallel_loop3A_664 : vector<16xi32>
        %parallel_loop3A_666 = arith.xori %parallel_loop3A_659, %parallel_loop3A_665 : vector<16xi32>
        %parallel_loop3A_667 = arith.constant 16 : i32
        %parallel_loop3A_668 = vector.broadcast %parallel_loop3A_667 : i32 to vector<16xi32>
        %parallel_loop3A_669 = arith.shrui %parallel_loop3A_666, %parallel_loop3A_668 : vector<16xi32>
        tpu.vector_store_idx %arg8[%parallel_loop3A_669], %broadcast_in_dim3A_1 {add = true} : memref<65536xf32, #tpu.memory_space<vmem>>[vector<16xi32>], vector<16xf32>,
        %parallel_loop3A_670 = arith.index_cast %parallel_loop3A_599 : i32 to index
        %parallel_loop3A_671 = arith.constant 80 : index
        %parallel_loop3A_672 = tpu.vector_load %arg5[%parallel_loop3A_670, %parallel_loop3A_671] {strides = array<i32>} : memref<112x128xf32, #tpu.memory_space<vmem>>, vector<16xf32>,
        %parallel_loop3A_673 = tpu.bitcast %parallel_loop3A_672 : vector<16xf32> -> vector<16xi32>
        %parallel_loop3A_674 = arith.constant 31 : i32
        %parallel_loop3A_675 = vector.broadcast %parallel_loop3A_674 : i32 to vector<16xi32>
        %parallel_loop3A_676 = arith.shrsi %parallel_loop3A_673, %parallel_loop3A_675 : vector<16xi32>
        %parallel_loop3A_677 = arith.constant -2147483648 : i32
        %parallel_loop3A_678 = vector.broadcast %parallel_loop3A_677 : i32 to vector<16xi32>
        %parallel_loop3A_679 = arith.ori %parallel_loop3A_676, %parallel_loop3A_678 : vector<16xi32>
        %parallel_loop3A_680 = arith.xori %parallel_loop3A_673, %parallel_loop3A_679 : vector<16xi32>
        %parallel_loop3A_681 = arith.constant 16 : i32
        %parallel_loop3A_682 = vector.broadcast %parallel_loop3A_681 : i32 to vector<16xi32>
        %parallel_loop3A_683 = arith.shrui %parallel_loop3A_680, %parallel_loop3A_682 : vector<16xi32>
        tpu.vector_store_idx %arg8[%parallel_loop3A_683], %broadcast_in_dim3A_1 {add = true} : memref<65536xf32, #tpu.memory_space<vmem>>[vector<16xi32>], vector<16xf32>,
        %parallel_loop3A_684 = arith.index_cast %parallel_loop3A_599 : i32 to index
        %parallel_loop3A_685 = arith.constant 96 : index
        %parallel_loop3A_686 = tpu.vector_load %arg5[%parallel_loop3A_684, %parallel_loop3A_685] {strides = array<i32>} : memref<112x128xf32, #tpu.memory_space<vmem>>, vector<16xf32>,
        %parallel_loop3A_687 = tpu.bitcast %parallel_loop3A_686 : vector<16xf32> -> vector<16xi32>
        %parallel_loop3A_688 = arith.constant 31 : i32
        %parallel_loop3A_689 = vector.broadcast %parallel_loop3A_688 : i32 to vector<16xi32>
        %parallel_loop3A_690 = arith.shrsi %parallel_loop3A_687, %parallel_loop3A_689 : vector<16xi32>
        %parallel_loop3A_691 = arith.constant -2147483648 : i32
        %parallel_loop3A_692 = vector.broadcast %parallel_loop3A_691 : i32 to vector<16xi32>
        %parallel_loop3A_693 = arith.ori %parallel_loop3A_690, %parallel_loop3A_692 : vector<16xi32>
        %parallel_loop3A_694 = arith.xori %parallel_loop3A_687, %parallel_loop3A_693 : vector<16xi32>
        %parallel_loop3A_695 = arith.constant 16 : i32
        %parallel_loop3A_696 = vector.broadcast %parallel_loop3A_695 : i32 to vector<16xi32>
        %parallel_loop3A_697 = arith.shrui %parallel_loop3A_694, %parallel_loop3A_696 : vector<16xi32>
        tpu.vector_store_idx %arg8[%parallel_loop3A_697], %broadcast_in_dim3A_1 {add = true} : memref<65536xf32, #tpu.memory_space<vmem>>[vector<16xi32>], vector<16xf32>,
        %parallel_loop3A_698 = arith.index_cast %parallel_loop3A_599 : i32 to index
        %parallel_loop3A_699 = arith.constant 112 : index
        %parallel_loop3A_700 = tpu.vector_load %arg5[%parallel_loop3A_698, %parallel_loop3A_699] {strides = array<i32>} : memref<112x128xf32, #tpu.memory_space<vmem>>, vector<16xf32>,
        %parallel_loop3A_701 = tpu.bitcast %parallel_loop3A_700 : vector<16xf32> -> vector<16xi32>
        %parallel_loop3A_702 = arith.constant 31 : i32
        %parallel_loop3A_703 = vector.broadcast %parallel_loop3A_702 : i32 to vector<16xi32>
        %parallel_loop3A_704 = arith.shrsi %parallel_loop3A_701, %parallel_loop3A_703 : vector<16xi32>
        %parallel_loop3A_705 = arith.constant -2147483648 : i32
        %parallel_loop3A_706 = vector.broadcast %parallel_loop3A_705 : i32 to vector<16xi32>
        %parallel_loop3A_707 = arith.ori %parallel_loop3A_704, %parallel_loop3A_706 : vector<16xi32>
        %parallel_loop3A_708 = arith.xori %parallel_loop3A_701, %parallel_loop3A_707 : vector<16xi32>
        %parallel_loop3A_709 = arith.constant 16 : i32
        %parallel_loop3A_710 = vector.broadcast %parallel_loop3A_709 : i32 to vector<16xi32>
        %parallel_loop3A_711 = arith.shrui %parallel_loop3A_708, %parallel_loop3A_710 : vector<16xi32>
        tpu.vector_store_idx %arg8[%parallel_loop3A_711], %broadcast_in_dim3A_1 {add = true} : memref<65536xf32, #tpu.memory_space<vmem>>[vector<16xi32>], vector<16xf32>,
        %parallel_loop3A_712 = arith.index_cast %parallel_loop3A_599 : i32 to index
        %parallel_loop3A_713 = arith.constant 0 : index
        %parallel_loop3A_714 = tpu.vector_load %arg7[%parallel_loop3A_712, %parallel_loop3A_713] {strides = array<i32>} : memref<112x64xf32, #tpu.memory_space<vmem>>, vector<16xf32>,
        %parallel_loop3A_715 = tpu.bitcast %parallel_loop3A_714 : vector<16xf32> -> vector<16xi32>
        %parallel_loop3A_716 = arith.constant 31 : i32
        %parallel_loop3A_717 = vector.broadcast %parallel_loop3A_716 : i32 to vector<16xi32>
        %parallel_loop3A_718 = arith.shrsi %parallel_loop3A_715, %parallel_loop3A_717 : vector<16xi32>
        %parallel_loop3A_719 = arith.constant -2147483648 : i32
        %parallel_loop3A_720 = vector.broadcast %parallel_loop3A_719 : i32 to vector<16xi32>
        %parallel_loop3A_721 = arith.ori %parallel_loop3A_718, %parallel_loop3A_720 : vector<16xi32>
        %parallel_loop3A_722 = arith.xori %parallel_loop3A_715, %parallel_loop3A_721 : vector<16xi32>
        %parallel_loop3A_723 = arith.constant 16 : i32
        %parallel_loop3A_724 = vector.broadcast %parallel_loop3A_723 : i32 to vector<16xi32>
        %parallel_loop3A_725 = arith.shrui %parallel_loop3A_722, %parallel_loop3A_724 : vector<16xi32>
        tpu.vector_store_idx %arg8[%parallel_loop3A_725], %broadcast_in_dim3A_1 {add = true} : memref<65536xf32, #tpu.memory_space<vmem>>[vector<16xi32>], vector<16xf32>,
        %parallel_loop3A_726 = arith.index_cast %parallel_loop3A_599 : i32 to index
        %parallel_loop3A_727 = arith.constant 16 : index
        %parallel_loop3A_728 = tpu.vector_load %arg7[%parallel_loop3A_726, %parallel_loop3A_727] {strides = array<i32>} : memref<112x64xf32, #tpu.memory_space<vmem>>, vector<16xf32>,
        %parallel_loop3A_729 = tpu.bitcast %parallel_loop3A_728 : vector<16xf32> -> vector<16xi32>
        %parallel_loop3A_730 = arith.constant 31 : i32
        %parallel_loop3A_731 = vector.broadcast %parallel_loop3A_730 : i32 to vector<16xi32>
        %parallel_loop3A_732 = arith.shrsi %parallel_loop3A_729, %parallel_loop3A_731 : vector<16xi32>
        %parallel_loop3A_733 = arith.constant -2147483648 : i32
        %parallel_loop3A_734 = vector.broadcast %parallel_loop3A_733 : i32 to vector<16xi32>
        %parallel_loop3A_735 = arith.ori %parallel_loop3A_732, %parallel_loop3A_734 : vector<16xi32>
        %parallel_loop3A_736 = arith.xori %parallel_loop3A_729, %parallel_loop3A_735 : vector<16xi32>
        %parallel_loop3A_737 = arith.constant 16 : i32
        %parallel_loop3A_738 = vector.broadcast %parallel_loop3A_737 : i32 to vector<16xi32>
        %parallel_loop3A_739 = arith.shrui %parallel_loop3A_736, %parallel_loop3A_738 : vector<16xi32>
        tpu.vector_store_idx %arg8[%parallel_loop3A_739], %broadcast_in_dim3A_1 {add = true} : memref<65536xf32, #tpu.memory_space<vmem>>[vector<16xi32>], vector<16xf32>,
        %parallel_loop3A_740 = arith.index_cast %parallel_loop3A_599 : i32 to index
        %parallel_loop3A_741 = arith.constant 32 : index
        %parallel_loop3A_742 = tpu.vector_load %arg7[%parallel_loop3A_740, %parallel_loop3A_741] {strides = array<i32>} : memref<112x64xf32, #tpu.memory_space<vmem>>, vector<16xf32>,
        %parallel_loop3A_743 = tpu.bitcast %parallel_loop3A_742 : vector<16xf32> -> vector<16xi32>
        %parallel_loop3A_744 = arith.constant 31 : i32
        %parallel_loop3A_745 = vector.broadcast %parallel_loop3A_744 : i32 to vector<16xi32>
        %parallel_loop3A_746 = arith.shrsi %parallel_loop3A_743, %parallel_loop3A_745 : vector<16xi32>
        %parallel_loop3A_747 = arith.constant -2147483648 : i32
        %parallel_loop3A_748 = vector.broadcast %parallel_loop3A_747 : i32 to vector<16xi32>
        %parallel_loop3A_749 = arith.ori %parallel_loop3A_746, %parallel_loop3A_748 : vector<16xi32>
        %parallel_loop3A_750 = arith.xori %parallel_loop3A_743, %parallel_loop3A_749 : vector<16xi32>
        %parallel_loop3A_751 = arith.constant 16 : i32
        %parallel_loop3A_752 = vector.broadcast %parallel_loop3A_751 : i32 to vector<16xi32>
        %parallel_loop3A_753 = arith.shrui %parallel_loop3A_750, %parallel_loop3A_752 : vector<16xi32>
        tpu.vector_store_idx %arg8[%parallel_loop3A_753], %broadcast_in_dim3A_1 {add = true} : memref<65536xf32, #tpu.memory_space<vmem>>[vector<16xi32>], vector<16xf32>,
        %parallel_loop3A_754 = arith.index_cast %parallel_loop3A_599 : i32 to index
        %parallel_loop3A_755 = arith.constant 48 : index
        %parallel_loop3A_756 = tpu.vector_load %arg7[%parallel_loop3A_754, %parallel_loop3A_755] {strides = array<i32>} : memref<112x64xf32, #tpu.memory_space<vmem>>, vector<16xf32>,
        %parallel_loop3A_757 = tpu.bitcast %parallel_loop3A_756 : vector<16xf32> -> vector<16xi32>
        %parallel_loop3A_758 = arith.constant 31 : i32
        %parallel_loop3A_759 = vector.broadcast %parallel_loop3A_758 : i32 to vector<16xi32>
        %parallel_loop3A_760 = arith.shrsi %parallel_loop3A_757, %parallel_loop3A_759 : vector<16xi32>
        %parallel_loop3A_761 = arith.constant -2147483648 : i32
        %parallel_loop3A_762 = vector.broadcast %parallel_loop3A_761 : i32 to vector<16xi32>
        %parallel_loop3A_763 = arith.ori %parallel_loop3A_760, %parallel_loop3A_762 : vector<16xi32>
        %parallel_loop3A_764 = arith.xori %parallel_loop3A_757, %parallel_loop3A_763 : vector<16xi32>
        %parallel_loop3A_765 = arith.constant 16 : i32
        %parallel_loop3A_766 = vector.broadcast %parallel_loop3A_765 : i32 to vector<16xi32>
        %parallel_loop3A_767 = arith.shrui %parallel_loop3A_764, %parallel_loop3A_766 : vector<16xi32>
        tpu.vector_store_idx %arg8[%parallel_loop3A_767], %broadcast_in_dim3A_1 {add = true} : memref<65536xf32, #tpu.memory_space<vmem>>[vector<16xi32>], vector<16xf32>,
      } {sc.loop_unroll_factor = 4 : i64, sc.parallel_access}
      %scan3A_598 = arith.constant 0 : i32
      scf.yield %scan3A_598 : i32
    }
    %scan3A_24 = arith.constant 14 : i32
    %dma_start3A_25 = arith.constant 0 : i32
    %dma_start3A_26 = arith.constant 0 : i32
    %dma_start3A_27 = tpu.memref_slice %arg2[%add3A, %dma_start3A_25, %dma_start3A_26] : memref<32x3136x192xf32, #tpu.memory_space<hbm>> -> memref<1x112x128xf32, #tpu.memory_space<hbm>>
    %dma_start3A_28 = tpu.memref_squeeze %dma_start3A_27 : memref<1x112x128xf32, #tpu.memory_space<hbm>> -> memref<112x128xf32, #tpu.memory_space<hbm>>
    %dma_start3A_29 = arith.constant 0 : i32
    %dma_start3A_30 = arith.constant 0 : i32
    %dma_start3A_31 = tpu.memref_slice %arg2[%add3A, %dma_start3A_29, %dma_start3A_30] : memref<32x3136x192xf32, #tpu.memory_space<hbm>> -> memref<1x112x128xf32, #tpu.memory_space<hbm>>
    %dma_start3A_32 = tpu.memref_squeeze %dma_start3A_31 : memref<1x112x128xf32, #tpu.memory_space<hbm>> -> memref<112x128xf32, #tpu.memory_space<hbm>>
    tpu.enqueue_dma source(%dma_start3A_32 : memref<112x128xf32, #tpu.memory_space<hbm>>) target(%arg4 : memref<112x128xf32, #tpu.memory_space<vmem>>) target_semaphore(%arg10 : memref<!tpu.dma_semaphore, #tpu.memory_space<semaphore_mem>>)
    %dma_start3A_33 = arith.constant 0 : i32
    %dma_start3A_34 = arith.constant 128 : i32
    %dma_start3A_35 = tpu.memref_slice %arg2[%add3A, %dma_start3A_33, %dma_start3A_34] : memref<32x3136x192xf32, #tpu.memory_space<hbm>> -> memref<1x112x64xf32, #tpu.memory_space<hbm>>
    %dma_start3A_36 = tpu.memref_squeeze %dma_start3A_35 : memref<1x112x64xf32, #tpu.memory_space<hbm>> -> memref<112x64xf32, #tpu.memory_space<hbm>>
    %dma_start3A_37 = arith.constant 0 : i32
    %dma_start3A_38 = arith.constant 128 : i32
    %dma_start3A_39 = tpu.memref_slice %arg2[%add3A, %dma_start3A_37, %dma_start3A_38] : memref<32x3136x192xf32, #tpu.memory_space<hbm>> -> memref<1x112x64xf32, #tpu.memory_space<hbm>>
    %dma_start3A_40 = tpu.memref_squeeze %dma_start3A_39 : memref<1x112x64xf32, #tpu.memory_space<hbm>> -> memref<112x64xf32, #tpu.memory_space<hbm>>
    tpu.enqueue_dma source(%dma_start3A_40 : memref<112x64xf32, #tpu.memory_space<hbm>>) target(%arg6 : memref<112x64xf32, #tpu.memory_space<vmem>>) target_semaphore(%arg10 : memref<!tpu.dma_semaphore, #tpu.memory_space<semaphore_mem>>)
    %broadcast_in_dim3A_41 = arith.constant 0 : i32
    %broadcast_in_dim3A_42 = vector.broadcast %broadcast_in_dim3A_41 : i32 to vector<16xi32>
    %mul3A_43 = arith.constant 4096 : i32
    %mul3A_44 = vector.broadcast %mul3A_43 : i32 to vector<16xi32>
    %mul3A_45 = arith.muli %iota3A, %mul3A_44 : vector<16xi32>
    %add3A_46 = arith.addi %broadcast_in_dim3A_42, %mul3A_45 : vector<16xi32>
    %broadcast_in_dim3A_47 = arith.constant 0.000000e+00 : f32
    %broadcast_in_dim3A_48 = vector.broadcast %broadcast_in_dim3A_47 : f32 to vector<16xf32>
    %parallel_loop3A_49 = arith.constant 0 : i32
    %parallel_loop3A_50 = arith.constant 4096 : i32
    %parallel_loop3A_51 = arith.constant 1 : i32
    %parallel_loop3A_52 = scf.for %parallel_loop3A_535 = %parallel_loop3A_49 to %parallel_loop3A_50 step %parallel_loop3A_51 iter_args(%parallel_loop3A_536 = %broadcast_in_dim3A_48) -> (vector<16xf32>)  : i32 {
      %parallel_loop3A_537 = vector.broadcast %parallel_loop3A_535 : i32 to vector<16xi32>
      %parallel_loop3A_538 = arith.addi %add3A_46, %parallel_loop3A_537 : vector<16xi32>
      %parallel_loop3A_539 = tpu.vector_load_idx %arg8[%parallel_loop3A_538] : memref<65536xf32, #tpu.memory_space<vmem>>[vector<16xi32>], vector<16xf32>,
      %parallel_loop3A_540 = arith.addf %parallel_loop3A_536, %parallel_loop3A_539 : vector<16xf32>
      scf.yield %parallel_loop3A_540 : vector<16xf32>
    } {sc.loop_unroll_factor = 8 : i64, sc.parallel_access}
    %rev3A = arith.constant 15 : i32
    %rev3A_53 = vector.broadcast %rev3A : i32 to vector<16xi32>
    %rev3A_54 = tpu.iota {dimensions = array<i32: 0>} : vector<16xi32>
    %rev3A_55 = arith.subi %rev3A_53, %rev3A_54 : vector<16xi32>
    %rev3A_56 = tpu.dynamic_gather %parallel_loop3A_52[%rev3A_55] in [0] : vector<16xf32>, vector<16xi32> -> vector<16xf32>
    %broadcast_in_dim3A_57 = arith.constant true
    %broadcast_in_dim3A_58 = vector.broadcast %broadcast_in_dim3A_57 : i1 to vector<16xi1>
    %masked_cumsum3A = tpu.scan <sum>, %rev3A_56 masked %broadcast_in_dim3A_58 : vector<16xf32>, vector<16xi1> -> vector<16xf32>
    %rev3A_59 = arith.constant 15 : i32
    %rev3A_60 = vector.broadcast %rev3A_59 : i32 to vector<16xi32>
    %rev3A_61 = tpu.iota {dimensions = array<i32: 0>} : vector<16xi32>
    %rev3A_62 = arith.subi %rev3A_60, %rev3A_61 : vector<16xi32>
    %rev3A_63 = tpu.dynamic_gather %masked_cumsum3A[%rev3A_62] in [0] : vector<16xf32>, vector<16xi32> -> vector<16xf32>
    %broadcast_in_dim3A_64 = arith.constant 0.000000e+00 : f32
    %broadcast_in_dim3A_65 = vector.broadcast %broadcast_in_dim3A_64 : f32 to vector<16xf32>
    %add3A_66 = arith.addf %broadcast_in_dim3A_65, %rev3A_63 : vector<16xf32>
    %broadcast_in_dim3A_67 = arith.constant 3.010600e+04 : f32
    %broadcast_in_dim3A_68 = vector.broadcast %broadcast_in_dim3A_67 : f32 to vector<16xf32>
    %ge3A = arith.cmpf oge, %add3A_66, %broadcast_in_dim3A_68 : vector<16xf32>
    %all_reduce_population_count3A = tpu.all_reduce %ge3A {dim = 0 : i64, kind = #tpu.reduction_kind<sum>} : vector<16xi1> -> vector<16xi32>
    %sub3A = arith.constant 1 : i32
    %sub3A_69 = vector.broadcast %sub3A : i32 to vector<16xi32>
    %sub3A_70 = arith.subi %all_reduce_population_count3A, %sub3A_69 : vector<16xi32>
    %eq3A = arith.cmpi eq, %iota3A, %sub3A_70 : vector<16xi32>
    %jit3A = arith.constant 0.000000e+00 : f32
    %broadcast_in_dim3A_71 = vector.broadcast %jit3A : f32 to vector<16xf32>
    %select_n3A = arith.select %eq3A, %rev3A_63, %broadcast_in_dim3A_71 : vector<16xi1>, vector<16xf32>
    %reduce_sum3A = arith.constant true
    %reduce_sum3A_72 = vector.broadcast %reduce_sum3A : i1 to vector<16xi1>
    %reduce_sum3A_73 = tpu.scan <sum>, %select_n3A masked %reduce_sum3A_72 : vector<16xf32>, vector<16xi1> -> vector<16xf32>
    %reduce_sum3A_74 = vector.extract %reduce_sum3A_73[15] : f32 from vector<16xf32>
    %jit3A_75 = arith.constant 0.000000e+00 : f32
    %broadcast_in_dim3A_76 = vector.broadcast %jit3A_75 : f32 to vector<16xf32>
    %select_n3A_77 = arith.select %eq3A, %parallel_loop3A_52, %broadcast_in_dim3A_76 : vector<16xi1>, vector<16xf32>
    %reduce_sum3A_78 = arith.constant true
    %reduce_sum3A_79 = vector.broadcast %reduce_sum3A_78 : i1 to vector<16xi1>
    %reduce_sum3A_80 = tpu.scan <sum>, %select_n3A_77 masked %reduce_sum3A_79 : vector<16xf32>, vector<16xi1> -> vector<16xf32>
    %reduce_sum3A_81 = vector.extract %reduce_sum3A_80[15] : f32 from vector<16xf32>
    %add3A_82 = arith.constant 0.000000e+00 : f32
    %add3A_83 = arith.addf %add3A_82, %reduce_sum3A_74 : f32
    %sub3A_84 = arith.subf %add3A_83, %reduce_sum3A_81 : f32
    %reduce_max3A = arith.constant true
    %reduce_max3A_85 = vector.broadcast %reduce_max3A : i1 to vector<16xi1>
    %reduce_max3A_86 = arith.constant -2147483648 : i32
    %reduce_max3A_87 = vector.broadcast %reduce_max3A_86 : i32 to vector<16xi32>
    %reduce_max3A_88 = arith.xori %sub3A_70, %reduce_max3A_87 : vector<16xi32>
    %reduce_max3A_89 = tpu.scan <max>, %reduce_max3A_88 masked %reduce_max3A_85 : vector<16xi32>, vector<16xi1> -> vector<16xi32>
    %reduce_max3A_90 = arith.xori %reduce_max3A_89, %reduce_max3A_87 : vector<16xi32>
    %reduce_max3A_91 = vector.extract %reduce_max3A_90[15] : i32 from vector<16xi32>
    %mul3A_92 = arith.constant 4096 : i32
    %mul3A_93 = arith.muli %reduce_max3A_91, %mul3A_92 : i32
    %add3A_94 = arith.constant 0 : i32
    %add3A_95 = arith.addi %add3A_94, %mul3A_93 : i32
    %broadcast_in_dim3A_96 = vector.broadcast %add3A_95 : i32 to vector<16xi32>
    %mul3A_97 = arith.constant 256 : i32
    %mul3A_98 = vector.broadcast %mul3A_97 : i32 to vector<16xi32>
    %mul3A_99 = arith.muli %iota3A, %mul3A_98 : vector<16xi32>
    %add3A_100 = arith.addi %broadcast_in_dim3A_96, %mul3A_99 : vector<16xi32>
    %broadcast_in_dim3A_101 = arith.constant 0.000000e+00 : f32
    %broadcast_in_dim3A_102 = vector.broadcast %broadcast_in_dim3A_101 : f32 to vector<16xf32>
    %parallel_loop3A_103 = arith.constant 0 : i32
    %parallel_loop3A_104 = arith.constant 256 : i32
    %parallel_loop3A_105 = arith.constant 1 : i32
    %parallel_loop3A_106 = scf.for %parallel_loop3A_535 = %parallel_loop3A_103 to %parallel_loop3A_104 step %parallel_loop3A_105 iter_args(%parallel_loop3A_536 = %broadcast_in_dim3A_102) -> (vector<16xf32>)  : i32 {
      %parallel_loop3A_537 = vector.broadcast %parallel_loop3A_535 : i32 to vector<16xi32>
      %parallel_loop3A_538 = arith.addi %add3A_100, %parallel_loop3A_537 : vector<16xi32>
      %parallel_loop3A_539 = tpu.vector_load_idx %arg8[%parallel_loop3A_538] : memref<65536xf32, #tpu.memory_space<vmem>>[vector<16xi32>], vector<16xf32>,
      %parallel_loop3A_540 = arith.addf %parallel_loop3A_536, %parallel_loop3A_539 : vector<16xf32>
      scf.yield %parallel_loop3A_540 : vector<16xf32>
    } {sc.loop_unroll_factor = 8 : i64, sc.parallel_access}
    %rev3A_107 = arith.constant 15 : i32
    %rev3A_108 = vector.broadcast %rev3A_107 : i32 to vector<16xi32>
    %rev3A_109 = tpu.iota {dimensions = array<i32: 0>} : vector<16xi32>
    %rev3A_110 = arith.subi %rev3A_108, %rev3A_109 : vector<16xi32>
    %rev3A_111 = tpu.dynamic_gather %parallel_loop3A_106[%rev3A_110] in [0] : vector<16xf32>, vector<16xi32> -> vector<16xf32>
    %broadcast_in_dim3A_112 = arith.constant true
    %broadcast_in_dim3A_113 = vector.broadcast %broadcast_in_dim3A_112 : i1 to vector<16xi1>
    %masked_cumsum3A_114 = tpu.scan <sum>, %rev3A_111 masked %broadcast_in_dim3A_113 : vector<16xf32>, vector<16xi1> -> vector<16xf32>
    %rev3A_115 = arith.constant 15 : i32
    %rev3A_116 = vector.broadcast %rev3A_115 : i32 to vector<16xi32>
    %rev3A_117 = tpu.iota {dimensions = array<i32: 0>} : vector<16xi32>
    %rev3A_118 = arith.subi %rev3A_116, %rev3A_117 : vector<16xi32>
    %rev3A_119 = tpu.dynamic_gather %masked_cumsum3A_114[%rev3A_118] in [0] : vector<16xf32>, vector<16xi32> -> vector<16xf32>
    %broadcast_in_dim3A_120 = vector.broadcast %sub3A_84 : f32 to vector<16xf32>
    %add3A_121 = arith.addf %broadcast_in_dim3A_120, %rev3A_119 : vector<16xf32>
    %broadcast_in_dim3A_122 = arith.constant 3.010600e+04 : f32
    %broadcast_in_dim3A_123 = vector.broadcast %broadcast_in_dim3A_122 : f32 to vector<16xf32>
    %ge3A_124 = arith.cmpf oge, %add3A_121, %broadcast_in_dim3A_123 : vector<16xf32>
    %all_reduce_population_count3A_125 = tpu.all_reduce %ge3A_124 {dim = 0 : i64, kind = #tpu.reduction_kind<sum>} : vector<16xi1> -> vector<16xi32>
    %sub3A_126 = arith.constant 1 : i32
    %sub3A_127 = vector.broadcast %sub3A_126 : i32 to vector<16xi32>
    %sub3A_128 = arith.subi %all_reduce_population_count3A_125, %sub3A_127 : vector<16xi32>
    %eq3A_129 = arith.cmpi eq, %iota3A, %sub3A_128 : vector<16xi32>
    %jit3A_130 = arith.constant 0.000000e+00 : f32
    %broadcast_in_dim3A_131 = vector.broadcast %jit3A_130 : f32 to vector<16xf32>
    %select_n3A_132 = arith.select %eq3A_129, %rev3A_119, %broadcast_in_dim3A_131 : vector<16xi1>, vector<16xf32>
    %reduce_sum3A_133 = arith.constant true
    %reduce_sum3A_134 = vector.broadcast %reduce_sum3A_133 : i1 to vector<16xi1>
    %reduce_sum3A_135 = tpu.scan <sum>, %select_n3A_132 masked %reduce_sum3A_134 : vector<16xf32>, vector<16xi1> -> vector<16xf32>
    %reduce_sum3A_136 = vector.extract %reduce_sum3A_135[15] : f32 from vector<16xf32>
    %jit3A_137 = arith.constant 0.000000e+00 : f32
    %broadcast_in_dim3A_138 = vector.broadcast %jit3A_137 : f32 to vector<16xf32>
    %select_n3A_139 = arith.select %eq3A_129, %parallel_loop3A_106, %broadcast_in_dim3A_138 : vector<16xi1>, vector<16xf32>
    %reduce_sum3A_140 = arith.constant true
    %reduce_sum3A_141 = vector.broadcast %reduce_sum3A_140 : i1 to vector<16xi1>
    %reduce_sum3A_142 = tpu.scan <sum>, %select_n3A_139 masked %reduce_sum3A_141 : vector<16xf32>, vector<16xi1> -> vector<16xf32>
    %reduce_sum3A_143 = vector.extract %reduce_sum3A_142[15] : f32 from vector<16xf32>
    %add3A_144 = arith.addf %sub3A_84, %reduce_sum3A_136 : f32
    %sub3A_145 = arith.subf %add3A_144, %reduce_sum3A_143 : f32
    %reduce_max3A_146 = arith.constant true
    %reduce_max3A_147 = vector.broadcast %reduce_max3A_146 : i1 to vector<16xi1>
    %reduce_max3A_148 = arith.constant -2147483648 : i32
    %reduce_max3A_149 = vector.broadcast %reduce_max3A_148 : i32 to vector<16xi32>
    %reduce_max3A_150 = arith.xori %sub3A_128, %reduce_max3A_149 : vector<16xi32>
    %reduce_max3A_151 = tpu.scan <max>, %reduce_max3A_150 masked %reduce_max3A_147 : vector<16xi32>, vector<16xi1> -> vector<16xi32>
    %reduce_max3A_152 = arith.xori %reduce_max3A_151, %reduce_max3A_149 : vector<16xi32>
    %reduce_max3A_153 = vector.extract %reduce_max3A_152[15] : i32 from vector<16xi32>
    %mul3A_154 = arith.constant 256 : i32
    %mul3A_155 = arith.muli %reduce_max3A_153, %mul3A_154 : i32
    %add3A_156 = arith.addi %add3A_95, %mul3A_155 : i32
    %broadcast_in_dim3A_157 = vector.broadcast %add3A_156 : i32 to vector<16xi32>
    %mul3A_158 = arith.constant 16 : i32
    %mul3A_159 = vector.broadcast %mul3A_158 : i32 to vector<16xi32>
    %mul3A_160 = arith.muli %iota3A, %mul3A_159 : vector<16xi32>
    %add3A_161 = arith.addi %broadcast_in_dim3A_157, %mul3A_160 : vector<16xi32>
    %broadcast_in_dim3A_162 = arith.constant 0.000000e+00 : f32
    %broadcast_in_dim3A_163 = vector.broadcast %broadcast_in_dim3A_162 : f32 to vector<16xf32>
    %parallel_loop3A_164 = arith.constant 0 : i32
    %parallel_loop3A_165 = arith.constant 16 : i32
    %parallel_loop3A_166 = arith.constant 1 : i32
    %parallel_loop3A_167 = scf.for %parallel_loop3A_535 = %parallel_loop3A_164 to %parallel_loop3A_165 step %parallel_loop3A_166 iter_args(%parallel_loop3A_536 = %broadcast_in_dim3A_163) -> (vector<16xf32>)  : i32 {
      %parallel_loop3A_537 = vector.broadcast %parallel_loop3A_535 : i32 to vector<16xi32>
      %parallel_loop3A_538 = arith.addi %add3A_161, %parallel_loop3A_537 : vector<16xi32>
      %parallel_loop3A_539 = tpu.vector_load_idx %arg8[%parallel_loop3A_538] : memref<65536xf32, #tpu.memory_space<vmem>>[vector<16xi32>], vector<16xf32>,
      %parallel_loop3A_540 = arith.addf %parallel_loop3A_536, %parallel_loop3A_539 : vector<16xf32>
      scf.yield %parallel_loop3A_540 : vector<16xf32>
    } {sc.loop_unroll_factor = 8 : i64, sc.parallel_access}
    %rev3A_168 = arith.constant 15 : i32
    %rev3A_169 = vector.broadcast %rev3A_168 : i32 to vector<16xi32>
    %rev3A_170 = tpu.iota {dimensions = array<i32: 0>} : vector<16xi32>
    %rev3A_171 = arith.subi %rev3A_169, %rev3A_170 : vector<16xi32>
    %rev3A_172 = tpu.dynamic_gather %parallel_loop3A_167[%rev3A_171] in [0] : vector<16xf32>, vector<16xi32> -> vector<16xf32>
    %broadcast_in_dim3A_173 = arith.constant true
    %broadcast_in_dim3A_174 = vector.broadcast %broadcast_in_dim3A_173 : i1 to vector<16xi1>
    %masked_cumsum3A_175 = tpu.scan <sum>, %rev3A_172 masked %broadcast_in_dim3A_174 : vector<16xf32>, vector<16xi1> -> vector<16xf32>
    %rev3A_176 = arith.constant 15 : i32
    %rev3A_177 = vector.broadcast %rev3A_176 : i32 to vector<16xi32>
    %rev3A_178 = tpu.iota {dimensions = array<i32: 0>} : vector<16xi32>
    %rev3A_179 = arith.subi %rev3A_177, %rev3A_178 : vector<16xi32>
    %rev3A_180 = tpu.dynamic_gather %masked_cumsum3A_175[%rev3A_179] in [0] : vector<16xf32>, vector<16xi32> -> vector<16xf32>
    %broadcast_in_dim3A_181 = vector.broadcast %sub3A_145 : f32 to vector<16xf32>
    %add3A_182 = arith.addf %broadcast_in_dim3A_181, %rev3A_180 : vector<16xf32>
    %broadcast_in_dim3A_183 = arith.constant 3.010600e+04 : f32
    %broadcast_in_dim3A_184 = vector.broadcast %broadcast_in_dim3A_183 : f32 to vector<16xf32>
    %ge3A_185 = arith.cmpf oge, %add3A_182, %broadcast_in_dim3A_184 : vector<16xf32>
    %all_reduce_population_count3A_186 = tpu.all_reduce %ge3A_185 {dim = 0 : i64, kind = #tpu.reduction_kind<sum>} : vector<16xi1> -> vector<16xi32>
    %sub3A_187 = arith.constant 1 : i32
    %sub3A_188 = vector.broadcast %sub3A_187 : i32 to vector<16xi32>
    %sub3A_189 = arith.subi %all_reduce_population_count3A_186, %sub3A_188 : vector<16xi32>
    %eq3A_190 = arith.cmpi eq, %iota3A, %sub3A_189 : vector<16xi32>
    %jit3A_191 = arith.constant 0.000000e+00 : f32
    %broadcast_in_dim3A_192 = vector.broadcast %jit3A_191 : f32 to vector<16xf32>
    %select_n3A_193 = arith.select %eq3A_190, %rev3A_180, %broadcast_in_dim3A_192 : vector<16xi1>, vector<16xf32>
    %reduce_sum3A_194 = arith.constant true
    %reduce_sum3A_195 = vector.broadcast %reduce_sum3A_194 : i1 to vector<16xi1>
    %reduce_sum3A_196 = tpu.scan <sum>, %select_n3A_193 masked %reduce_sum3A_195 : vector<16xf32>, vector<16xi1> -> vector<16xf32>
    %reduce_sum3A_197 = vector.extract %reduce_sum3A_196[15] : f32 from vector<16xf32>
    %jit3A_198 = arith.constant 0.000000e+00 : f32
    %broadcast_in_dim3A_199 = vector.broadcast %jit3A_198 : f32 to vector<16xf32>
    %select_n3A_200 = arith.select %eq3A_190, %parallel_loop3A_167, %broadcast_in_dim3A_199 : vector<16xi1>, vector<16xf32>
    %reduce_sum3A_201 = arith.constant true
    %reduce_sum3A_202 = vector.broadcast %reduce_sum3A_201 : i1 to vector<16xi1>
    %reduce_sum3A_203 = tpu.scan <sum>, %select_n3A_200 masked %reduce_sum3A_202 : vector<16xf32>, vector<16xi1> -> vector<16xf32>
    %reduce_sum3A_204 = vector.extract %reduce_sum3A_203[15] : f32 from vector<16xf32>
    %add3A_205 = arith.addf %sub3A_145, %reduce_sum3A_197 : f32
    %sub3A_206 = arith.subf %add3A_205, %reduce_sum3A_204 : f32
    %reduce_max3A_207 = arith.constant true
    %reduce_max3A_208 = vector.broadcast %reduce_max3A_207 : i1 to vector<16xi1>
    %reduce_max3A_209 = arith.constant -2147483648 : i32
    %reduce_max3A_210 = vector.broadcast %reduce_max3A_209 : i32 to vector<16xi32>
    %reduce_max3A_211 = arith.xori %sub3A_189, %reduce_max3A_210 : vector<16xi32>
    %reduce_max3A_212 = tpu.scan <max>, %reduce_max3A_211 masked %reduce_max3A_208 : vector<16xi32>, vector<16xi1> -> vector<16xi32>
    %reduce_max3A_213 = arith.xori %reduce_max3A_212, %reduce_max3A_210 : vector<16xi32>
    %reduce_max3A_214 = vector.extract %reduce_max3A_213[15] : i32 from vector<16xi32>
    %mul3A_215 = arith.constant 16 : i32
    %mul3A_216 = arith.muli %reduce_max3A_214, %mul3A_215 : i32
    %add3A_217 = arith.addi %add3A_156, %mul3A_216 : i32
    %broadcast_in_dim3A_218 = vector.broadcast %add3A_217 : i32 to vector<16xi32>
    %mul3A_219 = arith.constant 1 : i32
    %mul3A_220 = vector.broadcast %mul3A_219 : i32 to vector<16xi32>
    %mul3A_221 = arith.muli %iota3A, %mul3A_220 : vector<16xi32>
    %add3A_222 = arith.addi %broadcast_in_dim3A_218, %mul3A_221 : vector<16xi32>
    %gather3A = tpu.vector_load_idx %arg8[%add3A_222] : memref<65536xf32, #tpu.memory_space<vmem>>[vector<16xi32>], vector<16xf32>,
    %rev3A_223 = arith.constant 15 : i32
    %rev3A_224 = vector.broadcast %rev3A_223 : i32 to vector<16xi32>
    %rev3A_225 = tpu.iota {dimensions = array<i32: 0>} : vector<16xi32>
    %rev3A_226 = arith.subi %rev3A_224, %rev3A_225 : vector<16xi32>
    %rev3A_227 = tpu.dynamic_gather %gather3A[%rev3A_226] in [0] : vector<16xf32>, vector<16xi32> -> vector<16xf32>
    %broadcast_in_dim3A_228 = arith.constant true
    %broadcast_in_dim3A_229 = vector.broadcast %broadcast_in_dim3A_228 : i1 to vector<16xi1>
    %masked_cumsum3A_230 = tpu.scan <sum>, %rev3A_227 masked %broadcast_in_dim3A_229 : vector<16xf32>, vector<16xi1> -> vector<16xf32>
    %rev3A_231 = arith.constant 15 : i32
    %rev3A_232 = vector.broadcast %rev3A_231 : i32 to vector<16xi32>
    %rev3A_233 = tpu.iota {dimensions = array<i32: 0>} : vector<16xi32>
    %rev3A_234 = arith.subi %rev3A_232, %rev3A_233 : vector<16xi32>
    %rev3A_235 = tpu.dynamic_gather %masked_cumsum3A_230[%rev3A_234] in [0] : vector<16xf32>, vector<16xi32> -> vector<16xf32>
    %broadcast_in_dim3A_236 = vector.broadcast %sub3A_206 : f32 to vector<16xf32>
    %add3A_237 = arith.addf %broadcast_in_dim3A_236, %rev3A_235 : vector<16xf32>
    %broadcast_in_dim3A_238 = arith.constant 3.010600e+04 : f32
    %broadcast_in_dim3A_239 = vector.broadcast %broadcast_in_dim3A_238 : f32 to vector<16xf32>
    %ge3A_240 = arith.cmpf oge, %add3A_237, %broadcast_in_dim3A_239 : vector<16xf32>
    %all_reduce_population_count3A_241 = tpu.all_reduce %ge3A_240 {dim = 0 : i64, kind = #tpu.reduction_kind<sum>} : vector<16xi1> -> vector<16xi32>
    %sub3A_242 = arith.constant 1 : i32
    %sub3A_243 = vector.broadcast %sub3A_242 : i32 to vector<16xi32>
    %sub3A_244 = arith.subi %all_reduce_population_count3A_241, %sub3A_243 : vector<16xi32>
    %eq3A_245 = arith.cmpi eq, %iota3A, %sub3A_244 : vector<16xi32>
    %jit3A_246 = arith.constant 0.000000e+00 : f32
    %broadcast_in_dim3A_247 = vector.broadcast %jit3A_246 : f32 to vector<16xf32>
    %select_n3A_248 = arith.select %eq3A_245, %rev3A_235, %broadcast_in_dim3A_247 : vector<16xi1>, vector<16xf32>
    %reduce_sum3A_249 = arith.constant true
    %reduce_sum3A_250 = vector.broadcast %reduce_sum3A_249 : i1 to vector<16xi1>
    %reduce_sum3A_251 = tpu.scan <sum>, %select_n3A_248 masked %reduce_sum3A_250 : vector<16xf32>, vector<16xi1> -> vector<16xf32>
    %reduce_sum3A_252 = vector.extract %reduce_sum3A_251[15] : f32 from vector<16xf32>
    %jit3A_253 = arith.constant 0.000000e+00 : f32
    %broadcast_in_dim3A_254 = vector.broadcast %jit3A_253 : f32 to vector<16xf32>
    %select_n3A_255 = arith.select %eq3A_245, %gather3A, %broadcast_in_dim3A_254 : vector<16xi1>, vector<16xf32>
    %reduce_sum3A_256 = arith.constant true
    %reduce_sum3A_257 = vector.broadcast %reduce_sum3A_256 : i1 to vector<16xi1>
    %reduce_sum3A_258 = tpu.scan <sum>, %select_n3A_255 masked %reduce_sum3A_257 : vector<16xf32>, vector<16xi1> -> vector<16xf32>
    %reduce_sum3A_259 = vector.extract %reduce_sum3A_258[15] : f32 from vector<16xf32>
    %add3A_260 = arith.addf %sub3A_206, %reduce_sum3A_252 : f32
    %sub3A_261 = arith.subf %add3A_260, %reduce_sum3A_259 : f32
    %reduce_max3A_262 = arith.constant true
    %reduce_max3A_263 = vector.broadcast %reduce_max3A_262 : i1 to vector<16xi1>
    %reduce_max3A_264 = arith.constant -2147483648 : i32
    %reduce_max3A_265 = vector.broadcast %reduce_max3A_264 : i32 to vector<16xi32>
    %reduce_max3A_266 = arith.xori %sub3A_244, %reduce_max3A_265 : vector<16xi32>
    %reduce_max3A_267 = tpu.scan <max>, %reduce_max3A_266 masked %reduce_max3A_263 : vector<16xi32>, vector<16xi1> -> vector<16xi32>
    %reduce_max3A_268 = arith.xori %reduce_max3A_267, %reduce_max3A_265 : vector<16xi32>
    %reduce_max3A_269 = vector.extract %reduce_max3A_268[15] : i32 from vector<16xi32>
    %mul3A_270 = arith.constant 1 : i32
    %mul3A_271 = arith.muli %reduce_max3A_269, %mul3A_270 : i32
    %add3A_272 = arith.addi %add3A_217, %mul3A_271 : i32
    %parallel_loop3A_273 = arith.constant 0 : i32
    %parallel_loop3A_274 = arith.constant 4096 : i32
    %parallel_loop3A_275 = arith.constant 1 : i32
    scf.for %parallel_loop3A_535 = %parallel_loop3A_273 to %parallel_loop3A_274 step %parallel_loop3A_275  : i32 {
      %parallel_loop3A_536 = arith.constant 0.000000e+00 : f32
      %parallel_loop3A_537 = vector.broadcast %parallel_loop3A_536 : f32 to vector<16xf32>
      %parallel_loop3A_538 = arith.constant 16 : i32
      %parallel_loop3A_539 = arith.muli %parallel_loop3A_535, %parallel_loop3A_538 : i32
      %parallel_loop3A_540 = arith.index_cast %parallel_loop3A_539 : i32 to index
      %parallel_loop3A_541 = tpu.vector_load %arg8[%parallel_loop3A_540] {strides = array<i32>} : memref<65536xf32, #tpu.memory_space<vmem>>, vector<16xf32>,
      tpu.vector_store %arg8[%parallel_loop3A_540], %parallel_loop3A_537 {strides = array<i32>} : memref<65536xf32, #tpu.memory_space<vmem>>, vector<16xf32>,
    } {sc.loop_unroll_factor = 8 : i64, sc.parallel_access}
    %scan3A_276 = arith.constant 0 : i32
    %scan3A_277 = arith.constant 0 : i32
    %scan3A_278 = arith.constant 14 : i32
    %scan3A_279 = arith.addi %scan3A_277, %scan3A_278 : i32
    %scan3A_280 = arith.constant 1 : i32
    %scan3A_281 = scf.for %scan3A_535 = %scan3A_277 to %scan3A_279 step %scan3A_280 iter_args(%scan3A_536 = %scan3A_276) -> (i32)  : i32 {
      %mul3A_537 = arith.constant 2 : i32
      %mul3A_538 = arith.muli %scan3A_535, %mul3A_537 : i32
      %add3A_539 = arith.constant 0 : i32
      %add3A_540 = arith.addi %mul3A_538, %add3A_539 : i32
      %add3A_541 = arith.constant 2 : i32
      %add3A_542 = arith.addi %add3A_540, %add3A_541 : i32
      %sub3A_543 = arith.constant 1 : i32
      %sub3A_544 = arith.subi %add3A_542, %sub3A_543 : i32
      %lt3A_545 = arith.constant 28 : i32
      %lt3A_546 = arith.cmpi slt, %sub3A_544, %lt3A_545 : i32
      %convert_element_type3A = arith.extui %lt3A_546 : i1 to i32
      %cond3A = arith.constant 0 : i32
      %cond3A_547 = arith.cmpi ne, %convert_element_type3A, %cond3A : i32
      scf.if %cond3A_547 {
        %mul3A_599 = arith.constant 112 : i32
        %mul3A_600 = arith.muli %sub3A_544, %mul3A_599 : i32
        %dma_start3A_601 = arith.constant 0 : i32
        %dma_start3A_602 = tpu.memref_slice %arg2[%add3A, %mul3A_600, %dma_start3A_601] : memref<32x3136x192xf32, #tpu.memory_space<hbm>> -> memref<1x112x128xf32, #tpu.memory_space<hbm>>
        %dma_start3A_603 = tpu.memref_squeeze %dma_start3A_602 : memref<1x112x128xf32, #tpu.memory_space<hbm>> -> memref<112x128xf32, #tpu.memory_space<hbm>>
        %dma_start3A_604 = arith.constant 0 : i32
        %dma_start3A_605 = tpu.memref_slice %arg2[%add3A, %mul3A_600, %dma_start3A_604] : memref<32x3136x192xf32, #tpu.memory_space<hbm>> -> memref<1x112x128xf32, #tpu.memory_space<hbm>>
        %dma_start3A_606 = tpu.memref_squeeze %dma_start3A_605 : memref<1x112x128xf32, #tpu.memory_space<hbm>> -> memref<112x128xf32, #tpu.memory_space<hbm>>
        tpu.enqueue_dma source(%dma_start3A_606 : memref<112x128xf32, #tpu.memory_space<hbm>>) target(%arg5 : memref<112x128xf32, #tpu.memory_space<vmem>>) target_semaphore(%arg11 : memref<!tpu.dma_semaphore, #tpu.memory_space<semaphore_mem>>)
        %mul3A_607 = arith.constant 112 : i32
        %mul3A_608 = arith.muli %sub3A_544, %mul3A_607 : i32
        %dma_start3A_609 = arith.constant 128 : i32
        %dma_start3A_610 = tpu.memref_slice %arg2[%add3A, %mul3A_608, %dma_start3A_609] : memref<32x3136x192xf32, #tpu.memory_space<hbm>> -> memref<1x112x64xf32, #tpu.memory_space<hbm>>
        %dma_start3A_611 = tpu.memref_squeeze %dma_start3A_610 : memref<1x112x64xf32, #tpu.memory_space<hbm>> -> memref<112x64xf32, #tpu.memory_space<hbm>>
        %dma_start3A_612 = arith.constant 128 : i32
        %dma_start3A_613 = tpu.memref_slice %arg2[%add3A, %mul3A_608, %dma_start3A_612] : memref<32x3136x192xf32, #tpu.memory_space<hbm>> -> memref<1x112x64xf32, #tpu.memory_space<hbm>>
        %dma_start3A_614 = tpu.memref_squeeze %dma_start3A_613 : memref<1x112x64xf32, #tpu.memory_space<hbm>> -> memref<112x64xf32, #tpu.memory_space<hbm>>
        tpu.enqueue_dma source(%dma_start3A_614 : memref<112x64xf32, #tpu.memory_space<hbm>>) target(%arg7 : memref<112x64xf32, #tpu.memory_space<vmem>>) target_semaphore(%arg11 : memref<!tpu.dma_semaphore, #tpu.memory_space<semaphore_mem>>)
      } else {
      }
      %mul3A_548 = arith.constant 112 : i32
      %mul3A_549 = arith.muli %add3A_540, %mul3A_548 : i32
      %dma_wait3A = arith.constant 0 : i32
      %dma_wait3A_550 = tpu.memref_slice %arg2[%add3A, %mul3A_549, %dma_wait3A] : memref<32x3136x192xf32, #tpu.memory_space<hbm>> -> memref<1x112x128xf32, #tpu.memory_space<hbm>>
      %dma_wait3A_551 = tpu.memref_squeeze %dma_wait3A_550 : memref<1x112x128xf32, #tpu.memory_space<hbm>> -> memref<112x128xf32, #tpu.memory_space<hbm>>
      %dma_wait3A_552 = arith.constant 0 : i32
      %dma_wait3A_553 = tpu.memref_slice %arg2[%add3A, %mul3A_549, %dma_wait3A_552] : memref<32x3136x192xf32, #tpu.memory_space<hbm>> -> memref<1x112x128xf32, #tpu.memory_space<hbm>>
      %dma_wait3A_554 = tpu.memref_squeeze %dma_wait3A_553 : memref<1x112x128xf32, #tpu.memory_space<hbm>> -> memref<112x128xf32, #tpu.memory_space<hbm>>
      tpu.wait_dma2 semaphore(%arg10 : memref<!tpu.dma_semaphore, #tpu.memory_space<semaphore_mem>>) src(%dma_wait3A_554 : memref<112x128xf32, #tpu.memory_space<hbm>>) dst(%arg4 : memref<112x128xf32, #tpu.memory_space<vmem>>)
      %mul3A_555 = arith.constant 112 : i32
      %mul3A_556 = arith.muli %add3A_540, %mul3A_555 : i32
      %dma_wait3A_557 = arith.constant 128 : i32
      %dma_wait3A_558 = tpu.memref_slice %arg2[%add3A, %mul3A_556, %dma_wait3A_557] : memref<32x3136x192xf32, #tpu.memory_space<hbm>> -> memref<1x112x64xf32, #tpu.memory_space<hbm>>
      %dma_wait3A_559 = tpu.memref_squeeze %dma_wait3A_558 : memref<1x112x64xf32, #tpu.memory_space<hbm>> -> memref<112x64xf32, #tpu.memory_space<hbm>>
      %dma_wait3A_560 = arith.constant 128 : i32
      %dma_wait3A_561 = tpu.memref_slice %arg2[%add3A, %mul3A_556, %dma_wait3A_560] : memref<32x3136x192xf32, #tpu.memory_space<hbm>> -> memref<1x112x64xf32, #tpu.memory_space<hbm>>
      %dma_wait3A_562 = tpu.memref_squeeze %dma_wait3A_561 : memref<1x112x64xf32, #tpu.memory_space<hbm>> -> memref<112x64xf32, #tpu.memory_space<hbm>>
      tpu.wait_dma2 semaphore(%arg10 : memref<!tpu.dma_semaphore, #tpu.memory_space<semaphore_mem>>) src(%dma_wait3A_562 : memref<112x64xf32, #tpu.memory_space<hbm>>) dst(%arg6 : memref<112x64xf32, #tpu.memory_space<vmem>>)
      %parallel_loop3A_563 = arith.constant 0 : i32
      %parallel_loop3A_564 = arith.constant 112 : i32
      %parallel_loop3A_565 = arith.constant 1 : i32
      scf.for %parallel_loop3A_599 = %parallel_loop3A_563 to %parallel_loop3A_564 step %parallel_loop3A_565  : i32 {
        %parallel_loop3A_600 = arith.index_cast %parallel_loop3A_599 : i32 to index
        %parallel_loop3A_601 = arith.constant 0 : index
        %parallel_loop3A_602 = tpu.vector_load %arg4[%parallel_loop3A_600, %parallel_loop3A_601] {strides = array<i32>} : memref<112x128xf32, #tpu.memory_space<vmem>>, vector<16xf32>,
        %parallel_loop3A_603 = tpu.bitcast %parallel_loop3A_602 : vector<16xf32> -> vector<16xi32>
        %parallel_loop3A_604 = arith.constant 31 : i32
        %parallel_loop3A_605 = vector.broadcast %parallel_loop3A_604 : i32 to vector<16xi32>
        %parallel_loop3A_606 = arith.shrsi %parallel_loop3A_603, %parallel_loop3A_605 : vector<16xi32>
        %parallel_loop3A_607 = arith.constant -2147483648 : i32
        %parallel_loop3A_608 = vector.broadcast %parallel_loop3A_607 : i32 to vector<16xi32>
        %parallel_loop3A_609 = arith.ori %parallel_loop3A_606, %parallel_loop3A_608 : vector<16xi32>
        %parallel_loop3A_610 = arith.xori %parallel_loop3A_603, %parallel_loop3A_609 : vector<16xi32>
        %parallel_loop3A_611 = arith.constant 16 : i32
        %parallel_loop3A_612 = vector.broadcast %parallel_loop3A_611 : i32 to vector<16xi32>
        %parallel_loop3A_613 = arith.shrui %parallel_loop3A_610, %parallel_loop3A_612 : vector<16xi32>
        %parallel_loop3A_614 = arith.constant 65535 : i32
        %parallel_loop3A_615 = vector.broadcast %parallel_loop3A_614 : i32 to vector<16xi32>
        %parallel_loop3A_616 = arith.andi %parallel_loop3A_610, %parallel_loop3A_615 : vector<16xi32>
        %parallel_loop3A_617 = vector.broadcast %add3A_272 : i32 to vector<16xi32>
        %parallel_loop3A_618 = arith.cmpi eq, %parallel_loop3A_613, %parallel_loop3A_617 : vector<16xi32>
        tpu.vector_store_idx %arg8[%parallel_loop3A_616], %broadcast_in_dim3A_1 masked %parallel_loop3A_618 {add = true} : memref<65536xf32, #tpu.memory_space<vmem>>[vector<16xi32>], vector<16xf32>, vector<16xi1>
        %parallel_loop3A_619 = arith.index_cast %parallel_loop3A_599 : i32 to index
        %parallel_loop3A_620 = arith.constant 16 : index
        %parallel_loop3A_621 = tpu.vector_load %arg4[%parallel_loop3A_619, %parallel_loop3A_620] {strides = array<i32>} : memref<112x128xf32, #tpu.memory_space<vmem>>, vector<16xf32>,
        %parallel_loop3A_622 = tpu.bitcast %parallel_loop3A_621 : vector<16xf32> -> vector<16xi32>
        %parallel_loop3A_623 = arith.constant 31 : i32
        %parallel_loop3A_624 = vector.broadcast %parallel_loop3A_623 : i32 to vector<16xi32>
        %parallel_loop3A_625 = arith.shrsi %parallel_loop3A_622, %parallel_loop3A_624 : vector<16xi32>
        %parallel_loop3A_626 = arith.constant -2147483648 : i32
        %parallel_loop3A_627 = vector.broadcast %parallel_loop3A_626 : i32 to vector<16xi32>
        %parallel_loop3A_628 = arith.ori %parallel_loop3A_625, %parallel_loop3A_627 : vector<16xi32>
        %parallel_loop3A_629 = arith.xori %parallel_loop3A_622, %parallel_loop3A_628 : vector<16xi32>
        %parallel_loop3A_630 = arith.constant 16 : i32
        %parallel_loop3A_631 = vector.broadcast %parallel_loop3A_630 : i32 to vector<16xi32>
        %parallel_loop3A_632 = arith.shrui %parallel_loop3A_629, %parallel_loop3A_631 : vector<16xi32>
        %parallel_loop3A_633 = arith.constant 65535 : i32
        %parallel_loop3A_634 = vector.broadcast %parallel_loop3A_633 : i32 to vector<16xi32>
        %parallel_loop3A_635 = arith.andi %parallel_loop3A_629, %parallel_loop3A_634 : vector<16xi32>
        %parallel_loop3A_636 = vector.broadcast %add3A_272 : i32 to vector<16xi32>
        %parallel_loop3A_637 = arith.cmpi eq, %parallel_loop3A_632, %parallel_loop3A_636 : vector<16xi32>
        tpu.vector_store_idx %arg8[%parallel_loop3A_635], %broadcast_in_dim3A_1 masked %parallel_loop3A_637 {add = true} : memref<65536xf32, #tpu.memory_space<vmem>>[vector<16xi32>], vector<16xf32>, vector<16xi1>
        %parallel_loop3A_638 = arith.index_cast %parallel_loop3A_599 : i32 to index
        %parallel_loop3A_639 = arith.constant 32 : index
        %parallel_loop3A_640 = tpu.vector_load %arg4[%parallel_loop3A_638, %parallel_loop3A_639] {strides = array<i32>} : memref<112x128xf32, #tpu.memory_space<vmem>>, vector<16xf32>,
        %parallel_loop3A_641 = tpu.bitcast %parallel_loop3A_640 : vector<16xf32> -> vector<16xi32>
        %parallel_loop3A_642 = arith.constant 31 : i32
        %parallel_loop3A_643 = vector.broadcast %parallel_loop3A_642 : i32 to vector<16xi32>
        %parallel_loop3A_644 = arith.shrsi %parallel_loop3A_641, %parallel_loop3A_643 : vector<16xi32>
        %parallel_loop3A_645 = arith.constant -2147483648 : i32
        %parallel_loop3A_646 = vector.broadcast %parallel_loop3A_645 : i32 to vector<16xi32>
        %parallel_loop3A_647 = arith.ori %parallel_loop3A_644, %parallel_loop3A_646 : vector<16xi32>
        %parallel_loop3A_648 = arith.xori %parallel_loop3A_641, %parallel_loop3A_647 : vector<16xi32>
        %parallel_loop3A_649 = arith.constant 16 : i32
        %parallel_loop3A_650 = vector.broadcast %parallel_loop3A_649 : i32 to vector<16xi32>
        %parallel_loop3A_651 = arith.shrui %parallel_loop3A_648, %parallel_loop3A_650 : vector<16xi32>
        %parallel_loop3A_652 = arith.constant 65535 : i32
        %parallel_loop3A_653 = vector.broadcast %parallel_loop3A_652 : i32 to vector<16xi32>
        %parallel_loop3A_654 = arith.andi %parallel_loop3A_648, %parallel_loop3A_653 : vector<16xi32>
        %parallel_loop3A_655 = vector.broadcast %add3A_272 : i32 to vector<16xi32>
        %parallel_loop3A_656 = arith.cmpi eq, %parallel_loop3A_651, %parallel_loop3A_655 : vector<16xi32>
        tpu.vector_store_idx %arg8[%parallel_loop3A_654], %broadcast_in_dim3A_1 masked %parallel_loop3A_656 {add = true} : memref<65536xf32, #tpu.memory_space<vmem>>[vector<16xi32>], vector<16xf32>, vector<16xi1>
        %parallel_loop3A_657 = arith.index_cast %parallel_loop3A_599 : i32 to index
        %parallel_loop3A_658 = arith.constant 48 : index
        %parallel_loop3A_659 = tpu.vector_load %arg4[%parallel_loop3A_657, %parallel_loop3A_658] {strides = array<i32>} : memref<112x128xf32, #tpu.memory_space<vmem>>, vector<16xf32>,
        %parallel_loop3A_660 = tpu.bitcast %parallel_loop3A_659 : vector<16xf32> -> vector<16xi32>
        %parallel_loop3A_661 = arith.constant 31 : i32
        %parallel_loop3A_662 = vector.broadcast %parallel_loop3A_661 : i32 to vector<16xi32>
        %parallel_loop3A_663 = arith.shrsi %parallel_loop3A_660, %parallel_loop3A_662 : vector<16xi32>
        %parallel_loop3A_664 = arith.constant -2147483648 : i32
        %parallel_loop3A_665 = vector.broadcast %parallel_loop3A_664 : i32 to vector<16xi32>
        %parallel_loop3A_666 = arith.ori %parallel_loop3A_663, %parallel_loop3A_665 : vector<16xi32>
        %parallel_loop3A_667 = arith.xori %parallel_loop3A_660, %parallel_loop3A_666 : vector<16xi32>
        %parallel_loop3A_668 = arith.constant 16 : i32
        %parallel_loop3A_669 = vector.broadcast %parallel_loop3A_668 : i32 to vector<16xi32>
        %parallel_loop3A_670 = arith.shrui %parallel_loop3A_667, %parallel_loop3A_669 : vector<16xi32>
        %parallel_loop3A_671 = arith.constant 65535 : i32
        %parallel_loop3A_672 = vector.broadcast %parallel_loop3A_671 : i32 to vector<16xi32>
        %parallel_loop3A_673 = arith.andi %parallel_loop3A_667, %parallel_loop3A_672 : vector<16xi32>
        %parallel_loop3A_674 = vector.broadcast %add3A_272 : i32 to vector<16xi32>
        %parallel_loop3A_675 = arith.cmpi eq, %parallel_loop3A_670, %parallel_loop3A_674 : vector<16xi32>
        tpu.vector_store_idx %arg8[%parallel_loop3A_673], %broadcast_in_dim3A_1 masked %parallel_loop3A_675 {add = true} : memref<65536xf32, #tpu.memory_space<vmem>>[vector<16xi32>], vector<16xf32>, vector<16xi1>
        %parallel_loop3A_676 = arith.index_cast %parallel_loop3A_599 : i32 to index
        %parallel_loop3A_677 = arith.constant 64 : index
        %parallel_loop3A_678 = tpu.vector_load %arg4[%parallel_loop3A_676, %parallel_loop3A_677] {strides = array<i32>} : memref<112x128xf32, #tpu.memory_space<vmem>>, vector<16xf32>,
        %parallel_loop3A_679 = tpu.bitcast %parallel_loop3A_678 : vector<16xf32> -> vector<16xi32>
        %parallel_loop3A_680 = arith.constant 31 : i32
        %parallel_loop3A_681 = vector.broadcast %parallel_loop3A_680 : i32 to vector<16xi32>
        %parallel_loop3A_682 = arith.shrsi %parallel_loop3A_679, %parallel_loop3A_681 : vector<16xi32>
        %parallel_loop3A_683 = arith.constant -2147483648 : i32
        %parallel_loop3A_684 = vector.broadcast %parallel_loop3A_683 : i32 to vector<16xi32>
        %parallel_loop3A_685 = arith.ori %parallel_loop3A_682, %parallel_loop3A_684 : vector<16xi32>
        %parallel_loop3A_686 = arith.xori %parallel_loop3A_679, %parallel_loop3A_685 : vector<16xi32>
        %parallel_loop3A_687 = arith.constant 16 : i32
        %parallel_loop3A_688 = vector.broadcast %parallel_loop3A_687 : i32 to vector<16xi32>
        %parallel_loop3A_689 = arith.shrui %parallel_loop3A_686, %parallel_loop3A_688 : vector<16xi32>
        %parallel_loop3A_690 = arith.constant 65535 : i32
        %parallel_loop3A_691 = vector.broadcast %parallel_loop3A_690 : i32 to vector<16xi32>
        %parallel_loop3A_692 = arith.andi %parallel_loop3A_686, %parallel_loop3A_691 : vector<16xi32>
        %parallel_loop3A_693 = vector.broadcast %add3A_272 : i32 to vector<16xi32>
        %parallel_loop3A_694 = arith.cmpi eq, %parallel_loop3A_689, %parallel_loop3A_693 : vector<16xi32>
        tpu.vector_store_idx %arg8[%parallel_loop3A_692], %broadcast_in_dim3A_1 masked %parallel_loop3A_694 {add = true} : memref<65536xf32, #tpu.memory_space<vmem>>[vector<16xi32>], vector<16xf32>, vector<16xi1>
        %parallel_loop3A_695 = arith.index_cast %parallel_loop3A_599 : i32 to index
        %parallel_loop3A_696 = arith.constant 80 : index
        %parallel_loop3A_697 = tpu.vector_load %arg4[%parallel_loop3A_695, %parallel_loop3A_696] {strides = array<i32>} : memref<112x128xf32, #tpu.memory_space<vmem>>, vector<16xf32>,
        %parallel_loop3A_698 = tpu.bitcast %parallel_loop3A_697 : vector<16xf32> -> vector<16xi32>
        %parallel_loop3A_699 = arith.constant 31 : i32
        %parallel_loop3A_700 = vector.broadcast %parallel_loop3A_699 : i32 to vector<16xi32>
        %parallel_loop3A_701 = arith.shrsi %parallel_loop3A_698, %parallel_loop3A_700 : vector<16xi32>
        %parallel_loop3A_702 = arith.constant -2147483648 : i32
        %parallel_loop3A_703 = vector.broadcast %parallel_loop3A_702 : i32 to vector<16xi32>
        %parallel_loop3A_704 = arith.ori %parallel_loop3A_701, %parallel_loop3A_703 : vector<16xi32>
        %parallel_loop3A_705 = arith.xori %parallel_loop3A_698, %parallel_loop3A_704 : vector<16xi32>
        %parallel_loop3A_706 = arith.constant 16 : i32
        %parallel_loop3A_707 = vector.broadcast %parallel_loop3A_706 : i32 to vector<16xi32>
        %parallel_loop3A_708 = arith.shrui %parallel_loop3A_705, %parallel_loop3A_707 : vector<16xi32>
        %parallel_loop3A_709 = arith.constant 65535 : i32
        %parallel_loop3A_710 = vector.broadcast %parallel_loop3A_709 : i32 to vector<16xi32>
        %parallel_loop3A_711 = arith.andi %parallel_loop3A_705, %parallel_loop3A_710 : vector<16xi32>
        %parallel_loop3A_712 = vector.broadcast %add3A_272 : i32 to vector<16xi32>
        %parallel_loop3A_713 = arith.cmpi eq, %parallel_loop3A_708, %parallel_loop3A_712 : vector<16xi32>
        tpu.vector_store_idx %arg8[%parallel_loop3A_711], %broadcast_in_dim3A_1 masked %parallel_loop3A_713 {add = true} : memref<65536xf32, #tpu.memory_space<vmem>>[vector<16xi32>], vector<16xf32>, vector<16xi1>
        %parallel_loop3A_714 = arith.index_cast %parallel_loop3A_599 : i32 to index
        %parallel_loop3A_715 = arith.constant 96 : index
        %parallel_loop3A_716 = tpu.vector_load %arg4[%parallel_loop3A_714, %parallel_loop3A_715] {strides = array<i32>} : memref<112x128xf32, #tpu.memory_space<vmem>>, vector<16xf32>,
        %parallel_loop3A_717 = tpu.bitcast %parallel_loop3A_716 : vector<16xf32> -> vector<16xi32>
        %parallel_loop3A_718 = arith.constant 31 : i32
        %parallel_loop3A_719 = vector.broadcast %parallel_loop3A_718 : i32 to vector<16xi32>
        %parallel_loop3A_720 = arith.shrsi %parallel_loop3A_717, %parallel_loop3A_719 : vector<16xi32>
        %parallel_loop3A_721 = arith.constant -2147483648 : i32
        %parallel_loop3A_722 = vector.broadcast %parallel_loop3A_721 : i32 to vector<16xi32>
        %parallel_loop3A_723 = arith.ori %parallel_loop3A_720, %parallel_loop3A_722 : vector<16xi32>
        %parallel_loop3A_724 = arith.xori %parallel_loop3A_717, %parallel_loop3A_723 : vector<16xi32>
        %parallel_loop3A_725 = arith.constant 16 : i32
        %parallel_loop3A_726 = vector.broadcast %parallel_loop3A_725 : i32 to vector<16xi32>
        %parallel_loop3A_727 = arith.shrui %parallel_loop3A_724, %parallel_loop3A_726 : vector<16xi32>
        %parallel_loop3A_728 = arith.constant 65535 : i32
        %parallel_loop3A_729 = vector.broadcast %parallel_loop3A_728 : i32 to vector<16xi32>
        %parallel_loop3A_730 = arith.andi %parallel_loop3A_724, %parallel_loop3A_729 : vector<16xi32>
        %parallel_loop3A_731 = vector.broadcast %add3A_272 : i32 to vector<16xi32>
        %parallel_loop3A_732 = arith.cmpi eq, %parallel_loop3A_727, %parallel_loop3A_731 : vector<16xi32>
        tpu.vector_store_idx %arg8[%parallel_loop3A_730], %broadcast_in_dim3A_1 masked %parallel_loop3A_732 {add = true} : memref<65536xf32, #tpu.memory_space<vmem>>[vector<16xi32>], vector<16xf32>, vector<16xi1>
        %parallel_loop3A_733 = arith.index_cast %parallel_loop3A_599 : i32 to index
        %parallel_loop3A_734 = arith.constant 112 : index
        %parallel_loop3A_735 = tpu.vector_load %arg4[%parallel_loop3A_733, %parallel_loop3A_734] {strides = array<i32>} : memref<112x128xf32, #tpu.memory_space<vmem>>, vector<16xf32>,
        %parallel_loop3A_736 = tpu.bitcast %parallel_loop3A_735 : vector<16xf32> -> vector<16xi32>
        %parallel_loop3A_737 = arith.constant 31 : i32
        %parallel_loop3A_738 = vector.broadcast %parallel_loop3A_737 : i32 to vector<16xi32>
        %parallel_loop3A_739 = arith.shrsi %parallel_loop3A_736, %parallel_loop3A_738 : vector<16xi32>
        %parallel_loop3A_740 = arith.constant -2147483648 : i32
        %parallel_loop3A_741 = vector.broadcast %parallel_loop3A_740 : i32 to vector<16xi32>
        %parallel_loop3A_742 = arith.ori %parallel_loop3A_739, %parallel_loop3A_741 : vector<16xi32>
        %parallel_loop3A_743 = arith.xori %parallel_loop3A_736, %parallel_loop3A_742 : vector<16xi32>
        %parallel_loop3A_744 = arith.constant 16 : i32
        %parallel_loop3A_745 = vector.broadcast %parallel_loop3A_744 : i32 to vector<16xi32>
        %parallel_loop3A_746 = arith.shrui %parallel_loop3A_743, %parallel_loop3A_745 : vector<16xi32>
        %parallel_loop3A_747 = arith.constant 65535 : i32
        %parallel_loop3A_748 = vector.broadcast %parallel_loop3A_747 : i32 to vector<16xi32>
        %parallel_loop3A_749 = arith.andi %parallel_loop3A_743, %parallel_loop3A_748 : vector<16xi32>
        %parallel_loop3A_750 = vector.broadcast %add3A_272 : i32 to vector<16xi32>
        %parallel_loop3A_751 = arith.cmpi eq, %parallel_loop3A_746, %parallel_loop3A_750 : vector<16xi32>
        tpu.vector_store_idx %arg8[%parallel_loop3A_749], %broadcast_in_dim3A_1 masked %parallel_loop3A_751 {add = true} : memref<65536xf32, #tpu.memory_space<vmem>>[vector<16xi32>], vector<16xf32>, vector<16xi1>
        %parallel_loop3A_752 = arith.index_cast %parallel_loop3A_599 : i32 to index
        %parallel_loop3A_753 = arith.constant 0 : index
        %parallel_loop3A_754 = tpu.vector_load %arg6[%parallel_loop3A_752, %parallel_loop3A_753] {strides = array<i32>} : memref<112x64xf32, #tpu.memory_space<vmem>>, vector<16xf32>,
        %parallel_loop3A_755 = tpu.bitcast %parallel_loop3A_754 : vector<16xf32> -> vector<16xi32>
        %parallel_loop3A_756 = arith.constant 31 : i32
        %parallel_loop3A_757 = vector.broadcast %parallel_loop3A_756 : i32 to vector<16xi32>
        %parallel_loop3A_758 = arith.shrsi %parallel_loop3A_755, %parallel_loop3A_757 : vector<16xi32>
        %parallel_loop3A_759 = arith.constant -2147483648 : i32
        %parallel_loop3A_760 = vector.broadcast %parallel_loop3A_759 : i32 to vector<16xi32>
        %parallel_loop3A_761 = arith.ori %parallel_loop3A_758, %parallel_loop3A_760 : vector<16xi32>
        %parallel_loop3A_762 = arith.xori %parallel_loop3A_755, %parallel_loop3A_761 : vector<16xi32>
        %parallel_loop3A_763 = arith.constant 16 : i32
        %parallel_loop3A_764 = vector.broadcast %parallel_loop3A_763 : i32 to vector<16xi32>
        %parallel_loop3A_765 = arith.shrui %parallel_loop3A_762, %parallel_loop3A_764 : vector<16xi32>
        %parallel_loop3A_766 = arith.constant 65535 : i32
        %parallel_loop3A_767 = vector.broadcast %parallel_loop3A_766 : i32 to vector<16xi32>
        %parallel_loop3A_768 = arith.andi %parallel_loop3A_762, %parallel_loop3A_767 : vector<16xi32>
        %parallel_loop3A_769 = vector.broadcast %add3A_272 : i32 to vector<16xi32>
        %parallel_loop3A_770 = arith.cmpi eq, %parallel_loop3A_765, %parallel_loop3A_769 : vector<16xi32>
        tpu.vector_store_idx %arg8[%parallel_loop3A_768], %broadcast_in_dim3A_1 masked %parallel_loop3A_770 {add = true} : memref<65536xf32, #tpu.memory_space<vmem>>[vector<16xi32>], vector<16xf32>, vector<16xi1>
        %parallel_loop3A_771 = arith.index_cast %parallel_loop3A_599 : i32 to index
        %parallel_loop3A_772 = arith.constant 16 : index
        %parallel_loop3A_773 = tpu.vector_load %arg6[%parallel_loop3A_771, %parallel_loop3A_772] {strides = array<i32>} : memref<112x64xf32, #tpu.memory_space<vmem>>, vector<16xf32>,
        %parallel_loop3A_774 = tpu.bitcast %parallel_loop3A_773 : vector<16xf32> -> vector<16xi32>
        %parallel_loop3A_775 = arith.constant 31 : i32
        %parallel_loop3A_776 = vector.broadcast %parallel_loop3A_775 : i32 to vector<16xi32>
        %parallel_loop3A_777 = arith.shrsi %parallel_loop3A_774, %parallel_loop3A_776 : vector<16xi32>
        %parallel_loop3A_778 = arith.constant -2147483648 : i32
        %parallel_loop3A_779 = vector.broadcast %parallel_loop3A_778 : i32 to vector<16xi32>
        %parallel_loop3A_780 = arith.ori %parallel_loop3A_777, %parallel_loop3A_779 : vector<16xi32>
        %parallel_loop3A_781 = arith.xori %parallel_loop3A_774, %parallel_loop3A_780 : vector<16xi32>
        %parallel_loop3A_782 = arith.constant 16 : i32
        %parallel_loop3A_783 = vector.broadcast %parallel_loop3A_782 : i32 to vector<16xi32>
        %parallel_loop3A_784 = arith.shrui %parallel_loop3A_781, %parallel_loop3A_783 : vector<16xi32>
        %parallel_loop3A_785 = arith.constant 65535 : i32
        %parallel_loop3A_786 = vector.broadcast %parallel_loop3A_785 : i32 to vector<16xi32>
        %parallel_loop3A_787 = arith.andi %parallel_loop3A_781, %parallel_loop3A_786 : vector<16xi32>
        %parallel_loop3A_788 = vector.broadcast %add3A_272 : i32 to vector<16xi32>
        %parallel_loop3A_789 = arith.cmpi eq, %parallel_loop3A_784, %parallel_loop3A_788 : vector<16xi32>
        tpu.vector_store_idx %arg8[%parallel_loop3A_787], %broadcast_in_dim3A_1 masked %parallel_loop3A_789 {add = true} : memref<65536xf32, #tpu.memory_space<vmem>>[vector<16xi32>], vector<16xf32>, vector<16xi1>
        %parallel_loop3A_790 = arith.index_cast %parallel_loop3A_599 : i32 to index
        %parallel_loop3A_791 = arith.constant 32 : index
        %parallel_loop3A_792 = tpu.vector_load %arg6[%parallel_loop3A_790, %parallel_loop3A_791] {strides = array<i32>} : memref<112x64xf32, #tpu.memory_space<vmem>>, vector<16xf32>,
        %parallel_loop3A_793 = tpu.bitcast %parallel_loop3A_792 : vector<16xf32> -> vector<16xi32>
        %parallel_loop3A_794 = arith.constant 31 : i32
        %parallel_loop3A_795 = vector.broadcast %parallel_loop3A_794 : i32 to vector<16xi32>
        %parallel_loop3A_796 = arith.shrsi %parallel_loop3A_793, %parallel_loop3A_795 : vector<16xi32>
        %parallel_loop3A_797 = arith.constant -2147483648 : i32
        %parallel_loop3A_798 = vector.broadcast %parallel_loop3A_797 : i32 to vector<16xi32>
        %parallel_loop3A_799 = arith.ori %parallel_loop3A_796, %parallel_loop3A_798 : vector<16xi32>
        %parallel_loop3A_800 = arith.xori %parallel_loop3A_793, %parallel_loop3A_799 : vector<16xi32>
        %parallel_loop3A_801 = arith.constant 16 : i32
        %parallel_loop3A_802 = vector.broadcast %parallel_loop3A_801 : i32 to vector<16xi32>
        %parallel_loop3A_803 = arith.shrui %parallel_loop3A_800, %parallel_loop3A_802 : vector<16xi32>
        %parallel_loop3A_804 = arith.constant 65535 : i32
        %parallel_loop3A_805 = vector.broadcast %parallel_loop3A_804 : i32 to vector<16xi32>
        %parallel_loop3A_806 = arith.andi %parallel_loop3A_800, %parallel_loop3A_805 : vector<16xi32>
        %parallel_loop3A_807 = vector.broadcast %add3A_272 : i32 to vector<16xi32>
        %parallel_loop3A_808 = arith.cmpi eq, %parallel_loop3A_803, %parallel_loop3A_807 : vector<16xi32>
        tpu.vector_store_idx %arg8[%parallel_loop3A_806], %broadcast_in_dim3A_1 masked %parallel_loop3A_808 {add = true} : memref<65536xf32, #tpu.memory_space<vmem>>[vector<16xi32>], vector<16xf32>, vector<16xi1>
        %parallel_loop3A_809 = arith.index_cast %parallel_loop3A_599 : i32 to index
        %parallel_loop3A_810 = arith.constant 48 : index
        %parallel_loop3A_811 = tpu.vector_load %arg6[%parallel_loop3A_809, %parallel_loop3A_810] {strides = array<i32>} : memref<112x64xf32, #tpu.memory_space<vmem>>, vector<16xf32>,
        %parallel_loop3A_812 = tpu.bitcast %parallel_loop3A_811 : vector<16xf32> -> vector<16xi32>
        %parallel_loop3A_813 = arith.constant 31 : i32
        %parallel_loop3A_814 = vector.broadcast %parallel_loop3A_813 : i32 to vector<16xi32>
        %parallel_loop3A_815 = arith.shrsi %parallel_loop3A_812, %parallel_loop3A_814 : vector<16xi32>
        %parallel_loop3A_816 = arith.constant -2147483648 : i32
        %parallel_loop3A_817 = vector.broadcast %parallel_loop3A_816 : i32 to vector<16xi32>
        %parallel_loop3A_818 = arith.ori %parallel_loop3A_815, %parallel_loop3A_817 : vector<16xi32>
        %parallel_loop3A_819 = arith.xori %parallel_loop3A_812, %parallel_loop3A_818 : vector<16xi32>
        %parallel_loop3A_820 = arith.constant 16 : i32
        %parallel_loop3A_821 = vector.broadcast %parallel_loop3A_820 : i32 to vector<16xi32>
        %parallel_loop3A_822 = arith.shrui %parallel_loop3A_819, %parallel_loop3A_821 : vector<16xi32>
        %parallel_loop3A_823 = arith.constant 65535 : i32
        %parallel_loop3A_824 = vector.broadcast %parallel_loop3A_823 : i32 to vector<16xi32>
        %parallel_loop3A_825 = arith.andi %parallel_loop3A_819, %parallel_loop3A_824 : vector<16xi32>
        %parallel_loop3A_826 = vector.broadcast %add3A_272 : i32 to vector<16xi32>
        %parallel_loop3A_827 = arith.cmpi eq, %parallel_loop3A_822, %parallel_loop3A_826 : vector<16xi32>
        tpu.vector_store_idx %arg8[%parallel_loop3A_825], %broadcast_in_dim3A_1 masked %parallel_loop3A_827 {add = true} : memref<65536xf32, #tpu.memory_space<vmem>>[vector<16xi32>], vector<16xf32>, vector<16xi1>
      } {sc.loop_unroll_factor = 4 : i64, sc.parallel_access}
      %mul3A_566 = arith.constant 2 : i32
      %mul3A_567 = arith.muli %scan3A_535, %mul3A_566 : i32
      %add3A_568 = arith.constant 1 : i32
      %add3A_569 = arith.addi %mul3A_567, %add3A_568 : i32
      %add3A_570 = arith.constant 2 : i32
      %add3A_571 = arith.addi %add3A_569, %add3A_570 : i32
      %sub3A_572 = arith.constant 1 : i32
      %sub3A_573 = arith.subi %add3A_571, %sub3A_572 : i32
      %lt3A_574 = arith.constant 28 : i32
      %lt3A_575 = arith.cmpi slt, %sub3A_573, %lt3A_574 : i32
      %convert_element_type3A_576 = arith.extui %lt3A_575 : i1 to i32
      %cond3A_577 = arith.constant 0 : i32
      %cond3A_578 = arith.cmpi ne, %convert_element_type3A_576, %cond3A_577 : i32
      scf.if %cond3A_578 {
        %mul3A_599 = arith.constant 112 : i32
        %mul3A_600 = arith.muli %sub3A_573, %mul3A_599 : i32
        %dma_start3A_601 = arith.constant 0 : i32
        %dma_start3A_602 = tpu.memref_slice %arg2[%add3A, %mul3A_600, %dma_start3A_601] : memref<32x3136x192xf32, #tpu.memory_space<hbm>> -> memref<1x112x128xf32, #tpu.memory_space<hbm>>
        %dma_start3A_603 = tpu.memref_squeeze %dma_start3A_602 : memref<1x112x128xf32, #tpu.memory_space<hbm>> -> memref<112x128xf32, #tpu.memory_space<hbm>>
        %dma_start3A_604 = arith.constant 0 : i32
        %dma_start3A_605 = tpu.memref_slice %arg2[%add3A, %mul3A_600, %dma_start3A_604] : memref<32x3136x192xf32, #tpu.memory_space<hbm>> -> memref<1x112x128xf32, #tpu.memory_space<hbm>>
        %dma_start3A_606 = tpu.memref_squeeze %dma_start3A_605 : memref<1x112x128xf32, #tpu.memory_space<hbm>> -> memref<112x128xf32, #tpu.memory_space<hbm>>
        tpu.enqueue_dma source(%dma_start3A_606 : memref<112x128xf32, #tpu.memory_space<hbm>>) target(%arg4 : memref<112x128xf32, #tpu.memory_space<vmem>>) target_semaphore(%arg10 : memref<!tpu.dma_semaphore, #tpu.memory_space<semaphore_mem>>)
        %mul3A_607 = arith.constant 112 : i32
        %mul3A_608 = arith.muli %sub3A_573, %mul3A_607 : i32
        %dma_start3A_609 = arith.constant 128 : i32
        %dma_start3A_610 = tpu.memref_slice %arg2[%add3A, %mul3A_608, %dma_start3A_609] : memref<32x3136x192xf32, #tpu.memory_space<hbm>> -> memref<1x112x64xf32, #tpu.memory_space<hbm>>
        %dma_start3A_611 = tpu.memref_squeeze %dma_start3A_610 : memref<1x112x64xf32, #tpu.memory_space<hbm>> -> memref<112x64xf32, #tpu.memory_space<hbm>>
        %dma_start3A_612 = arith.constant 128 : i32
        %dma_start3A_613 = tpu.memref_slice %arg2[%add3A, %mul3A_608, %dma_start3A_612] : memref<32x3136x192xf32, #tpu.memory_space<hbm>> -> memref<1x112x64xf32, #tpu.memory_space<hbm>>
        %dma_start3A_614 = tpu.memref_squeeze %dma_start3A_613 : memref<1x112x64xf32, #tpu.memory_space<hbm>> -> memref<112x64xf32, #tpu.memory_space<hbm>>
        tpu.enqueue_dma source(%dma_start3A_614 : memref<112x64xf32, #tpu.memory_space<hbm>>) target(%arg6 : memref<112x64xf32, #tpu.memory_space<vmem>>) target_semaphore(%arg10 : memref<!tpu.dma_semaphore, #tpu.memory_space<semaphore_mem>>)
      } else {
      }
      %mul3A_579 = arith.constant 112 : i32
      %mul3A_580 = arith.muli %add3A_569, %mul3A_579 : i32
      %dma_wait3A_581 = arith.constant 0 : i32
      %dma_wait3A_582 = tpu.memref_slice %arg2[%add3A, %mul3A_580, %dma_wait3A_581] : memref<32x3136x192xf32, #tpu.memory_space<hbm>> -> memref<1x112x128xf32, #tpu.memory_space<hbm>>
      %dma_wait3A_583 = tpu.memref_squeeze %dma_wait3A_582 : memref<1x112x128xf32, #tpu.memory_space<hbm>> -> memref<112x128xf32, #tpu.memory_space<hbm>>
      %dma_wait3A_584 = arith.constant 0 : i32
      %dma_wait3A_585 = tpu.memref_slice %arg2[%add3A, %mul3A_580, %dma_wait3A_584] : memref<32x3136x192xf32, #tpu.memory_space<hbm>> -> memref<1x112x128xf32, #tpu.memory_space<hbm>>
      %dma_wait3A_586 = tpu.memref_squeeze %dma_wait3A_585 : memref<1x112x128xf32, #tpu.memory_space<hbm>> -> memref<112x128xf32, #tpu.memory_space<hbm>>
      tpu.wait_dma2 semaphore(%arg11 : memref<!tpu.dma_semaphore, #tpu.memory_space<semaphore_mem>>) src(%dma_wait3A_586 : memref<112x128xf32, #tpu.memory_space<hbm>>) dst(%arg5 : memref<112x128xf32, #tpu.memory_space<vmem>>)
      %mul3A_587 = arith.constant 112 : i32
      %mul3A_588 = arith.muli %add3A_569, %mul3A_587 : i32
      %dma_wait3A_589 = arith.constant 128 : i32
      %dma_wait3A_590 = tpu.memref_slice %arg2[%add3A, %mul3A_588, %dma_wait3A_589] : memref<32x3136x192xf32, #tpu.memory_space<hbm>> -> memref<1x112x64xf32, #tpu.memory_space<hbm>>
      %dma_wait3A_591 = tpu.memref_squeeze %dma_wait3A_590 : memref<1x112x64xf32, #tpu.memory_space<hbm>> -> memref<112x64xf32, #tpu.memory_space<hbm>>
      %dma_wait3A_592 = arith.constant 128 : i32
      %dma_wait3A_593 = tpu.memref_slice %arg2[%add3A, %mul3A_588, %dma_wait3A_592] : memref<32x3136x192xf32, #tpu.memory_space<hbm>> -> memref<1x112x64xf32, #tpu.memory_space<hbm>>
      %dma_wait3A_594 = tpu.memref_squeeze %dma_wait3A_593 : memref<1x112x64xf32, #tpu.memory_space<hbm>> -> memref<112x64xf32, #tpu.memory_space<hbm>>
      tpu.wait_dma2 semaphore(%arg11 : memref<!tpu.dma_semaphore, #tpu.memory_space<semaphore_mem>>) src(%dma_wait3A_594 : memref<112x64xf32, #tpu.memory_space<hbm>>) dst(%arg7 : memref<112x64xf32, #tpu.memory_space<vmem>>)
      %parallel_loop3A_595 = arith.constant 0 : i32
      %parallel_loop3A_596 = arith.constant 112 : i32
      %parallel_loop3A_597 = arith.constant 1 : i32
      scf.for %parallel_loop3A_599 = %parallel_loop3A_595 to %parallel_loop3A_596 step %parallel_loop3A_597  : i32 {
        %parallel_loop3A_600 = arith.index_cast %parallel_loop3A_599 : i32 to index
        %parallel_loop3A_601 = arith.constant 0 : index
        %parallel_loop3A_602 = tpu.vector_load %arg5[%parallel_loop3A_600, %parallel_loop3A_601] {strides = array<i32>} : memref<112x128xf32, #tpu.memory_space<vmem>>, vector<16xf32>,
        %parallel_loop3A_603 = tpu.bitcast %parallel_loop3A_602 : vector<16xf32> -> vector<16xi32>
        %parallel_loop3A_604 = arith.constant 31 : i32
        %parallel_loop3A_605 = vector.broadcast %parallel_loop3A_604 : i32 to vector<16xi32>
        %parallel_loop3A_606 = arith.shrsi %parallel_loop3A_603, %parallel_loop3A_605 : vector<16xi32>
        %parallel_loop3A_607 = arith.constant -2147483648 : i32
        %parallel_loop3A_608 = vector.broadcast %parallel_loop3A_607 : i32 to vector<16xi32>
        %parallel_loop3A_609 = arith.ori %parallel_loop3A_606, %parallel_loop3A_608 : vector<16xi32>
        %parallel_loop3A_610 = arith.xori %parallel_loop3A_603, %parallel_loop3A_609 : vector<16xi32>
        %parallel_loop3A_611 = arith.constant 16 : i32
        %parallel_loop3A_612 = vector.broadcast %parallel_loop3A_611 : i32 to vector<16xi32>
        %parallel_loop3A_613 = arith.shrui %parallel_loop3A_610, %parallel_loop3A_612 : vector<16xi32>
        %parallel_loop3A_614 = arith.constant 65535 : i32
        %parallel_loop3A_615 = vector.broadcast %parallel_loop3A_614 : i32 to vector<16xi32>
        %parallel_loop3A_616 = arith.andi %parallel_loop3A_610, %parallel_loop3A_615 : vector<16xi32>
        %parallel_loop3A_617 = vector.broadcast %add3A_272 : i32 to vector<16xi32>
        %parallel_loop3A_618 = arith.cmpi eq, %parallel_loop3A_613, %parallel_loop3A_617 : vector<16xi32>
        tpu.vector_store_idx %arg8[%parallel_loop3A_616], %broadcast_in_dim3A_1 masked %parallel_loop3A_618 {add = true} : memref<65536xf32, #tpu.memory_space<vmem>>[vector<16xi32>], vector<16xf32>, vector<16xi1>
        %parallel_loop3A_619 = arith.index_cast %parallel_loop3A_599 : i32 to index
        %parallel_loop3A_620 = arith.constant 16 : index
        %parallel_loop3A_621 = tpu.vector_load %arg5[%parallel_loop3A_619, %parallel_loop3A_620] {strides = array<i32>} : memref<112x128xf32, #tpu.memory_space<vmem>>, vector<16xf32>,
        %parallel_loop3A_622 = tpu.bitcast %parallel_loop3A_621 : vector<16xf32> -> vector<16xi32>
        %parallel_loop3A_623 = arith.constant 31 : i32
        %parallel_loop3A_624 = vector.broadcast %parallel_loop3A_623 : i32 to vector<16xi32>
        %parallel_loop3A_625 = arith.shrsi %parallel_loop3A_622, %parallel_loop3A_624 : vector<16xi32>
        %parallel_loop3A_626 = arith.constant -2147483648 : i32
        %parallel_loop3A_627 = vector.broadcast %parallel_loop3A_626 : i32 to vector<16xi32>
        %parallel_loop3A_628 = arith.ori %parallel_loop3A_625, %parallel_loop3A_627 : vector<16xi32>
        %parallel_loop3A_629 = arith.xori %parallel_loop3A_622, %parallel_loop3A_628 : vector<16xi32>
        %parallel_loop3A_630 = arith.constant 16 : i32
        %parallel_loop3A_631 = vector.broadcast %parallel_loop3A_630 : i32 to vector<16xi32>
        %parallel_loop3A_632 = arith.shrui %parallel_loop3A_629, %parallel_loop3A_631 : vector<16xi32>
        %parallel_loop3A_633 = arith.constant 65535 : i32
        %parallel_loop3A_634 = vector.broadcast %parallel_loop3A_633 : i32 to vector<16xi32>
        %parallel_loop3A_635 = arith.andi %parallel_loop3A_629, %parallel_loop3A_634 : vector<16xi32>
        %parallel_loop3A_636 = vector.broadcast %add3A_272 : i32 to vector<16xi32>
        %parallel_loop3A_637 = arith.cmpi eq, %parallel_loop3A_632, %parallel_loop3A_636 : vector<16xi32>
        tpu.vector_store_idx %arg8[%parallel_loop3A_635], %broadcast_in_dim3A_1 masked %parallel_loop3A_637 {add = true} : memref<65536xf32, #tpu.memory_space<vmem>>[vector<16xi32>], vector<16xf32>, vector<16xi1>
        %parallel_loop3A_638 = arith.index_cast %parallel_loop3A_599 : i32 to index
        %parallel_loop3A_639 = arith.constant 32 : index
        %parallel_loop3A_640 = tpu.vector_load %arg5[%parallel_loop3A_638, %parallel_loop3A_639] {strides = array<i32>} : memref<112x128xf32, #tpu.memory_space<vmem>>, vector<16xf32>,
        %parallel_loop3A_641 = tpu.bitcast %parallel_loop3A_640 : vector<16xf32> -> vector<16xi32>
        %parallel_loop3A_642 = arith.constant 31 : i32
        %parallel_loop3A_643 = vector.broadcast %parallel_loop3A_642 : i32 to vector<16xi32>
        %parallel_loop3A_644 = arith.shrsi %parallel_loop3A_641, %parallel_loop3A_643 : vector<16xi32>
        %parallel_loop3A_645 = arith.constant -2147483648 : i32
        %parallel_loop3A_646 = vector.broadcast %parallel_loop3A_645 : i32 to vector<16xi32>
        %parallel_loop3A_647 = arith.ori %parallel_loop3A_644, %parallel_loop3A_646 : vector<16xi32>
        %parallel_loop3A_648 = arith.xori %parallel_loop3A_641, %parallel_loop3A_647 : vector<16xi32>
        %parallel_loop3A_649 = arith.constant 16 : i32
        %parallel_loop3A_650 = vector.broadcast %parallel_loop3A_649 : i32 to vector<16xi32>
        %parallel_loop3A_651 = arith.shrui %parallel_loop3A_648, %parallel_loop3A_650 : vector<16xi32>
        %parallel_loop3A_652 = arith.constant 65535 : i32
        %parallel_loop3A_653 = vector.broadcast %parallel_loop3A_652 : i32 to vector<16xi32>
        %parallel_loop3A_654 = arith.andi %parallel_loop3A_648, %parallel_loop3A_653 : vector<16xi32>
        %parallel_loop3A_655 = vector.broadcast %add3A_272 : i32 to vector<16xi32>
        %parallel_loop3A_656 = arith.cmpi eq, %parallel_loop3A_651, %parallel_loop3A_655 : vector<16xi32>
        tpu.vector_store_idx %arg8[%parallel_loop3A_654], %broadcast_in_dim3A_1 masked %parallel_loop3A_656 {add = true} : memref<65536xf32, #tpu.memory_space<vmem>>[vector<16xi32>], vector<16xf32>, vector<16xi1>
        %parallel_loop3A_657 = arith.index_cast %parallel_loop3A_599 : i32 to index
        %parallel_loop3A_658 = arith.constant 48 : index
        %parallel_loop3A_659 = tpu.vector_load %arg5[%parallel_loop3A_657, %parallel_loop3A_658] {strides = array<i32>} : memref<112x128xf32, #tpu.memory_space<vmem>>, vector<16xf32>,
        %parallel_loop3A_660 = tpu.bitcast %parallel_loop3A_659 : vector<16xf32> -> vector<16xi32>
        %parallel_loop3A_661 = arith.constant 31 : i32
        %parallel_loop3A_662 = vector.broadcast %parallel_loop3A_661 : i32 to vector<16xi32>
        %parallel_loop3A_663 = arith.shrsi %parallel_loop3A_660, %parallel_loop3A_662 : vector<16xi32>
        %parallel_loop3A_664 = arith.constant -2147483648 : i32
        %parallel_loop3A_665 = vector.broadcast %parallel_loop3A_664 : i32 to vector<16xi32>
        %parallel_loop3A_666 = arith.ori %parallel_loop3A_663, %parallel_loop3A_665 : vector<16xi32>
        %parallel_loop3A_667 = arith.xori %parallel_loop3A_660, %parallel_loop3A_666 : vector<16xi32>
        %parallel_loop3A_668 = arith.constant 16 : i32
        %parallel_loop3A_669 = vector.broadcast %parallel_loop3A_668 : i32 to vector<16xi32>
        %parallel_loop3A_670 = arith.shrui %parallel_loop3A_667, %parallel_loop3A_669 : vector<16xi32>
        %parallel_loop3A_671 = arith.constant 65535 : i32
        %parallel_loop3A_672 = vector.broadcast %parallel_loop3A_671 : i32 to vector<16xi32>
        %parallel_loop3A_673 = arith.andi %parallel_loop3A_667, %parallel_loop3A_672 : vector<16xi32>
        %parallel_loop3A_674 = vector.broadcast %add3A_272 : i32 to vector<16xi32>
        %parallel_loop3A_675 = arith.cmpi eq, %parallel_loop3A_670, %parallel_loop3A_674 : vector<16xi32>
        tpu.vector_store_idx %arg8[%parallel_loop3A_673], %broadcast_in_dim3A_1 masked %parallel_loop3A_675 {add = true} : memref<65536xf32, #tpu.memory_space<vmem>>[vector<16xi32>], vector<16xf32>, vector<16xi1>
        %parallel_loop3A_676 = arith.index_cast %parallel_loop3A_599 : i32 to index
        %parallel_loop3A_677 = arith.constant 64 : index
        %parallel_loop3A_678 = tpu.vector_load %arg5[%parallel_loop3A_676, %parallel_loop3A_677] {strides = array<i32>} : memref<112x128xf32, #tpu.memory_space<vmem>>, vector<16xf32>,
        %parallel_loop3A_679 = tpu.bitcast %parallel_loop3A_678 : vector<16xf32> -> vector<16xi32>
        %parallel_loop3A_680 = arith.constant 31 : i32
        %parallel_loop3A_681 = vector.broadcast %parallel_loop3A_680 : i32 to vector<16xi32>
        %parallel_loop3A_682 = arith.shrsi %parallel_loop3A_679, %parallel_loop3A_681 : vector<16xi32>
        %parallel_loop3A_683 = arith.constant -2147483648 : i32
        %parallel_loop3A_684 = vector.broadcast %parallel_loop3A_683 : i32 to vector<16xi32>
        %parallel_loop3A_685 = arith.ori %parallel_loop3A_682, %parallel_loop3A_684 : vector<16xi32>
        %parallel_loop3A_686 = arith.xori %parallel_loop3A_679, %parallel_loop3A_685 : vector<16xi32>
        %parallel_loop3A_687 = arith.constant 16 : i32
        %parallel_loop3A_688 = vector.broadcast %parallel_loop3A_687 : i32 to vector<16xi32>
        %parallel_loop3A_689 = arith.shrui %parallel_loop3A_686, %parallel_loop3A_688 : vector<16xi32>
        %parallel_loop3A_690 = arith.constant 65535 : i32
        %parallel_loop3A_691 = vector.broadcast %parallel_loop3A_690 : i32 to vector<16xi32>
        %parallel_loop3A_692 = arith.andi %parallel_loop3A_686, %parallel_loop3A_691 : vector<16xi32>
        %parallel_loop3A_693 = vector.broadcast %add3A_272 : i32 to vector<16xi32>
        %parallel_loop3A_694 = arith.cmpi eq, %parallel_loop3A_689, %parallel_loop3A_693 : vector<16xi32>
        tpu.vector_store_idx %arg8[%parallel_loop3A_692], %broadcast_in_dim3A_1 masked %parallel_loop3A_694 {add = true} : memref<65536xf32, #tpu.memory_space<vmem>>[vector<16xi32>], vector<16xf32>, vector<16xi1>
        %parallel_loop3A_695 = arith.index_cast %parallel_loop3A_599 : i32 to index
        %parallel_loop3A_696 = arith.constant 80 : index
        %parallel_loop3A_697 = tpu.vector_load %arg5[%parallel_loop3A_695, %parallel_loop3A_696] {strides = array<i32>} : memref<112x128xf32, #tpu.memory_space<vmem>>, vector<16xf32>,
        %parallel_loop3A_698 = tpu.bitcast %parallel_loop3A_697 : vector<16xf32> -> vector<16xi32>
        %parallel_loop3A_699 = arith.constant 31 : i32
        %parallel_loop3A_700 = vector.broadcast %parallel_loop3A_699 : i32 to vector<16xi32>
        %parallel_loop3A_701 = arith.shrsi %parallel_loop3A_698, %parallel_loop3A_700 : vector<16xi32>
        %parallel_loop3A_702 = arith.constant -2147483648 : i32
        %parallel_loop3A_703 = vector.broadcast %parallel_loop3A_702 : i32 to vector<16xi32>
        %parallel_loop3A_704 = arith.ori %parallel_loop3A_701, %parallel_loop3A_703 : vector<16xi32>
        %parallel_loop3A_705 = arith.xori %parallel_loop3A_698, %parallel_loop3A_704 : vector<16xi32>
        %parallel_loop3A_706 = arith.constant 16 : i32
        %parallel_loop3A_707 = vector.broadcast %parallel_loop3A_706 : i32 to vector<16xi32>
        %parallel_loop3A_708 = arith.shrui %parallel_loop3A_705, %parallel_loop3A_707 : vector<16xi32>
        %parallel_loop3A_709 = arith.constant 65535 : i32
        %parallel_loop3A_710 = vector.broadcast %parallel_loop3A_709 : i32 to vector<16xi32>
        %parallel_loop3A_711 = arith.andi %parallel_loop3A_705, %parallel_loop3A_710 : vector<16xi32>
        %parallel_loop3A_712 = vector.broadcast %add3A_272 : i32 to vector<16xi32>
        %parallel_loop3A_713 = arith.cmpi eq, %parallel_loop3A_708, %parallel_loop3A_712 : vector<16xi32>
        tpu.vector_store_idx %arg8[%parallel_loop3A_711], %broadcast_in_dim3A_1 masked %parallel_loop3A_713 {add = true} : memref<65536xf32, #tpu.memory_space<vmem>>[vector<16xi32>], vector<16xf32>, vector<16xi1>
        %parallel_loop3A_714 = arith.index_cast %parallel_loop3A_599 : i32 to index
        %parallel_loop3A_715 = arith.constant 96 : index
        %parallel_loop3A_716 = tpu.vector_load %arg5[%parallel_loop3A_714, %parallel_loop3A_715] {strides = array<i32>} : memref<112x128xf32, #tpu.memory_space<vmem>>, vector<16xf32>,
        %parallel_loop3A_717 = tpu.bitcast %parallel_loop3A_716 : vector<16xf32> -> vector<16xi32>
        %parallel_loop3A_718 = arith.constant 31 : i32
        %parallel_loop3A_719 = vector.broadcast %parallel_loop3A_718 : i32 to vector<16xi32>
        %parallel_loop3A_720 = arith.shrsi %parallel_loop3A_717, %parallel_loop3A_719 : vector<16xi32>
        %parallel_loop3A_721 = arith.constant -2147483648 : i32
        %parallel_loop3A_722 = vector.broadcast %parallel_loop3A_721 : i32 to vector<16xi32>
        %parallel_loop3A_723 = arith.ori %parallel_loop3A_720, %parallel_loop3A_722 : vector<16xi32>
        %parallel_loop3A_724 = arith.xori %parallel_loop3A_717, %parallel_loop3A_723 : vector<16xi32>
        %parallel_loop3A_725 = arith.constant 16 : i32
        %parallel_loop3A_726 = vector.broadcast %parallel_loop3A_725 : i32 to vector<16xi32>
        %parallel_loop3A_727 = arith.shrui %parallel_loop3A_724, %parallel_loop3A_726 : vector<16xi32>
        %parallel_loop3A_728 = arith.constant 65535 : i32
        %parallel_loop3A_729 = vector.broadcast %parallel_loop3A_728 : i32 to vector<16xi32>
        %parallel_loop3A_730 = arith.andi %parallel_loop3A_724, %parallel_loop3A_729 : vector<16xi32>
        %parallel_loop3A_731 = vector.broadcast %add3A_272 : i32 to vector<16xi32>
        %parallel_loop3A_732 = arith.cmpi eq, %parallel_loop3A_727, %parallel_loop3A_731 : vector<16xi32>
        tpu.vector_store_idx %arg8[%parallel_loop3A_730], %broadcast_in_dim3A_1 masked %parallel_loop3A_732 {add = true} : memref<65536xf32, #tpu.memory_space<vmem>>[vector<16xi32>], vector<16xf32>, vector<16xi1>
        %parallel_loop3A_733 = arith.index_cast %parallel_loop3A_599 : i32 to index
        %parallel_loop3A_734 = arith.constant 112 : index
        %parallel_loop3A_735 = tpu.vector_load %arg5[%parallel_loop3A_733, %parallel_loop3A_734] {strides = array<i32>} : memref<112x128xf32, #tpu.memory_space<vmem>>, vector<16xf32>,
        %parallel_loop3A_736 = tpu.bitcast %parallel_loop3A_735 : vector<16xf32> -> vector<16xi32>
        %parallel_loop3A_737 = arith.constant 31 : i32
        %parallel_loop3A_738 = vector.broadcast %parallel_loop3A_737 : i32 to vector<16xi32>
        %parallel_loop3A_739 = arith.shrsi %parallel_loop3A_736, %parallel_loop3A_738 : vector<16xi32>
        %parallel_loop3A_740 = arith.constant -2147483648 : i32
        %parallel_loop3A_741 = vector.broadcast %parallel_loop3A_740 : i32 to vector<16xi32>
        %parallel_loop3A_742 = arith.ori %parallel_loop3A_739, %parallel_loop3A_741 : vector<16xi32>
        %parallel_loop3A_743 = arith.xori %parallel_loop3A_736, %parallel_loop3A_742 : vector<16xi32>
        %parallel_loop3A_744 = arith.constant 16 : i32
        %parallel_loop3A_745 = vector.broadcast %parallel_loop3A_744 : i32 to vector<16xi32>
        %parallel_loop3A_746 = arith.shrui %parallel_loop3A_743, %parallel_loop3A_745 : vector<16xi32>
        %parallel_loop3A_747 = arith.constant 65535 : i32
        %parallel_loop3A_748 = vector.broadcast %parallel_loop3A_747 : i32 to vector<16xi32>
        %parallel_loop3A_749 = arith.andi %parallel_loop3A_743, %parallel_loop3A_748 : vector<16xi32>
        %parallel_loop3A_750 = vector.broadcast %add3A_272 : i32 to vector<16xi32>
        %parallel_loop3A_751 = arith.cmpi eq, %parallel_loop3A_746, %parallel_loop3A_750 : vector<16xi32>
        tpu.vector_store_idx %arg8[%parallel_loop3A_749], %broadcast_in_dim3A_1 masked %parallel_loop3A_751 {add = true} : memref<65536xf32, #tpu.memory_space<vmem>>[vector<16xi32>], vector<16xf32>, vector<16xi1>
        %parallel_loop3A_752 = arith.index_cast %parallel_loop3A_599 : i32 to index
        %parallel_loop3A_753 = arith.constant 0 : index
        %parallel_loop3A_754 = tpu.vector_load %arg7[%parallel_loop3A_752, %parallel_loop3A_753] {strides = array<i32>} : memref<112x64xf32, #tpu.memory_space<vmem>>, vector<16xf32>,
        %parallel_loop3A_755 = tpu.bitcast %parallel_loop3A_754 : vector<16xf32> -> vector<16xi32>
        %parallel_loop3A_756 = arith.constant 31 : i32
        %parallel_loop3A_757 = vector.broadcast %parallel_loop3A_756 : i32 to vector<16xi32>
        %parallel_loop3A_758 = arith.shrsi %parallel_loop3A_755, %parallel_loop3A_757 : vector<16xi32>
        %parallel_loop3A_759 = arith.constant -2147483648 : i32
        %parallel_loop3A_760 = vector.broadcast %parallel_loop3A_759 : i32 to vector<16xi32>
        %parallel_loop3A_761 = arith.ori %parallel_loop3A_758, %parallel_loop3A_760 : vector<16xi32>
        %parallel_loop3A_762 = arith.xori %parallel_loop3A_755, %parallel_loop3A_761 : vector<16xi32>
        %parallel_loop3A_763 = arith.constant 16 : i32
        %parallel_loop3A_764 = vector.broadcast %parallel_loop3A_763 : i32 to vector<16xi32>
        %parallel_loop3A_765 = arith.shrui %parallel_loop3A_762, %parallel_loop3A_764 : vector<16xi32>
        %parallel_loop3A_766 = arith.constant 65535 : i32
        %parallel_loop3A_767 = vector.broadcast %parallel_loop3A_766 : i32 to vector<16xi32>
        %parallel_loop3A_768 = arith.andi %parallel_loop3A_762, %parallel_loop3A_767 : vector<16xi32>
        %parallel_loop3A_769 = vector.broadcast %add3A_272 : i32 to vector<16xi32>
        %parallel_loop3A_770 = arith.cmpi eq, %parallel_loop3A_765, %parallel_loop3A_769 : vector<16xi32>
        tpu.vector_store_idx %arg8[%parallel_loop3A_768], %broadcast_in_dim3A_1 masked %parallel_loop3A_770 {add = true} : memref<65536xf32, #tpu.memory_space<vmem>>[vector<16xi32>], vector<16xf32>, vector<16xi1>
        %parallel_loop3A_771 = arith.index_cast %parallel_loop3A_599 : i32 to index
        %parallel_loop3A_772 = arith.constant 16 : index
        %parallel_loop3A_773 = tpu.vector_load %arg7[%parallel_loop3A_771, %parallel_loop3A_772] {strides = array<i32>} : memref<112x64xf32, #tpu.memory_space<vmem>>, vector<16xf32>,
        %parallel_loop3A_774 = tpu.bitcast %parallel_loop3A_773 : vector<16xf32> -> vector<16xi32>
        %parallel_loop3A_775 = arith.constant 31 : i32
        %parallel_loop3A_776 = vector.broadcast %parallel_loop3A_775 : i32 to vector<16xi32>
        %parallel_loop3A_777 = arith.shrsi %parallel_loop3A_774, %parallel_loop3A_776 : vector<16xi32>
        %parallel_loop3A_778 = arith.constant -2147483648 : i32
        %parallel_loop3A_779 = vector.broadcast %parallel_loop3A_778 : i32 to vector<16xi32>
        %parallel_loop3A_780 = arith.ori %parallel_loop3A_777, %parallel_loop3A_779 : vector<16xi32>
        %parallel_loop3A_781 = arith.xori %parallel_loop3A_774, %parallel_loop3A_780 : vector<16xi32>
        %parallel_loop3A_782 = arith.constant 16 : i32
        %parallel_loop3A_783 = vector.broadcast %parallel_loop3A_782 : i32 to vector<16xi32>
        %parallel_loop3A_784 = arith.shrui %parallel_loop3A_781, %parallel_loop3A_783 : vector<16xi32>
        %parallel_loop3A_785 = arith.constant 65535 : i32
        %parallel_loop3A_786 = vector.broadcast %parallel_loop3A_785 : i32 to vector<16xi32>
        %parallel_loop3A_787 = arith.andi %parallel_loop3A_781, %parallel_loop3A_786 : vector<16xi32>
        %parallel_loop3A_788 = vector.broadcast %add3A_272 : i32 to vector<16xi32>
        %parallel_loop3A_789 = arith.cmpi eq, %parallel_loop3A_784, %parallel_loop3A_788 : vector<16xi32>
        tpu.vector_store_idx %arg8[%parallel_loop3A_787], %broadcast_in_dim3A_1 masked %parallel_loop3A_789 {add = true} : memref<65536xf32, #tpu.memory_space<vmem>>[vector<16xi32>], vector<16xf32>, vector<16xi1>
        %parallel_loop3A_790 = arith.index_cast %parallel_loop3A_599 : i32 to index
        %parallel_loop3A_791 = arith.constant 32 : index
        %parallel_loop3A_792 = tpu.vector_load %arg7[%parallel_loop3A_790, %parallel_loop3A_791] {strides = array<i32>} : memref<112x64xf32, #tpu.memory_space<vmem>>, vector<16xf32>,
        %parallel_loop3A_793 = tpu.bitcast %parallel_loop3A_792 : vector<16xf32> -> vector<16xi32>
        %parallel_loop3A_794 = arith.constant 31 : i32
        %parallel_loop3A_795 = vector.broadcast %parallel_loop3A_794 : i32 to vector<16xi32>
        %parallel_loop3A_796 = arith.shrsi %parallel_loop3A_793, %parallel_loop3A_795 : vector<16xi32>
        %parallel_loop3A_797 = arith.constant -2147483648 : i32
        %parallel_loop3A_798 = vector.broadcast %parallel_loop3A_797 : i32 to vector<16xi32>
        %parallel_loop3A_799 = arith.ori %parallel_loop3A_796, %parallel_loop3A_798 : vector<16xi32>
        %parallel_loop3A_800 = arith.xori %parallel_loop3A_793, %parallel_loop3A_799 : vector<16xi32>
        %parallel_loop3A_801 = arith.constant 16 : i32
        %parallel_loop3A_802 = vector.broadcast %parallel_loop3A_801 : i32 to vector<16xi32>
        %parallel_loop3A_803 = arith.shrui %parallel_loop3A_800, %parallel_loop3A_802 : vector<16xi32>
        %parallel_loop3A_804 = arith.constant 65535 : i32
        %parallel_loop3A_805 = vector.broadcast %parallel_loop3A_804 : i32 to vector<16xi32>
        %parallel_loop3A_806 = arith.andi %parallel_loop3A_800, %parallel_loop3A_805 : vector<16xi32>
        %parallel_loop3A_807 = vector.broadcast %add3A_272 : i32 to vector<16xi32>
        %parallel_loop3A_808 = arith.cmpi eq, %parallel_loop3A_803, %parallel_loop3A_807 : vector<16xi32>
        tpu.vector_store_idx %arg8[%parallel_loop3A_806], %broadcast_in_dim3A_1 masked %parallel_loop3A_808 {add = true} : memref<65536xf32, #tpu.memory_space<vmem>>[vector<16xi32>], vector<16xf32>, vector<16xi1>
        %parallel_loop3A_809 = arith.index_cast %parallel_loop3A_599 : i32 to index
        %parallel_loop3A_810 = arith.constant 48 : index
        %parallel_loop3A_811 = tpu.vector_load %arg7[%parallel_loop3A_809, %parallel_loop3A_810] {strides = array<i32>} : memref<112x64xf32, #tpu.memory_space<vmem>>, vector<16xf32>,
        %parallel_loop3A_812 = tpu.bitcast %parallel_loop3A_811 : vector<16xf32> -> vector<16xi32>
        %parallel_loop3A_813 = arith.constant 31 : i32
        %parallel_loop3A_814 = vector.broadcast %parallel_loop3A_813 : i32 to vector<16xi32>
        %parallel_loop3A_815 = arith.shrsi %parallel_loop3A_812, %parallel_loop3A_814 : vector<16xi32>
        %parallel_loop3A_816 = arith.constant -2147483648 : i32
        %parallel_loop3A_817 = vector.broadcast %parallel_loop3A_816 : i32 to vector<16xi32>
        %parallel_loop3A_818 = arith.ori %parallel_loop3A_815, %parallel_loop3A_817 : vector<16xi32>
        %parallel_loop3A_819 = arith.xori %parallel_loop3A_812, %parallel_loop3A_818 : vector<16xi32>
        %parallel_loop3A_820 = arith.constant 16 : i32
        %parallel_loop3A_821 = vector.broadcast %parallel_loop3A_820 : i32 to vector<16xi32>
        %parallel_loop3A_822 = arith.shrui %parallel_loop3A_819, %parallel_loop3A_821 : vector<16xi32>
        %parallel_loop3A_823 = arith.constant 65535 : i32
        %parallel_loop3A_824 = vector.broadcast %parallel_loop3A_823 : i32 to vector<16xi32>
        %parallel_loop3A_825 = arith.andi %parallel_loop3A_819, %parallel_loop3A_824 : vector<16xi32>
        %parallel_loop3A_826 = vector.broadcast %add3A_272 : i32 to vector<16xi32>
        %parallel_loop3A_827 = arith.cmpi eq, %parallel_loop3A_822, %parallel_loop3A_826 : vector<16xi32>
        tpu.vector_store_idx %arg8[%parallel_loop3A_825], %broadcast_in_dim3A_1 masked %parallel_loop3A_827 {add = true} : memref<65536xf32, #tpu.memory_space<vmem>>[vector<16xi32>], vector<16xf32>, vector<16xi1>
      } {sc.loop_unroll_factor = 4 : i64, sc.parallel_access}
      %scan3A_598 = arith.constant 0 : i32
      scf.yield %scan3A_598 : i32
    }
    %scan3A_282 = arith.constant 14 : i32
    %sub3A_283 = arith.constant 3.010600e+04 : f32
    %sub3A_284 = arith.subf %sub3A_283, %sub3A_261 : f32
    %broadcast_in_dim3A_285 = arith.constant 0 : i32
    %broadcast_in_dim3A_286 = vector.broadcast %broadcast_in_dim3A_285 : i32 to vector<16xi32>
    %mul3A_287 = arith.constant 4096 : i32
    %mul3A_288 = vector.broadcast %mul3A_287 : i32 to vector<16xi32>
    %mul3A_289 = arith.muli %iota3A, %mul3A_288 : vector<16xi32>
    %add3A_290 = arith.addi %broadcast_in_dim3A_286, %mul3A_289 : vector<16xi32>
    %broadcast_in_dim3A_291 = arith.constant 0.000000e+00 : f32
    %broadcast_in_dim3A_292 = vector.broadcast %broadcast_in_dim3A_291 : f32 to vector<16xf32>
    %parallel_loop3A_293 = arith.constant 0 : i32
    %parallel_loop3A_294 = arith.constant 4096 : i32
    %parallel_loop3A_295 = arith.constant 1 : i32
    %parallel_loop3A_296 = scf.for %parallel_loop3A_535 = %parallel_loop3A_293 to %parallel_loop3A_294 step %parallel_loop3A_295 iter_args(%parallel_loop3A_536 = %broadcast_in_dim3A_292) -> (vector<16xf32>)  : i32 {
      %parallel_loop3A_537 = vector.broadcast %parallel_loop3A_535 : i32 to vector<16xi32>
      %parallel_loop3A_538 = arith.addi %add3A_290, %parallel_loop3A_537 : vector<16xi32>
      %parallel_loop3A_539 = tpu.vector_load_idx %arg8[%parallel_loop3A_538] : memref<65536xf32, #tpu.memory_space<vmem>>[vector<16xi32>], vector<16xf32>,
      %parallel_loop3A_540 = arith.addf %parallel_loop3A_536, %parallel_loop3A_539 : vector<16xf32>
      scf.yield %parallel_loop3A_540 : vector<16xf32>
    } {sc.loop_unroll_factor = 8 : i64, sc.parallel_access}
    %rev3A_297 = arith.constant 15 : i32
    %rev3A_298 = vector.broadcast %rev3A_297 : i32 to vector<16xi32>
    %rev3A_299 = tpu.iota {dimensions = array<i32: 0>} : vector<16xi32>
    %rev3A_300 = arith.subi %rev3A_298, %rev3A_299 : vector<16xi32>
    %rev3A_301 = tpu.dynamic_gather %parallel_loop3A_296[%rev3A_300] in [0] : vector<16xf32>, vector<16xi32> -> vector<16xf32>
    %broadcast_in_dim3A_302 = arith.constant true
    %broadcast_in_dim3A_303 = vector.broadcast %broadcast_in_dim3A_302 : i1 to vector<16xi1>
    %masked_cumsum3A_304 = tpu.scan <sum>, %rev3A_301 masked %broadcast_in_dim3A_303 : vector<16xf32>, vector<16xi1> -> vector<16xf32>
    %rev3A_305 = arith.constant 15 : i32
    %rev3A_306 = vector.broadcast %rev3A_305 : i32 to vector<16xi32>
    %rev3A_307 = tpu.iota {dimensions = array<i32: 0>} : vector<16xi32>
    %rev3A_308 = arith.subi %rev3A_306, %rev3A_307 : vector<16xi32>
    %rev3A_309 = tpu.dynamic_gather %masked_cumsum3A_304[%rev3A_308] in [0] : vector<16xf32>, vector<16xi32> -> vector<16xf32>
    %broadcast_in_dim3A_310 = arith.constant 0.000000e+00 : f32
    %broadcast_in_dim3A_311 = vector.broadcast %broadcast_in_dim3A_310 : f32 to vector<16xf32>
    %add3A_312 = arith.addf %broadcast_in_dim3A_311, %rev3A_309 : vector<16xf32>
    %broadcast_in_dim3A_313 = vector.broadcast %sub3A_284 : f32 to vector<16xf32>
    %ge3A_314 = arith.cmpf oge, %add3A_312, %broadcast_in_dim3A_313 : vector<16xf32>
    %all_reduce_population_count3A_315 = tpu.all_reduce %ge3A_314 {dim = 0 : i64, kind = #tpu.reduction_kind<sum>} : vector<16xi1> -> vector<16xi32>
    %sub3A_316 = arith.constant 1 : i32
    %sub3A_317 = vector.broadcast %sub3A_316 : i32 to vector<16xi32>
    %sub3A_318 = arith.subi %all_reduce_population_count3A_315, %sub3A_317 : vector<16xi32>
    %eq3A_319 = arith.cmpi eq, %iota3A, %sub3A_318 : vector<16xi32>
    %jit3A_320 = arith.constant 0.000000e+00 : f32
    %broadcast_in_dim3A_321 = vector.broadcast %jit3A_320 : f32 to vector<16xf32>
    %select_n3A_322 = arith.select %eq3A_319, %rev3A_309, %broadcast_in_dim3A_321 : vector<16xi1>, vector<16xf32>
    %reduce_sum3A_323 = arith.constant true
    %reduce_sum3A_324 = vector.broadcast %reduce_sum3A_323 : i1 to vector<16xi1>
    %reduce_sum3A_325 = tpu.scan <sum>, %select_n3A_322 masked %reduce_sum3A_324 : vector<16xf32>, vector<16xi1> -> vector<16xf32>
    %reduce_sum3A_326 = vector.extract %reduce_sum3A_325[15] : f32 from vector<16xf32>
    %jit3A_327 = arith.constant 0.000000e+00 : f32
    %broadcast_in_dim3A_328 = vector.broadcast %jit3A_327 : f32 to vector<16xf32>
    %select_n3A_329 = arith.select %eq3A_319, %parallel_loop3A_296, %broadcast_in_dim3A_328 : vector<16xi1>, vector<16xf32>
    %reduce_sum3A_330 = arith.constant true
    %reduce_sum3A_331 = vector.broadcast %reduce_sum3A_330 : i1 to vector<16xi1>
    %reduce_sum3A_332 = tpu.scan <sum>, %select_n3A_329 masked %reduce_sum3A_331 : vector<16xf32>, vector<16xi1> -> vector<16xf32>
    %reduce_sum3A_333 = vector.extract %reduce_sum3A_332[15] : f32 from vector<16xf32>
    %add3A_334 = arith.constant 0.000000e+00 : f32
    %add3A_335 = arith.addf %add3A_334, %reduce_sum3A_326 : f32
    %sub3A_336 = arith.subf %add3A_335, %reduce_sum3A_333 : f32
    %reduce_max3A_337 = arith.constant true
    %reduce_max3A_338 = vector.broadcast %reduce_max3A_337 : i1 to vector<16xi1>
    %reduce_max3A_339 = arith.constant -2147483648 : i32
    %reduce_max3A_340 = vector.broadcast %reduce_max3A_339 : i32 to vector<16xi32>
    %reduce_max3A_341 = arith.xori %sub3A_318, %reduce_max3A_340 : vector<16xi32>
    %reduce_max3A_342 = tpu.scan <max>, %reduce_max3A_341 masked %reduce_max3A_338 : vector<16xi32>, vector<16xi1> -> vector<16xi32>
    %reduce_max3A_343 = arith.xori %reduce_max3A_342, %reduce_max3A_340 : vector<16xi32>
    %reduce_max3A_344 = vector.extract %reduce_max3A_343[15] : i32 from vector<16xi32>
    %mul3A_345 = arith.constant 4096 : i32
    %mul3A_346 = arith.muli %reduce_max3A_344, %mul3A_345 : i32
    %add3A_347 = arith.constant 0 : i32
    %add3A_348 = arith.addi %add3A_347, %mul3A_346 : i32
    %broadcast_in_dim3A_349 = vector.broadcast %add3A_348 : i32 to vector<16xi32>
    %mul3A_350 = arith.constant 256 : i32
    %mul3A_351 = vector.broadcast %mul3A_350 : i32 to vector<16xi32>
    %mul3A_352 = arith.muli %iota3A, %mul3A_351 : vector<16xi32>
    %add3A_353 = arith.addi %broadcast_in_dim3A_349, %mul3A_352 : vector<16xi32>
    %broadcast_in_dim3A_354 = arith.constant 0.000000e+00 : f32
    %broadcast_in_dim3A_355 = vector.broadcast %broadcast_in_dim3A_354 : f32 to vector<16xf32>
    %parallel_loop3A_356 = arith.constant 0 : i32
    %parallel_loop3A_357 = arith.constant 256 : i32
    %parallel_loop3A_358 = arith.constant 1 : i32
    %parallel_loop3A_359 = scf.for %parallel_loop3A_535 = %parallel_loop3A_356 to %parallel_loop3A_357 step %parallel_loop3A_358 iter_args(%parallel_loop3A_536 = %broadcast_in_dim3A_355) -> (vector<16xf32>)  : i32 {
      %parallel_loop3A_537 = vector.broadcast %parallel_loop3A_535 : i32 to vector<16xi32>
      %parallel_loop3A_538 = arith.addi %add3A_353, %parallel_loop3A_537 : vector<16xi32>
      %parallel_loop3A_539 = tpu.vector_load_idx %arg8[%parallel_loop3A_538] : memref<65536xf32, #tpu.memory_space<vmem>>[vector<16xi32>], vector<16xf32>,
      %parallel_loop3A_540 = arith.addf %parallel_loop3A_536, %parallel_loop3A_539 : vector<16xf32>
      scf.yield %parallel_loop3A_540 : vector<16xf32>
    } {sc.loop_unroll_factor = 8 : i64, sc.parallel_access}
    %rev3A_360 = arith.constant 15 : i32
    %rev3A_361 = vector.broadcast %rev3A_360 : i32 to vector<16xi32>
    %rev3A_362 = tpu.iota {dimensions = array<i32: 0>} : vector<16xi32>
    %rev3A_363 = arith.subi %rev3A_361, %rev3A_362 : vector<16xi32>
    %rev3A_364 = tpu.dynamic_gather %parallel_loop3A_359[%rev3A_363] in [0] : vector<16xf32>, vector<16xi32> -> vector<16xf32>
    %broadcast_in_dim3A_365 = arith.constant true
    %broadcast_in_dim3A_366 = vector.broadcast %broadcast_in_dim3A_365 : i1 to vector<16xi1>
    %masked_cumsum3A_367 = tpu.scan <sum>, %rev3A_364 masked %broadcast_in_dim3A_366 : vector<16xf32>, vector<16xi1> -> vector<16xf32>
    %rev3A_368 = arith.constant 15 : i32
    %rev3A_369 = vector.broadcast %rev3A_368 : i32 to vector<16xi32>
    %rev3A_370 = tpu.iota {dimensions = array<i32: 0>} : vector<16xi32>
    %rev3A_371 = arith.subi %rev3A_369, %rev3A_370 : vector<16xi32>
    %rev3A_372 = tpu.dynamic_gather %masked_cumsum3A_367[%rev3A_371] in [0] : vector<16xf32>, vector<16xi32> -> vector<16xf32>
    %broadcast_in_dim3A_373 = vector.broadcast %sub3A_336 : f32 to vector<16xf32>
    %add3A_374 = arith.addf %broadcast_in_dim3A_373, %rev3A_372 : vector<16xf32>
    %broadcast_in_dim3A_375 = vector.broadcast %sub3A_284 : f32 to vector<16xf32>
    %ge3A_376 = arith.cmpf oge, %add3A_374, %broadcast_in_dim3A_375 : vector<16xf32>
    %all_reduce_population_count3A_377 = tpu.all_reduce %ge3A_376 {dim = 0 : i64, kind = #tpu.reduction_kind<sum>} : vector<16xi1> -> vector<16xi32>
    %sub3A_378 = arith.constant 1 : i32
    %sub3A_379 = vector.broadcast %sub3A_378 : i32 to vector<16xi32>
    %sub3A_380 = arith.subi %all_reduce_population_count3A_377, %sub3A_379 : vector<16xi32>
    %eq3A_381 = arith.cmpi eq, %iota3A, %sub3A_380 : vector<16xi32>
    %jit3A_382 = arith.constant 0.000000e+00 : f32
    %broadcast_in_dim3A_383 = vector.broadcast %jit3A_382 : f32 to vector<16xf32>
    %select_n3A_384 = arith.select %eq3A_381, %rev3A_372, %broadcast_in_dim3A_383 : vector<16xi1>, vector<16xf32>
    %reduce_sum3A_385 = arith.constant true
    %reduce_sum3A_386 = vector.broadcast %reduce_sum3A_385 : i1 to vector<16xi1>
    %reduce_sum3A_387 = tpu.scan <sum>, %select_n3A_384 masked %reduce_sum3A_386 : vector<16xf32>, vector<16xi1> -> vector<16xf32>
    %reduce_sum3A_388 = vector.extract %reduce_sum3A_387[15] : f32 from vector<16xf32>
    %jit3A_389 = arith.constant 0.000000e+00 : f32
    %broadcast_in_dim3A_390 = vector.broadcast %jit3A_389 : f32 to vector<16xf32>
    %select_n3A_391 = arith.select %eq3A_381, %parallel_loop3A_359, %broadcast_in_dim3A_390 : vector<16xi1>, vector<16xf32>
    %reduce_sum3A_392 = arith.constant true
    %reduce_sum3A_393 = vector.broadcast %reduce_sum3A_392 : i1 to vector<16xi1>
    %reduce_sum3A_394 = tpu.scan <sum>, %select_n3A_391 masked %reduce_sum3A_393 : vector<16xf32>, vector<16xi1> -> vector<16xf32>
    %reduce_sum3A_395 = vector.extract %reduce_sum3A_394[15] : f32 from vector<16xf32>
    %add3A_396 = arith.addf %sub3A_336, %reduce_sum3A_388 : f32
    %sub3A_397 = arith.subf %add3A_396, %reduce_sum3A_395 : f32
    %reduce_max3A_398 = arith.constant true
    %reduce_max3A_399 = vector.broadcast %reduce_max3A_398 : i1 to vector<16xi1>
    %reduce_max3A_400 = arith.constant -2147483648 : i32
    %reduce_max3A_401 = vector.broadcast %reduce_max3A_400 : i32 to vector<16xi32>
    %reduce_max3A_402 = arith.xori %sub3A_380, %reduce_max3A_401 : vector<16xi32>
    %reduce_max3A_403 = tpu.scan <max>, %reduce_max3A_402 masked %reduce_max3A_399 : vector<16xi32>, vector<16xi1> -> vector<16xi32>
    %reduce_max3A_404 = arith.xori %reduce_max3A_403, %reduce_max3A_401 : vector<16xi32>
    %reduce_max3A_405 = vector.extract %reduce_max3A_404[15] : i32 from vector<16xi32>
    %mul3A_406 = arith.constant 256 : i32
    %mul3A_407 = arith.muli %reduce_max3A_405, %mul3A_406 : i32
    %add3A_408 = arith.addi %add3A_348, %mul3A_407 : i32
    %broadcast_in_dim3A_409 = vector.broadcast %add3A_408 : i32 to vector<16xi32>
    %mul3A_410 = arith.constant 16 : i32
    %mul3A_411 = vector.broadcast %mul3A_410 : i32 to vector<16xi32>
    %mul3A_412 = arith.muli %iota3A, %mul3A_411 : vector<16xi32>
    %add3A_413 = arith.addi %broadcast_in_dim3A_409, %mul3A_412 : vector<16xi32>
    %broadcast_in_dim3A_414 = arith.constant 0.000000e+00 : f32
    %broadcast_in_dim3A_415 = vector.broadcast %broadcast_in_dim3A_414 : f32 to vector<16xf32>
    %parallel_loop3A_416 = arith.constant 0 : i32
    %parallel_loop3A_417 = arith.constant 16 : i32
    %parallel_loop3A_418 = arith.constant 1 : i32
    %parallel_loop3A_419 = scf.for %parallel_loop3A_535 = %parallel_loop3A_416 to %parallel_loop3A_417 step %parallel_loop3A_418 iter_args(%parallel_loop3A_536 = %broadcast_in_dim3A_415) -> (vector<16xf32>)  : i32 {
      %parallel_loop3A_537 = vector.broadcast %parallel_loop3A_535 : i32 to vector<16xi32>
      %parallel_loop3A_538 = arith.addi %add3A_413, %parallel_loop3A_537 : vector<16xi32>
      %parallel_loop3A_539 = tpu.vector_load_idx %arg8[%parallel_loop3A_538] : memref<65536xf32, #tpu.memory_space<vmem>>[vector<16xi32>], vector<16xf32>,
      %parallel_loop3A_540 = arith.addf %parallel_loop3A_536, %parallel_loop3A_539 : vector<16xf32>
      scf.yield %parallel_loop3A_540 : vector<16xf32>
    } {sc.loop_unroll_factor = 8 : i64, sc.parallel_access}
    %rev3A_420 = arith.constant 15 : i32
    %rev3A_421 = vector.broadcast %rev3A_420 : i32 to vector<16xi32>
    %rev3A_422 = tpu.iota {dimensions = array<i32: 0>} : vector<16xi32>
    %rev3A_423 = arith.subi %rev3A_421, %rev3A_422 : vector<16xi32>
    %rev3A_424 = tpu.dynamic_gather %parallel_loop3A_419[%rev3A_423] in [0] : vector<16xf32>, vector<16xi32> -> vector<16xf32>
    %broadcast_in_dim3A_425 = arith.constant true
    %broadcast_in_dim3A_426 = vector.broadcast %broadcast_in_dim3A_425 : i1 to vector<16xi1>
    %masked_cumsum3A_427 = tpu.scan <sum>, %rev3A_424 masked %broadcast_in_dim3A_426 : vector<16xf32>, vector<16xi1> -> vector<16xf32>
    %rev3A_428 = arith.constant 15 : i32
    %rev3A_429 = vector.broadcast %rev3A_428 : i32 to vector<16xi32>
    %rev3A_430 = tpu.iota {dimensions = array<i32: 0>} : vector<16xi32>
    %rev3A_431 = arith.subi %rev3A_429, %rev3A_430 : vector<16xi32>
    %rev3A_432 = tpu.dynamic_gather %masked_cumsum3A_427[%rev3A_431] in [0] : vector<16xf32>, vector<16xi32> -> vector<16xf32>
    %broadcast_in_dim3A_433 = vector.broadcast %sub3A_397 : f32 to vector<16xf32>
    %add3A_434 = arith.addf %broadcast_in_dim3A_433, %rev3A_432 : vector<16xf32>
    %broadcast_in_dim3A_435 = vector.broadcast %sub3A_284 : f32 to vector<16xf32>
    %ge3A_436 = arith.cmpf oge, %add3A_434, %broadcast_in_dim3A_435 : vector<16xf32>
    %all_reduce_population_count3A_437 = tpu.all_reduce %ge3A_436 {dim = 0 : i64, kind = #tpu.reduction_kind<sum>} : vector<16xi1> -> vector<16xi32>
    %sub3A_438 = arith.constant 1 : i32
    %sub3A_439 = vector.broadcast %sub3A_438 : i32 to vector<16xi32>
    %sub3A_440 = arith.subi %all_reduce_population_count3A_437, %sub3A_439 : vector<16xi32>
    %eq3A_441 = arith.cmpi eq, %iota3A, %sub3A_440 : vector<16xi32>
    %jit3A_442 = arith.constant 0.000000e+00 : f32
    %broadcast_in_dim3A_443 = vector.broadcast %jit3A_442 : f32 to vector<16xf32>
    %select_n3A_444 = arith.select %eq3A_441, %rev3A_432, %broadcast_in_dim3A_443 : vector<16xi1>, vector<16xf32>
    %reduce_sum3A_445 = arith.constant true
    %reduce_sum3A_446 = vector.broadcast %reduce_sum3A_445 : i1 to vector<16xi1>
    %reduce_sum3A_447 = tpu.scan <sum>, %select_n3A_444 masked %reduce_sum3A_446 : vector<16xf32>, vector<16xi1> -> vector<16xf32>
    %reduce_sum3A_448 = vector.extract %reduce_sum3A_447[15] : f32 from vector<16xf32>
    %jit3A_449 = arith.constant 0.000000e+00 : f32
    %broadcast_in_dim3A_450 = vector.broadcast %jit3A_449 : f32 to vector<16xf32>
    %select_n3A_451 = arith.select %eq3A_441, %parallel_loop3A_419, %broadcast_in_dim3A_450 : vector<16xi1>, vector<16xf32>
    %reduce_sum3A_452 = arith.constant true
    %reduce_sum3A_453 = vector.broadcast %reduce_sum3A_452 : i1 to vector<16xi1>
    %reduce_sum3A_454 = tpu.scan <sum>, %select_n3A_451 masked %reduce_sum3A_453 : vector<16xf32>, vector<16xi1> -> vector<16xf32>
    %reduce_sum3A_455 = vector.extract %reduce_sum3A_454[15] : f32 from vector<16xf32>
    %add3A_456 = arith.addf %sub3A_397, %reduce_sum3A_448 : f32
    %sub3A_457 = arith.subf %add3A_456, %reduce_sum3A_455 : f32
    %reduce_max3A_458 = arith.constant true
    %reduce_max3A_459 = vector.broadcast %reduce_max3A_458 : i1 to vector<16xi1>
    %reduce_max3A_460 = arith.constant -2147483648 : i32
    %reduce_max3A_461 = vector.broadcast %reduce_max3A_460 : i32 to vector<16xi32>
    %reduce_max3A_462 = arith.xori %sub3A_440, %reduce_max3A_461 : vector<16xi32>
    %reduce_max3A_463 = tpu.scan <max>, %reduce_max3A_462 masked %reduce_max3A_459 : vector<16xi32>, vector<16xi1> -> vector<16xi32>
    %reduce_max3A_464 = arith.xori %reduce_max3A_463, %reduce_max3A_461 : vector<16xi32>
    %reduce_max3A_465 = vector.extract %reduce_max3A_464[15] : i32 from vector<16xi32>
    %mul3A_466 = arith.constant 16 : i32
    %mul3A_467 = arith.muli %reduce_max3A_465, %mul3A_466 : i32
    %add3A_468 = arith.addi %add3A_408, %mul3A_467 : i32
    %broadcast_in_dim3A_469 = vector.broadcast %add3A_468 : i32 to vector<16xi32>
    %mul3A_470 = arith.constant 1 : i32
    %mul3A_471 = vector.broadcast %mul3A_470 : i32 to vector<16xi32>
    %mul3A_472 = arith.muli %iota3A, %mul3A_471 : vector<16xi32>
    %add3A_473 = arith.addi %broadcast_in_dim3A_469, %mul3A_472 : vector<16xi32>
    %gather3A_474 = tpu.vector_load_idx %arg8[%add3A_473] : memref<65536xf32, #tpu.memory_space<vmem>>[vector<16xi32>], vector<16xf32>,
    %rev3A_475 = arith.constant 15 : i32
    %rev3A_476 = vector.broadcast %rev3A_475 : i32 to vector<16xi32>
    %rev3A_477 = tpu.iota {dimensions = array<i32: 0>} : vector<16xi32>
    %rev3A_478 = arith.subi %rev3A_476, %rev3A_477 : vector<16xi32>
    %rev3A_479 = tpu.dynamic_gather %gather3A_474[%rev3A_478] in [0] : vector<16xf32>, vector<16xi32> -> vector<16xf32>
    %broadcast_in_dim3A_480 = arith.constant true
    %broadcast_in_dim3A_481 = vector.broadcast %broadcast_in_dim3A_480 : i1 to vector<16xi1>
    %masked_cumsum3A_482 = tpu.scan <sum>, %rev3A_479 masked %broadcast_in_dim3A_481 : vector<16xf32>, vector<16xi1> -> vector<16xf32>
    %rev3A_483 = arith.constant 15 : i32
    %rev3A_484 = vector.broadcast %rev3A_483 : i32 to vector<16xi32>
    %rev3A_485 = tpu.iota {dimensions = array<i32: 0>} : vector<16xi32>
    %rev3A_486 = arith.subi %rev3A_484, %rev3A_485 : vector<16xi32>
    %rev3A_487 = tpu.dynamic_gather %masked_cumsum3A_482[%rev3A_486] in [0] : vector<16xf32>, vector<16xi32> -> vector<16xf32>
    %broadcast_in_dim3A_488 = vector.broadcast %sub3A_457 : f32 to vector<16xf32>
    %add3A_489 = arith.addf %broadcast_in_dim3A_488, %rev3A_487 : vector<16xf32>
    %broadcast_in_dim3A_490 = vector.broadcast %sub3A_284 : f32 to vector<16xf32>
    %ge3A_491 = arith.cmpf oge, %add3A_489, %broadcast_in_dim3A_490 : vector<16xf32>
    %all_reduce_population_count3A_492 = tpu.all_reduce %ge3A_491 {dim = 0 : i64, kind = #tpu.reduction_kind<sum>} : vector<16xi1> -> vector<16xi32>
    %sub3A_493 = arith.constant 1 : i32
    %sub3A_494 = vector.broadcast %sub3A_493 : i32 to vector<16xi32>
    %sub3A_495 = arith.subi %all_reduce_population_count3A_492, %sub3A_494 : vector<16xi32>
    %eq3A_496 = arith.cmpi eq, %iota3A, %sub3A_495 : vector<16xi32>
    %jit3A_497 = arith.constant 0.000000e+00 : f32
    %broadcast_in_dim3A_498 = vector.broadcast %jit3A_497 : f32 to vector<16xf32>
    %select_n3A_499 = arith.select %eq3A_496, %rev3A_487, %broadcast_in_dim3A_498 : vector<16xi1>, vector<16xf32>
    %reduce_sum3A_500 = arith.constant true
    %reduce_sum3A_501 = vector.broadcast %reduce_sum3A_500 : i1 to vector<16xi1>
    %reduce_sum3A_502 = tpu.scan <sum>, %select_n3A_499 masked %reduce_sum3A_501 : vector<16xf32>, vector<16xi1> -> vector<16xf32>
    %reduce_sum3A_503 = vector.extract %reduce_sum3A_502[15] : f32 from vector<16xf32>
    %jit3A_504 = arith.constant 0.000000e+00 : f32
    %broadcast_in_dim3A_505 = vector.broadcast %jit3A_504 : f32 to vector<16xf32>
    %select_n3A_506 = arith.select %eq3A_496, %gather3A_474, %broadcast_in_dim3A_505 : vector<16xi1>, vector<16xf32>
    %reduce_sum3A_507 = arith.constant true
    %reduce_sum3A_508 = vector.broadcast %reduce_sum3A_507 : i1 to vector<16xi1>
    %reduce_sum3A_509 = tpu.scan <sum>, %select_n3A_506 masked %reduce_sum3A_508 : vector<16xf32>, vector<16xi1> -> vector<16xf32>
    %reduce_sum3A_510 = vector.extract %reduce_sum3A_509[15] : f32 from vector<16xf32>
    %add3A_511 = arith.addf %sub3A_457, %reduce_sum3A_503 : f32
    %sub3A_512 = arith.subf %add3A_511, %reduce_sum3A_510 : f32
    %reduce_max3A_513 = arith.constant true
    %reduce_max3A_514 = vector.broadcast %reduce_max3A_513 : i1 to vector<16xi1>
    %reduce_max3A_515 = arith.constant -2147483648 : i32
    %reduce_max3A_516 = vector.broadcast %reduce_max3A_515 : i32 to vector<16xi32>
    %reduce_max3A_517 = arith.xori %sub3A_495, %reduce_max3A_516 : vector<16xi32>
    %reduce_max3A_518 = tpu.scan <max>, %reduce_max3A_517 masked %reduce_max3A_514 : vector<16xi32>, vector<16xi1> -> vector<16xi32>
    %reduce_max3A_519 = arith.xori %reduce_max3A_518, %reduce_max3A_516 : vector<16xi32>
    %reduce_max3A_520 = vector.extract %reduce_max3A_519[15] : i32 from vector<16xi32>
    %mul3A_521 = arith.constant 1 : i32
    %mul3A_522 = arith.muli %reduce_max3A_520, %mul3A_521 : i32
    %add3A_523 = arith.addi %add3A_468, %mul3A_522 : i32
    %shift_left3A = arith.constant 16 : i32
    %shift_left3A_524 = arith.shli %add3A_272, %shift_left3A : i32
    %or3A = arith.ori %shift_left3A_524, %add3A_523 : i32
    %broadcast_in_dim3A_525 = vector.broadcast %or3A : i32 to vector<16xi32>
    %broadcast_in_dim3A_526 = arith.constant 0 : i32
    %broadcast_in_dim3A_527 = vector.broadcast %broadcast_in_dim3A_526 : i32 to vector<16xi32>
    %lt3A = arith.cmpi slt, %broadcast_in_dim3A_525, %broadcast_in_dim3A_527 : vector<16xi32>
    %broadcast_in_dim3A_528 = arith.constant -2147483648 : i32
    %broadcast_in_dim3A_529 = vector.broadcast %broadcast_in_dim3A_528 : i32 to vector<16xi32>
    %xor3A = arith.xori %broadcast_in_dim3A_525, %broadcast_in_dim3A_529 : vector<16xi32>
    %not3A = arith.constant dense<-1> : vector<16xi32>
    %not3A_530 = arith.xori %broadcast_in_dim3A_525, %not3A : vector<16xi32>
    %select_n3A_531 = arith.select %lt3A, %xor3A, %not3A_530 : vector<16xi1>, vector<16xi32>
    %bitcast_convert_type3A = tpu.bitcast %select_n3A_531 : vector<16xi32> -> vector<16xf32>
    %swap3A = arith.constant 0 : index
    %swap3A_532 = tpu.vector_load %arg9[%swap3A] {strides = array<i32>} : memref<16xf32, #tpu.memory_space<vmem>>, vector<16xf32>,
    tpu.vector_store %arg9[%swap3A], %bitcast_convert_type3A {strides = array<i32>} : memref<16xf32, #tpu.memory_space<vmem>>, vector<16xf32>,
    %mul3A_533 = arith.constant 16 : i32
    %mul3A_534 = arith.muli %add3A, %mul3A_533 : i32
    "tpu.region"() ({
      %run_scoped3A = tpu.sem_alloc : memref<!tpu.dma_semaphore, #tpu.memory_space<semaphore_mem>>
      %dma_start3A_535 = tpu.memref_slice %arg3[%mul3A_534] : memref<512xf32, #tpu.memory_space<hbm>> -> memref<16xf32, #tpu.memory_space<hbm>>
      %dma_start3A_536 = tpu.memref_slice %arg3[%mul3A_534] : memref<512xf32, #tpu.memory_space<hbm>> -> memref<16xf32, #tpu.memory_space<hbm>>
      tpu.enqueue_dma source(%arg9 : memref<16xf32, #tpu.memory_space<vmem>>) target(%dma_start3A_536 : memref<16xf32, #tpu.memory_space<hbm>>) target_semaphore(%run_scoped3A : memref<!tpu.dma_semaphore, #tpu.memory_space<semaphore_mem>>)
      %dma_wait3A = tpu.memref_slice %arg3[%mul3A_534] : memref<512xf32, #tpu.memory_space<hbm>> -> memref<16xf32, #tpu.memory_space<hbm>>
      %dma_wait3A_537 = tpu.memref_slice %arg3[%mul3A_534] : memref<512xf32, #tpu.memory_space<hbm>> -> memref<16xf32, #tpu.memory_space<hbm>>
      tpu.wait_dma2 semaphore(%run_scoped3A : memref<!tpu.dma_semaphore, #tpu.memory_space<semaphore_mem>>) src(%arg9 : memref<16xf32, #tpu.memory_space<vmem>>) dst(%dma_wait3A_537 : memref<16xf32, #tpu.memory_space<hbm>>)
      tpu.yield
    }) : () -> ()
    return
  }
}

module attributes {stable_mosaic.version = 14 : i64} {
  func.func @_mask_body(%arg0: i32, %arg1: i32, %arg2: memref<32xf32, #tpu.memory_space<smem>>, %arg3: memref<1x3136x192xf32, #tpu.memory_space<vmem>>, %arg4: memref<1x3136x192xf32, #tpu.memory_space<vmem>>) attributes {dimension_semantics = [#tpu.dimension_semantics<parallel>, #tpu.dimension_semantics<parallel>], iteration_bounds = array<i64: 32, 1>, scalar_prefetch = 1 : i64, scratch_operands = 0 : i64, tpu.core_type = #tpu.core_type<tc>, window_params = [{transform_indices = @transform_0, window_bounds = array<i64: 1, 3136, 192>}, {transform_indices = @transform_1, window_bounds = array<i64: 1, 3136, 192>}]} {
    %get3A = arith.index_cast %arg0 : i32 to index
    %get3A_0 = memref.load %arg2[%get3A] : memref<32xf32, #tpu.memory_space<smem>>
    %get3A_1 = arith.constant 0 : index
    %get3A_2 = arith.constant 0 : index
    %get3A_3 = arith.constant 0 : index
    %get3A_4 = vector.load %arg3[%get3A_1, %get3A_2, %get3A_3] : memref<1x3136x192xf32, #tpu.memory_space<vmem>>, vector<1x3136x192xf32>
    %ge3A = vector.broadcast %get3A_0 : f32 to vector<1x3136x192xf32>
    %ge3A_5 = arith.cmpf oge, %get3A_4, %ge3A : vector<1x3136x192xf32>
    %jit3A = arith.constant 0.000000e+00 : f32
    %broadcast_in_dim3A = vector.broadcast %jit3A : f32 to vector<1x3136x192xf32>
    %select_n3A = arith.select %ge3A_5, %get3A_4, %broadcast_in_dim3A : vector<1x3136x192xi1>, vector<1x3136x192xf32>
    %swap3A = arith.constant 0 : index
    %swap3A_6 = arith.constant 0 : index
    %swap3A_7 = arith.constant 0 : index
    %swap3A_8 = vector.load %arg4[%swap3A, %swap3A_6, %swap3A_7] : memref<1x3136x192xf32, #tpu.memory_space<vmem>>, vector<1x3136x192xf32>
    tpu.vector_store %arg4[%swap3A, %swap3A_6, %swap3A_7], %select_n3A {strides = array<i32>} : memref<1x3136x192xf32, #tpu.memory_space<vmem>>, vector<1x3136x192xf32>,
    return
  }
  func.func @transform_0(%arg0: i32, %arg1: i32, %arg2: memref<32xf32, #tpu.memory_space<smem>>) -> (i32, i32, i32) {
    %c0_i32 = arith.constant 0 : i32
    %c0_i32_0 = arith.constant 0 : i32
    return %arg0, %arg1, %c0_i32 : i32, i32, i32
  }
  func.func @transform_1(%arg0: i32, %arg1: i32, %arg2: memref<32xf32, #tpu.memory_space<smem>>) -> (i32, i32, i32) {
    %c0_i32 = arith.constant 0 : i32
    %c0_i32_0 = arith.constant 0 : i32
    return %arg0, %arg1, %c0_i32 : i32, i32, i32
  }
}

</mosaic_0001>

<sc_bundles>
// kernel: kernel.4.cloned.1.call-start
scs
__scs_entry_jumppad:
0x0: {  	(pc) =	sbr.rel $0x88, $3  }
0x1: {  	(tag) =	ssettag $0x0;
	lr =	simm.s32 $0x1  }
0x2: {  	[smem:$0x3FA0] =	sst lr;
	_ =	strace $0xD0000000  }
0x3: {  	_ = 	snop  }
0x4: {  	_ = 	snop  }
0x5: {  	_ = 	snop  }
0x6: {  	_ = 	snop  }
0x7: {  	_ = 	snop  }
__scs_overlays_trampoline_lowered:
0x8: {  	[smem:$0x3FAF] =	sst s0  }
0x9: {  	[smem:$0x3FB0] =	sst s1  }
0xa: {  	[smem:$0x3FB1] =	sst s2  }
0xb: {  	[smem:$0x3FB2] =	sst s3  }
0xc: {  	[smem:$0x3FB3] =	sst s4  }
0xd: {  	[smem:$0x3FB4] =	sst s5  }
0xe: {  	[smem:$0x3FB5] =	sst s6  }
0xf: {  	[smem:$0x3FB6] =	sst s7  }
0x10: {  	[smem:$0x3FB7] =	sst s8  }
0x11: {  	[smem:$0x3FB8] =	sst s9;
	s0 =	simm.s32 @!p0 $0x0  }
0x12: {  	s1 =	sld [smem:$0x3F9E];
	s0 =	simm.s32 @p0 $0x1  }
0x13: {  	[smem:$0x3FB9] =	sst s0;
	s0 =	simm.s32 @!p1 $0x0  }
0x14: {  	s2 =	sld [smem:$0x3F9D];
	s0 =	simm.s32 @p1 $0x1  }
0x15: {  	[smem:$0x3FBA] =	sst s0;
	s0 =	simm.s32 @!p2 $0x0  }
0x16: {  	s3 =	sld [smem:$0x3FDB];
	s0 =	simm.s32 @p2 $0x1  }
0x17: {  	s4 =	simm.s32 $0x1BF5;
	[smem:$0x3FBC] =	sst s0  }
0x18: {  	s0 =	sld [smem:$0x3F9F];
	_ =	swait.ge [sflag:s4], $0x0  }
0x19: {  	s7 =	sld [smem:$0x3FA0]  }
0x1a: {  	s8 =	sadd.s32 $0xFFFFE003, lr  }
0x1b: {  	s9 =	sadd.s32 $0xFFFFFEF7, lr;
	s5 =	simm.s32 $0xFFFFFFFF;
	p2 =	slt.u32 s8, $0xFFFFF086  }
0x1c: {  	p1 =	slt.u32 s9, $0xF7A;
	s5 =	simm.s32 @!p2 $0x0  }
0x1d: {  	s5 =	simm.s32 @p1 $0x1;
	p0 =	seq.s32 s7, s2  }
0x1e: {  	s7 =	smul.u32 @!p0 $0xF7A, s2;
	p2 =	seq.s32 @!p0 s5, $0x0  }
0x1f: {  	s9 =	smul.u32 $0xF7A, s1;
	s8 =	simm.s32 @!p0 $0x1BF5;
	p2 =	por !p2, p0  }
0x20: {  	[sflag:s8] =	ssyncset.s32 @!p0 $0xFFFFF086;
	s6 =	sadd.s32 @!p0 s3, s7;
	s7 =	simm.s32 @!p0 $0x108  }
0x21: {  	s3 =	sadd.s32 s3, s9;
	s6 =	sadd.s32 @!p0 $0x88, s6;
	s7 =	simm.s32 @p2 $0x1082  }
0x22: {  	[simem:s7], [sflag:s8] =	dma.local @!p0 [hbm:s6], $0xF7A  }
0x23: {  	s9 =	sor.u32 $0xD0000000, s2;
	s6 =	simm.s32 $0x108;
	_ =	swait.ge @!p0 [sflag:s8], $0x0  }
0x24: {  	s3 =	sadd.s32 $0x88, s3;
	s6 =	simm.s32 @!p1 $0x1082;
	[sflag:s4] =	ssyncset.s32 $0xFFFFF086  }
0x25: {  	[simem:s6], [sflag:s4] =	dma.local [hbm:s3], $0xF7A  }
0x26: {  	[smem:$0x3FA0] =	sst s1;
	(tag) =	ssettag s2;
	_ =	strace s9  }
0x27: {  	s1 =	sld [smem:$0x3FB0]  }
0x28: {  	s2 =	sld [smem:$0x3FB1]  }
0x29: {  	s4 =	sld [smem:$0x3FB3]  }
0x2a: {  	p0 =	seq.s32 s5, $0x0;
	s5 =	sld [smem:$0x3FB4]  }
0x2b: {  	s6 =	sld [smem:$0x3FB5]  }
0x2c: {  	s7 =	sld [smem:$0x3FB6]  }
0x2d: {  	s3 =	simm.s32 $0x108;
	s8 =	sld [smem:$0x3FB7]  }
0x2e: {  	s3 =	simm.s32 @!p0 $0x1082;
	s9 =	sld [smem:$0x3FB8]  }
0x2f: {  	lr =	sadd.s32 s0, s3;
	s0 =	sld [smem:$0x3FAF]  }
0x30: {  	s3 =	sld [smem:$0x3FB2]  }
0x31: {  	[smem:$0x3FBB] =	sst s10  }
0x32: {  	s10 =	sld [smem:$0x3FB9];
	_ =	sdelay $0x3  }
0x33: {  	p0 =	seq.s32 s10, $0x1;
	s10 =	sld [smem:$0x3FBB];
	_ =	sdelay $0x3  }
0x34: {  	[smem:$0x3FBB] =	sst s10  }
0x35: {  	s10 =	sld [smem:$0x3FBA];
	_ =	sdelay $0x3  }
0x36: {  	p1 =	seq.s32 s10, $0x1;
	s10 =	sld [smem:$0x3FBB];
	_ =	sdelay $0x3  }
0x37: {  	[smem:$0x3FBB] =	sst s10  }
0x38: {  	s10 =	sld [smem:$0x3FBC]  }
0x39: {  	_ = 	snop;
	(pc) =	sbr.ind lr, $3  }
0x3a: {  	_ = 	snop  }
0x3b: {  	_ = 	snop  }
0x3c: {  	p2 =	seq.s32 s10, $0x1;
	s10 =	sld [smem:$0x3FBB]  }
0x3d: {  	_ =	shalt  }
0x3e: {  	_ =	shalt  }
0x3f: {  	_ =	shalt  }
0x40: {  	_ =	shalt  }
0x41: {  	_ =	shalt  }
0x42: {  	_ =	shalt  }
0x43: {  	_ =	shalt  }
0x44: {  	_ =	shalt  }
0x45: {  	_ =	shalt  }
0x46: {  	_ =	shalt  }
0x47: {  	_ =	shalt  }
0x48: {  	_ =	shalt  }
0x49: {  	_ =	shalt  }
0x4a: {  	_ =	shalt  }
0x4b: {  	_ =	shalt  }
0x4c: {  	_ =	shalt  }
0x4d: {  	_ =	shalt  }
0x4e: {  	_ =	shalt  }
0x4f: {  	_ =	shalt  }
0x50: {  	_ =	shalt  }
0x51: {  	_ =	shalt  }
0x52: {  	_ =	shalt  }
0x53: {  	_ =	shalt  }
0x54: {  	_ =	shalt  }
0x55: {  	_ =	shalt  }
0x56: {  	_ =	shalt  }
0x57: {  	_ =	shalt  }
0x58: {  	_ =	shalt  }
0x59: {  	_ =	shalt  }
0x5a: {  	_ =	shalt  }
0x5b: {  	_ =	shalt  }
0x5c: {  	_ =	shalt  }
0x5d: {  	_ =	shalt  }
0x5e: {  	_ =	shalt  }
0x5f: {  	_ =	shalt  }
0x60: {  	_ =	shalt  }
0x61: {  	_ =	shalt  }
0x62: {  	_ =	shalt  }
0x63: {  	_ =	shalt  }
0x64: {  	_ =	shalt  }
0x65: {  	_ =	shalt  }
0x66: {  	_ =	shalt  }
0x67: {  	_ =	shalt  }
0x68: {  	_ =	shalt  }
0x69: {  	_ =	shalt  }
0x6a: {  	_ =	shalt  }
0x6b: {  	_ =	shalt  }
0x6c: {  	_ =	shalt  }
0x6d: {  	_ =	shalt  }
0x6e: {  	_ =	shalt  }
0x6f: {  	_ =	shalt  }
0x70: {  	_ =	shalt  }
0x71: {  	_ =	shalt  }
0x72: {  	_ =	shalt  }
0x73: {  	_ =	shalt  }
0x74: {  	_ =	shalt  }
0x75: {  	_ =	shalt  }
0x76: {  	_ =	shalt  }
0x77: {  	_ =	shalt  }
0x78: {  	_ =	shalt  }
0x79: {  	_ =	shalt  }
0x7a: {  	_ =	shalt  }
0x7b: {  	_ =	shalt  }
0x7c: {  	_ =	shalt  }
0x7d: {  	_ =	shalt  }
0x7e: {  	_ =	shalt  }
0x7f: {  	_ =	shalt  }
0x80: {  	_ =	shalt  }
0x81: {  	_ =	shalt  }
0x82: {  	_ =	shalt  }
0x83: {  	_ =	shalt  }
0x84: {  	_ =	shalt  }
0x85: {  	_ =	shalt  }
0x86: {  	_ =	shalt  }
0x87: {  	_ =	shalt  }
.Lfunc_end0:
.L_simem_size_0:
called_computation_lowered:
.L_overlay_start_0:
0x88: {  	s2 =	sld [smem:$0x3FD9]  }
0x89: {  	s3 =	sld [smem:$0x3FFE];
	_ =	sdelay $0x1  }
0x8a: {  	s1 =	srdreg.scid  }
0x8b: {  	s0 =	sand.u32 $0x1, s1  }
0x8c: {  	s18 =	sshll.u32 s0, $0xA;
	s2 =	sadd.s32 s3, s2  }
0x8d: {  	s2 =	sadd.s32 s2, s18  }
0x8e: {  	[smem:$0x3FC7] =	sst s2  }
0x8f: {  	_ = 	snop  }
0x90: {  	s2 =	sld [smem:$0x3FC9]  }
0x91: {  	s19 =	sld [smem:$0x3FD0];
	(tm) =	ssettm $0x1  }
0x92: {  	s4 =	sld [smem:$0x3FFB];
	_ =	sdelay $0x3  }
0x93: {  	_ =	strace s4  }
0x94: {  	s4 =	sld [smem:$0x3FFC];
	_ =	sdelay $0x3  }
0x95: {  	_ =	strace s4  }
0x96: {  	s4 =	sld [smem:$0x3FFD];
	_ =	sdelay $0x3  }
0x97: {  	_ =	strace s4  }
0x98: {  	_ =	strace $0x8FFFFFFF  }
0x99: {  	s20 =	sld [smem:$0x3FDB];
	_ =	sdelay $0x1  }
0x9a: {  	s5 =	simm.s32 $_scs_section_size  }
0x9b: {  	s6 =	simm.s32 $_size__tile_overlayer_lowered;
	s7 =	simm.s32 $_tile_overlayer_lowered  }
0x9c: {  	s23 =	simm.s32 $0x1BFF;
	s22 =	sshll.u32 s7, $0x1;
	s4 =	sadd.s32 s5, s20  }
0x9d: {  	s8 =	simm.s32 $0x0;
	s21 =	sshll.u32 s6, $0x1;
	s6 =	sadd.s32 s22, s4  }
0x9e: {  	[timem:s8], [sflag:s23] =	dma.local [hbm:s6], s21  }
0x9f: {  	_ =	swait.ge [sflag:s23], s21  }
0xa0: {  	s5 =	ssub.s32 $0x0, s21;
	[sflag:s23] =	ssyncset.done $0x0  }
0xa1: {  	[sflag:s23] =	ssyncadd.s32 s5;
	_ =	sdelay $0x1  }
0xa2: {  	s24 =	simm.s32 $0x1B8B  }
0xa3: {  	_ =	swait.ge [sflag:s24], $0x1  }
0xa4: {  	[sflag:s24] =	ssyncset.done $0x0  }
0xa5: {  	s25 =	simm.s32 $0x1B8E;
	[sflag:s24] =	ssyncadd.s32 $0xFFFFFFFF  }
0xa6: {  	s26 =	simm.s32 $execute0_lowered;
	[smem:$0x3FD2] =	sst s25  }
0xa7: {  	s5 =	sshll.u32 s26, $0x1;
	_ =	strace $0x80000046;
	[dreg:$0x1] =	wrdreg $0xFFFFFFFF  }
0xa8: {  	s28 =	simm.s32 $_size_execute0_lowered;
	s4 =	sadd.s32 s4, s5;
	[dreg:$0x0] =	wrdreg $0x0  }
0xa9: {  	s5 =	sshll.u32 s28, $0x1;
	[dreg:$0x2] =	wrdreg s4  }
0xaa: {  	[dreg:$0x3] =	wrdreg s5  }
0xab: {  	[dreg:$0x4] =	wrdreg $0xC0  }
0xac: {  	_ =	task [dreg:s8], $0x5FFFF  }
0xad: {  	[dreg:$0x1] =	wrdreg $0xFFFFFFFF  }
0xae: {  	[dreg:$0x0] =	wrdreg $0x60  }
0xaf: {  	[dreg:$0x2] =	wrdreg s2  }
0xb0: {  	[dreg:$0x3] =	wrdreg s19  }
0xb1: {  	[dreg:$0x4] =	wrdreg $0x9  }
0xb2: {  	_ =	task.clear_ibuf [dreg:s8], $0x5FFFF;
	_ =	strace $0x90000046  }
0xb3: {  	s29 =	simm.s32 $0x9;
	_ =	strace $0x80000048  }
0xb4: {  	_ =	swait.ge [sflag:s29], $0x1  }
0xb5: {  	[sflag:s29] =	ssyncadd.s32 $0xFFFFFFFF  }
0xb6: {  	_ =	strace $0x90000048  }
0xb7: {  	_ =	sfence  }
0xb8: {  	s30 =	sld [smem:$0x0];
	_ =	sdelay $0x2  }
0xb9: {  	s31 =	sshll.u32 s1, $0xD;
	s1 =	sshrl.u32 s1, $0x2  }
0xba: {  	s3 =	sand.u32 $0x4000, s31;
	s1 =	sadd.s32 s1, s30  }
0xbb: {  	s0 =	sor.u32 s3, s0;
	s1 =	sshll.u32 s1, $0x11  }
0xbc: {  	s0 =	sor.u32 s1, s0  }
0xbd: {  	s0 =	sadd.s32 $0x8F2B, s0  }
0xbe: {  	[sflag:s0] =	ssyncadd.remote.s32 $0x1  }
0xbf: {  	_ =	sfence.sel $0xFFFF  }
0xc0: {  	[dreg:$0x0] =	wrdreg $0xFFFFFFFF;
	(pc) =	sbr.abs _section_cstart, $3  }
0xc1: {  	[dreg:$0x1] =	wrdreg $0xFFFFFFFF  }
0xc2: {  	_ =	task.clear_ibuf [dreg:s8], $0x2FFFF;
	_ =	strace $0x9FFFFFFF  }
0xc3: {  	(tm) =	ssettm $0x7FFFFFFF  }
tec
execute0_lowered:
.L_overlay_start_1:
0x0: {  	(tag) =	ssettag $0x1  }
0x1: {  	s2 =	rddreg [dreg:$0x0];
	s1 =	srdreg.scid  }
0x2: {  	s0 =	stileid.u32;
	s9 =	rddreg [dreg:$0x1];
	s3 =	simm.s32 $0x0  }
0x3: {  	s12 =	simm.s32 $0x800;
	s13 =	simm.s32 $0x7000;
	s14 =	simm.s32 $0x3800  }
0x4: {  	s15 =	simm.s32 $0xA800;
	s16 =	simm.s32 $0x1;
	s17 =	simm.s32 $0xE000  }
0x5: {  	s18 =	simm.s32 $0x2;
	s19 =	simm.s32 $0x1E000;
	s20 =	simm.s32 $0x3  }
0x6: {  	s21 =	simm.s32 $0x0;
	s4 =	sand.u32 $0x1, s1;
	s5 =	sshll.u32 s0, $0x1  }
0x7: {  	[smem:$0x7FF] =	sst s3;
	s7 =	sor.u32 s4, s5;
	s4 =	ssub.s32 $0x2, s4  }
0x8: {  	s1 =	rddreg [dreg:$0x2];
	_ =	strace $0x80000047;
	s31 =	sshrl.u32 s4, $0x1  }
0x9: {  	s8 =	smul.u32 $0xC4000, s7;
	s11 =	sshll.u32 s7, $0x1;
	s10 =	ssub.s32 s4, s31  }
0xa: {  	s4 =	sadd.s32 $0x80, s2;
	s9 =	sadd.s32 s9, s11;
	s11 =	simm.s32 $0x400  }
0xb: {  	v0 =	vimm.f32 $0.0e+00;
	v1 =	vlaneseq.u32;
	s6 =	sshrl.u32 s8, $0x3;
	s7 =	sadd.s32 $0x7000, s8;
	s8 =	sadd.s32 $0xE000, s8  }
0xc: {  	v2 =	vimm.f32 $1.000000000e+00;
	v4 =	vimm.s32 $0x80000000;
	v3 =	vmul.u32 $0x1000, v1;
	s10 =	smax.u32 s10, $0x1;
	s5 =	sadd.s32 s2, s6;
	s6 =	sadd.s32 s6, s4  }
.LBB2_1:
0xd: {  	[tilespmem:s3], [sflag:$0x1] =	stream.strided.gather [hbm4b:s5+s11], $0x3800, s12, s11, $0x38;
	[tilespmem:$0x1E080] =	vst v63  }
0xe: {  	s22 =	simm.s32 $0xE040  }
0xf: {  	[tilespmem:s13], [sflag:$0x1] =	stream.strided.gather [hbm4b:s6+s11], $0x3800, s12, s11, $0x38;
	[tilespmem:$0x1E080] =	vst v63  }
0x10: {  	[tilespmem:s22+$0xFFFFFFC0] =	vst v0  }
0x11: {  	[tilespmem:s22+$0x30] =	vst v0  }
0x12: {  	[tilespmem:s22+$0x20] =	vst v0  }
0x13: {  	[tilespmem:s22+$0x10] =	vst v0  }
0x14: {  	[tilespmem:s22+$0x0] =	vst v0  }
0x15: {  	[tilespmem:s22+$0xFFFFFFF0] =	vst v0  }
0x16: {  	s23 =	simm.s32 $0x0;
	[tilespmem:s22+$0xFFFFFFE0] =	vst v0  }
.LBB2_2:
0x17: {  	s23 =	sadd.s32 $0x8, s23;
	[tilespmem:s22+$0xFFFFFFD0] =	vst v0;
	s22 =	sadd.s32 $0x80, s22  }
0x18: {  	[tilespmem:s22+$0xFFFFFFC0] =	vst v0;
	p0 =	slt.u32 s23, $0xFF8  }
0x19: {  	[tilespmem:s22+$0x30] =	vst v0  }
.Ltmp0:
0x1a: {  	[tilespmem:s22+$0x20] =	vst v0;
	(pc) =	sbr.rel @p0 .LBB2_2-.Ltmp0, $4  }
0x1b: {  	[tilespmem:s22+$0x10] =	vst v0  }
0x1c: {  	[tilespmem:s22+$0x0] =	vst v0  }
0x1d: {  	[tilespmem:s22+$0xFFFFFFF0] =	vst v0  }
0x1e: {  	[tilespmem:s22+$0xFFFFFFE0] =	vst v0  }
0x1f: {  	[tilespmem:s22+$0xFFFFFFD0] =	vst v0;
	s22 =	simm.s32 $0x0  }
.LBB2_4:
0x20: {  	s23 =	smul.u32 $0xE000, s22;
	_ =	sdelay $0x1  }
0x21: {  	s24 =	sadd.s32 s23, s7  }
0x22: {  	s24 =	sshrl.u32 s24, $0x3  }
0x23: {  	s25 =	sadd.s32 s2, s24  }
0x24: {  	[tilespmem:s14], [sflag:$0x2] =	stream.strided.gather [hbm4b:s25+s11], $0x3800, s12, s11, $0x38;
	[tilespmem:$0x1E080] =	vst v63  }
0x25: {  	s24 =	sadd.s32 s24, s4  }
0x26: {  	[tilespmem:s15], [sflag:$0x2] =	stream.strided.gather [hbm4b:s24+s11], $0x3800, s12, s11, $0x38;
	[tilespmem:$0x1E080] =	vst v63  }
0x27: {  	_ =	swait.ge [sflag:s16], $0x3800  }
0x28: {  	[sflag:s16] =	ssyncset.done $0x0  }
0x29: {  	[sflag:s16] =	ssyncadd.s32 $0xFFFFC800  }
0x2a: {  	_ =	swait.ge [sflag:s16], $0x3800  }
0x2b: {  	[sflag:s16] =	ssyncset.done $0x0  }
0x2c: {  	s26 =	simm.s32 $0x100;
	[sflag:s16] =	ssyncadd.s32 $0xFFFFC800  }
0x2d: {  	v5 =	vld [tilespmem:s26+$0x80];
	_ =	sdelay $0x4  }
0x2e: {  	v6 =	vshra.s32 v5, $0x1F  }
0x2f: {  	v6 =	vor.u32 $0x80000000, v6  }
0x30: {  	v5 =	vxor.u32 v5, v6  }
0x31: {  	v5 =	vshrl.u32 v5, $0x10;
	_ =	sdelay $0x4  }
0x32: {  	[tilespmem:v5+s17+$0x0] =	vst.idx.add.f32.msk $0xffff, v2  }
0x33: {  	v5 =	vld [tilespmem:s26+$0x90];
	_ =	sdelay $0x4  }
0x34: {  	v6 =	vld [tilespmem:s26+$0xFFFFFF00];
	v7 =	vshra.s32 v5, $0x1F  }
0x35: {  	v7 =	vor.u32 $0x80000000, v7  }
0x36: {  	v8 =	vld [tilespmem:s26+$0xFFFFFF80];
	v5 =	vxor.u32 v5, v7  }
0x37: {  	v5 =	vshrl.u32 v5, $0x10;
	_ =	sdelay $0x1  }
0x38: {  	v7 =	vshra.s32 v6, $0x1F  }
0x39: {  	v7 =	vor.u32 $0x80000000, v7  }
0x3a: {  	v9 =	vld [tilespmem:s26+$0x0];
	v10 =	vshra.s32 v8, $0x1F;
	v6 =	vxor.u32 v6, v7  }
0x3b: {  	v7 =	vor.u32 $0x80000000, v10;
	v6 =	vshrl.u32 v6, $0x10;
	[tilespmem:v5+s17+$0x0] =	vst.idx.add.f32.msk $0xffff, v2  }
0x3c: {  	v5 =	vxor.u32 v8, v7;
	v7 =	vld [tilespmem:s26+$0xA0]  }
0x3d: {  	v5 =	vshrl.u32 v5, $0x10;
	_ =	sdelay $0x1  }
0x3e: {  	v8 =	vshra.s32 v9, $0x1F  }
0x3f: {  	v8 =	vor.u32 $0x80000000, v8;
	[tilespmem:v6+s17+$0x0] =	vst.idx.add.f32.msk $0xffff, v2  }
0x40: {  	v6 =	vxor.u32 v9, v8;
	v8 =	vld [tilespmem:s26+$0xFFFFFF10];
	v9 =	vshra.s32 v7, $0x1F  }
0x41: {  	v6 =	vshrl.u32 v6, $0x10;
	[tilespmem:v5+s17+$0x0] =	vst.idx.add.f32.msk $0xffff, v2;
	v5 =	vor.u32 $0x80000000, v9  }
0x42: {  	v9 =	vld [tilespmem:s26+$0xFFFFFF90];
	v5 =	vxor.u32 v7, v5  }
0x43: {  	v5 =	vshrl.u32 v5, $0x10;
	_ =	sdelay $0x1  }
0x44: {  	v7 =	vshra.s32 v8, $0x1F  }
0x45: {  	[tilespmem:v6+s17+$0x0] =	vst.idx.add.f32.msk $0xffff, v2;
	v6 =	vor.u32 $0x80000000, v7  }
0x46: {  	v7 =	vld [tilespmem:s26+$0x10];
	v6 =	vxor.u32 v8, v6;
	v10 =	vshra.s32 v9, $0x1F  }
0x47: {  	v6 =	vshrl.u32 v6, $0x10;
	v8 =	vor.u32 $0x80000000, v10;
	[tilespmem:v5+s17+$0x0] =	vst.idx.add.f32.msk $0xffff, v2  }
0x48: {  	v5 =	vxor.u32 v9, v8;
	v8 =	vld [tilespmem:s26+$0xB0]  }
0x49: {  	v5 =	vshrl.u32 v5, $0x10;
	_ =	sdelay $0x1  }
0x4a: {  	v9 =	vshra.s32 v7, $0x1F  }
0x4b: {  	v9 =	vor.u32 $0x80000000, v9;
	[tilespmem:v6+s17+$0x0] =	vst.idx.add.f32.msk $0xffff, v2  }
0x4c: {  	v6 =	vxor.u32 v7, v9;
	v7 =	vld [tilespmem:s26+$0xFFFFFF20];
	v9 =	vshra.s32 v8, $0x1F  }
0x4d: {  	v6 =	vshrl.u32 v6, $0x10;
	[tilespmem:v5+s17+$0x0] =	vst.idx.add.f32.msk $0xffff, v2;
	v5 =	vor.u32 $0x80000000, v9  }
0x4e: {  	v9 =	vld [tilespmem:s26+$0xFFFFFFA0];
	v5 =	vxor.u32 v8, v5  }
0x4f: {  	v5 =	vshrl.u32 v5, $0x10;
	_ =	sdelay $0x1  }
0x50: {  	v8 =	vshra.s32 v7, $0x1F  }
0x51: {  	[tilespmem:v6+s17+$0x0] =	vst.idx.add.f32.msk $0xffff, v2;
	v6 =	vor.u32 $0x80000000, v8  }
0x52: {  	v8 =	vld [tilespmem:s26+$0x20];
	v6 =	vxor.u32 v7, v6;
	v10 =	vshra.s32 v9, $0x1F  }
0x53: {  	v6 =	vshrl.u32 v6, $0x10;
	v7 =	vor.u32 $0x80000000, v10;
	[tilespmem:v5+s17+$0x0] =	vst.idx.add.f32.msk $0xffff, v2  }
0x54: {  	v5 =	vxor.u32 v9, v7;
	v7 =	vld [tilespmem:s26+$0xC0]  }
0x55: {  	v5 =	vshrl.u32 v5, $0x10;
	_ =	sdelay $0x1  }
0x56: {  	v9 =	vshra.s32 v8, $0x1F  }
0x57: {  	v9 =	vor.u32 $0x80000000, v9;
	[tilespmem:v6+s17+$0x0] =	vst.idx.add.f32.msk $0xffff, v2  }
0x58: {  	v6 =	vxor.u32 v8, v9;
	v8 =	vld [tilespmem:s26+$0xFFFFFF30];
	v9 =	vshra.s32 v7, $0x1F  }
0x59: {  	v6 =	vshrl.u32 v6, $0x10;
	[tilespmem:v5+s17+$0x0] =	vst.idx.add.f32.msk $0xffff, v2;
	v5 =	vor.u32 $0x80000000, v9  }
0x5a: {  	v9 =	vld [tilespmem:s26+$0xFFFFFFB0];
	v5 =	vxor.u32 v7, v5  }
0x5b: {  	v5 =	vshrl.u32 v5, $0x10;
	_ =	sdelay $0x1  }
0x5c: {  	v7 =	vshra.s32 v8, $0x1F  }
0x5d: {  	[tilespmem:v6+s17+$0x0] =	vst.idx.add.f32.msk $0xffff, v2;
	v6 =	vor.u32 $0x80000000, v7  }
0x5e: {  	v7 =	vld [tilespmem:s26+$0x30];
	v6 =	vxor.u32 v8, v6;
	v10 =	vshra.s32 v9, $0x1F  }
0x5f: {  	v6 =	vshrl.u32 v6, $0x10;
	v8 =	vor.u32 $0x80000000, v10;
	[tilespmem:v5+s17+$0x0] =	vst.idx.add.f32.msk $0xffff, v2  }
0x60: {  	v5 =	vxor.u32 v9, v8;
	v8 =	vld [tilespmem:s26+$0xD0]  }
0x61: {  	v5 =	vshrl.u32 v5, $0x10;
	_ =	sdelay $0x1  }
0x62: {  	v9 =	vshra.s32 v7, $0x1F  }
0x63: {  	v9 =	vor.u32 $0x80000000, v9;
	[tilespmem:v6+s17+$0x0] =	vst.idx.add.f32.msk $0xffff, v2  }
0x64: {  	v6 =	vxor.u32 v7, v9;
	v7 =	vld [tilespmem:s26+$0xFFFFFF40];
	v9 =	vshra.s32 v8, $0x1F  }
0x65: {  	v6 =	vshrl.u32 v6, $0x10;
	[tilespmem:v5+s17+$0x0] =	vst.idx.add.f32.msk $0xffff, v2;
	v5 =	vor.u32 $0x80000000, v9  }
0x66: {  	v9 =	vld [tilespmem:s26+$0xFFFFFFC0];
	v5 =	vxor.u32 v8, v5  }
0x67: {  	v5 =	vshrl.u32 v5, $0x10;
	_ =	sdelay $0x1  }
0x68: {  	v8 =	vshra.s32 v7, $0x1F  }
0x69: {  	[tilespmem:v6+s17+$0x0] =	vst.idx.add.f32.msk $0xffff, v2;
	v6 =	vor.u32 $0x80000000, v8  }
0x6a: {  	v8 =	vld [tilespmem:s26+$0x40];
	v6 =	vxor.u32 v7, v6;
	v7 =	vshra.s32 v9, $0x1F  }
0x6b: {  	v6 =	vshrl.u32 v6, $0x10;
	v7 =	vor.u32 $0x80000000, v7;
	[tilespmem:v5+s17+$0x0] =	vst.idx.add.f32.msk $0xffff, v2  }
0x6c: {  	v5 =	vxor.u32 v9, v7;
	v7 =	vld [tilespmem:s26+$0xE0]  }
0x6d: {  	v5 =	vshrl.u32 v5, $0x10;
	_ =	sdelay $0x1  }
0x6e: {  	v9 =	vshra.s32 v8, $0x1F  }
0x6f: {  	v9 =	vor.u32 $0x80000000, v9;
	[tilespmem:v6+s17+$0x0] =	vst.idx.add.f32.msk $0xffff, v2  }
0x70: {  	v6 =	vxor.u32 v8, v9;
	v8 =	vld [tilespmem:s26+$0xFFFFFF50];
	v9 =	vshra.s32 v7, $0x1F  }
0x71: {  	v6 =	vshrl.u32 v6, $0x10;
	[tilespmem:v5+s17+$0x0] =	vst.idx.add.f32.msk $0xffff, v2;
	v5 =	vor.u32 $0x80000000, v9  }
0x72: {  	v9 =	vld [tilespmem:s26+$0xFFFFFFD0];
	v5 =	vxor.u32 v7, v5  }
0x73: {  	v5 =	vshrl.u32 v5, $0x10  }
0x74: {  	s25 =	simm.s32 $0x300  }
0x75: {  	v7 =	vld [tilespmem:s25+$0x80]  }
0x76: {  	[tilespmem:v6+s17+$0x0] =	vst.idx.add.f32.msk $0xffff, v2;
	v6 =	vshra.s32 v8, $0x1F  }
0x77: {  	v6 =	vor.u32 $0x80000000, v6;
	v10 =	vld [tilespmem:s26+$0x50];
	v11 =	vshra.s32 v9, $0x1F  }
0x78: {  	v6 =	vxor.u32 v8, v6;
	v8 =	vor.u32 $0x80000000, v11;
	[tilespmem:v5+s17+$0x0] =	vst.idx.add.f32.msk $0xffff, v2  }
0x79: {  	v5 =	vshrl.u32 v6, $0x10;
	v6 =	vxor.u32 v9, v8;
	v8 =	vld [tilespmem:s26+$0xF0]  }
0x7a: {  	v9 =	vshra.s32 v7, $0x1F;
	v6 =	vshrl.u32 v6, $0x10  }
0x7b: {  	v11 =	vld [tilespmem:s25+$0xFFFFFF80];
	v9 =	vor.u32 $0x80000000, v9  }
0x7c: {  	v13 =	vld [tilespmem:s25+$0xFFFFFF00];
	v12 =	vshra.s32 v10, $0x1F;
	v7 =	vxor.u32 v7, v9  }
0x7d: {  	v37 =	vld [tilespmem:s25+$0x0];
	v9 =	vor.u32 $0x80000000, v12;
	v7 =	vshrl.u32 v7, $0x10  }
0x7e: {  	[tilespmem:v5+s17+$0x0] =	vst.idx.add.f32.msk $0xffff, v2;
	v5 =	vxor.u32 v10, v9;
	v9 =	vshra.s32 v8, $0x1F  }
0x7f: {  	v5 =	vshrl.u32 v5, $0x10;
	[tilespmem:v6+s17+$0x0] =	vst.idx.add.f32.msk $0xffff, v2;
	v6 =	vor.u32 $0x80000000, v9  }
0x80: {  	v10 =	vld [tilespmem:s26+$0xFFFFFF60];
	v9 =	vshra.s32 v11, $0x1F;
	v6 =	vxor.u32 v8, v6  }
0x81: {  	v14 =	vshra.s32 v13, $0x1F;
	v8 =	vor.u32 $0x80000000, v9;
	v9 =	vld [tilespmem:s26+$0xFFFFFFE0];
	v6 =	vshrl.u32 v6, $0x10  }
0x82: {  	v15 =	vshra.s32 v37, $0x1F;
	v14 =	vor.u32 $0x80000000, v14;
	[tilespmem:v7+s17+$0x0] =	vst.idx.add.f32.msk $0xffff, v2;
	v8 =	vxor.u32 v11, v8  }
0x83: {  	v7 =	vor.u32 $0x80000000, v15;
	v11 =	vxor.u32 v13, v14;
	v38 =	vld [tilespmem:s25+$0x90];
	v8 =	vshrl.u32 v8, $0x10  }
0x84: {  	[tilespmem:v5+s17+$0x0] =	vst.idx.add.f32.msk $0xffff, v2;
	v5 =	vxor.u32 v37, v7;
	v7 =	vshrl.u32 v11, $0x10  }
0x85: {  	v11 =	vld [tilespmem:s26+$0x60];
	v5 =	vshrl.u32 v5, $0x10  }
0x86: {  	s24 =	simm.s32 $0x7100;
	v39 =	vshra.s32 v10, $0x1F;
	[tilespmem:v6+s17+$0x0] =	vst.idx.add.f32.msk $0xffff, v2  }
0x87: {  	v40 =	vshra.s32 v9, $0x1F;
	v6 =	vor.u32 $0x80000000, v39;
	v41 =	vld [tilespmem:s24+$0x80]  }
0x88: {  	v6 =	vxor.u32 v10, v6;
	v10 =	vor.u32 $0x80000000, v40;
	[tilespmem:v8+s17+$0x0] =	vst.idx.add.f32.msk $0xffff, v2;
	v8 =	vshra.s32 v38, $0x1F  }
0x89: {  	v6 =	vshrl.u32 v6, $0x10;
	v9 =	vxor.u32 v9, v10;
	[tilespmem:v7+s17+$0x0] =	vst.idx.add.f32.msk $0xffff, v2;
	v7 =	vor.u32 $0x80000000, v8  }
0x8a: {  	v8 =	vshra.s32 v11, $0x1F;
	v9 =	vshrl.u32 v9, $0x10;
	[tilespmem:v5+s17+$0x0] =	vst.idx.add.f32.msk $0xffff, v2;
	v5 =	vxor.u32 v38, v7  }
0x8b: {  	v7 =	vor.u32 $0x80000000, v8;
	v8 =	vld [tilespmem:s25+$0xFFFFFF10];
	v5 =	vshrl.u32 v5, $0x10  }
0x8c: {  	v10 =	vld [tilespmem:s25+$0xFFFFFF90];
	v7 =	vxor.u32 v11, v7;
	v11 =	vshra.s32 v41, $0x1F  }
0x8d: {  	v42 =	vld [tilespmem:s25+$0x10];
	v7 =	vshrl.u32 v7, $0x10;
	v11 =	vor.u32 $0x80000000, v11  }
0x8e: {  	[tilespmem:v6+s17+$0x0] =	vst.idx.add.f32.msk $0xffff, v2;
	v6 =	vxor.u32 v41, v11  }
0x8f: {  	[tilespmem:v9+s17+$0x0] =	vst.idx.add.f32.msk $0xffff, v2;
	v6 =	vshrl.u32 v6, $0x10  }
0x90: {  	v9 =	vshra.s32 v8, $0x1F;
	[tilespmem:v5+s17+$0x0] =	vst.idx.add.f32.msk $0xffff, v2  }
0x91: {  	v5 =	vor.u32 $0x80000000, v9;
	v9 =	vshra.s32 v10, $0x1F;
	v11 =	vld [tilespmem:s25+$0xA0]  }
0x92: {  	[tilespmem:v7+s17+$0x0] =	vst.idx.add.f32.msk $0xffff, v2;
	v5 =	vxor.u32 v8, v5;
	v7 =	vor.u32 $0x80000000, v9;
	v8 =	vshra.s32 v42, $0x1F  }
0x93: {  	v9 =	vld [tilespmem:s26+$0xFFFFFF70];
	v5 =	vshrl.u32 v5, $0x10;
	v7 =	vxor.u32 v10, v7;
	v8 =	vor.u32 $0x80000000, v8  }
0x94: {  	v7 =	vshrl.u32 v7, $0x10;
	v8 =	vxor.u32 v42, v8;
	[tilespmem:v6+s17+$0x0] =	vst.idx.add.f32.msk $0xffff, v2  }
0x95: {  	v6 =	vshrl.u32 v8, $0x10;
	v8 =	vld [tilespmem:s26+$0xFFFFFFF0]  }
0x96: {  	v10 =	vld [tilespmem:s26+$0x70];
	v43 =	vshra.s32 v11, $0x1F  }
0x97: {  	v44 =	vld [tilespmem:s24+$0x90];
	v12 =	vor.u32 $0x80000000, v43  }
0x98: {  	v45 =	vshra.s32 v9, $0x1F;
	[tilespmem:v5+s17+$0x0] =	vst.idx.add.f32.msk $0xffff, v2;
	v5 =	vxor.u32 v11, v12  }
0x99: {  	v11 =	vor.u32 $0x80000000, v45;
	[tilespmem:v7+s17+$0x0] =	vst.idx.add.f32.msk $0xffff, v2;
	v5 =	vshrl.u32 v5, $0x10  }
0x9a: {  	v7 =	vxor.u32 v9, v11;
	[tilespmem:v6+s17+$0x0] =	vst.idx.add.f32.msk $0xffff, v2;
	v6 =	vshra.s32 v8, $0x1F  }
0x9b: {  	v9 =	vld [tilespmem:s25+$0xFFFFFF20];
	v11 =	vshra.s32 v10, $0x1F;
	v7 =	vshrl.u32 v7, $0x10;
	v6 =	vor.u32 $0x80000000, v6  }
0x9c: {  	v46 =	vld [tilespmem:s25+$0xFFFFFFA0];
	v6 =	vxor.u32 v8, v6;
	v8 =	vor.u32 $0x80000000, v11  }
0x9d: {  	v11 =	vld [tilespmem:s25+$0x20];
	v6 =	vshrl.u32 v6, $0x10;
	v8 =	vxor.u32 v10, v8  }
0x9e: {  	v10 =	vshra.s32 v44, $0x1F;
	v8 =	vshrl.u32 v8, $0x10;
	[tilespmem:v5+s17+$0x0] =	vst.idx.add.f32.msk $0xffff, v2  }
0x9f: {  	v5 =	vor.u32 $0x80000000, v10;
	v10 =	vld [tilespmem:s25+$0xB0]  }
0xa0: {  	v5 =	vxor.u32 v44, v5;
	[tilespmem:v7+s17+$0x0] =	vst.idx.add.f32.msk $0xffff, v2;
	v7 =	vshra.s32 v9, $0x1F  }
0xa1: {  	v48 =	vshra.s32 v46, $0x1F;
	v5 =	vshrl.u32 v5, $0x10;
	v47 =	vld [tilespmem:s24+$0xFFFFFF00];
	v7 =	vor.u32 $0x80000000, v7  }
0xa2: {  	v7 =	vxor.u32 v9, v7;
	v9 =	vor.u32 $0x80000000, v48;
	[tilespmem:v6+s17+$0x0] =	vst.idx.add.f32.msk $0xffff, v2  }
0xa3: {  	v6 =	vshrl.u32 v7, $0x10;
	v7 =	vxor.u32 v46, v9;
	[tilespmem:v8+s17+$0x0] =	vst.idx.add.f32.msk $0xffff, v2  }
0xa4: {  	v7 =	vshrl.u32 v7, $0x10;
	v9 =	vld [tilespmem:s24+$0xFFFFFF80];
	v8 =	vshra.s32 v10, $0x1F  }
0xa5: {  	v49 =	vld [tilespmem:s24+$0x0];
	v8 =	vor.u32 $0x80000000, v8  }
0xa6: {  	v50 =	vshra.s32 v11, $0x1F;
	[tilespmem:v5+s17+$0x0] =	vst.idx.add.f32.msk $0xffff, v2;
	v5 =	vxor.u32 v10, v8  }
0xa7: {  	v8 =	vor.u32 $0x80000000, v50;
	v10 =	vld [tilespmem:s24+$0xA0];
	v5 =	vshrl.u32 v5, $0x10  }
0xa8: {  	v8 =	vxor.u32 v11, v8;
	v11 =	vshra.s32 v47, $0x1F;
	[tilespmem:v6+s17+$0x0] =	vst.idx.add.f32.msk $0xffff, v2  }
0xa9: {  	v6 =	vshrl.u32 v8, $0x10;
	v8 =	vor.u32 $0x80000000, v11;
	[tilespmem:v7+s17+$0x0] =	vst.idx.add.f32.msk $0xffff, v2;
	v7 =	vshra.s32 v9, $0x1F  }
0xaa: {  	v11 =	vld [tilespmem:s25+$0xFFFFFF30];
	v8 =	vxor.u32 v47, v8;
	v7 =	vor.u32 $0x80000000, v7;
	v51 =	vshra.s32 v49, $0x1F  }
0xab: {  	v52 =	vld [tilespmem:s25+$0xFFFFFFB0];
	v8 =	vshrl.u32 v8, $0x10;
	v7 =	vxor.u32 v9, v7;
	v9 =	vor.u32 $0x80000000, v51  }
0xac: {  	[tilespmem:v5+s17+$0x0] =	vst.idx.add.f32.msk $0xffff, v2;
	v5 =	vshrl.u32 v7, $0x10;
	v7 =	vxor.u32 v49, v9  }
0xad: {  	v9 =	vld [tilespmem:s25+$0xC0];
	v7 =	vshrl.u32 v7, $0x10  }
0xae: {  	v53 =	vshra.s32 v10, $0x1F;
	[tilespmem:v6+s17+$0x0] =	vst.idx.add.f32.msk $0xffff, v2  }
0xaf: {  	v6 =	vor.u32 $0x80000000, v53;
	v55 =	vshra.s32 v11, $0x1F;
	v54 =	vld [tilespmem:s25+$0x30]  }
0xb0: {  	v6 =	vxor.u32 v10, v6;
	v10 =	vor.u32 $0x80000000, v55;
	v56 =	vshra.s32 v52, $0x1F;
	[tilespmem:v8+s17+$0x0] =	vst.idx.add.f32.msk $0xffff, v2  }
0xb1: {  	v6 =	vshrl.u32 v6, $0x10;
	v8 =	vxor.u32 v11, v10;
	v10 =	vor.u32 $0x80000000, v56;
	[tilespmem:v5+s17+$0x0] =	vst.idx.add.f32.msk $0xffff, v2  }
0xb2: {  	v5 =	vshrl.u32 v8, $0x10;
	v8 =	vxor.u32 v52, v10;
	v10 =	vshra.s32 v9, $0x1F;
	[tilespmem:v7+s17+$0x0] =	vst.idx.add.f32.msk $0xffff, v2  }
0xb3: {  	v7 =	vshrl.u32 v8, $0x10;
	v8 =	vor.u32 $0x80000000, v10;
	v10 =	vld [tilespmem:s24+$0xFFFFFF10]  }
0xb4: {  	v11 =	vshra.s32 v54, $0x1F;
	v8 =	vxor.u32 v9, v8;
	v9 =	vld [tilespmem:s24+$0xFFFFFF90]  }
0xb5: {  	v57 =	vld [tilespmem:s24+$0x10];
	v11 =	vor.u32 $0x80000000, v11;
	v8 =	vshrl.u32 v8, $0x10  }
0xb6: {  	[tilespmem:v6+s17+$0x0] =	vst.idx.add.f32.msk $0xffff, v2;
	v6 =	vxor.u32 v54, v11  }
0xb7: {  	v6 =	vshrl.u32 v6, $0x10;
	[tilespmem:v5+s17+$0x0] =	vst.idx.add.f32.msk $0xffff, v2  }
0xb8: {  	[tilespmem:v7+s17+$0x0] =	vst.idx.add.f32.msk $0xffff, v2;
	v5 =	vshra.s32 v10, $0x1F  }
0xb9: {  	v7 =	vld [tilespmem:s25+$0xFFFFFF40];
	v5 =	vor.u32 $0x80000000, v5;
	v11 =	vshra.s32 v9, $0x1F  }
0xba: {  	[tilespmem:v8+s17+$0x0] =	vst.idx.add.f32.msk $0xffff, v2;
	v5 =	vxor.u32 v10, v5;
	v8 =	vor.u32 $0x80000000, v11  }
0xbb: {  	v10 =	vshra.s32 v57, $0x1F;
	v11 =	vld [tilespmem:s25+$0xD0];
	v5 =	vshrl.u32 v5, $0x10;
	v8 =	vxor.u32 v9, v8  }
0xbc: {  	v9 =	vor.u32 $0x80000000, v10;
	[tilespmem:v6+s17+$0x0] =	vst.idx.add.f32.msk $0xffff, v2;
	v6 =	vshrl.u32 v8, $0x10  }
0xbd: {  	v8 =	vxor.u32 v57, v9;
	v9 =	vld [tilespmem:s25+$0xFFFFFFC0]  }
0xbe: {  	v10 =	vshra.s32 v7, $0x1F;
	v58 =	vld [tilespmem:s25+$0x40];
	v8 =	vshrl.u32 v8, $0x10  }
0xbf: {  	v59 =	vld [tilespmem:s24+$0xB0];
	v10 =	vor.u32 $0x80000000, v10  }
0xc0: {  	v7 =	vxor.u32 v7, v10;
	v10 =	vshra.s32 v11, $0x1F;
	[tilespmem:v5+s17+$0x0] =	vst.idx.add.f32.msk $0xffff, v2  }
0xc1: {  	v5 =	vshrl.u32 v7, $0x10;
	v7 =	vor.u32 $0x80000000, v10;
	[tilespmem:v6+s17+$0x0] =	vst.idx.add.f32.msk $0xffff, v2  }
0xc2: {  	v6 =	vshra.s32 v9, $0x1F;
	v10 =	vld [tilespmem:s24+$0xFFFFFF20];
	v7 =	vxor.u32 v11, v7  }
0xc3: {  	[tilespmem:v8+s17+$0x0] =	vst.idx.add.f32.msk $0xffff, v2;
	v6 =	vor.u32 $0x80000000, v6;
	v8 =	vshra.s32 v58, $0x1F;
	v7 =	vshrl.u32 v7, $0x10  }
0xc4: {  	v6 =	vxor.u32 v9, v6;
	v8 =	vor.u32 $0x80000000, v8;
	v9 =	vld [tilespmem:s24+$0xFFFFFFA0]  }
0xc5: {  	v11 =	vld [tilespmem:s24+$0x20];
	v6 =	vshrl.u32 v6, $0x10;
	v8 =	vxor.u32 v58, v8  }
0xc6: {  	v60 =	vshra.s32 v59, $0x1F;
	[tilespmem:v5+s17+$0x0] =	vst.idx.add.f32.msk $0xffff, v2;
	v5 =	vshrl.u32 v8, $0x10  }
0xc7: {  	v8 =	vor.u32 $0x80000000, v60;
	v61 =	vld [tilespmem:s25+$0xFFFFFF50]  }
0xc8: {  	v8 =	vxor.u32 v59, v8;
	[tilespmem:v7+s17+$0x0] =	vst.idx.add.f32.msk $0xffff, v2;
	v7 =	vshra.s32 v10, $0x1F  }
0xc9: {  	v8 =	vshrl.u32 v8, $0x10;
	v63 =	vshra.s32 v9, $0x1F;
	v62 =	vld [tilespmem:s25+$0xE0];
	v7 =	vor.u32 $0x80000000, v7  }
0xca: {  	[tilespmem:v6+s17+$0x0] =	vst.idx.add.f32.msk $0xffff, v2;
	v6 =	vxor.u32 v10, v7;
	v7 =	vor.u32 $0x80000000, v63;
	v10 =	vshra.s32 v11, $0x1F  }
0xcb: {  	[tilespmem:v5+s17+$0x0] =	vst.idx.add.f32.msk $0xffff, v2;
	v5 =	vshrl.u32 v6, $0x10;
	v6 =	vxor.u32 v9, v7;
	v7 =	vor.u32 $0x80000000, v10  }
0xcc: {  	v10 =	vld [tilespmem:s25+$0xFFFFFFD0];
	v6 =	vshrl.u32 v6, $0x10;
	v7 =	vxor.u32 v11, v7  }
0xcd: {  	v7 =	vshrl.u32 v7, $0x10  }
0xce: {  	v9 =	vshra.s32 v61, $0x1F;
	v11 =	vld [tilespmem:s25+$0x50]  }
0xcf: {  	v9 =	vor.u32 $0x80000000, v9;
	[tilespmem:v8+s17+$0x0] =	vst.idx.add.f32.msk $0xffff, v2  }
0xd0: {  	v9 =	vxor.u32 v61, v9;
	[tilespmem:v5+s17+$0x0] =	vst.idx.add.f32.msk $0xffff, v2;
	v5 =	vshra.s32 v62, $0x1F  }
0xd1: {  	v8 =	vshrl.u32 v9, $0x10;
	v9 =	vshra.s32 v10, $0x1F;
	[tilespmem:v6+s17+$0x0] =	vst.idx.add.f32.msk $0xffff, v2;
	v5 =	vor.u32 $0x80000000, v5  }
0xd2: {  	v6 =	vor.u32 $0x80000000, v9;
	[tilespmem:v7+s17+$0x0] =	vst.idx.add.f32.msk $0xffff, v2;
	v7 =	vxor.u32 v62, v5  }
0xd3: {  	v10 =	vxor.u32 v10, v6;
	v6 =	vshrl.u32 v7, $0x10  }
0xd4: {  	v9 =	vshra.s32 v11, $0x1F  }
0xd5: {  	v9 =	vor.u32 $0x80000000, v9;
	v5 =	vld [tilespmem:s24+$0xFFFFFF30]  }
0xd6: {  	s28 =	simm.s32 $0x500;
	s26 =	simm.s32 $0x4;
	[tilespmem:v8+s17+$0x0] =	vst.idx.add.f32.msk $0xffff, v2;
	v7 =	vshrl.u32 v10, $0x10;
	v8 =	vxor.u32 v11, v9  }
.LBB2_5:
0xd7: {  	v9 =	vld [tilespmem:s28+$0x80];
	s26 =	sadd.s32 $0x4, s26;
	v8 =	vshrl.u32 v8, $0x10  }
0xd8: {  	p0 =	slt.u32 s26, $0x6C;
	[tilespmem:v6+s17+$0x0] =	vst.idx.add.f32.msk $0xffff, v2  }
0xd9: {  	v6 =	vld [tilespmem:s25+$0xF0]  }
0xda: {  	v10 =	vld [tilespmem:s28+$0xFFFFFF80];
	v11 =	vshra.s32 v5, $0x1F  }
0xdb: {  	v12 =	vld [tilespmem:s28+$0x0];
	v11 =	vor.u32 $0x80000000, v11  }
0xdc: {  	v13 =	vld [tilespmem:s28+$0xFFFFFF00];
	v14 =	vshra.s32 v9, $0x1F;
	v5 =	vxor.u32 v5, v11  }
0xdd: {  	v11 =	vor.u32 $0x80000000, v14;
	[tilespmem:v7+s17+$0x0] =	vst.idx.add.f32.msk $0xffff, v2;
	v5 =	vshrl.u32 v5, $0x10  }
0xde: {  	v7 =	vxor.u32 v9, v11;
	[tilespmem:v8+s17+$0x0] =	vst.idx.add.f32.msk $0xffff, v2;
	v8 =	vshra.s32 v6, $0x1F  }
0xdf: {  	v9 =	vshra.s32 v10, $0x1F;
	v7 =	vshrl.u32 v7, $0x10;
	v11 =	vld [tilespmem:s25+$0xFFFFFF60];
	v8 =	vor.u32 $0x80000000, v8  }
0xe0: {  	v9 =	vor.u32 $0x80000000, v9;
	v14 =	vshra.s32 v12, $0x1F;
	v15 =	vld [tilespmem:s25+$0xFFFFFFE0];
	v6 =	vxor.u32 v6, v8  }
0xe1: {  	v8 =	vshra.s32 v13, $0x1F;
	v14 =	vor.u32 $0x80000000, v14;
	v16 =	vld [tilespmem:s25+$0x60];
	v6 =	vshrl.u32 v6, $0x10  }
0xe2: {  	v9 =	vxor.u32 v10, v9;
	v8 =	vor.u32 $0x80000000, v8;
	v10 =	vxor.u32 v12, v14;
	v12 =	vld [tilespmem:s24+$0xFFFFFFB0]  }
0xe3: {  	v9 =	vshrl.u32 v9, $0x10;
	v8 =	vxor.u32 v13, v8;
	v10 =	vshrl.u32 v10, $0x10;
	v13 =	vld [tilespmem:s24+$0x30]  }
0xe4: {  	v8 =	vshrl.u32 v8, $0x10;
	[tilespmem:v7+s17+$0x0] =	vst.idx.add.f32.msk $0xffff, v2;
	v7 =	vshra.s32 v11, $0x1F  }
0xe5: {  	v14 =	vld [tilespmem:s28+$0x90];
	v7 =	vor.u32 $0x80000000, v7;
	v17 =	vshra.s32 v15, $0x1F  }
0xe6: {  	s24 =	sadd.s32 $0x200, s24;
	v7 =	vxor.u32 v11, v7;
	v11 =	vor.u32 $0x80000000, v17;
	v17 =	vshra.s32 v16, $0x1F;
	[tilespmem:v6+s17+$0x0] =	vst.idx.add.f32.msk $0xffff, v2  }
0xe7: {  	v18 =	vshrl.u32 v7, $0x10;
	v6 =	vxor.u32 v15, v11;
	v7 =	vor.u32 $0x80000000, v17;
	v11 =	vld [tilespmem:s24+$0x80]  }
0xe8: {  	[tilespmem:v9+s17+$0x0] =	vst.idx.add.f32.msk $0xffff, v2;
	v9 =	vshrl.u32 v6, $0x10;
	v6 =	vxor.u32 v16, v7;
	v7 =	vshra.s32 v12, $0x1F  }
0xe9: {  	[tilespmem:v8+s17+$0x0] =	vst.idx.add.f32.msk $0xffff, v2;
	v8 =	vshrl.u32 v6, $0x10;
	v6 =	vor.u32 $0x80000000, v7;
	v7 =	vshra.s32 v13, $0x1F  }
0xea: {  	[tilespmem:v10+s17+$0x0] =	vst.idx.add.f32.msk $0xffff, v2;
	v10 =	vshra.s32 v14, $0x1F;
	v6 =	vxor.u32 v12, v6;
	v7 =	vor.u32 $0x80000000, v7  }
0xeb: {  	v12 =	vld [tilespmem:s28+$0xFFFFFF10];
	v10 =	vor.u32 $0x80000000, v10;
	v6 =	vshrl.u32 v6, $0x10;
	v7 =	vxor.u32 v13, v7  }
0xec: {  	v13 =	vld [tilespmem:s28+$0xFFFFFF90];
	v10 =	vxor.u32 v14, v10;
	v14 =	vshra.s32 v11, $0x1F;
	v7 =	vshrl.u32 v7, $0x10  }
0xed: {  	v15 =	vld [tilespmem:s28+$0x10];
	v10 =	vshrl.u32 v10, $0x10;
	v14 =	vor.u32 $0x80000000, v14  }
0xee: {  	[tilespmem:v18+s17+$0x0] =	vst.idx.add.f32.msk $0xffff, v2;
	v11 =	vxor.u32 v11, v14  }
0xef: {  	[tilespmem:v9+s17+$0x0] =	vst.idx.add.f32.msk $0xffff, v2;
	v9 =	vshrl.u32 v11, $0x10  }
0xf0: {  	v11 =	vshra.s32 v12, $0x1F;
	[tilespmem:v8+s17+$0x0] =	vst.idx.add.f32.msk $0xffff, v2  }
0xf1: {  	v8 =	vor.u32 $0x80000000, v11;
	v11 =	vshra.s32 v13, $0x1F;
	v14 =	vld [tilespmem:s25+$0xFFFFFF70]  }
0xf2: {  	v8 =	vxor.u32 v12, v8;
	v11 =	vor.u32 $0x80000000, v11;
	v12 =	vshra.s32 v15, $0x1F;
	[tilespmem:v10+s17+$0x0] =	vst.idx.add.f32.msk $0xffff, v2  }
0xf3: {  	v8 =	vshrl.u32 v8, $0x10;
	v10 =	vxor.u32 v13, v11;
	v11 =	vor.u32 $0x80000000, v12;
	v12 =	vld [tilespmem:s28+$0xA0]  }
0xf4: {  	v10 =	vshrl.u32 v10, $0x10;
	v11 =	vxor.u32 v15, v11;
	[tilespmem:v9+s17+$0x0] =	vst.idx.add.f32.msk $0xffff, v2  }
0xf5: {  	v9 =	vshrl.u32 v11, $0x10;
	v11 =	vld [tilespmem:s24+$0x90]  }
0xf6: {  	v13 =	vshra.s32 v14, $0x1F;
	v15 =	vld [tilespmem:s25+$0xFFFFFFF0]  }
0xf7: {  	v13 =	vor.u32 $0x80000000, v13;
	v16 =	vld [tilespmem:s25+$0x70];
	s25 =	smov.u32 s28  }
0xf8: {  	[tilespmem:v8+s17+$0x0] =	vst.idx.add.f32.msk $0xffff, v2;
	v8 =	vshra.s32 v12, $0x1F;
	v13 =	vxor.u32 v14, v13  }
0xf9: {  	[tilespmem:v10+s17+$0x0] =	vst.idx.add.f32.msk $0xffff, v2;
	v8 =	vor.u32 $0x80000000, v8;
	v10 =	vshrl.u32 v13, $0x10  }
0xfa: {  	[tilespmem:v9+s17+$0x0] =	vst.idx.add.f32.msk $0xffff, v2;
	v8 =	vxor.u32 v12, v8;
	v9 =	vshra.s32 v11, $0x1F  }
0xfb: {  	v12 =	vld [tilespmem:s28+$0xFFFFFF20];
	v8 =	vshrl.u32 v8, $0x10;
	v13 =	vshra.s32 v15, $0x1F;
	v9 =	vor.u32 $0x80000000, v9  }
0xfc: {  	v14 =	vld [tilespmem:s28+$0xFFFFFFA0];
	v13 =	vor.u32 $0x80000000, v13;
	v17 =	vshra.s32 v16, $0x1F;
	v9 =	vxor.u32 v11, v9  }
0xfd: {  	v11 =	vld [tilespmem:s28+$0x20];
	v13 =	vxor.u32 v15, v13;
	v15 =	vor.u32 $0x80000000, v17;
	v9 =	vshrl.u32 v9, $0x10  }
0xfe: {  	[tilespmem:v10+s17+$0x0] =	vst.idx.add.f32.msk $0xffff, v2;
	v10 =	vshrl.u32 v13, $0x10;
	v13 =	vxor.u32 v16, v15  }
0xff: {  	v15 =	vld [tilespmem:s24+$0xFFFFFF00];
	v13 =	vshrl.u32 v13, $0x10  }
0x100: {  	v16 =	vshra.s32 v12, $0x1F;
	[tilespmem:v8+s17+$0x0] =	vst.idx.add.f32.msk $0xffff, v2  }
0x101: {  	v8 =	vor.u32 $0x80000000, v16;
	v16 =	vshra.s32 v14, $0x1F;
	v17 =	vld [tilespmem:s28+$0xB0]  }
0x102: {  	v8 =	vxor.u32 v12, v8;
	v12 =	vor.u32 $0x80000000, v16;
	v16 =	vshra.s32 v11, $0x1F;
	[tilespmem:v9+s17+$0x0] =	vst.idx.add.f32.msk $0xffff, v2  }
0x103: {  	v8 =	vshrl.u32 v8, $0x10;
	v9 =	vxor.u32 v14, v12;
	v12 =	vor.u32 $0x80000000, v16;
	v14 =	vld [tilespmem:s24+$0xA0]  }
0x104: {  	v9 =	vshrl.u32 v9, $0x10;
	v11 =	vxor.u32 v11, v12;
	v12 =	vshra.s32 v15, $0x1F;
	[tilespmem:v10+s17+$0x0] =	vst.idx.add.f32.msk $0xffff, v2  }
0x105: {  	v10 =	vshrl.u32 v11, $0x10;
	v11 =	vor.u32 $0x80000000, v12;
	[tilespmem:v13+s17+$0x0] =	vst.idx.add.f32.msk $0xffff, v2  }
0x106: {  	v12 =	vshra.s32 v17, $0x1F;
	v11 =	vxor.u32 v15, v11;
	v13 =	vld [tilespmem:s24+$0xFFFFFF80]  }
0x107: {  	v12 =	vor.u32 $0x80000000, v12;
	v11 =	vshrl.u32 v11, $0x10;
	v15 =	vld [tilespmem:s24+$0x0]  }
0x108: {  	[tilespmem:v8+s17+$0x0] =	vst.idx.add.f32.msk $0xffff, v2;
	v8 =	vxor.u32 v17, v12;
	v12 =	vshra.s32 v14, $0x1F  }
0x109: {  	[tilespmem:v9+s17+$0x0] =	vst.idx.add.f32.msk $0xffff, v2;
	v8 =	vshrl.u32 v8, $0x10;
	v9 =	vor.u32 $0x80000000, v12  }
0x10a: {  	[tilespmem:v10+s17+$0x0] =	vst.idx.add.f32.msk $0xffff, v2;
	v9 =	vxor.u32 v14, v9  }
0x10b: {  	v10 =	vld [tilespmem:s28+$0xFFFFFF30];
	v12 =	vshra.s32 v13, $0x1F;
	v9 =	vshrl.u32 v9, $0x10  }
0x10c: {  	v14 =	vld [tilespmem:s28+$0xFFFFFFB0];
	v12 =	vor.u32 $0x80000000, v12;
	v16 =	vshra.s32 v15, $0x1F  }
0x10d: {  	v17 =	vld [tilespmem:s28+$0x30];
	v12 =	vxor.u32 v13, v12;
	v13 =	vor.u32 $0x80000000, v16  }
0x10e: {  	[tilespmem:v8+s17+$0x0] =	vst.idx.add.f32.msk $0xffff, v2;
	v8 =	vshrl.u32 v12, $0x10;
	v12 =	vxor.u32 v15, v13  }
0x10f: {  	v13 =	vld [tilespmem:s28+$0xC0];
	v12 =	vshrl.u32 v12, $0x10  }
0x110: {  	v15 =	vshra.s32 v10, $0x1F;
	[tilespmem:v9+s17+$0x0] =	vst.idx.add.f32.msk $0xffff, v2  }
0x111: {  	v9 =	vor.u32 $0x80000000, v15;
	v15 =	vshra.s32 v14, $0x1F;
	v16 =	vld [tilespmem:s24+$0xB0]  }
0x112: {  	v9 =	vxor.u32 v10, v9;
	v10 =	vor.u32 $0x80000000, v15;
	v15 =	vshra.s32 v17, $0x1F;
	[tilespmem:v11+s17+$0x0] =	vst.idx.add.f32.msk $0xffff, v2  }
0x113: {  	v9 =	vshrl.u32 v9, $0x10;
	v10 =	vxor.u32 v14, v10;
	v11 =	vor.u32 $0x80000000, v15;
	[tilespmem:v8+s17+$0x0] =	vst.idx.add.f32.msk $0xffff, v2  }
0x114: {  	v8 =	vshrl.u32 v10, $0x10;
	v10 =	vxor.u32 v17, v11;
	v11 =	vshra.s32 v13, $0x1F;
	[tilespmem:v12+s17+$0x0] =	vst.idx.add.f32.msk $0xffff, v2  }
0x115: {  	v10 =	vshrl.u32 v10, $0x10;
	v11 =	vor.u32 $0x80000000, v11;
	v12 =	vld [tilespmem:s24+$0xFFFFFF10]  }
0x116: {  	v11 =	vxor.u32 v13, v11;
	v13 =	vld [tilespmem:s24+$0xFFFFFF90];
	v14 =	vshra.s32 v16, $0x1F  }
0x117: {  	v11 =	vshrl.u32 v11, $0x10;
	v15 =	vld [tilespmem:s24+$0x10];
	v14 =	vor.u32 $0x80000000, v14  }
0x118: {  	[tilespmem:v9+s17+$0x0] =	vst.idx.add.f32.msk $0xffff, v2;
	v9 =	vxor.u32 v16, v14  }
0x119: {  	[tilespmem:v8+s17+$0x0] =	vst.idx.add.f32.msk $0xffff, v2;
	v8 =	vshrl.u32 v9, $0x10  }
0x11a: {  	[tilespmem:v10+s17+$0x0] =	vst.idx.add.f32.msk $0xffff, v2;
	v9 =	vshra.s32 v12, $0x1F  }
0x11b: {  	v10 =	vld [tilespmem:s28+$0xFFFFFF40];
	v9 =	vor.u32 $0x80000000, v9;
	v14 =	vshra.s32 v13, $0x1F  }
0x11c: {  	[tilespmem:v11+s17+$0x0] =	vst.idx.add.f32.msk $0xffff, v2;
	v9 =	vxor.u32 v12, v9;
	v11 =	vor.u32 $0x80000000, v14;
	v12 =	vshra.s32 v15, $0x1F  }
0x11d: {  	v14 =	vld [tilespmem:s28+$0xD0];
	v9 =	vshrl.u32 v9, $0x10;
	v11 =	vxor.u32 v13, v11;
	v12 =	vor.u32 $0x80000000, v12  }
0x11e: {  	v11 =	vshrl.u32 v11, $0x10;
	v12 =	vxor.u32 v15, v12;
	[tilespmem:v8+s17+$0x0] =	vst.idx.add.f32.msk $0xffff, v2  }
0x11f: {  	v8 =	vld [tilespmem:s28+$0xFFFFFFC0];
	v12 =	vshrl.u32 v12, $0x10  }
0x120: {  	v13 =	vshra.s32 v10, $0x1F;
	v15 =	vld [tilespmem:s28+$0x40]  }
0x121: {  	v13 =	vor.u32 $0x80000000, v13;
	[tilespmem:v5+s17+$0x0] =	vst.idx.add.f32.msk $0xffff, v2  }
0x122: {  	v5 =	vxor.u32 v10, v13;
	v10 =	vshra.s32 v14, $0x1F;
	[tilespmem:v9+s17+$0x0] =	vst.idx.add.f32.msk $0xffff, v2  }
0x123: {  	v5 =	vshrl.u32 v5, $0x10;
	v9 =	vor.u32 $0x80000000, v10;
	[tilespmem:v11+s17+$0x0] =	vst.idx.add.f32.msk $0xffff, v2  }
0x124: {  	v10 =	vshra.s32 v8, $0x1F;
	v9 =	vxor.u32 v14, v9;
	[tilespmem:v12+s17+$0x0] =	vst.idx.add.f32.msk $0xffff, v2  }
0x125: {  	v10 =	vor.u32 $0x80000000, v10;
	v11 =	vshra.s32 v15, $0x1F;
	v9 =	vshrl.u32 v9, $0x10;
	v12 =	vld [tilespmem:s24+$0xFFFFFF20]  }
0x126: {  	v8 =	vxor.u32 v8, v10;
	v10 =	vor.u32 $0x80000000, v11;
	v11 =	vld [tilespmem:s24+$0xFFFFFFA0]  }
0x127: {  	v8 =	vshrl.u32 v8, $0x10;
	v10 =	vxor.u32 v15, v10;
	v13 =	vld [tilespmem:s24+$0x20]  }
0x128: {  	[tilespmem:v5+s17+$0x0] =	vst.idx.add.f32.msk $0xffff, v2;
	v5 =	vshrl.u32 v10, $0x10  }
0x129: {  	v10 =	vld [tilespmem:s28+$0xFFFFFF50]  }
0x12a: {  	[tilespmem:v9+s17+$0x0] =	vst.idx.add.f32.msk $0xffff, v2;
	v9 =	vshra.s32 v12, $0x1F  }
0x12b: {  	v14 =	vld [tilespmem:s28+$0xE0];
	v9 =	vor.u32 $0x80000000, v9;
	v15 =	vshra.s32 v11, $0x1F  }
0x12c: {  	[tilespmem:v8+s17+$0x0] =	vst.idx.add.f32.msk $0xffff, v2;
	v8 =	vxor.u32 v12, v9;
	v9 =	vor.u32 $0x80000000, v15;
	v12 =	vshra.s32 v13, $0x1F  }
0x12d: {  	[tilespmem:v5+s17+$0x0] =	vst.idx.add.f32.msk $0xffff, v2;
	v5 =	vshrl.u32 v8, $0x10;
	v8 =	vxor.u32 v11, v9;
	v9 =	vor.u32 $0x80000000, v12  }
0x12e: {  	v11 =	vshra.s32 v10, $0x1F;
	v12 =	vld [tilespmem:s28+$0xFFFFFFD0];
	v8 =	vshrl.u32 v8, $0x10;
	v9 =	vxor.u32 v13, v9  }
0x12f: {  	v11 =	vor.u32 $0x80000000, v11;
	v13 =	vld [tilespmem:s28+$0x50];
	v9 =	vshrl.u32 v9, $0x10  }
0x130: {  	v10 =	vxor.u32 v10, v11;
	v11 =	vshra.s32 v14, $0x1F;
	[tilespmem:v6+s17+$0x0] =	vst.idx.add.f32.msk $0xffff, v2  }
0x131: {  	v10 =	vshrl.u32 v10, $0x10;
	v6 =	vor.u32 $0x80000000, v11;
	[tilespmem:v7+s17+$0x0] =	vst.idx.add.f32.msk $0xffff, v2  }
.Ltmp1:
0x132: {  	v6 =	vxor.u32 v14, v6;
	[tilespmem:v5+s17+$0x0] =	vst.idx.add.f32.msk $0xffff, v2;
	(pc) =	sbr.rel @p0 .LBB2_5-.Ltmp1, $4  }
0x133: {  	v5 =	vshra.s32 v12, $0x1F;
	v6 =	vshrl.u32 v6, $0x10;
	[tilespmem:v8+s17+$0x0] =	vst.idx.add.f32.msk $0xffff, v2  }
0x134: {  	v5 =	vor.u32 $0x80000000, v5;
	v7 =	vshra.s32 v13, $0x1F;
	[tilespmem:v9+s17+$0x0] =	vst.idx.add.f32.msk $0xffff, v2  }
0x135: {  	v8 =	vxor.u32 v12, v5;
	v9 =	vor.u32 $0x80000000, v7;
	v5 =	vld [tilespmem:s24+$0xFFFFFF30]  }
0x136: {  	s28 =	sadd.s32 $0x200, s28;
	[tilespmem:v10+s17+$0x0] =	vst.idx.add.f32.msk $0xffff, v2;
	v7 =	vshrl.u32 v8, $0x10;
	v8 =	vxor.u32 v13, v9  }
0x137: {  	_ =	sdelay $0x2  }
0x138: {  	v8 =	vshrl.u32 v8, $0x10  }
0x139: {  	[tilespmem:v7+s17+$0x0] =	vst.idx.add.f32.msk $0xffff, v2  }
0x13a: {  	v7 =	vld [tilespmem:s25+$0xFFFFFF60];
	_ =	sdelay $0x1  }
0x13b: {  	v9 =	vld [tilespmem:s25+$0xFFFFFFE0]  }
0x13c: {  	[tilespmem:v8+s17+$0x0] =	vst.idx.add.f32.msk $0xffff, v2  }
0x13d: {  	v8 =	vld [tilespmem:s25+$0x60]  }
0x13e: {  	v10 =	vshra.s32 v7, $0x1F  }
0x13f: {  	v10 =	vor.u32 $0x80000000, v10  }
0x140: {  	v11 =	vshra.s32 v9, $0x1F;
	v7 =	vxor.u32 v7, v10  }
0x141: {  	v10 =	vor.u32 $0x80000000, v11;
	v7 =	vshrl.u32 v7, $0x10  }
0x142: {  	v9 =	vxor.u32 v9, v10;
	v11 =	vshra.s32 v8, $0x1F  }
0x143: {  	v9 =	vshrl.u32 v9, $0x10;
	v10 =	vor.u32 $0x80000000, v11  }
0x144: {  	v8 =	vxor.u32 v8, v10  }
0x145: {  	[tilespmem:v6+s17+$0x0] =	vst.idx.add.f32.msk $0xffff, v2;
	v6 =	vshrl.u32 v8, $0x10  }
0x146: {  	[tilespmem:v7+s17+$0x0] =	vst.idx.add.f32.msk $0xffff, v2  }
0x147: {  	v8 =	vld [tilespmem:s25+$0xF0]  }
0x148: {  	[tilespmem:v9+s17+$0x0] =	vst.idx.add.f32.msk $0xffff, v2  }
0x149: {  	v7 =	vld [tilespmem:s25+$0xFFFFFF70]  }
0x14a: {  	[tilespmem:v6+s17+$0x0] =	vst.idx.add.f32.msk $0xffff, v2  }
0x14b: {  	v6 =	vld [tilespmem:s25+$0xFFFFFFF0]  }
0x14c: {  	v9 =	vshra.s32 v8, $0x1F  }
0x14d: {  	v10 =	vld [tilespmem:s25+$0x70];
	v9 =	vor.u32 $0x80000000, v9  }
0x14e: {  	v8 =	vxor.u32 v8, v9;
	v9 =	vshra.s32 v7, $0x1F  }
0x14f: {  	v8 =	vshrl.u32 v8, $0x10;
	v9 =	vor.u32 $0x80000000, v9  }
0x150: {  	v7 =	vxor.u32 v7, v9;
	v9 =	vshra.s32 v6, $0x1F  }
0x151: {  	v7 =	vshrl.u32 v7, $0x10;
	v9 =	vor.u32 $0x80000000, v9  }
0x152: {  	v11 =	vshra.s32 v10, $0x1F;
	v6 =	vxor.u32 v6, v9  }
0x153: {  	v9 =	vor.u32 $0x80000000, v11;
	v6 =	vshrl.u32 v6, $0x10  }
0x154: {  	s30 =	sadd.s32 $0x200, s24;
	v9 =	vxor.u32 v10, v9;
	[tilespmem:v8+s17+$0x0] =	vst.idx.add.f32.msk $0xffff, v2  }
0x155: {  	v8 =	vshrl.u32 v9, $0x10;
	v9 =	vld [tilespmem:s30+$0x80]  }
0x156: {  	[tilespmem:v7+s17+$0x0] =	vst.idx.add.f32.msk $0xffff, v2  }
0x157: {  	v7 =	vld [tilespmem:s30+$0xFFFFFF00]  }
0x158: {  	[tilespmem:v6+s17+$0x0] =	vst.idx.add.f32.msk $0xffff, v2  }
0x159: {  	v6 =	vld [tilespmem:s30+$0xFFFFFF80];
	_ =	sdelay $0x1  }
0x15a: {  	v10 =	vshra.s32 v9, $0x1F  }
0x15b: {  	[tilespmem:v8+s17+$0x0] =	vst.idx.add.f32.msk $0xffff, v2;
	v10 =	vor.u32 $0x80000000, v10  }
0x15c: {  	v8 =	vld [tilespmem:s30+$0x0];
	v9 =	vxor.u32 v9, v10;
	v10 =	vshra.s32 v7, $0x1F  }
0x15d: {  	v9 =	vshrl.u32 v9, $0x10;
	v10 =	vor.u32 $0x80000000, v10;
	v11 =	vshra.s32 v6, $0x1F  }
0x15e: {  	v7 =	vxor.u32 v7, v10;
	v10 =	vor.u32 $0x80000000, v11  }
0x15f: {  	v7 =	vshrl.u32 v7, $0x10;
	v6 =	vxor.u32 v6, v10  }
0x160: {  	v6 =	vshrl.u32 v6, $0x10  }
0x161: {  	v11 =	vshra.s32 v8, $0x1F  }
0x162: {  	v10 =	vor.u32 $0x80000000, v11;
	[tilespmem:v9+s17+$0x0] =	vst.idx.add.f32.msk $0xffff, v2  }
0x163: {  	v8 =	vxor.u32 v8, v10;
	v9 =	vld [tilespmem:s30+$0x90]  }
0x164: {  	v8 =	vshrl.u32 v8, $0x10;
	[tilespmem:v7+s17+$0x0] =	vst.idx.add.f32.msk $0xffff, v2  }
0x165: {  	[tilespmem:v6+s17+$0x0] =	vst.idx.add.f32.msk $0xffff, v2  }
0x166: {  	v6 =	vld [tilespmem:s30+$0xFFFFFF10]  }
0x167: {  	v7 =	vld [tilespmem:s30+$0xFFFFFF90];
	_ =	sdelay $0x1  }
0x168: {  	[tilespmem:v8+s17+$0x0] =	vst.idx.add.f32.msk $0xffff, v2;
	v10 =	vshra.s32 v9, $0x1F  }
0x169: {  	v8 =	vld [tilespmem:s30+$0x10];
	v10 =	vor.u32 $0x80000000, v10  }
0x16a: {  	v9 =	vxor.u32 v9, v10;
	v10 =	vshra.s32 v6, $0x1F  }
0x16b: {  	v9 =	vshrl.u32 v9, $0x10;
	v10 =	vor.u32 $0x80000000, v10;
	v11 =	vshra.s32 v7, $0x1F  }
0x16c: {  	v6 =	vxor.u32 v6, v10;
	v10 =	vor.u32 $0x80000000, v11  }
0x16d: {  	v6 =	vshrl.u32 v6, $0x10;
	v7 =	vxor.u32 v7, v10  }
0x16e: {  	v11 =	vshra.s32 v8, $0x1F;
	v7 =	vshrl.u32 v7, $0x10  }
0x16f: {  	v10 =	vor.u32 $0x80000000, v11  }
0x170: {  	v8 =	vxor.u32 v8, v10;
	[tilespmem:v9+s17+$0x0] =	vst.idx.add.f32.msk $0xffff, v2  }
0x171: {  	v8 =	vshrl.u32 v8, $0x10;
	v9 =	vld [tilespmem:s30+$0xA0]  }
0x172: {  	[tilespmem:v6+s17+$0x0] =	vst.idx.add.f32.msk $0xffff, v2  }
0x173: {  	[tilespmem:v7+s17+$0x0] =	vst.idx.add.f32.msk $0xffff, v2  }
0x174: {  	v6 =	vld [tilespmem:s30+$0xFFFFFF20]  }
0x175: {  	v7 =	vld [tilespmem:s30+$0xFFFFFFA0]  }
0x176: {  	[tilespmem:v8+s17+$0x0] =	vst.idx.add.f32.msk $0xffff, v2  }
0x177: {  	v10 =	vshra.s32 v9, $0x1F;
	v8 =	vld [tilespmem:s30+$0x20]  }
0x178: {  	v10 =	vor.u32 $0x80000000, v10  }
0x179: {  	v9 =	vxor.u32 v9, v10;
	v10 =	vshra.s32 v6, $0x1F  }
0x17a: {  	v9 =	vshrl.u32 v9, $0x10;
	v10 =	vor.u32 $0x80000000, v10;
	v11 =	vshra.s32 v7, $0x1F  }
0x17b: {  	v6 =	vxor.u32 v6, v10;
	v10 =	vor.u32 $0x80000000, v11  }
0x17c: {  	v11 =	vshra.s32 v8, $0x1F;
	v6 =	vshrl.u32 v6, $0x10;
	v7 =	vxor.u32 v7, v10  }
0x17d: {  	v10 =	vor.u32 $0x80000000, v11;
	v11 =	vld [tilespmem:s24+$0xFFFFFFB0];
	v7 =	vshrl.u32 v7, $0x10  }
0x17e: {  	v8 =	vxor.u32 v8, v10;
	v10 =	vld [tilespmem:s24+$0x30]  }
0x17f: {  	[tilespmem:v9+s17+$0x0] =	vst.idx.add.f32.msk $0xffff, v2;
	v8 =	vshrl.u32 v8, $0x10  }
0x180: {  	v9 =	vld [tilespmem:s30+$0xB0]  }
0x181: {  	[tilespmem:v6+s17+$0x0] =	vst.idx.add.f32.msk $0xffff, v2  }
0x182: {  	[tilespmem:v7+s17+$0x0] =	vst.idx.add.f32.msk $0xffff, v2  }
0x183: {  	v6 =	vshra.s32 v5, $0x1F;
	v7 =	vld [tilespmem:s30+$0xFFFFFF30]  }
0x184: {  	v6 =	vor.u32 $0x80000000, v6;
	[tilespmem:v8+s17+$0x0] =	vst.idx.add.f32.msk $0xffff, v2  }
0x185: {  	v12 =	vshra.s32 v11, $0x1F;
	v5 =	vxor.u32 v5, v6;
	v6 =	vshra.s32 v9, $0x1F;
	v8 =	vld [tilespmem:s30+$0xFFFFFFB0]  }
0x186: {  	v12 =	vor.u32 $0x80000000, v12;
	v6 =	vor.u32 $0x80000000, v6;
	v13 =	vld [tilespmem:s30+$0x30]  }
0x187: {  	v14 =	vshra.s32 v10, $0x1F;
	v5 =	vshrl.u32 v5, $0x10;
	v6 =	vxor.u32 v9, v6  }
0x188: {  	v9 =	vxor.u32 v11, v12;
	v11 =	vor.u32 $0x80000000, v14;
	v6 =	vshrl.u32 v6, $0x10  }
0x189: {  	v9 =	vshrl.u32 v9, $0x10;
	v10 =	vxor.u32 v10, v11;
	v11 =	vshra.s32 v7, $0x1F  }
0x18a: {  	v10 =	vshrl.u32 v10, $0x10;
	v11 =	vor.u32 $0x80000000, v11;
	v32 =	vshra.s32 v8, $0x1F  }
0x18b: {  	v7 =	vxor.u32 v7, v11;
	v11 =	vor.u32 $0x80000000, v32;
	v33 =	vshra.s32 v13, $0x1F  }
0x18c: {  	v7 =	vshrl.u32 v7, $0x10;
	v8 =	vxor.u32 v8, v11;
	v11 =	vor.u32 $0x80000000, v33  }
0x18d: {  	[tilespmem:v6+s17+$0x0] =	vst.idx.add.f32.msk $0xffff, v2;
	v6 =	vshrl.u32 v8, $0x10;
	v8 =	vxor.u32 v13, v11  }
0x18e: {  	[tilespmem:v5+s17+$0x0] =	vst.idx.add.f32.msk $0xffff, v2;
	v5 =	vshrl.u32 v8, $0x10  }
0x18f: {  	[tilespmem:v9+s17+$0x0] =	vst.idx.add.f32.msk $0xffff, v2  }
0x190: {  	p0 =	seq.s32 s22, $0xD;
	[tilespmem:v10+s17+$0x0] =	vst.idx.add.f32.msk $0xffff, v2  }
0x191: {  	s23 =	sadd.s32 @!p0 s23, s8;
	[tilespmem:v7+s17+$0x0] =	vst.idx.add.f32.msk $0xffff, v2  }
0x192: {  	s26 =	simm.s32 @!p0 $0x800;
	s23 =	sshrl.u32 @!p0 s23, $0x3;
	[tilespmem:v6+s17+$0x0] =	vst.idx.add.f32.msk $0xffff, v2  }
0x193: {  	s28 =	simm.s32 @!p0 $0x0;
	s25 =	simm.s32 @!p0 $0x400;
	s24 =	sadd.s32 @!p0 s2, s23;
	[tilespmem:v5+s17+$0x0] =	vst.idx.add.f32.msk $0xffff, v2  }
0x194: {  	[tilespmem:s28], [sflag:$0x1] =	stream.strided.gather @!p0 [hbm4b:s24+s25], $0x3800, s26, s25, $0x38;
	[tilespmem:$0x1E080] =	vst v63  }
0x195: {  	s23 =	sadd.s32 @!p0 s23, s4;
	s24 =	simm.s32 @!p0 $0x7000  }
0x196: {  	[tilespmem:s24], [sflag:$0x1] =	stream.strided.gather @!p0 [hbm4b:s23+s25], $0x3800, s26, s25, $0x38;
	[tilespmem:$0x1E080] =	vst v63  }
0x197: {  	_ =	swait.ge [sflag:s18], $0x3800  }
0x198: {  	[sflag:s18] =	ssyncset.done $0x0  }
0x199: {  	[sflag:s18] =	ssyncadd.s32 $0xFFFFC800  }
0x19a: {  	_ =	swait.ge [sflag:s18], $0x3800  }
0x19b: {  	[sflag:s18] =	ssyncset.done $0x0  }
0x19c: {  	s31 =	simm.s32 $0x3900;
	[sflag:s18] =	ssyncadd.s32 $0xFFFFC800  }
0x19d: {  	v5 =	vld [tilespmem:s31+$0x80];
	_ =	sdelay $0x4  }
0x19e: {  	v6 =	vshra.s32 v5, $0x1F  }
0x19f: {  	v6 =	vor.u32 $0x80000000, v6  }
0x1a0: {  	v5 =	vxor.u32 v5, v6  }
0x1a1: {  	v5 =	vshrl.u32 v5, $0x10;
	_ =	sdelay $0x4  }
0x1a2: {  	[tilespmem:v5+s17+$0x0] =	vst.idx.add.f32.msk $0xffff, v2  }
0x1a3: {  	v5 =	vld [tilespmem:s31+$0x90];
	_ =	sdelay $0x4  }
0x1a4: {  	v6 =	vld [tilespmem:s31+$0xFFFFFF00];
	v7 =	vshra.s32 v5, $0x1F  }
0x1a5: {  	v7 =	vor.u32 $0x80000000, v7  }
0x1a6: {  	v8 =	vld [tilespmem:s31+$0xFFFFFF80];
	v5 =	vxor.u32 v5, v7  }
0x1a7: {  	v5 =	vshrl.u32 v5, $0x10;
	_ =	sdelay $0x1  }
0x1a8: {  	v7 =	vshra.s32 v6, $0x1F  }
0x1a9: {  	v7 =	vor.u32 $0x80000000, v7  }
0x1aa: {  	v9 =	vld [tilespmem:s31+$0x0];
	v10 =	vshra.s32 v8, $0x1F;
	v6 =	vxor.u32 v6, v7  }
0x1ab: {  	v7 =	vor.u32 $0x80000000, v10;
	v6 =	vshrl.u32 v6, $0x10;
	[tilespmem:v5+s17+$0x0] =	vst.idx.add.f32.msk $0xffff, v2  }
0x1ac: {  	v5 =	vxor.u32 v8, v7;
	v7 =	vld [tilespmem:s31+$0xA0]  }
0x1ad: {  	v5 =	vshrl.u32 v5, $0x10;
	_ =	sdelay $0x1  }
0x1ae: {  	v8 =	vshra.s32 v9, $0x1F  }
0x1af: {  	v8 =	vor.u32 $0x80000000, v8;
	[tilespmem:v6+s17+$0x0] =	vst.idx.add.f32.msk $0xffff, v2  }
0x1b0: {  	v6 =	vxor.u32 v9, v8;
	v8 =	vld [tilespmem:s31+$0xFFFFFF10];
	v9 =	vshra.s32 v7, $0x1F  }
0x1b1: {  	v6 =	vshrl.u32 v6, $0x10;
	[tilespmem:v5+s17+$0x0] =	vst.idx.add.f32.msk $0xffff, v2;
	v5 =	vor.u32 $0x80000000, v9  }
0x1b2: {  	v9 =	vld [tilespmem:s31+$0xFFFFFF90];
	v5 =	vxor.u32 v7, v5  }
0x1b3: {  	v5 =	vshrl.u32 v5, $0x10;
	_ =	sdelay $0x1  }
0x1b4: {  	v7 =	vshra.s32 v8, $0x1F  }
0x1b5: {  	[tilespmem:v6+s17+$0x0] =	vst.idx.add.f32.msk $0xffff, v2;
	v6 =	vor.u32 $0x80000000, v7  }
0x1b6: {  	v7 =	vld [tilespmem:s31+$0x10];
	v6 =	vxor.u32 v8, v6;
	v10 =	vshra.s32 v9, $0x1F  }
0x1b7: {  	v6 =	vshrl.u32 v6, $0x10;
	v8 =	vor.u32 $0x80000000, v10;
	[tilespmem:v5+s17+$0x0] =	vst.idx.add.f32.msk $0xffff, v2  }
0x1b8: {  	v5 =	vxor.u32 v9, v8;
	v8 =	vld [tilespmem:s31+$0xB0]  }
0x1b9: {  	v5 =	vshrl.u32 v5, $0x10;
	_ =	sdelay $0x1  }
0x1ba: {  	v9 =	vshra.s32 v7, $0x1F  }
0x1bb: {  	v9 =	vor.u32 $0x80000000, v9;
	[tilespmem:v6+s17+$0x0] =	vst.idx.add.f32.msk $0xffff, v2  }
0x1bc: {  	v6 =	vxor.u32 v7, v9;
	v7 =	vld [tilespmem:s31+$0xFFFFFF20];
	v9 =	vshra.s32 v8, $0x1F  }
0x1bd: {  	v6 =	vshrl.u32 v6, $0x10;
	[tilespmem:v5+s17+$0x0] =	vst.idx.add.f32.msk $0xffff, v2;
	v5 =	vor.u32 $0x80000000, v9  }
0x1be: {  	v9 =	vld [tilespmem:s31+$0xFFFFFFA0];
	v5 =	vxor.u32 v8, v5  }
0x1bf: {  	v5 =	vshrl.u32 v5, $0x10;
	_ =	sdelay $0x1  }
0x1c0: {  	v8 =	vshra.s32 v7, $0x1F  }
0x1c1: {  	[tilespmem:v6+s17+$0x0] =	vst.idx.add.f32.msk $0xffff, v2;
	v6 =	vor.u32 $0x80000000, v8  }
0x1c2: {  	v8 =	vld [tilespmem:s31+$0x20];
	v6 =	vxor.u32 v7, v6;
	v10 =	vshra.s32 v9, $0x1F  }
0x1c3: {  	v6 =	vshrl.u32 v6, $0x10;
	v7 =	vor.u32 $0x80000000, v10;
	[tilespmem:v5+s17+$0x0] =	vst.idx.add.f32.msk $0xffff, v2  }
0x1c4: {  	v5 =	vxor.u32 v9, v7;
	v7 =	vld [tilespmem:s31+$0xC0]  }
0x1c5: {  	v5 =	vshrl.u32 v5, $0x10;
	_ =	sdelay $0x1  }
0x1c6: {  	v9 =	vshra.s32 v8, $0x1F  }
0x1c7: {  	v9 =	vor.u32 $0x80000000, v9;
	[tilespmem:v6+s17+$0x0] =	vst.idx.add.f32.msk $0xffff, v2  }
0x1c8: {  	v6 =	vxor.u32 v8, v9;
	v8 =	vld [tilespmem:s31+$0xFFFFFF30];
	v9 =	vshra.s32 v7, $0x1F  }
0x1c9: {  	v6 =	vshrl.u32 v6, $0x10;
	[tilespmem:v5+s17+$0x0] =	vst.idx.add.f32.msk $0xffff, v2;
	v5 =	vor.u32 $0x80000000, v9  }
0x1ca: {  	v9 =	vld [tilespmem:s31+$0xFFFFFFB0];
	v5 =	vxor.u32 v7, v5  }
0x1cb: {  	v5 =	vshrl.u32 v5, $0x10;
	_ =	sdelay $0x1  }
0x1cc: {  	v7 =	vshra.s32 v8, $0x1F  }
0x1cd: {  	[tilespmem:v6+s17+$0x0] =	vst.idx.add.f32.msk $0xffff, v2;
	v6 =	vor.u32 $0x80000000, v7  }
0x1ce: {  	v7 =	vld [tilespmem:s31+$0x30];
	v6 =	vxor.u32 v8, v6;
	v10 =	vshra.s32 v9, $0x1F  }
0x1cf: {  	v6 =	vshrl.u32 v6, $0x10;
	v8 =	vor.u32 $0x80000000, v10;
	[tilespmem:v5+s17+$0x0] =	vst.idx.add.f32.msk $0xffff, v2  }
0x1d0: {  	v5 =	vxor.u32 v9, v8;
	v8 =	vld [tilespmem:s31+$0xD0]  }
0x1d1: {  	v5 =	vshrl.u32 v5, $0x10;
	_ =	sdelay $0x1  }
0x1d2: {  	v9 =	vshra.s32 v7, $0x1F  }
0x1d3: {  	v9 =	vor.u32 $0x80000000, v9;
	[tilespmem:v6+s17+$0x0] =	vst.idx.add.f32.msk $0xffff, v2  }
0x1d4: {  	v6 =	vxor.u32 v7, v9;
	v7 =	vld [tilespmem:s31+$0xFFFFFF40];
	v9 =	vshra.s32 v8, $0x1F  }
0x1d5: {  	v6 =	vshrl.u32 v6, $0x10;
	[tilespmem:v5+s17+$0x0] =	vst.idx.add.f32.msk $0xffff, v2;
	v5 =	vor.u32 $0x80000000, v9  }
0x1d6: {  	v9 =	vld [tilespmem:s31+$0xFFFFFFC0];
	v5 =	vxor.u32 v8, v5  }
0x1d7: {  	v5 =	vshrl.u32 v5, $0x10;
	_ =	sdelay $0x1  }
0x1d8: {  	v8 =	vshra.s32 v7, $0x1F  }
0x1d9: {  	[tilespmem:v6+s17+$0x0] =	vst.idx.add.f32.msk $0xffff, v2;
	v6 =	vor.u32 $0x80000000, v8  }
0x1da: {  	v8 =	vld [tilespmem:s31+$0x40];
	v6 =	vxor.u32 v7, v6;
	v7 =	vshra.s32 v9, $0x1F  }
0x1db: {  	v6 =	vshrl.u32 v6, $0x10;
	v7 =	vor.u32 $0x80000000, v7;
	[tilespmem:v5+s17+$0x0] =	vst.idx.add.f32.msk $0xffff, v2  }
0x1dc: {  	v5 =	vxor.u32 v9, v7;
	v7 =	vld [tilespmem:s31+$0xE0]  }
0x1dd: {  	v5 =	vshrl.u32 v5, $0x10;
	_ =	sdelay $0x1  }
0x1de: {  	v9 =	vshra.s32 v8, $0x1F  }
0x1df: {  	v9 =	vor.u32 $0x80000000, v9;
	[tilespmem:v6+s17+$0x0] =	vst.idx.add.f32.msk $0xffff, v2  }
0x1e0: {  	v6 =	vxor.u32 v8, v9;
	v8 =	vld [tilespmem:s31+$0xFFFFFF50];
	v9 =	vshra.s32 v7, $0x1F  }
0x1e1: {  	v6 =	vshrl.u32 v6, $0x10;
	[tilespmem:v5+s17+$0x0] =	vst.idx.add.f32.msk $0xffff, v2;
	v5 =	vor.u32 $0x80000000, v9  }
0x1e2: {  	v9 =	vld [tilespmem:s31+$0xFFFFFFD0];
	v5 =	vxor.u32 v7, v5  }
0x1e3: {  	v5 =	vshrl.u32 v5, $0x10  }
0x1e4: {  	s24 =	simm.s32 $0x3B00  }
0x1e5: {  	v7 =	vld [tilespmem:s24+$0x80]  }
0x1e6: {  	[tilespmem:v6+s17+$0x0] =	vst.idx.add.f32.msk $0xffff, v2;
	v6 =	vshra.s32 v8, $0x1F  }
0x1e7: {  	v6 =	vor.u32 $0x80000000, v6;
	v10 =	vld [tilespmem:s31+$0x50];
	v11 =	vshra.s32 v9, $0x1F  }
0x1e8: {  	v6 =	vxor.u32 v8, v6;
	v8 =	vor.u32 $0x80000000, v11;
	[tilespmem:v5+s17+$0x0] =	vst.idx.add.f32.msk $0xffff, v2  }
0x1e9: {  	v5 =	vshrl.u32 v6, $0x10;
	v6 =	vxor.u32 v9, v8;
	v8 =	vld [tilespmem:s31+$0xF0]  }
0x1ea: {  	v9 =	vshra.s32 v7, $0x1F;
	v6 =	vshrl.u32 v6, $0x10  }
0x1eb: {  	v11 =	vld [tilespmem:s24+$0xFFFFFF80];
	v9 =	vor.u32 $0x80000000, v9  }
0x1ec: {  	v35 =	vld [tilespmem:s24+$0xFFFFFF00];
	v34 =	vshra.s32 v10, $0x1F;
	v7 =	vxor.u32 v7, v9  }
0x1ed: {  	v36 =	vld [tilespmem:s24+$0x0];
	v9 =	vor.u32 $0x80000000, v34;
	v7 =	vshrl.u32 v7, $0x10  }
0x1ee: {  	[tilespmem:v5+s17+$0x0] =	vst.idx.add.f32.msk $0xffff, v2;
	v5 =	vxor.u32 v10, v9;
	v9 =	vshra.s32 v8, $0x1F  }
0x1ef: {  	v5 =	vshrl.u32 v5, $0x10;
	[tilespmem:v6+s17+$0x0] =	vst.idx.add.f32.msk $0xffff, v2;
	v6 =	vor.u32 $0x80000000, v9  }
0x1f0: {  	v10 =	vld [tilespmem:s31+$0xFFFFFF60];
	v9 =	vshra.s32 v11, $0x1F;
	v6 =	vxor.u32 v8, v6  }
0x1f1: {  	v37 =	vshra.s32 v35, $0x1F;
	v8 =	vor.u32 $0x80000000, v9;
	v9 =	vld [tilespmem:s31+$0xFFFFFFE0];
	v6 =	vshrl.u32 v6, $0x10  }
0x1f2: {  	v15 =	vshra.s32 v36, $0x1F;
	v14 =	vor.u32 $0x80000000, v37;
	[tilespmem:v7+s17+$0x0] =	vst.idx.add.f32.msk $0xffff, v2;
	v8 =	vxor.u32 v11, v8  }
0x1f3: {  	v7 =	vor.u32 $0x80000000, v15;
	v11 =	vxor.u32 v35, v14;
	v38 =	vld [tilespmem:s24+$0x90];
	v8 =	vshrl.u32 v8, $0x10  }
0x1f4: {  	[tilespmem:v5+s17+$0x0] =	vst.idx.add.f32.msk $0xffff, v2;
	v5 =	vxor.u32 v36, v7;
	v7 =	vshrl.u32 v11, $0x10  }
0x1f5: {  	v11 =	vld [tilespmem:s31+$0x60];
	v5 =	vshrl.u32 v5, $0x10  }
0x1f6: {  	s23 =	simm.s32 $0xA900;
	v39 =	vshra.s32 v10, $0x1F;
	[tilespmem:v6+s17+$0x0] =	vst.idx.add.f32.msk $0xffff, v2  }
0x1f7: {  	v40 =	vshra.s32 v9, $0x1F;
	v6 =	vor.u32 $0x80000000, v39;
	v41 =	vld [tilespmem:s23+$0x80]  }
0x1f8: {  	v6 =	vxor.u32 v10, v6;
	v10 =	vor.u32 $0x80000000, v40;
	[tilespmem:v8+s17+$0x0] =	vst.idx.add.f32.msk $0xffff, v2;
	v8 =	vshra.s32 v38, $0x1F  }
0x1f9: {  	v6 =	vshrl.u32 v6, $0x10;
	v9 =	vxor.u32 v9, v10;
	[tilespmem:v7+s17+$0x0] =	vst.idx.add.f32.msk $0xffff, v2;
	v7 =	vor.u32 $0x80000000, v8  }
0x1fa: {  	v8 =	vshra.s32 v11, $0x1F;
	v9 =	vshrl.u32 v9, $0x10;
	[tilespmem:v5+s17+$0x0] =	vst.idx.add.f32.msk $0xffff, v2;
	v5 =	vxor.u32 v38, v7  }
0x1fb: {  	v7 =	vor.u32 $0x80000000, v8;
	v8 =	vld [tilespmem:s24+$0xFFFFFF10];
	v5 =	vshrl.u32 v5, $0x10  }
0x1fc: {  	v10 =	vld [tilespmem:s24+$0xFFFFFF90];
	v7 =	vxor.u32 v11, v7;
	v11 =	vshra.s32 v41, $0x1F  }
0x1fd: {  	v42 =	vld [tilespmem:s24+$0x10];
	v7 =	vshrl.u32 v7, $0x10;
	v11 =	vor.u32 $0x80000000, v11  }
0x1fe: {  	[tilespmem:v6+s17+$0x0] =	vst.idx.add.f32.msk $0xffff, v2;
	v6 =	vxor.u32 v41, v11  }
0x1ff: {  	[tilespmem:v9+s17+$0x0] =	vst.idx.add.f32.msk $0xffff, v2;
	v6 =	vshrl.u32 v6, $0x10  }
0x200: {  	v9 =	vshra.s32 v8, $0x1F;
	[tilespmem:v5+s17+$0x0] =	vst.idx.add.f32.msk $0xffff, v2  }
0x201: {  	v5 =	vor.u32 $0x80000000, v9;
	v9 =	vshra.s32 v10, $0x1F;
	v11 =	vld [tilespmem:s24+$0xA0]  }
0x202: {  	[tilespmem:v7+s17+$0x0] =	vst.idx.add.f32.msk $0xffff, v2;
	v5 =	vxor.u32 v8, v5;
	v7 =	vor.u32 $0x80000000, v9;
	v8 =	vshra.s32 v42, $0x1F  }
0x203: {  	v9 =	vld [tilespmem:s31+$0xFFFFFF70];
	v5 =	vshrl.u32 v5, $0x10;
	v7 =	vxor.u32 v10, v7;
	v8 =	vor.u32 $0x80000000, v8  }
0x204: {  	v7 =	vshrl.u32 v7, $0x10;
	v8 =	vxor.u32 v42, v8;
	[tilespmem:v6+s17+$0x0] =	vst.idx.add.f32.msk $0xffff, v2  }
0x205: {  	v6 =	vshrl.u32 v8, $0x10;
	v8 =	vld [tilespmem:s31+$0xFFFFFFF0]  }
0x206: {  	v10 =	vld [tilespmem:s31+$0x70];
	v43 =	vshra.s32 v11, $0x1F  }
0x207: {  	v44 =	vld [tilespmem:s23+$0x90];
	v12 =	vor.u32 $0x80000000, v43  }
0x208: {  	v45 =	vshra.s32 v9, $0x1F;
	[tilespmem:v5+s17+$0x0] =	vst.idx.add.f32.msk $0xffff, v2;
	v5 =	vxor.u32 v11, v12  }
0x209: {  	v11 =	vor.u32 $0x80000000, v45;
	[tilespmem:v7+s17+$0x0] =	vst.idx.add.f32.msk $0xffff, v2;
	v5 =	vshrl.u32 v5, $0x10  }
0x20a: {  	v7 =	vxor.u32 v9, v11;
	[tilespmem:v6+s17+$0x0] =	vst.idx.add.f32.msk $0xffff, v2;
	v6 =	vshra.s32 v8, $0x1F  }
0x20b: {  	v9 =	vld [tilespmem:s24+$0xFFFFFF20];
	v11 =	vshra.s32 v10, $0x1F;
	v7 =	vshrl.u32 v7, $0x10;
	v6 =	vor.u32 $0x80000000, v6  }
0x20c: {  	v46 =	vld [tilespmem:s24+$0xFFFFFFA0];
	v6 =	vxor.u32 v8, v6;
	v8 =	vor.u32 $0x80000000, v11  }
0x20d: {  	v11 =	vld [tilespmem:s24+$0x20];
	v6 =	vshrl.u32 v6, $0x10;
	v8 =	vxor.u32 v10, v8  }
0x20e: {  	v10 =	vshra.s32 v44, $0x1F;
	v8 =	vshrl.u32 v8, $0x10;
	[tilespmem:v5+s17+$0x0] =	vst.idx.add.f32.msk $0xffff, v2  }
0x20f: {  	v5 =	vor.u32 $0x80000000, v10;
	v10 =	vld [tilespmem:s24+$0xB0]  }
0x210: {  	v5 =	vxor.u32 v44, v5;
	[tilespmem:v7+s17+$0x0] =	vst.idx.add.f32.msk $0xffff, v2;
	v7 =	vshra.s32 v9, $0x1F  }
0x211: {  	v48 =	vshra.s32 v46, $0x1F;
	v5 =	vshrl.u32 v5, $0x10;
	v47 =	vld [tilespmem:s23+$0xFFFFFF00];
	v7 =	vor.u32 $0x80000000, v7  }
0x212: {  	v7 =	vxor.u32 v9, v7;
	v9 =	vor.u32 $0x80000000, v48;
	[tilespmem:v6+s17+$0x0] =	vst.idx.add.f32.msk $0xffff, v2  }
0x213: {  	v6 =	vshrl.u32 v7, $0x10;
	v7 =	vxor.u32 v46, v9;
	[tilespmem:v8+s17+$0x0] =	vst.idx.add.f32.msk $0xffff, v2  }
0x214: {  	v7 =	vshrl.u32 v7, $0x10;
	v9 =	vld [tilespmem:s23+$0xFFFFFF80];
	v8 =	vshra.s32 v10, $0x1F  }
0x215: {  	v49 =	vld [tilespmem:s23+$0x0];
	v8 =	vor.u32 $0x80000000, v8  }
0x216: {  	v50 =	vshra.s32 v11, $0x1F;
	[tilespmem:v5+s17+$0x0] =	vst.idx.add.f32.msk $0xffff, v2;
	v5 =	vxor.u32 v10, v8  }
0x217: {  	v8 =	vor.u32 $0x80000000, v50;
	v10 =	vld [tilespmem:s23+$0xA0];
	v5 =	vshrl.u32 v5, $0x10  }
0x218: {  	v8 =	vxor.u32 v11, v8;
	v11 =	vshra.s32 v47, $0x1F;
	[tilespmem:v6+s17+$0x0] =	vst.idx.add.f32.msk $0xffff, v2  }
0x219: {  	v6 =	vshrl.u32 v8, $0x10;
	v8 =	vor.u32 $0x80000000, v11;
	[tilespmem:v7+s17+$0x0] =	vst.idx.add.f32.msk $0xffff, v2;
	v7 =	vshra.s32 v9, $0x1F  }
0x21a: {  	v11 =	vld [tilespmem:s24+$0xFFFFFF30];
	v8 =	vxor.u32 v47, v8;
	v7 =	vor.u32 $0x80000000, v7;
	v51 =	vshra.s32 v49, $0x1F  }
0x21b: {  	v52 =	vld [tilespmem:s24+$0xFFFFFFB0];
	v8 =	vshrl.u32 v8, $0x10;
	v7 =	vxor.u32 v9, v7;
	v9 =	vor.u32 $0x80000000, v51  }
0x21c: {  	[tilespmem:v5+s17+$0x0] =	vst.idx.add.f32.msk $0xffff, v2;
	v5 =	vshrl.u32 v7, $0x10;
	v7 =	vxor.u32 v49, v9  }
0x21d: {  	v9 =	vld [tilespmem:s24+$0xC0];
	v7 =	vshrl.u32 v7, $0x10  }
0x21e: {  	v53 =	vshra.s32 v10, $0x1F;
	[tilespmem:v6+s17+$0x0] =	vst.idx.add.f32.msk $0xffff, v2  }
0x21f: {  	v6 =	vor.u32 $0x80000000, v53;
	v55 =	vshra.s32 v11, $0x1F;
	v54 =	vld [tilespmem:s24+$0x30]  }
0x220: {  	v6 =	vxor.u32 v10, v6;
	v10 =	vor.u32 $0x80000000, v55;
	v56 =	vshra.s32 v52, $0x1F;
	[tilespmem:v8+s17+$0x0] =	vst.idx.add.f32.msk $0xffff, v2  }
0x221: {  	v6 =	vshrl.u32 v6, $0x10;
	v8 =	vxor.u32 v11, v10;
	v10 =	vor.u32 $0x80000000, v56;
	[tilespmem:v5+s17+$0x0] =	vst.idx.add.f32.msk $0xffff, v2  }
0x222: {  	v5 =	vshrl.u32 v8, $0x10;
	v8 =	vxor.u32 v52, v10;
	v10 =	vshra.s32 v9, $0x1F;
	[tilespmem:v7+s17+$0x0] =	vst.idx.add.f32.msk $0xffff, v2  }
0x223: {  	v7 =	vshrl.u32 v8, $0x10;
	v8 =	vor.u32 $0x80000000, v10;
	v10 =	vld [tilespmem:s23+$0xFFFFFF10]  }
0x224: {  	v11 =	vshra.s32 v54, $0x1F;
	v8 =	vxor.u32 v9, v8;
	v9 =	vld [tilespmem:s23+$0xFFFFFF90]  }
0x225: {  	v57 =	vld [tilespmem:s23+$0x10];
	v11 =	vor.u32 $0x80000000, v11;
	v8 =	vshrl.u32 v8, $0x10  }
0x226: {  	[tilespmem:v6+s17+$0x0] =	vst.idx.add.f32.msk $0xffff, v2;
	v6 =	vxor.u32 v54, v11  }
0x227: {  	v6 =	vshrl.u32 v6, $0x10;
	[tilespmem:v5+s17+$0x0] =	vst.idx.add.f32.msk $0xffff, v2  }
0x228: {  	[tilespmem:v7+s17+$0x0] =	vst.idx.add.f32.msk $0xffff, v2;
	v5 =	vshra.s32 v10, $0x1F  }
0x229: {  	v7 =	vld [tilespmem:s24+$0xFFFFFF40];
	v5 =	vor.u32 $0x80000000, v5;
	v11 =	vshra.s32 v9, $0x1F  }
0x22a: {  	[tilespmem:v8+s17+$0x0] =	vst.idx.add.f32.msk $0xffff, v2;
	v5 =	vxor.u32 v10, v5;
	v8 =	vor.u32 $0x80000000, v11  }
0x22b: {  	v10 =	vshra.s32 v57, $0x1F;
	v11 =	vld [tilespmem:s24+$0xD0];
	v5 =	vshrl.u32 v5, $0x10;
	v8 =	vxor.u32 v9, v8  }
0x22c: {  	v9 =	vor.u32 $0x80000000, v10;
	[tilespmem:v6+s17+$0x0] =	vst.idx.add.f32.msk $0xffff, v2;
	v6 =	vshrl.u32 v8, $0x10  }
0x22d: {  	v8 =	vxor.u32 v57, v9;
	v9 =	vld [tilespmem:s24+$0xFFFFFFC0]  }
0x22e: {  	v10 =	vshra.s32 v7, $0x1F;
	v58 =	vld [tilespmem:s24+$0x40];
	v8 =	vshrl.u32 v8, $0x10  }
0x22f: {  	v59 =	vld [tilespmem:s23+$0xB0];
	v10 =	vor.u32 $0x80000000, v10  }
0x230: {  	v7 =	vxor.u32 v7, v10;
	v10 =	vshra.s32 v11, $0x1F;
	[tilespmem:v5+s17+$0x0] =	vst.idx.add.f32.msk $0xffff, v2  }
0x231: {  	v5 =	vshrl.u32 v7, $0x10;
	v7 =	vor.u32 $0x80000000, v10;
	[tilespmem:v6+s17+$0x0] =	vst.idx.add.f32.msk $0xffff, v2  }
0x232: {  	v6 =	vshra.s32 v9, $0x1F;
	v10 =	vld [tilespmem:s23+$0xFFFFFF20];
	v7 =	vxor.u32 v11, v7  }
0x233: {  	[tilespmem:v8+s17+$0x0] =	vst.idx.add.f32.msk $0xffff, v2;
	v6 =	vor.u32 $0x80000000, v6;
	v8 =	vshra.s32 v58, $0x1F;
	v7 =	vshrl.u32 v7, $0x10  }
0x234: {  	v6 =	vxor.u32 v9, v6;
	v8 =	vor.u32 $0x80000000, v8;
	v9 =	vld [tilespmem:s23+$0xFFFFFFA0]  }
0x235: {  	v11 =	vld [tilespmem:s23+$0x20];
	v6 =	vshrl.u32 v6, $0x10;
	v8 =	vxor.u32 v58, v8  }
0x236: {  	v60 =	vshra.s32 v59, $0x1F;
	[tilespmem:v5+s17+$0x0] =	vst.idx.add.f32.msk $0xffff, v2;
	v5 =	vshrl.u32 v8, $0x10  }
0x237: {  	v8 =	vor.u32 $0x80000000, v60;
	v61 =	vld [tilespmem:s24+$0xFFFFFF50]  }
0x238: {  	v8 =	vxor.u32 v59, v8;
	[tilespmem:v7+s17+$0x0] =	vst.idx.add.f32.msk $0xffff, v2;
	v7 =	vshra.s32 v10, $0x1F  }
0x239: {  	v8 =	vshrl.u32 v8, $0x10;
	v63 =	vshra.s32 v9, $0x1F;
	v62 =	vld [tilespmem:s24+$0xE0];
	v7 =	vor.u32 $0x80000000, v7  }
0x23a: {  	[tilespmem:v6+s17+$0x0] =	vst.idx.add.f32.msk $0xffff, v2;
	v6 =	vxor.u32 v10, v7;
	v7 =	vor.u32 $0x80000000, v63;
	v10 =	vshra.s32 v11, $0x1F  }
0x23b: {  	[tilespmem:v5+s17+$0x0] =	vst.idx.add.f32.msk $0xffff, v2;
	v5 =	vshrl.u32 v6, $0x10;
	v6 =	vxor.u32 v9, v7;
	v7 =	vor.u32 $0x80000000, v10  }
0x23c: {  	v10 =	vld [tilespmem:s24+$0xFFFFFFD0];
	v6 =	vshrl.u32 v6, $0x10;
	v7 =	vxor.u32 v11, v7  }
0x23d: {  	v7 =	vshrl.u32 v7, $0x10  }
0x23e: {  	v9 =	vshra.s32 v61, $0x1F;
	v11 =	vld [tilespmem:s24+$0x50]  }
0x23f: {  	v9 =	vor.u32 $0x80000000, v9;
	[tilespmem:v8+s17+$0x0] =	vst.idx.add.f32.msk $0xffff, v2  }
0x240: {  	v9 =	vxor.u32 v61, v9;
	[tilespmem:v5+s17+$0x0] =	vst.idx.add.f32.msk $0xffff, v2;
	v5 =	vshra.s32 v62, $0x1F  }
0x241: {  	v8 =	vshrl.u32 v9, $0x10;
	v9 =	vshra.s32 v10, $0x1F;
	[tilespmem:v6+s17+$0x0] =	vst.idx.add.f32.msk $0xffff, v2;
	v5 =	vor.u32 $0x80000000, v5  }
0x242: {  	v6 =	vor.u32 $0x80000000, v9;
	[tilespmem:v7+s17+$0x0] =	vst.idx.add.f32.msk $0xffff, v2;
	v7 =	vxor.u32 v62, v5  }
0x243: {  	v10 =	vxor.u32 v10, v6;
	v6 =	vshrl.u32 v7, $0x10  }
0x244: {  	v9 =	vshra.s32 v11, $0x1F  }
0x245: {  	v9 =	vor.u32 $0x80000000, v9;
	v5 =	vld [tilespmem:s23+$0xFFFFFF30]  }
0x246: {  	s25 =	simm.s32 $0x4;
	s26 =	simm.s32 $0x3D00;
	[tilespmem:v8+s17+$0x0] =	vst.idx.add.f32.msk $0xffff, v2;
	v7 =	vshrl.u32 v10, $0x10;
	v8 =	vxor.u32 v11, v9  }
.LBB2_7:
0x247: {  	v9 =	vld [tilespmem:s26+$0x80];
	s25 =	sadd.s32 $0x4, s25;
	v8 =	vshrl.u32 v8, $0x10  }
0x248: {  	p0 =	slt.u32 s25, $0x6C;
	[tilespmem:v6+s17+$0x0] =	vst.idx.add.f32.msk $0xffff, v2  }
0x249: {  	v6 =	vld [tilespmem:s24+$0xF0]  }
0x24a: {  	v10 =	vld [tilespmem:s26+$0xFFFFFF80];
	v11 =	vshra.s32 v5, $0x1F  }
0x24b: {  	v12 =	vld [tilespmem:s26+$0x0];
	v11 =	vor.u32 $0x80000000, v11  }
0x24c: {  	v13 =	vld [tilespmem:s26+$0xFFFFFF00];
	v14 =	vshra.s32 v9, $0x1F;
	v5 =	vxor.u32 v5, v11  }
0x24d: {  	v11 =	vor.u32 $0x80000000, v14;
	[tilespmem:v7+s17+$0x0] =	vst.idx.add.f32.msk $0xffff, v2;
	v5 =	vshrl.u32 v5, $0x10  }
0x24e: {  	v7 =	vxor.u32 v9, v11;
	[tilespmem:v8+s17+$0x0] =	vst.idx.add.f32.msk $0xffff, v2;
	v8 =	vshra.s32 v6, $0x1F  }
0x24f: {  	v9 =	vshra.s32 v10, $0x1F;
	v7 =	vshrl.u32 v7, $0x10;
	v11 =	vld [tilespmem:s24+$0xFFFFFF60];
	v8 =	vor.u32 $0x80000000, v8  }
0x250: {  	v9 =	vor.u32 $0x80000000, v9;
	v14 =	vshra.s32 v12, $0x1F;
	v15 =	vld [tilespmem:s24+$0xFFFFFFE0];
	v6 =	vxor.u32 v6, v8  }
0x251: {  	v8 =	vshra.s32 v13, $0x1F;
	v14 =	vor.u32 $0x80000000, v14;
	v16 =	vld [tilespmem:s24+$0x60];
	v6 =	vshrl.u32 v6, $0x10  }
0x252: {  	v9 =	vxor.u32 v10, v9;
	v8 =	vor.u32 $0x80000000, v8;
	v10 =	vxor.u32 v12, v14;
	v12 =	vld [tilespmem:s23+$0xFFFFFFB0]  }
0x253: {  	v9 =	vshrl.u32 v9, $0x10;
	v8 =	vxor.u32 v13, v8;
	v10 =	vshrl.u32 v10, $0x10;
	v13 =	vld [tilespmem:s23+$0x30]  }
0x254: {  	v8 =	vshrl.u32 v8, $0x10;
	[tilespmem:v7+s17+$0x0] =	vst.idx.add.f32.msk $0xffff, v2;
	v7 =	vshra.s32 v11, $0x1F  }
0x255: {  	v14 =	vld [tilespmem:s26+$0x90];
	v7 =	vor.u32 $0x80000000, v7;
	v17 =	vshra.s32 v15, $0x1F  }
0x256: {  	s23 =	sadd.s32 $0x200, s23;
	v7 =	vxor.u32 v11, v7;
	v11 =	vor.u32 $0x80000000, v17;
	v17 =	vshra.s32 v16, $0x1F;
	[tilespmem:v6+s17+$0x0] =	vst.idx.add.f32.msk $0xffff, v2  }
0x257: {  	v18 =	vshrl.u32 v7, $0x10;
	v6 =	vxor.u32 v15, v11;
	v7 =	vor.u32 $0x80000000, v17;
	v11 =	vld [tilespmem:s23+$0x80]  }
0x258: {  	[tilespmem:v9+s17+$0x0] =	vst.idx.add.f32.msk $0xffff, v2;
	v9 =	vshrl.u32 v6, $0x10;
	v6 =	vxor.u32 v16, v7;
	v7 =	vshra.s32 v12, $0x1F  }
0x259: {  	[tilespmem:v8+s17+$0x0] =	vst.idx.add.f32.msk $0xffff, v2;
	v8 =	vshrl.u32 v6, $0x10;
	v6 =	vor.u32 $0x80000000, v7;
	v7 =	vshra.s32 v13, $0x1F  }
0x25a: {  	[tilespmem:v10+s17+$0x0] =	vst.idx.add.f32.msk $0xffff, v2;
	v10 =	vshra.s32 v14, $0x1F;
	v6 =	vxor.u32 v12, v6;
	v7 =	vor.u32 $0x80000000, v7  }
0x25b: {  	v12 =	vld [tilespmem:s26+$0xFFFFFF10];
	v10 =	vor.u32 $0x80000000, v10;
	v6 =	vshrl.u32 v6, $0x10;
	v7 =	vxor.u32 v13, v7  }
0x25c: {  	v13 =	vld [tilespmem:s26+$0xFFFFFF90];
	v10 =	vxor.u32 v14, v10;
	v14 =	vshra.s32 v11, $0x1F;
	v7 =	vshrl.u32 v7, $0x10  }
0x25d: {  	v15 =	vld [tilespmem:s26+$0x10];
	v10 =	vshrl.u32 v10, $0x10;
	v14 =	vor.u32 $0x80000000, v14  }
0x25e: {  	[tilespmem:v18+s17+$0x0] =	vst.idx.add.f32.msk $0xffff, v2;
	v11 =	vxor.u32 v11, v14  }
0x25f: {  	[tilespmem:v9+s17+$0x0] =	vst.idx.add.f32.msk $0xffff, v2;
	v9 =	vshrl.u32 v11, $0x10  }
0x260: {  	v11 =	vshra.s32 v12, $0x1F;
	[tilespmem:v8+s17+$0x0] =	vst.idx.add.f32.msk $0xffff, v2  }
0x261: {  	v8 =	vor.u32 $0x80000000, v11;
	v11 =	vshra.s32 v13, $0x1F;
	v14 =	vld [tilespmem:s24+$0xFFFFFF70]  }
0x262: {  	v8 =	vxor.u32 v12, v8;
	v11 =	vor.u32 $0x80000000, v11;
	v12 =	vshra.s32 v15, $0x1F;
	[tilespmem:v10+s17+$0x0] =	vst.idx.add.f32.msk $0xffff, v2  }
0x263: {  	v8 =	vshrl.u32 v8, $0x10;
	v10 =	vxor.u32 v13, v11;
	v11 =	vor.u32 $0x80000000, v12;
	v12 =	vld [tilespmem:s26+$0xA0]  }
0x264: {  	v10 =	vshrl.u32 v10, $0x10;
	v11 =	vxor.u32 v15, v11;
	[tilespmem:v9+s17+$0x0] =	vst.idx.add.f32.msk $0xffff, v2  }
0x265: {  	v9 =	vshrl.u32 v11, $0x10;
	v11 =	vld [tilespmem:s23+$0x90]  }
0x266: {  	v13 =	vshra.s32 v14, $0x1F;
	v15 =	vld [tilespmem:s24+$0xFFFFFFF0]  }
0x267: {  	v13 =	vor.u32 $0x80000000, v13;
	v16 =	vld [tilespmem:s24+$0x70];
	s24 =	smov.u32 s26  }
0x268: {  	[tilespmem:v8+s17+$0x0] =	vst.idx.add.f32.msk $0xffff, v2;
	v8 =	vshra.s32 v12, $0x1F;
	v13 =	vxor.u32 v14, v13  }
0x269: {  	[tilespmem:v10+s17+$0x0] =	vst.idx.add.f32.msk $0xffff, v2;
	v8 =	vor.u32 $0x80000000, v8;
	v10 =	vshrl.u32 v13, $0x10  }
0x26a: {  	[tilespmem:v9+s17+$0x0] =	vst.idx.add.f32.msk $0xffff, v2;
	v8 =	vxor.u32 v12, v8;
	v9 =	vshra.s32 v11, $0x1F  }
0x26b: {  	v12 =	vld [tilespmem:s26+$0xFFFFFF20];
	v8 =	vshrl.u32 v8, $0x10;
	v13 =	vshra.s32 v15, $0x1F;
	v9 =	vor.u32 $0x80000000, v9  }
0x26c: {  	v14 =	vld [tilespmem:s26+$0xFFFFFFA0];
	v13 =	vor.u32 $0x80000000, v13;
	v17 =	vshra.s32 v16, $0x1F;
	v9 =	vxor.u32 v11, v9  }
0x26d: {  	v11 =	vld [tilespmem:s26+$0x20];
	v13 =	vxor.u32 v15, v13;
	v15 =	vor.u32 $0x80000000, v17;
	v9 =	vshrl.u32 v9, $0x10  }
0x26e: {  	[tilespmem:v10+s17+$0x0] =	vst.idx.add.f32.msk $0xffff, v2;
	v10 =	vshrl.u32 v13, $0x10;
	v13 =	vxor.u32 v16, v15  }
0x26f: {  	v15 =	vld [tilespmem:s23+$0xFFFFFF00];
	v13 =	vshrl.u32 v13, $0x10  }
0x270: {  	v16 =	vshra.s32 v12, $0x1F;
	[tilespmem:v8+s17+$0x0] =	vst.idx.add.f32.msk $0xffff, v2  }
0x271: {  	v8 =	vor.u32 $0x80000000, v16;
	v16 =	vshra.s32 v14, $0x1F;
	v17 =	vld [tilespmem:s26+$0xB0]  }
0x272: {  	v8 =	vxor.u32 v12, v8;
	v12 =	vor.u32 $0x80000000, v16;
	v16 =	vshra.s32 v11, $0x1F;
	[tilespmem:v9+s17+$0x0] =	vst.idx.add.f32.msk $0xffff, v2  }
0x273: {  	v8 =	vshrl.u32 v8, $0x10;
	v9 =	vxor.u32 v14, v12;
	v12 =	vor.u32 $0x80000000, v16;
	v14 =	vld [tilespmem:s23+$0xA0]  }
0x274: {  	v9 =	vshrl.u32 v9, $0x10;
	v11 =	vxor.u32 v11, v12;
	v12 =	vshra.s32 v15, $0x1F;
	[tilespmem:v10+s17+$0x0] =	vst.idx.add.f32.msk $0xffff, v2  }
0x275: {  	v10 =	vshrl.u32 v11, $0x10;
	v11 =	vor.u32 $0x80000000, v12;
	[tilespmem:v13+s17+$0x0] =	vst.idx.add.f32.msk $0xffff, v2  }
0x276: {  	v12 =	vshra.s32 v17, $0x1F;
	v11 =	vxor.u32 v15, v11;
	v13 =	vld [tilespmem:s23+$0xFFFFFF80]  }
0x277: {  	v12 =	vor.u32 $0x80000000, v12;
	v11 =	vshrl.u32 v11, $0x10;
	v15 =	vld [tilespmem:s23+$0x0]  }
0x278: {  	[tilespmem:v8+s17+$0x0] =	vst.idx.add.f32.msk $0xffff, v2;
	v8 =	vxor.u32 v17, v12;
	v12 =	vshra.s32 v14, $0x1F  }
0x279: {  	[tilespmem:v9+s17+$0x0] =	vst.idx.add.f32.msk $0xffff, v2;
	v8 =	vshrl.u32 v8, $0x10;
	v9 =	vor.u32 $0x80000000, v12  }
0x27a: {  	[tilespmem:v10+s17+$0x0] =	vst.idx.add.f32.msk $0xffff, v2;
	v9 =	vxor.u32 v14, v9  }
0x27b: {  	v10 =	vld [tilespmem:s26+$0xFFFFFF30];
	v12 =	vshra.s32 v13, $0x1F;
	v9 =	vshrl.u32 v9, $0x10  }
0x27c: {  	v14 =	vld [tilespmem:s26+$0xFFFFFFB0];
	v12 =	vor.u32 $0x80000000, v12;
	v16 =	vshra.s32 v15, $0x1F  }
0x27d: {  	v17 =	vld [tilespmem:s26+$0x30];
	v12 =	vxor.u32 v13, v12;
	v13 =	vor.u32 $0x80000000, v16  }
0x27e: {  	[tilespmem:v8+s17+$0x0] =	vst.idx.add.f32.msk $0xffff, v2;
	v8 =	vshrl.u32 v12, $0x10;
	v12 =	vxor.u32 v15, v13  }
0x27f: {  	v13 =	vld [tilespmem:s26+$0xC0];
	v12 =	vshrl.u32 v12, $0x10  }
0x280: {  	v15 =	vshra.s32 v10, $0x1F;
	[tilespmem:v9+s17+$0x0] =	vst.idx.add.f32.msk $0xffff, v2  }
0x281: {  	v9 =	vor.u32 $0x80000000, v15;
	v15 =	vshra.s32 v14, $0x1F;
	v16 =	vld [tilespmem:s23+$0xB0]  }
0x282: {  	v9 =	vxor.u32 v10, v9;
	v10 =	vor.u32 $0x80000000, v15;
	v15 =	vshra.s32 v17, $0x1F;
	[tilespmem:v11+s17+$0x0] =	vst.idx.add.f32.msk $0xffff, v2  }
0x283: {  	v9 =	vshrl.u32 v9, $0x10;
	v10 =	vxor.u32 v14, v10;
	v11 =	vor.u32 $0x80000000, v15;
	[tilespmem:v8+s17+$0x0] =	vst.idx.add.f32.msk $0xffff, v2  }
0x284: {  	v8 =	vshrl.u32 v10, $0x10;
	v10 =	vxor.u32 v17, v11;
	v11 =	vshra.s32 v13, $0x1F;
	[tilespmem:v12+s17+$0x0] =	vst.idx.add.f32.msk $0xffff, v2  }
0x285: {  	v10 =	vshrl.u32 v10, $0x10;
	v11 =	vor.u32 $0x80000000, v11;
	v12 =	vld [tilespmem:s23+$0xFFFFFF10]  }
0x286: {  	v11 =	vxor.u32 v13, v11;
	v13 =	vld [tilespmem:s23+$0xFFFFFF90];
	v14 =	vshra.s32 v16, $0x1F  }
0x287: {  	v11 =	vshrl.u32 v11, $0x10;
	v15 =	vld [tilespmem:s23+$0x10];
	v14 =	vor.u32 $0x80000000, v14  }
0x288: {  	[tilespmem:v9+s17+$0x0] =	vst.idx.add.f32.msk $0xffff, v2;
	v9 =	vxor.u32 v16, v14  }
0x289: {  	[tilespmem:v8+s17+$0x0] =	vst.idx.add.f32.msk $0xffff, v2;
	v8 =	vshrl.u32 v9, $0x10  }
0x28a: {  	[tilespmem:v10+s17+$0x0] =	vst.idx.add.f32.msk $0xffff, v2;
	v9 =	vshra.s32 v12, $0x1F  }
0x28b: {  	v10 =	vld [tilespmem:s26+$0xFFFFFF40];
	v9 =	vor.u32 $0x80000000, v9;
	v14 =	vshra.s32 v13, $0x1F  }
0x28c: {  	[tilespmem:v11+s17+$0x0] =	vst.idx.add.f32.msk $0xffff, v2;
	v9 =	vxor.u32 v12, v9;
	v11 =	vor.u32 $0x80000000, v14;
	v12 =	vshra.s32 v15, $0x1F  }
0x28d: {  	v14 =	vld [tilespmem:s26+$0xD0];
	v9 =	vshrl.u32 v9, $0x10;
	v11 =	vxor.u32 v13, v11;
	v12 =	vor.u32 $0x80000000, v12  }
0x28e: {  	v11 =	vshrl.u32 v11, $0x10;
	v12 =	vxor.u32 v15, v12;
	[tilespmem:v8+s17+$0x0] =	vst.idx.add.f32.msk $0xffff, v2  }
0x28f: {  	v8 =	vld [tilespmem:s26+$0xFFFFFFC0];
	v12 =	vshrl.u32 v12, $0x10  }
0x290: {  	v13 =	vshra.s32 v10, $0x1F;
	v15 =	vld [tilespmem:s26+$0x40]  }
0x291: {  	v13 =	vor.u32 $0x80000000, v13;
	[tilespmem:v5+s17+$0x0] =	vst.idx.add.f32.msk $0xffff, v2  }
0x292: {  	v5 =	vxor.u32 v10, v13;
	v10 =	vshra.s32 v14, $0x1F;
	[tilespmem:v9+s17+$0x0] =	vst.idx.add.f32.msk $0xffff, v2  }
0x293: {  	v5 =	vshrl.u32 v5, $0x10;
	v9 =	vor.u32 $0x80000000, v10;
	[tilespmem:v11+s17+$0x0] =	vst.idx.add.f32.msk $0xffff, v2  }
0x294: {  	v10 =	vshra.s32 v8, $0x1F;
	v9 =	vxor.u32 v14, v9;
	[tilespmem:v12+s17+$0x0] =	vst.idx.add.f32.msk $0xffff, v2  }
0x295: {  	v10 =	vor.u32 $0x80000000, v10;
	v11 =	vshra.s32 v15, $0x1F;
	v9 =	vshrl.u32 v9, $0x10;
	v12 =	vld [tilespmem:s23+$0xFFFFFF20]  }
0x296: {  	v8 =	vxor.u32 v8, v10;
	v10 =	vor.u32 $0x80000000, v11;
	v11 =	vld [tilespmem:s23+$0xFFFFFFA0]  }
0x297: {  	v8 =	vshrl.u32 v8, $0x10;
	v10 =	vxor.u32 v15, v10;
	v13 =	vld [tilespmem:s23+$0x20]  }
0x298: {  	[tilespmem:v5+s17+$0x0] =	vst.idx.add.f32.msk $0xffff, v2;
	v5 =	vshrl.u32 v10, $0x10  }
0x299: {  	v10 =	vld [tilespmem:s26+$0xFFFFFF50]  }
0x29a: {  	[tilespmem:v9+s17+$0x0] =	vst.idx.add.f32.msk $0xffff, v2;
	v9 =	vshra.s32 v12, $0x1F  }
0x29b: {  	v14 =	vld [tilespmem:s26+$0xE0];
	v9 =	vor.u32 $0x80000000, v9;
	v15 =	vshra.s32 v11, $0x1F  }
0x29c: {  	[tilespmem:v8+s17+$0x0] =	vst.idx.add.f32.msk $0xffff, v2;
	v8 =	vxor.u32 v12, v9;
	v9 =	vor.u32 $0x80000000, v15;
	v12 =	vshra.s32 v13, $0x1F  }
0x29d: {  	[tilespmem:v5+s17+$0x0] =	vst.idx.add.f32.msk $0xffff, v2;
	v5 =	vshrl.u32 v8, $0x10;
	v8 =	vxor.u32 v11, v9;
	v9 =	vor.u32 $0x80000000, v12  }
0x29e: {  	v11 =	vshra.s32 v10, $0x1F;
	v12 =	vld [tilespmem:s26+$0xFFFFFFD0];
	v8 =	vshrl.u32 v8, $0x10;
	v9 =	vxor.u32 v13, v9  }
0x29f: {  	v11 =	vor.u32 $0x80000000, v11;
	v13 =	vld [tilespmem:s26+$0x50];
	v9 =	vshrl.u32 v9, $0x10  }
0x2a0: {  	v10 =	vxor.u32 v10, v11;
	v11 =	vshra.s32 v14, $0x1F;
	[tilespmem:v6+s17+$0x0] =	vst.idx.add.f32.msk $0xffff, v2  }
0x2a1: {  	v10 =	vshrl.u32 v10, $0x10;
	v6 =	vor.u32 $0x80000000, v11;
	[tilespmem:v7+s17+$0x0] =	vst.idx.add.f32.msk $0xffff, v2  }
.Ltmp2:
0x2a2: {  	v6 =	vxor.u32 v14, v6;
	[tilespmem:v5+s17+$0x0] =	vst.idx.add.f32.msk $0xffff, v2;
	(pc) =	sbr.rel @p0 .LBB2_7-.Ltmp2, $4  }
0x2a3: {  	v5 =	vshra.s32 v12, $0x1F;
	v6 =	vshrl.u32 v6, $0x10;
	[tilespmem:v8+s17+$0x0] =	vst.idx.add.f32.msk $0xffff, v2  }
0x2a4: {  	v5 =	vor.u32 $0x80000000, v5;
	v7 =	vshra.s32 v13, $0x1F;
	[tilespmem:v9+s17+$0x0] =	vst.idx.add.f32.msk $0xffff, v2  }
0x2a5: {  	v8 =	vxor.u32 v12, v5;
	v9 =	vor.u32 $0x80000000, v7;
	v5 =	vld [tilespmem:s23+$0xFFFFFF30]  }
0x2a6: {  	s26 =	sadd.s32 $0x200, s26;
	[tilespmem:v10+s17+$0x0] =	vst.idx.add.f32.msk $0xffff, v2;
	v7 =	vshrl.u32 v8, $0x10;
	v8 =	vxor.u32 v13, v9  }
0x2a7: {  	_ =	sdelay $0x1  }
0x2a8: {  	v8 =	vshrl.u32 v8, $0x10;
	_ =	sdelay $0x1  }
0x2a9: {  	[tilespmem:v7+s17+$0x0] =	vst.idx.add.f32.msk $0xffff, v2  }
0x2aa: {  	v7 =	vld [tilespmem:s24+$0xFFFFFF60]  }
0x2ab: {  	v9 =	vld [tilespmem:s24+$0xFFFFFFE0]  }
0x2ac: {  	[tilespmem:v8+s17+$0x0] =	vst.idx.add.f32.msk $0xffff, v2  }
0x2ad: {  	v8 =	vld [tilespmem:s24+$0x60];
	_ =	sdelay $0x1  }
0x2ae: {  	v10 =	vshra.s32 v7, $0x1F  }
0x2af: {  	v10 =	vor.u32 $0x80000000, v10;
	v11 =	vshra.s32 v9, $0x1F  }
0x2b0: {  	v7 =	vxor.u32 v7, v10;
	v23 =	vor.u32 $0x80000000, v11  }
0x2b1: {  	v7 =	vshrl.u32 v7, $0x10;
	v9 =	vxor.u32 v9, v23;
	v24 =	vshra.s32 v8, $0x1F  }
0x2b2: {  	v9 =	vshrl.u32 v9, $0x10;
	v25 =	vor.u32 $0x80000000, v24  }
0x2b3: {  	v8 =	vxor.u32 v8, v25  }
0x2b4: {  	[tilespmem:v6+s17+$0x0] =	vst.idx.add.f32.msk $0xffff, v2;
	v6 =	vshrl.u32 v8, $0x10  }
0x2b5: {  	v26 =	vld [tilespmem:s24+$0xF0]  }
0x2b6: {  	[tilespmem:v7+s17+$0x0] =	vst.idx.add.f32.msk $0xffff, v2  }
0x2b7: {  	[tilespmem:v9+s17+$0x0] =	vst.idx.add.f32.msk $0xffff, v2  }
0x2b8: {  	v7 =	vld [tilespmem:s24+$0xFFFFFF70]  }
0x2b9: {  	[tilespmem:v6+s17+$0x0] =	vst.idx.add.f32.msk $0xffff, v2  }
0x2ba: {  	v6 =	vld [tilespmem:s24+$0xFFFFFFF0]  }
0x2bb: {  	v27 =	vshra.s32 v26, $0x1F  }
0x2bc: {  	v9 =	vor.u32 $0x80000000, v27  }
0x2bd: {  	v8 =	vxor.u32 v26, v9;
	v29 =	vshra.s32 v7, $0x1F  }
0x2be: {  	v8 =	vshrl.u32 v8, $0x10;
	v28 =	vld [tilespmem:s24+$0x70];
	v9 =	vor.u32 $0x80000000, v29  }
0x2bf: {  	v7 =	vxor.u32 v7, v9;
	v30 =	vshra.s32 v6, $0x1F  }
0x2c0: {  	v7 =	vshrl.u32 v7, $0x10;
	v9 =	vor.u32 $0x80000000, v30  }
0x2c1: {  	v6 =	vxor.u32 v6, v9  }
0x2c2: {  	v6 =	vshrl.u32 v6, $0x10  }
0x2c3: {  	s31 =	sadd.s32 $0x200, s23;
	[tilespmem:v8+s17+$0x0] =	vst.idx.add.f32.msk $0xffff, v2;
	v31 =	vshra.s32 v28, $0x1F  }
0x2c4: {  	v34 =	vld [tilespmem:s31+$0x80];
	v32 =	vor.u32 $0x80000000, v31  }
0x2c5: {  	v9 =	vxor.u32 v28, v32;
	[tilespmem:v7+s17+$0x0] =	vst.idx.add.f32.msk $0xffff, v2  }
0x2c6: {  	v33 =	vshrl.u32 v9, $0x10;
	v7 =	vld [tilespmem:s31+$0xFFFFFF00]  }
0x2c7: {  	[tilespmem:v6+s17+$0x0] =	vst.idx.add.f32.msk $0xffff, v2  }
0x2c8: {  	v6 =	vld [tilespmem:s31+$0xFFFFFF80];
	_ =	sdelay $0x1  }
0x2c9: {  	v35 =	vshra.s32 v34, $0x1F  }
0x2ca: {  	v10 =	vor.u32 $0x80000000, v35;
	[tilespmem:v33+s17+$0x0] =	vst.idx.add.f32.msk $0xffff, v2  }
0x2cb: {  	v9 =	vxor.u32 v34, v10;
	v36 =	vshra.s32 v7, $0x1F;
	v8 =	vld [tilespmem:s31+$0x0]  }
0x2cc: {  	v9 =	vshrl.u32 v9, $0x10;
	v10 =	vor.u32 $0x80000000, v36;
	v37 =	vshra.s32 v6, $0x1F  }
0x2cd: {  	v7 =	vxor.u32 v7, v10;
	v38 =	vor.u32 $0x80000000, v37  }
0x2ce: {  	v7 =	vshrl.u32 v7, $0x10;
	v6 =	vxor.u32 v6, v38  }
0x2cf: {  	v6 =	vshrl.u32 v6, $0x10  }
0x2d0: {  	v39 =	vshra.s32 v8, $0x1F  }
0x2d1: {  	[tilespmem:v9+s17+$0x0] =	vst.idx.add.f32.msk $0xffff, v2;
	v40 =	vor.u32 $0x80000000, v39  }
0x2d2: {  	v9 =	vld [tilespmem:s31+$0x90];
	v8 =	vxor.u32 v8, v40  }
0x2d3: {  	[tilespmem:v7+s17+$0x0] =	vst.idx.add.f32.msk $0xffff, v2;
	v8 =	vshrl.u32 v8, $0x10  }
0x2d4: {  	[tilespmem:v6+s17+$0x0] =	vst.idx.add.f32.msk $0xffff, v2  }
0x2d5: {  	v6 =	vld [tilespmem:s31+$0xFFFFFF10]  }
0x2d6: {  	v7 =	vld [tilespmem:s31+$0xFFFFFF90];
	_ =	sdelay $0x1  }
0x2d7: {  	v41 =	vshra.s32 v9, $0x1F;
	[tilespmem:v8+s17+$0x0] =	vst.idx.add.f32.msk $0xffff, v2  }
0x2d8: {  	v10 =	vor.u32 $0x80000000, v41;
	v8 =	vld [tilespmem:s31+$0x10]  }
0x2d9: {  	v9 =	vxor.u32 v9, v10;
	v42 =	vshra.s32 v6, $0x1F  }
0x2da: {  	v9 =	vshrl.u32 v9, $0x10;
	v10 =	vor.u32 $0x80000000, v42;
	v43 =	vshra.s32 v7, $0x1F  }
0x2db: {  	v6 =	vxor.u32 v6, v10;
	v44 =	vor.u32 $0x80000000, v43  }
0x2dc: {  	v6 =	vshrl.u32 v6, $0x10;
	v7 =	vxor.u32 v7, v44  }
0x2dd: {  	v45 =	vshra.s32 v8, $0x1F;
	v7 =	vshrl.u32 v7, $0x10  }
0x2de: {  	v46 =	vor.u32 $0x80000000, v45  }
0x2df: {  	[tilespmem:v9+s17+$0x0] =	vst.idx.add.f32.msk $0xffff, v2;
	v8 =	vxor.u32 v8, v46  }
0x2e0: {  	v9 =	vld [tilespmem:s31+$0xA0];
	v8 =	vshrl.u32 v8, $0x10  }
0x2e1: {  	[tilespmem:v6+s17+$0x0] =	vst.idx.add.f32.msk $0xffff, v2  }
0x2e2: {  	[tilespmem:v7+s17+$0x0] =	vst.idx.add.f32.msk $0xffff, v2  }
0x2e3: {  	v6 =	vld [tilespmem:s31+$0xFFFFFF20]  }
0x2e4: {  	v7 =	vld [tilespmem:s31+$0xFFFFFFA0]  }
0x2e5: {  	[tilespmem:v8+s17+$0x0] =	vst.idx.add.f32.msk $0xffff, v2  }
0x2e6: {  	v47 =	vshra.s32 v9, $0x1F;
	v8 =	vld [tilespmem:s31+$0x20]  }
0x2e7: {  	v10 =	vor.u32 $0x80000000, v47  }
0x2e8: {  	v9 =	vxor.u32 v9, v10;
	v48 =	vshra.s32 v6, $0x1F  }
0x2e9: {  	v9 =	vshrl.u32 v9, $0x10;
	v10 =	vor.u32 $0x80000000, v48;
	v49 =	vshra.s32 v7, $0x1F  }
0x2ea: {  	v6 =	vxor.u32 v6, v10;
	v50 =	vor.u32 $0x80000000, v49  }
0x2eb: {  	v51 =	vshra.s32 v8, $0x1F;
	v6 =	vshrl.u32 v6, $0x10;
	v7 =	vxor.u32 v7, v50  }
0x2ec: {  	v53 =	vld [tilespmem:s23+$0xFFFFFFB0];
	v52 =	vor.u32 $0x80000000, v51;
	v7 =	vshrl.u32 v7, $0x10  }
0x2ed: {  	v54 =	vld [tilespmem:s23+$0x30];
	v8 =	vxor.u32 v8, v52  }
0x2ee: {  	[tilespmem:v9+s17+$0x0] =	vst.idx.add.f32.msk $0xffff, v2;
	v8 =	vshrl.u32 v8, $0x10  }
0x2ef: {  	v9 =	vld [tilespmem:s31+$0xB0]  }
0x2f0: {  	[tilespmem:v6+s17+$0x0] =	vst.idx.add.f32.msk $0xffff, v2  }
0x2f1: {  	[tilespmem:v7+s17+$0x0] =	vst.idx.add.f32.msk $0xffff, v2  }
0x2f2: {  	v6 =	vshra.s32 v5, $0x1F;
	v7 =	vld [tilespmem:s31+$0xFFFFFF30]  }
0x2f3: {  	v6 =	vor.u32 $0x80000000, v6;
	[tilespmem:v8+s17+$0x0] =	vst.idx.add.f32.msk $0xffff, v2  }
0x2f4: {  	v5 =	vxor.u32 v5, v6;
	v6 =	vshra.s32 v9, $0x1F;
	v55 =	vld [tilespmem:s31+$0xFFFFFFB0]  }
0x2f5: {  	v12 =	vshra.s32 v53, $0x1F;
	v14 =	vshra.s32 v54, $0x1F;
	v6 =	vor.u32 $0x80000000, v6;
	v13 =	vld [tilespmem:s31+$0x30]  }
0x2f6: {  	v12 =	vor.u32 $0x80000000, v12;
	v57 =	vor.u32 $0x80000000, v14;
	v6 =	vxor.u32 v9, v6  }
0x2f7: {  	v56 =	vxor.u32 v53, v12;
	v10 =	vxor.u32 v54, v57;
	v6 =	vshrl.u32 v6, $0x10  }
0x2f8: {  	v10 =	vshrl.u32 v10, $0x10;
	v5 =	vshrl.u32 v5, $0x10;
	v58 =	vshra.s32 v7, $0x1F  }
0x2f9: {  	v9 =	vshrl.u32 v56, $0x10;
	v11 =	vor.u32 $0x80000000, v58;
	v59 =	vshra.s32 v55, $0x1F  }
0x2fa: {  	v7 =	vxor.u32 v7, v11;
	v60 =	vor.u32 $0x80000000, v59;
	v61 =	vshra.s32 v13, $0x1F  }
0x2fb: {  	v7 =	vshrl.u32 v7, $0x10;
	v8 =	vxor.u32 v55, v60;
	v62 =	vor.u32 $0x80000000, v61  }
0x2fc: {  	s22 =	sadd.s32 $0x1, s22;
	[tilespmem:v6+s17+$0x0] =	vst.idx.add.f32.msk $0xffff, v2;
	v6 =	vshrl.u32 v8, $0x10;
	v63 =	vxor.u32 v13, v62  }
0x2fd: {  	p0 =	sne.s32 s22, $0xE;
	[tilespmem:v5+s17+$0x0] =	vst.idx.add.f32.msk $0xffff, v2;
	v5 =	vshrl.u32 v63, $0x10  }
.Ltmp3:
0x2fe: {  	[tilespmem:v10+s17+$0x0] =	vst.idx.add.f32.msk $0xffff, v2;
	(pc) =	sbr.rel @p0 .LBB2_4-.Ltmp3, $4  }
0x2ff: {  	[tilespmem:v9+s17+$0x0] =	vst.idx.add.f32.msk $0xffff, v2  }
0x300: {  	[tilespmem:v7+s17+$0x0] =	vst.idx.add.f32.msk $0xffff, v2  }
0x301: {  	[tilespmem:v6+s17+$0x0] =	vst.idx.add.f32.msk $0xffff, v2  }
0x302: {  	[tilespmem:v5+s17+$0x0] =	vst.idx.add.f32.msk $0xffff, v2  }
0x303: {  	s22 =	simm.s32 $0x0  }
0x304: {  	v5 =	vor.u32 s22, v3  }
0x305: {  	s23 =	simm.s32 $0x1  }
0x306: {  	[tilespmem:s22], [sflag:$0x1] =	stream.strided.gather [hbm4b:s5+s11], $0x3800, s12, s11, $0x38;
	v6 =	vor.u32 s23, v3;
	[tilespmem:$0x1E080] =	vst v63  }
0x307: {  	s25 =	simm.s32 $0x2  }
0x308: {  	v7 =	vor.u32 s25, v3;
	[tilespmem:s13], [sflag:$0x1] =	stream.strided.gather [hbm4b:s6+s11], $0x3800, s12, s11, $0x38;
	[tilespmem:$0x1E080] =	vst v63  }
0x309: {  	s26 =	simm.s32 $0x3;
	v5 =	vld.idx.msk [tilespmem:v5+s17+$0x0], $0xffff  }
0x30a: {  	v8 =	vor.u32 s26, v3  }
0x30b: {  	s28 =	simm.s32 $0x4;
	v6 =	vld.idx.msk [tilespmem:v6+s17+$0x0], $0xffff  }
0x30c: {  	v9 =	vor.u32 s28, v3  }
0x30d: {  	s29 =	simm.s32 $0x5;
	v10 =	vimm.f32 $0.0e+00;
	v7 =	vld.idx.msk [tilespmem:v7+s17+$0x0], $0xffff  }
0x30e: {  	s30 =	simm.s32 $0x6;
	v12 =	vor.u32 s29, v3;
	v10 =	vadd.f32 v5, v10  }
0x30f: {  	v5 =	vld.idx.msk [tilespmem:v8+s17+$0x0], $0xffff;
	v8 =	vor.u32 s30, v3  }
0x310: {  	s31 =	simm.s32 $0x7;
	v10 =	vadd.f32 v6, v10  }
0x311: {  	v6 =	vld.idx.msk [tilespmem:v9+s17+$0x0], $0xffff;
	v9 =	vor.u32 s31, v3  }
0x312: {  	s22 =	simm.s32 $0x8;
	v11 =	vadd.f32 v7, v10  }
0x313: {  	s23 =	simm.s32 $0x10;
	v7 =	vld.idx.msk [tilespmem:v12+s17+$0x0], $0xffff;
	v10 =	vor.u32 s22, v3  }
.LBB2_10:
0x314: {  	p0 =	slt.u32 s23, $0xFF8;
	s24 =	sadd.s32 $0x1, s22;
	v5 =	vadd.f32 v5, v11;
	v8 =	vld.idx.msk [tilespmem:v8+s17+$0x0], $0xffff  }
0x315: {  	v11 =	vor.u32 s24, v3  }
0x316: {  	s24 =	sadd.s32 $0x2, s22;
	v5 =	vadd.f32 v6, v5;
	v6 =	vld.idx.msk [tilespmem:v9+s17+$0x0], $0xffff  }
0x317: {  	v9 =	vor.u32 s24, v3  }
0x318: {  	s24 =	sadd.s32 $0x3, s22;
	v10 =	vld.idx.msk [tilespmem:v10+s17+$0x0], $0xffff;
	v5 =	vadd.f32 v7, v5  }
0x319: {  	v7 =	vor.u32 s24, v3  }
0x31a: {  	s24 =	sadd.s32 $0x4, s22;
	v11 =	vld.idx.msk [tilespmem:v11+s17+$0x0], $0xffff;
	v5 =	vadd.f32 v8, v5  }
0x31b: {  	v12 =	vor.u32 s24, v3  }
0x31c: {  	s24 =	sadd.s32 $0x5, s22;
	v13 =	vld.idx.msk [tilespmem:v9+s17+$0x0], $0xffff;
	v5 =	vadd.f32 v6, v5  }
0x31d: {  	v14 =	vor.u32 s24, v3  }
0x31e: {  	s24 =	sadd.s32 $0x6, s22;
	v6 =	vadd.f32 v10, v5;
	v5 =	vld.idx.msk [tilespmem:v7+s17+$0x0], $0xffff  }
.Ltmp4:
0x31f: {  	v8 =	vor.u32 s24, v3;
	(pc) =	sbr.rel @p0 .LBB2_10-.Ltmp4, $4  }
0x320: {  	s24 =	sadd.s32 $0x7, s22;
	s22 =	smov.u32 s23;
	v7 =	vadd.f32 v11, v6;
	v6 =	vld.idx.msk [tilespmem:v12+s17+$0x0], $0xffff  }
0x321: {  	v9 =	vor.u32 s24, v3  }
0x322: {  	v11 =	vadd.f32 v13, v7;
	v7 =	vld.idx.msk [tilespmem:v14+s17+$0x0], $0xffff  }
0x323: {  	s23 =	sadd.s32 $0x8, s23;
	v10 =	vor.u32 s22, v3  }
0x324: {  	_ =	sdelay $0x2  }
0x325: {  	v5 =	vadd.f32 v5, v11  }
0x326: {  	s23 =	sadd.s32 $0x1, s22;
	v8 =	vld.idx.msk [tilespmem:v8+s17+$0x0], $0xffff  }
0x327: {  	v11 =	vor.u32 s23, v3;
	v5 =	vadd.f32 v6, v5  }
0x328: {  	s26 =	sadd.s32 $0x2, s22;
	v6 =	vld.idx.msk [tilespmem:v9+s17+$0x0], $0xffff  }
0x329: {  	v9 =	vor.u32 s26, v3;
	v5 =	vadd.f32 v7, v5  }
0x32a: {  	s28 =	sadd.s32 $0x3, s22;
	v7 =	vld.idx.msk [tilespmem:v10+s17+$0x0], $0xffff  }
0x32b: {  	v10 =	vor.u32 s28, v3;
	v5 =	vadd.f32 v8, v5  }
0x32c: {  	s29 =	sadd.s32 $0x4, s22;
	v8 =	vld.idx.msk [tilespmem:v11+s17+$0x0], $0xffff  }
0x32d: {  	v11 =	vor.u32 s29, v3;
	v5 =	vadd.f32 v6, v5  }
0x32e: {  	s30 =	sadd.s32 $0x5, s22;
	v6 =	vld.idx.msk [tilespmem:v9+s17+$0x0], $0xffff  }
0x32f: {  	v9 =	vor.u32 s30, v3;
	v5 =	vadd.f32 v7, v5  }
0x330: {  	s31 =	sadd.s32 $0x6, s22;
	v7 =	vld.idx.msk [tilespmem:v10+s17+$0x0], $0xffff  }
0x331: {  	v10 =	vor.u32 s31, v3;
	v5 =	vadd.f32 v8, v5  }
0x332: {  	s24 =	sadd.s32 $0x7, s22;
	v8 =	vld.idx.msk [tilespmem:v11+s17+$0x0], $0xffff  }
0x333: {  	v11 =	vor.u32 s24, v3;
	v5 =	vadd.f32 v6, v5  }
0x334: {  	v6 =	vld.idx.msk [tilespmem:v9+s17+$0x0], $0xffff  }
0x335: {  	v5 =	vadd.f32 v7, v5  }
0x336: {  	v7 =	vld.idx.msk [tilespmem:v10+s17+$0x0], $0xffff  }
0x337: {  	v5 =	vadd.f32 v8, v5  }
0x338: {  	v8 =	vld.idx.msk [tilespmem:v11+s17+$0x0], $0xffff  }
0x339: {  	v5 =	vadd.f32 v6, v5;
	_ =	sdelay $0x1  }
0x33a: {  	v5 =	vadd.f32 v7, v5  }
0x33b: {  	v6 =	vmul.u32 $0xFFFFFFFF, v1  }
0x33c: {  	v8 =	vadd.f32 v8, v5  }
0x33d: {  	v5 =	vadd.s32 $0xF, v6  }
0x33e: {  	v6 =	vperm.xlane v8, v5;
	_ =	sdelay $0x1  }
0x33f: {  	(xrf2) =	vadd.scan.msk.f32 $0xffff, v6;
	_ =	sdelay $0x9  }
0x340: {  	v6, _, _ =	vpop (xrf2)  }
0x341: {  	v9 =	vperm.xlane v6, v5;
	_ =	sdelay $0x1  }
0x342: {  	vm0 =	vge.f32 v9, $3.010600000e+04  }
0x343: {  	v11 =	vmpcnt.ones.xlane vm0;
	_ =	sdelay $0x1  }
0x344: {  	v6 =	vadd.s32 $0x7FFFFFFF, v11  }
0x345: {  	(xrf0) =	vmax.scan.msk.u32 $0xffff, v6;
	_ =	sdelay $0x5  }
0x346: {  	v6, _, _ =	vpop (xrf0)  }
0x347: {  	(v2sf) =	vpush v6, $0xF;
	_ =	sdelay $0xc  }
0x348: {  	s24 =	simm.s32 $0x0  }
0x349: {  	v6 =	vmov s24  }
0x34a: {  	s26 =	simm.s32 $0x1;
	v7 =	vmul.u32 $0x100, v1;
	v6 =	vand.u32 $0xF8, v6;
	s25 =	spop (v2sf)  }
0x34b: {  	v12 =	vmov s26;
	v6 =	vbroadcast v6, $0x0;
	s22 =	sshll.u32 s25, $0xC  }
0x34c: {  	s28 =	simm.s32 $0x2;
	v12 =	vand.u32 $0xF9, v12;
	v10 =	vor.u32 s22, v7  }
0x34d: {  	v13 =	vmov s28;
	v12 =	vbroadcast v12, $0x0;
	s29 =	simm.s32 $0x3;
	v6 =	vor.u32 v10, v6  }
0x34e: {  	v13 =	vand.u32 $0xFA, v13;
	v14 =	vmov s29  }
0x34f: {  	v13 =	vbroadcast v13, $0x0;
	v14 =	vand.u32 $0xFB, v14;
	s30 =	simm.s32 $0x4;
	v12 =	vor.u32 v10, v12  }
0x350: {  	v14 =	vbroadcast v14, $0x0;
	v15 =	vmov s30;
	s31 =	simm.s32 $0x6  }
0x351: {  	v15 =	vand.u32 $0xFC, v15;
	v16 =	vmov s31;
	s25 =	simm.s32 $0x5;
	v13 =	vor.u32 v10, v13  }
0x352: {  	v17 =	vbroadcast v15, $0x0;
	v18 =	vor.u32 v10, v14;
	v14 =	vmov s25;
	v6 =	vld.idx.msk [tilespmem:v6+s17+$0x0], $0xffff  }
0x353: {  	v16 =	vand.u32 $0xFE, v16;
	v14 =	vand.u32 $0xFD, v14  }
0x354: {  	v14 =	vbroadcast v14, $0x0;
	v15 =	vld.idx.msk [tilespmem:v12+s17+$0x0], $0xffff;
	v12 =	vbroadcast v16, $0x0;
	v16 =	vor.u32 v10, v17;
	_ =	sdelay $0x1  }
0x355: {  	v19 =	vimm.f32 $0.0e+00;
	v14 =	vor.u32 v10, v14;
	v13 =	vld.idx.msk [tilespmem:v13+s17+$0x0], $0xffff  }
0x356: {  	s23 =	simm.s32 $0x8;
	v17 =	vadd.f32 v6, v19  }
0x357: {  	s25 =	simm.s32 $0x10;
	v12 =	vor.u32 v10, v12;
	v6 =	vld.idx.msk [tilespmem:v18+s17+$0x0], $0xffff;
	v18 =	vmov s23  }
.LBB2_12:
0x358: {  	p0 =	slt.u32 s25, $0xF8;
	v18 =	vand.u32 $0xF8, v18;
	s26 =	sadd.s32 $0x1, s23;
	v15 =	vadd.f32 v15, v17;
	v16 =	vld.idx.msk [tilespmem:v16+s17+$0x0], $0xffff;
	s24 =	sadd.s32 $0x7, s24  }
0x359: {  	v17 =	vbroadcast v18, $0x0;
	v18 =	vmov s26;
	v19 =	vor.u32 s24, v10;
	s24 =	smov.u32 s23;
	s23 =	smov.u32 s25  }
0x35a: {  	v18 =	vand.u32 $0xF9, v18;
	s26 =	sadd.s32 $0x2, s24;
	v13 =	vadd.f32 v13, v15;
	v14 =	vld.idx.msk [tilespmem:v14+s17+$0x0], $0xffff  }
0x35b: {  	v15 =	vor.u32 v10, v17;
	v17 =	vbroadcast v18, $0x0;
	v18 =	vmov s26  }
0x35c: {  	s26 =	sadd.s32 $0x3, s24;
	v18 =	vand.u32 $0xFA, v18;
	v6 =	vadd.f32 v6, v13;
	v12 =	vld.idx.msk [tilespmem:v12+s17+$0x0], $0xffff  }
0x35d: {  	v13 =	vor.u32 v10, v17;
	v17 =	vbroadcast v18, $0x0;
	v18 =	vmov s26  }
0x35e: {  	s26 =	sadd.s32 $0x4, s24;
	v18 =	vand.u32 $0xFB, v18;
	v6 =	vadd.f32 v16, v6;
	v19 =	vld.idx.msk [tilespmem:v19+s17+$0x0], $0xffff  }
0x35f: {  	v17 =	vor.u32 v10, v17;
	v16 =	vbroadcast v18, $0x0;
	v18 =	vmov s26  }
0x360: {  	s26 =	sadd.s32 $0x5, s24;
	v20 =	vld.idx.msk [tilespmem:v15+s17+$0x0], $0xffff;
	v15 =	vand.u32 $0xFC, v18;
	v6 =	vadd.f32 v14, v6  }
0x361: {  	v18 =	vor.u32 v10, v16;
	v14 =	vbroadcast v15, $0x0;
	v16 =	vmov s26  }
0x362: {  	s26 =	sadd.s32 $0x6, s24;
	v15 =	vld.idx.msk [tilespmem:v13+s17+$0x0], $0xffff;
	v13 =	vand.u32 $0xFD, v16;
	v6 =	vadd.f32 v12, v6  }
.Ltmp5:
0x363: {  	v16 =	vor.u32 v10, v14;
	v12 =	vbroadcast v13, $0x0;
	v14 =	vmov s26;
	(pc) =	sbr.rel @p0 .LBB2_12-.Ltmp5, $4  }
0x364: {  	v13 =	vld.idx.msk [tilespmem:v17+s17+$0x0], $0xffff;
	v17 =	vand.u32 $0xFE, v14;
	v6 =	vadd.f32 v19, v6  }
0x365: {  	v14 =	vor.u32 v10, v12;
	v12 =	vbroadcast v17, $0x0  }
0x366: {  	v17 =	vadd.f32 v20, v6;
	v6 =	vld.idx.msk [tilespmem:v18+s17+$0x0], $0xffff  }
0x367: {  	s25 =	sadd.s32 $0x8, s25;
	v18 =	vmov s23;
	v12 =	vor.u32 v10, v12  }
0x368: {  	_ =	sdelay $0x2  }
0x369: {  	v18 =	vand.u32 $0xF8, v18;
	v15 =	vadd.f32 v15, v17;
	s25 =	sadd.s32 $0x1, s23  }
0x36a: {  	v16 =	vld.idx.msk [tilespmem:v16+s17+$0x0], $0xffff;
	s24 =	sadd.s32 $0x7, s24;
	s29 =	sadd.s32 $0x2, s23;
	v53 =	vbroadcast v18, $0x0;
	v54 =	vmov s25  }
0x36b: {  	v19 =	vor.u32 s24, v10;
	v55 =	vmov s29;
	v13 =	vadd.f32 v13, v15  }
0x36c: {  	v14 =	vld.idx.msk [tilespmem:v14+s17+$0x0], $0xffff;
	v15 =	vand.u32 $0xF9, v54;
	v18 =	vand.u32 $0xFA, v55  }
0x36d: {  	v17 =	vor.u32 v10, v53;
	v15 =	vbroadcast v15, $0x0;
	v6 =	vadd.f32 v6, v13  }
0x36e: {  	s30 =	sadd.s32 $0x3, s23;
	v12 =	vld.idx.msk [tilespmem:v12+s17+$0x0], $0xffff;
	v13 =	vbroadcast v18, $0x0  }
0x36f: {  	s31 =	sadd.s32 $0x4, s23;
	v56 =	vmov s30;
	v15 =	vor.u32 v10, v15;
	v6 =	vadd.f32 v16, v6  }
0x370: {  	v59 =	vmov s31;
	v57 =	vand.u32 $0xFB, v56;
	v58 =	vld.idx.msk [tilespmem:v19+s17+$0x0], $0xffff;
	v13 =	vor.u32 v10, v13  }
0x371: {  	s25 =	sadd.s32 $0x5, s23;
	v16 =	vbroadcast v57, $0x0;
	v19 =	vand.u32 $0xFC, v59;
	v6 =	vadd.f32 v14, v6  }
0x372: {  	v61 =	vmov s25;
	v60 =	vbroadcast v19, $0x0;
	v14 =	vld.idx.msk [tilespmem:v17+s17+$0x0], $0xffff  }
0x373: {  	s26 =	sadd.s32 $0x6, s23;
	v19 =	vand.u32 $0xFD, v61;
	v16 =	vor.u32 v10, v16;
	v12 =	vadd.f32 v12, v6  }
0x374: {  	v62 =	vmov s26;
	v19 =	vbroadcast v19, $0x0;
	v15 =	vld.idx.msk [tilespmem:v15+s17+$0x0], $0xffff;
	v6 =	vadd.s32 $0x1, v1  }
0x375: {  	v17 =	vor.u32 v10, v60;
	vm0 =	veq.s32 v11, v6;
	v12 =	vadd.f32 v58, v12  }
0x376: {  	v11 =	vld.idx.msk [tilespmem:v13+s17+$0x0], $0xffff;
	v13 =	vand.u32 $0xFE, v62;
	v9 =	vnsel vm0, $0x0, v9  }
0x377: {  	v63 =	vor.u32 v10, v19;
	v13 =	vbroadcast v13, $0x0;
	(xrf2) =	vadd.scan.msk.f32 $0xffff, v9;
	v12 =	vadd.f32 v14, v12  }
0x378: {  	v8 =	vnsel vm0, $0x0, v8;
	v9 =	vld.idx.msk [tilespmem:v16+s17+$0x0], $0xffff  }
0x379: {  	v13 =	vor.u32 v10, v13;
	(xrf2) =	vadd.scan.msk.f32 $0xffff, v8;
	v12 =	vadd.f32 v15, v12  }
0x37a: {  	s28 =	sadd.s32 $0x7, s23;
	v8 =	vld.idx.msk [tilespmem:v17+s17+$0x0], $0xffff  }
0x37b: {  	v10 =	vor.u32 s28, v10;
	v11 =	vadd.f32 v11, v12  }
0x37c: {  	v12 =	vld.idx.msk [tilespmem:v63+s17+$0x0], $0xffff  }
0x37d: {  	v9 =	vadd.f32 v9, v11  }
0x37e: {  	v11 =	vld.idx.msk [tilespmem:v13+s17+$0x0], $0xffff  }
0x37f: {  	v8 =	vadd.f32 v8, v9  }
0x380: {  	v9 =	vld.idx.msk [tilespmem:v10+s17+$0x0], $0xffff  }
0x381: {  	v10, _, _ =	vpop (xrf2);
	v8 =	vadd.f32 v12, v8  }
0x382: {  	(v2sf) =	vpush v10, $0xF  }
0x383: {  	v10, _, _ =	vpop (xrf2);
	v8 =	vadd.f32 v11, v8  }
0x384: {  	(v2sf) =	vpush v10, $0xF  }
0x385: {  	v9 =	vadd.f32 v9, v8;
	_ =	sdelay $0x1  }
0x386: {  	v8 =	vperm.xlane v9, v5;
	_ =	sdelay $0x1  }
0x387: {  	(xrf2) =	vadd.scan.msk.f32 $0xffff, v8;
	_ =	sdelay $0x7  }
0x388: {  	s29 =	spop (v2sf)  }
0x389: {  	s23 =	sadd.f32 $0.0e+00, s29  }
0x38a: {  	s30 =	spop (v2sf);
	v8, _, _ =	vpop (xrf2)  }
0x38b: {  	s23 =	ssub.f32 s23, s30;
	v10 =	vperm.xlane v8, v5;
	_ =	sdelay $0x1  }
0x38c: {  	v8 =	vadd.f32 s23, v10;
	_ =	sdelay $0x1  }
0x38d: {  	vm15 =	vge.f32 v8, $3.010600000e+04  }
0x38e: {  	v11 =	vmpcnt.ones.xlane vm15;
	_ =	sdelay $0x1  }
0x38f: {  	v8 =	vadd.s32 $0x7FFFFFFF, v11  }
0x390: {  	(xrf0) =	vmax.scan.msk.u32 $0xffff, v8;
	_ =	sdelay $0x5  }
0x391: {  	v8, _, _ =	vpop (xrf0)  }
0x392: {  	(v2sf) =	vpush v8, $0xF;
	_ =	sdelay $0xe  }
0x393: {  	s31 =	spop (v2sf)  }
0x394: {  	v8 =	vmul.u32 $0x10, v1;
	s24 =	sshll.u32 s31, $0x8  }
0x395: {  	s22 =	sadd.s32 s22, s24  }
0x396: {  	p0 =	por $0x1, $0x1;
	v12 =	vimm.f32 $0.0e+00;
	s24 =	simm.s32 $0x0;
	v13 =	vor.u32 s22, v8  }
.LBB2_14:
0x397: {  	v14 =	vor.u32 s24, v13  }
0x398: {  	s25 =	sor.u32 $0x1, s24  }
0x399: {  	v15 =	vor.u32 s25, v13  }
0x39a: {  	s31 =	sor.u32 $0x2, s24  }
0x39b: {  	v16 =	vor.u32 s31, v13  }
0x39c: {  	s26 =	sor.u32 $0x3, s24;
	v14 =	vld.idx.msk [tilespmem:v14+s17+$0x0], $0xffff  }
0x39d: {  	v17 =	vor.u32 s26, v13  }
0x39e: {  	s28 =	sor.u32 $0x4, s24;
	v15 =	vld.idx.msk [tilespmem:v15+s17+$0x0], $0xffff  }
0x39f: {  	v18 =	vor.u32 s28, v13  }
0x3a0: {  	s29 =	sor.u32 $0x5, s24;
	v16 =	vld.idx.msk [tilespmem:v16+s17+$0x0], $0xffff  }
0x3a1: {  	v12 =	vadd.f32 v14, v12;
	v14 =	vor.u32 s29, v13  }
0x3a2: {  	s30 =	sor.u32 $0x6, s24;
	v17 =	vld.idx.msk [tilespmem:v17+s17+$0x0], $0xffff  }
0x3a3: {  	v12 =	vadd.f32 v15, v12;
	v15 =	vor.u32 s30, v13  }
0x3a4: {  	s31 =	sor.u32 $0x7, s24;
	v18 =	vld.idx.msk [tilespmem:v18+s17+$0x0], $0xffff  }
0x3a5: {  	v63 =	vor.u32 s31, v13;
	v12 =	vadd.f32 v16, v12  }
0x3a6: {  	v14 =	vld.idx.msk [tilespmem:v14+s17+$0x0], $0xffff  }
0x3a7: {  	v12 =	vadd.f32 v17, v12  }
0x3a8: {  	v15 =	vld.idx.msk [tilespmem:v15+s17+$0x0], $0xffff  }
0x3a9: {  	v12 =	vadd.f32 v18, v12  }
0x3aa: {  	p1 =	por p0, p0;
	v16 =	vld.idx.msk [tilespmem:v63+s17+$0x0], $0xffff  }
.Ltmp6:
0x3ab: {  	v12 =	vadd.f32 v14, v12;
	(pc) =	sbr.rel @p1 .LBB2_14-.Ltmp6, $3  }
0x3ac: {  	_ = 	snop  }
0x3ad: {  	v12 =	vadd.f32 v15, v12;
	_ =	sdelay $0x1  }
0x3ae: {  	p0 =	por $0x0, $0x0;
	s24 =	simm.s32 $0x8;
	v12 =	vadd.f32 v16, v12  }
0x3af: {  	vm0 =	veq.s32 v11, v6  }
0x3b0: {  	v10 =	vnsel vm0, $0x0, v10  }
0x3b1: {  	(xrf2) =	vadd.scan.msk.f32 $0xffff, v10  }
0x3b2: {  	v9 =	vnsel vm0, $0x0, v9  }
0x3b3: {  	(xrf2) =	vadd.scan.msk.f32 $0xffff, v9;
	_ =	sdelay $0x7  }
0x3b4: {  	v9, _, _ =	vpop (xrf2)  }
0x3b5: {  	(v2sf) =	vpush v9, $0xF  }
0x3b6: {  	v9, _, _ =	vpop (xrf2)  }
0x3b7: {  	(v2sf) =	vpush v9, $0xF;
	_ =	sdelay $0x2  }
0x3b8: {  	v9 =	vperm.xlane v12, v5;
	_ =	sdelay $0x1  }
0x3b9: {  	(xrf2) =	vadd.scan.msk.f32 $0xffff, v9;
	_ =	sdelay $0x7  }
0x3ba: {  	s24 =	spop (v2sf)  }
0x3bb: {  	s23 =	sadd.f32 s24, s23  }
0x3bc: {  	v9, _, _ =	vpop (xrf2);
	s30 =	spop (v2sf)  }
0x3bd: {  	v9 =	vperm.xlane v9, v5;
	s23 =	ssub.f32 s23, s30;
	_ =	sdelay $0x1  }
0x3be: {  	v10 =	vadd.f32 s23, v9;
	_ =	sdelay $0x1  }
0x3bf: {  	vm14 =	vge.f32 v10, $3.010600000e+04  }
0x3c0: {  	v10 =	vmpcnt.ones.xlane vm14;
	_ =	sdelay $0x1  }
0x3c1: {  	vm0 =	veq.s32 v10, v6  }
0x3c2: {  	v9 =	vnsel vm0, $0x0, v9  }
0x3c3: {  	(xrf2) =	vadd.scan.msk.f32 $0xffff, v9;
	v9 =	vnsel vm0, $0x0, v12  }
0x3c4: {  	(xrf2) =	vadd.scan.msk.f32 $0xffff, v9;
	_ =	sdelay $0x3  }
0x3c5: {  	v9 =	vadd.s32 $0x7FFFFFFF, v10  }
0x3c6: {  	(xrf0) =	vmax.scan.msk.u32 $0xffff, v9;
	_ =	sdelay $0x3  }
0x3c7: {  	v9, _, _ =	vpop (xrf2)  }
0x3c8: {  	(v2sf) =	vpush v9, $0xF;
	v9, _, _ =	vpop (xrf2)  }
0x3c9: {  	(v2sf) =	vpush v9, $0xF;
	v9, _, _ =	vpop (xrf0)  }
0x3ca: {  	(v2sf) =	vpush v9, $0xF;
	_ =	sdelay $0xc  }
0x3cb: {  	s31 =	spop (v2sf)  }
0x3cc: {  	s25 =	spop (v2sf)  }
0x3cd: {  	s26 =	spop (v2sf)  }
0x3ce: {  	s26 =	sshll.u32 s26, $0x4  }
0x3cf: {  	s22 =	sadd.s32 s22, s26  }
0x3d0: {  	v9 =	vor.u32 s22, v1;
	_ =	sdelay $0x4  }
0x3d1: {  	v9 =	vld.idx.msk [tilespmem:v9+s17+$0x0], $0xffff;
	_ =	sdelay $0x4  }
0x3d2: {  	v10 =	vperm.xlane v9, v5;
	_ =	sdelay $0x1  }
0x3d3: {  	(xrf2) =	vadd.scan.msk.f32 $0xffff, v10;
	_ =	sdelay $0x8  }
0x3d4: {  	s24 =	simm.s32 $0xE040;
	s23 =	sadd.f32 s31, s23  }
0x3d5: {  	[tilespmem:s24+$0xFFFFFFC0] =	vst v0;
	v10, _, _ =	vpop (xrf2)  }
0x3d6: {  	s23 =	ssub.f32 s23, s25;
	[tilespmem:s24+$0x30] =	vst v0;
	v10 =	vperm.xlane v10, v5  }
0x3d7: {  	[tilespmem:s24+$0x20] =	vst v0  }
0x3d8: {  	[tilespmem:s24+$0x10] =	vst v0;
	v11 =	vadd.f32 s23, v10  }
0x3d9: {  	[tilespmem:s24+$0x0] =	vst v0  }
0x3da: {  	[tilespmem:s24+$0xFFFFFFF0] =	vst v0;
	vm15 =	vge.f32 v11, $3.010600000e+04  }
0x3db: {  	s25 =	simm.s32 $0x0;
	[tilespmem:s24+$0xFFFFFFE0] =	vst v0;
	v11 =	vmpcnt.ones.xlane vm15  }
.LBB2_16:
0x3dc: {  	s25 =	sadd.s32 $0x8, s25;
	[tilespmem:s24+$0xFFFFFFD0] =	vst v0;
	s24 =	sadd.s32 $0x80, s24  }
0x3dd: {  	[tilespmem:s24+$0xFFFFFFC0] =	vst v0;
	p0 =	slt.u32 s25, $0xFF8  }
0x3de: {  	[tilespmem:s24+$0x30] =	vst v0  }
.Ltmp7:
0x3df: {  	[tilespmem:s24+$0x20] =	vst v0;
	(pc) =	sbr.rel @p0 .LBB2_16-.Ltmp7, $4  }
0x3e0: {  	[tilespmem:s24+$0x10] =	vst v0  }
0x3e1: {  	[tilespmem:s24+$0x0] =	vst v0  }
0x3e2: {  	[tilespmem:s24+$0xFFFFFFF0] =	vst v0  }
0x3e3: {  	[tilespmem:s24+$0xFFFFFFE0] =	vst v0  }
0x3e4: {  	v12 =	vadd.s32 $0x7FFFFFFF, v11  }
0x3e5: {  	(xrf0) =	vmax.scan.msk.u32 $0xffff, v12;
	_ =	sdelay $0x5  }
0x3e6: {  	v12, _, _ =	vpop (xrf0)  }
0x3e7: {  	(v2sf) =	vpush v12, $0xF;
	_ =	sdelay $0xe  }
0x3e8: {  	s31 =	spop (v2sf)  }
0x3e9: {  	s22 =	sadd.s32 s31, s22  }
0x3ea: {  	s22 =	sadd.s32 $0x80000000, s22  }
0x3eb: {  	[tilespmem:s24+$0xFFFFFFD0] =	vst v0;
	s24 =	simm.s32 $0x0;
	v12 =	vmov s22  }
.LBB2_18:
0x3ec: {  	s25 =	smul.u32 $0xE000, s24;
	_ =	sdelay $0x1  }
0x3ed: {  	s26 =	sadd.s32 s25, s7  }
0x3ee: {  	s26 =	sshrl.u32 s26, $0x3  }
0x3ef: {  	s28 =	sadd.s32 s2, s26  }
0x3f0: {  	[tilespmem:s14], [sflag:$0x2] =	stream.strided.gather [hbm4b:s28+s11], $0x3800, s12, s11, $0x38;
	[tilespmem:$0x1E080] =	vst v63  }
0x3f1: {  	s26 =	sadd.s32 s26, s4  }
0x3f2: {  	[tilespmem:s15], [sflag:$0x2] =	stream.strided.gather [hbm4b:s26+s11], $0x3800, s12, s11, $0x38;
	[tilespmem:$0x1E080] =	vst v63  }
0x3f3: {  	_ =	swait.ge [sflag:s16], $0x3800  }
0x3f4: {  	[sflag:s16] =	ssyncset.done $0x0  }
0x3f5: {  	[sflag:s16] =	ssyncadd.s32 $0xFFFFC800  }
0x3f6: {  	_ =	swait.ge [sflag:s16], $0x3800  }
0x3f7: {  	[sflag:s16] =	ssyncset.done $0x0  }
0x3f8: {  	s26 =	simm.s32 $0x100;
	[sflag:s16] =	ssyncadd.s32 $0xFFFFC800  }
0x3f9: {  	v13 =	vld [tilespmem:s26+$0x80];
	_ =	sdelay $0x4  }
0x3fa: {  	v14 =	vshra.s32 v13, $0x1F  }
0x3fb: {  	v14 =	vor.u32 $0x80000000, v14  }
0x3fc: {  	v13 =	vxor.u32 v13, v14  }
0x3fd: {  	v14 =	vshrl.u32 v13, $0x10  }
0x3fe: {  	vm0 =	veq.s32 v14, v12  }
0x3ff: {  	v13 =	vand.u32 $0xFFFF, v13;
	_ =	sdelay $0x4  }
0x400: {  	[tilespmem:v13+s17+$0x0] =	vst.idx.add.f32.msk vm0, v2  }
0x401: {  	v13 =	vld [tilespmem:s26+$0x90];
	_ =	sdelay $0x3  }
0x402: {  	v14 =	vld [tilespmem:s26+$0xFFFFFF00]  }
0x403: {  	v15 =	vshra.s32 v13, $0x1F  }
0x404: {  	v15 =	vor.u32 $0x80000000, v15  }
0x405: {  	v13 =	vxor.u32 v13, v15  }
0x406: {  	v15 =	vld [tilespmem:s26+$0xFFFFFF80];
	v16 =	vshrl.u32 v13, $0x10  }
0x407: {  	v17 =	vld [tilespmem:s26+$0x0];
	v18 =	vshra.s32 v14, $0x1F;
	vm0 =	veq.s32 v16, v12  }
0x408: {  	v13 =	vand.u32 $0xFFFF, v13;
	v16 =	vor.u32 $0x80000000, v18  }
0x409: {  	v14 =	vxor.u32 v14, v16  }
0x40a: {  	v16 =	vshrl.u32 v14, $0x10  }
0x40b: {  	v18 =	vshra.s32 v15, $0x1F;
	vm1 =	veq.s32 v16, v12  }
0x40c: {  	v14 =	vand.u32 $0xFFFF, v14;
	v16 =	vshra.s32 v17, $0x1F;
	v18 =	vor.u32 $0x80000000, v18  }
0x40d: {  	v16 =	vor.u32 $0x80000000, v16;
	v15 =	vxor.u32 v15, v18;
	[tilespmem:v13+s17+$0x0] =	vst.idx.add.f32.msk vm0, v2  }
0x40e: {  	v13 =	vxor.u32 v17, v16;
	v16 =	vshrl.u32 v15, $0x10;
	v17 =	vld [tilespmem:s26+$0xA0]  }
0x40f: {  	v18 =	vshrl.u32 v13, $0x10;
	vm0 =	veq.s32 v16, v12  }
0x410: {  	v15 =	vand.u32 $0xFFFF, v15;
	vm2 =	veq.s32 v18, v12  }
0x411: {  	v13 =	vand.u32 $0xFFFF, v13;
	[tilespmem:v14+s17+$0x0] =	vst.idx.add.f32.msk vm1, v2  }
0x412: {  	v14 =	vld [tilespmem:s26+$0xFFFFFF10]  }
0x413: {  	v16 =	vshra.s32 v17, $0x1F  }
0x414: {  	v16 =	vor.u32 $0x80000000, v16  }
0x415: {  	[tilespmem:v15+s17+$0x0] =	vst.idx.add.f32.msk vm0, v2;
	v15 =	vxor.u32 v17, v16  }
0x416: {  	[tilespmem:v13+s17+$0x0] =	vst.idx.add.f32.msk vm2, v2;
	v13 =	vshrl.u32 v15, $0x10  }
0x417: {  	v16 =	vld [tilespmem:s26+$0xFFFFFF90];
	v17 =	vshra.s32 v14, $0x1F;
	vm0 =	veq.s32 v13, v12  }
0x418: {  	v15 =	vand.u32 $0xFFFF, v15;
	v13 =	vld [tilespmem:s26+$0x10];
	v17 =	vor.u32 $0x80000000, v17  }
0x419: {  	v14 =	vxor.u32 v14, v17  }
0x41a: {  	v17 =	vshrl.u32 v14, $0x10  }
0x41b: {  	vm1 =	veq.s32 v17, v12  }
0x41c: {  	v14 =	vand.u32 $0xFFFF, v14;
	v17 =	vshra.s32 v16, $0x1F  }
0x41d: {  	v17 =	vor.u32 $0x80000000, v17;
	v18 =	vshra.s32 v13, $0x1F;
	[tilespmem:v15+s17+$0x0] =	vst.idx.add.f32.msk vm0, v2  }
0x41e: {  	v15 =	vxor.u32 v16, v17;
	v16 =	vor.u32 $0x80000000, v18;
	v17 =	vld [tilespmem:s26+$0xB0]  }
0x41f: {  	v18 =	vshrl.u32 v15, $0x10;
	v13 =	vxor.u32 v13, v16  }
0x420: {  	vm0 =	veq.s32 v18, v12;
	v16 =	vshrl.u32 v13, $0x10  }
0x421: {  	v15 =	vand.u32 $0xFFFF, v15;
	vm2 =	veq.s32 v16, v12;
	[tilespmem:v14+s17+$0x0] =	vst.idx.add.f32.msk vm1, v2  }
0x422: {  	v13 =	vand.u32 $0xFFFF, v13;
	v14 =	vld [tilespmem:s26+$0xFFFFFF20]  }
0x423: {  	v16 =	vshra.s32 v17, $0x1F  }
0x424: {  	v16 =	vor.u32 $0x80000000, v16  }
0x425: {  	v16 =	vxor.u32 v17, v16  }
0x426: {  	[tilespmem:v15+s17+$0x0] =	vst.idx.add.f32.msk vm0, v2;
	v15 =	vshrl.u32 v16, $0x10  }
0x427: {  	[tilespmem:v13+s17+$0x0] =	vst.idx.add.f32.msk vm2, v2;
	v13 =	vshra.s32 v14, $0x1F;
	vm0 =	veq.s32 v15, v12  }
0x428: {  	v16 =	vand.u32 $0xFFFF, v16;
	v15 =	vld [tilespmem:s26+$0xFFFFFFA0];
	v13 =	vor.u32 $0x80000000, v13  }
0x429: {  	v17 =	vld [tilespmem:s26+$0x20];
	v13 =	vxor.u32 v14, v13  }
0x42a: {  	v14 =	vshrl.u32 v13, $0x10  }
0x42b: {  	vm1 =	veq.s32 v14, v12  }
0x42c: {  	v13 =	vand.u32 $0xFFFF, v13  }
0x42d: {  	v14 =	vshra.s32 v15, $0x1F;
	[tilespmem:v16+s17+$0x0] =	vst.idx.add.f32.msk vm0, v2  }
0x42e: {  	v14 =	vor.u32 $0x80000000, v14;
	v16 =	vshra.s32 v17, $0x1F;
	v18 =	vld [tilespmem:s26+$0xC0]  }
0x42f: {  	v14 =	vxor.u32 v15, v14;
	v15 =	vor.u32 $0x80000000, v16  }
0x430: {  	v16 =	vshrl.u32 v14, $0x10;
	v15 =	vxor.u32 v17, v15  }
0x431: {  	vm0 =	veq.s32 v16, v12;
	v16 =	vshrl.u32 v15, $0x10;
	[tilespmem:v13+s17+$0x0] =	vst.idx.add.f32.msk vm1, v2  }
0x432: {  	v13 =	vand.u32 $0xFFFF, v14;
	vm1 =	veq.s32 v16, v12;
	v14 =	vld [tilespmem:s26+$0xFFFFFF30]  }
0x433: {  	v15 =	vand.u32 $0xFFFF, v15;
	v16 =	vshra.s32 v18, $0x1F  }
0x434: {  	v16 =	vor.u32 $0x80000000, v16  }
0x435: {  	v16 =	vxor.u32 v18, v16  }
0x436: {  	v17 =	vshrl.u32 v16, $0x10  }
0x437: {  	[tilespmem:v13+s17+$0x0] =	vst.idx.add.f32.msk vm0, v2;
	v13 =	vshra.s32 v14, $0x1F;
	vm0 =	veq.s32 v17, v12  }
0x438: {  	[tilespmem:v15+s17+$0x0] =	vst.idx.add.f32.msk vm1, v2;
	v13 =	vor.u32 $0x80000000, v13;
	v15 =	vand.u32 $0xFFFF, v16  }
0x439: {  	v16 =	vld [tilespmem:s26+$0xFFFFFFB0];
	v13 =	vxor.u32 v14, v13  }
0x43a: {  	v14 =	vld [tilespmem:s26+$0x30];
	v17 =	vshrl.u32 v13, $0x10  }
0x43b: {  	vm1 =	veq.s32 v17, v12  }
0x43c: {  	v13 =	vand.u32 $0xFFFF, v13  }
0x43d: {  	[tilespmem:v15+s17+$0x0] =	vst.idx.add.f32.msk vm0, v2  }
0x43e: {  	v15 =	vshra.s32 v16, $0x1F;
	v17 =	vld [tilespmem:s26+$0xD0]  }
0x43f: {  	v18 =	vshra.s32 v14, $0x1F;
	v15 =	vor.u32 $0x80000000, v15  }
0x440: {  	v15 =	vxor.u32 v16, v15;
	v16 =	vor.u32 $0x80000000, v18  }
0x441: {  	v18 =	vshrl.u32 v15, $0x10;
	v14 =	vxor.u32 v14, v16;
	[tilespmem:v13+s17+$0x0] =	vst.idx.add.f32.msk vm1, v2  }
0x442: {  	vm0 =	veq.s32 v18, v12;
	v13 =	vshrl.u32 v14, $0x10;
	v16 =	vld [tilespmem:s26+$0xFFFFFF40]  }
0x443: {  	vm1 =	veq.s32 v13, v12;
	v13 =	vand.u32 $0xFFFF, v15;
	v15 =	vshra.s32 v17, $0x1F  }
0x444: {  	v14 =	vand.u32 $0xFFFF, v14;
	v15 =	vor.u32 $0x80000000, v15  }
0x445: {  	v15 =	vxor.u32 v17, v15  }
0x446: {  	v17 =	vshrl.u32 v15, $0x10  }
0x447: {  	v18 =	vshra.s32 v16, $0x1F;
	vm2 =	veq.s32 v17, v12  }
0x448: {  	v15 =	vand.u32 $0xFFFF, v15;
	[tilespmem:v13+s17+$0x0] =	vst.idx.add.f32.msk vm0, v2;
	v13 =	vor.u32 $0x80000000, v18  }
0x449: {  	s29 =	simm.s32 $0x300;
	[tilespmem:v14+s17+$0x0] =	vst.idx.add.f32.msk vm1, v2;
	v13 =	vxor.u32 v16, v13  }
0x44a: {  	v16 =	vld [tilespmem:s29+$0x80];
	v14 =	vshrl.u32 v13, $0x10  }
0x44b: {  	v17 =	vld [tilespmem:s26+$0xFFFFFFC0];
	vm0 =	veq.s32 v14, v12  }
0x44c: {  	v13 =	vand.u32 $0xFFFF, v13;
	v14 =	vld [tilespmem:s26+$0x40]  }
0x44d: {  	[tilespmem:v15+s17+$0x0] =	vst.idx.add.f32.msk vm2, v2  }
0x44e: {  	v15 =	vld [tilespmem:s26+$0xE0]  }
0x44f: {  	v18 =	vshra.s32 v16, $0x1F  }
0x450: {  	v19 =	vshra.s32 v17, $0x1F;
	v18 =	vor.u32 $0x80000000, v18  }
0x451: {  	v19 =	vor.u32 $0x80000000, v19;
	v20 =	vshra.s32 v14, $0x1F;
	[tilespmem:v13+s17+$0x0] =	vst.idx.add.f32.msk vm0, v2;
	v13 =	vxor.u32 v16, v18  }
0x452: {  	v17 =	vxor.u32 v17, v19;
	v16 =	vor.u32 $0x80000000, v20;
	v18 =	vld [tilespmem:s26+$0xFFFFFF50];
	v19 =	vshrl.u32 v13, $0x10  }
0x453: {  	v14 =	vxor.u32 v14, v16;
	vm0 =	veq.s32 v19, v12;
	v16 =	vshra.s32 v15, $0x1F  }
0x454: {  	v20 =	vld [tilespmem:s29+$0xFFFFFF00];
	v13 =	vand.u32 $0xFFFF, v13;
	v19 =	vshrl.u32 v17, $0x10;
	v16 =	vor.u32 $0x80000000, v16  }
0x455: {  	v21 =	vshrl.u32 v14, $0x10;
	vm1 =	veq.s32 v19, v12;
	v19 =	vld [tilespmem:s29+$0xFFFFFF80];
	v15 =	vxor.u32 v15, v16  }
0x456: {  	vm2 =	veq.s32 v21, v12;
	v16 =	vand.u32 $0xFFFF, v17;
	v17 =	vshrl.u32 v15, $0x10  }
0x457: {  	v14 =	vand.u32 $0xFFFF, v14;
	v21 =	vshra.s32 v18, $0x1F;
	vm3 =	veq.s32 v17, v12  }
0x458: {  	v15 =	vand.u32 $0xFFFF, v15;
	v17 =	vld [tilespmem:s29+$0x0];
	v21 =	vor.u32 $0x80000000, v21  }
0x459: {  	v18 =	vxor.u32 v18, v21;
	v21 =	vshra.s32 v20, $0x1F;
	[tilespmem:v13+s17+$0x0] =	vst.idx.add.f32.msk vm0, v2  }
0x45a: {  	v22 =	vshra.s32 v19, $0x1F;
	v13 =	vshrl.u32 v18, $0x10;
	v21 =	vor.u32 $0x80000000, v21;
	v23 =	vld [tilespmem:s29+$0x90]  }
0x45b: {  	[tilespmem:v16+s17+$0x0] =	vst.idx.add.f32.msk vm1, v2;
	vm0 =	veq.s32 v13, v12;
	v13 =	vor.u32 $0x80000000, v22;
	v16 =	vxor.u32 v20, v21  }
0x45c: {  	v18 =	vand.u32 $0xFFFF, v18;
	[tilespmem:v14+s17+$0x0] =	vst.idx.add.f32.msk vm2, v2;
	v14 =	vshrl.u32 v16, $0x10;
	v13 =	vxor.u32 v19, v13  }
0x45d: {  	vm1 =	veq.s32 v14, v12;
	v14 =	vshrl.u32 v13, $0x10;
	[tilespmem:v15+s17+$0x0] =	vst.idx.add.f32.msk vm3, v2  }
0x45e: {  	v16 =	vand.u32 $0xFFFF, v16;
	v15 =	vshra.s32 v17, $0x1F;
	vm2 =	veq.s32 v14, v12;
	v14 =	vld [tilespmem:s26+$0xF0]  }
0x45f: {  	v19 =	vld [tilespmem:s26+$0xFFFFFFD0];
	v13 =	vand.u32 $0xFFFF, v13;
	v15 =	vor.u32 $0x80000000, v15;
	v20 =	vshra.s32 v23, $0x1F  }
0x460: {  	v21 =	vld [tilespmem:s26+$0x50];
	v15 =	vxor.u32 v17, v15;
	v17 =	vor.u32 $0x80000000, v20  }
0x461: {  	[tilespmem:v18+s17+$0x0] =	vst.idx.add.f32.msk vm0, v2;
	v18 =	vshrl.u32 v15, $0x10;
	v17 =	vxor.u32 v23, v17  }
0x462: {  	v20 =	vld [tilespmem:s26+$0xFFFFFF60];
	vm0 =	veq.s32 v18, v12;
	v18 =	vshrl.u32 v17, $0x10  }
0x463: {  	v15 =	vand.u32 $0xFFFF, v15;
	[tilespmem:v16+s17+$0x0] =	vst.idx.add.f32.msk vm1, v2;
	vm1 =	veq.s32 v18, v12;
	v16 =	vshra.s32 v14, $0x1F  }
0x464: {  	v18 =	vshra.s32 v19, $0x1F;
	[tilespmem:v13+s17+$0x0] =	vst.idx.add.f32.msk vm2, v2;
	v13 =	vor.u32 $0x80000000, v16;
	v16 =	vand.u32 $0xFFFF, v17  }
0x465: {  	v22 =	vld [tilespmem:s29+$0xFFFFFF10];
	v17 =	vor.u32 $0x80000000, v18;
	v18 =	vshra.s32 v21, $0x1F;
	v13 =	vxor.u32 v14, v13  }
0x466: {  	v14 =	vxor.u32 v19, v17;
	v17 =	vor.u32 $0x80000000, v18;
	v18 =	vld [tilespmem:s29+$0xFFFFFF90];
	v19 =	vshrl.u32 v13, $0x10  }
0x467: {  	v23 =	vshrl.u32 v14, $0x10;
	v14 =	vand.u32 $0xFFFF, v14;
	vm2 =	veq.s32 v19, v12  }
0x468: {  	v17 =	vxor.u32 v21, v17;
	v13 =	vand.u32 $0xFFFF, v13;
	v21 =	vshra.s32 v20, $0x1F  }
0x469: {  	vm3 =	veq.s32 v23, v12;
	v19 =	vshrl.u32 v17, $0x10;
	v17 =	vand.u32 $0xFFFF, v17;
	[tilespmem:v16+s17+$0x0] =	vst.idx.add.f32.msk vm1, v2  }
0x46a: {  	vm1 =	veq.s32 v19, v12;
	v16 =	vor.u32 $0x80000000, v21;
	v19 =	vshra.s32 v22, $0x1F;
	v21 =	vld [tilespmem:s29+$0xA0]  }
0x46b: {  	[tilespmem:v15+s17+$0x0] =	vst.idx.add.f32.msk vm0, v2;
	v15 =	vxor.u32 v20, v16;
	v16 =	vor.u32 $0x80000000, v19;
	v19 =	vshra.s32 v18, $0x1F  }
0x46c: {  	v23 =	vld [tilespmem:s29+$0x10];
	v20 =	vshrl.u32 v15, $0x10;
	v16 =	vxor.u32 v22, v16;
	v19 =	vor.u32 $0x80000000, v19  }
0x46d: {  	s28 =	simm.s32 $0x7100;
	vm0 =	veq.s32 v20, v12;
	v20 =	vshrl.u32 v16, $0x10;
	v18 =	vxor.u32 v18, v19;
	[tilespmem:v13+s17+$0x0] =	vst.idx.add.f32.msk vm2, v2  }
0x46e: {  	v13 =	vand.u32 $0xFFFF, v15;
	vm2 =	veq.s32 v20, v12;
	v15 =	vshrl.u32 v18, $0x10;
	v19 =	vld [tilespmem:s28+$0x80]  }
0x46f: {  	[tilespmem:v14+s17+$0x0] =	vst.idx.add.f32.msk vm3, v2;
	v14 =	vand.u32 $0xFFFF, v16;
	vm3 =	veq.s32 v15, v12;
	v15 =	vshra.s32 v21, $0x1F  }
0x470: {  	v16 =	vand.u32 $0xFFFF, v18;
	[tilespmem:v17+s17+$0x0] =	vst.idx.add.f32.msk vm1, v2;
	v15 =	vor.u32 $0x80000000, v15  }
0x471: {  	v18 =	vshra.s32 v23, $0x1F;
	v17 =	vld [tilespmem:s26+$0xFFFFFFE0];
	v15 =	vxor.u32 v21, v15  }
0x472: {  	v18 =	vor.u32 $0x80000000, v18;
	v20 =	vld [tilespmem:s26+$0x60];
	v21 =	vshrl.u32 v15, $0x10  }
0x473: {  	v18 =	vxor.u32 v23, v18;
	[tilespmem:v13+s17+$0x0] =	vst.idx.add.f32.msk vm0, v2;
	v13 =	vshra.s32 v19, $0x1F;
	vm0 =	veq.s32 v21, v12  }
0x474: {  	v21 =	vshrl.u32 v18, $0x10;
	[tilespmem:v14+s17+$0x0] =	vst.idx.add.f32.msk vm2, v2;
	v14 =	vand.u32 $0xFFFF, v15;
	v13 =	vor.u32 $0x80000000, v13  }
0x475: {  	vm1 =	veq.s32 v21, v12;
	[tilespmem:v16+s17+$0x0] =	vst.idx.add.f32.msk vm3, v2;
	v13 =	vxor.u32 v19, v13  }
0x476: {  	v15 =	vand.u32 $0xFFFF, v18;
	v16 =	vshra.s32 v17, $0x1F;
	v18 =	vld [tilespmem:s29+$0xFFFFFF20];
	v19 =	vshrl.u32 v13, $0x10  }
0x477: {  	v21 =	vshra.s32 v20, $0x1F;
	v16 =	vor.u32 $0x80000000, v16;
	v22 =	vld [tilespmem:s29+$0xFFFFFFA0];
	vm2 =	veq.s32 v19, v12  }
0x478: {  	v21 =	vor.u32 $0x80000000, v21;
	v16 =	vxor.u32 v17, v16;
	v13 =	vand.u32 $0xFFFF, v13  }
0x479: {  	v17 =	vxor.u32 v20, v21;
	v20 =	vshrl.u32 v16, $0x10;
	[tilespmem:v14+s17+$0x0] =	vst.idx.add.f32.msk vm0, v2  }
0x47a: {  	v14 =	vshrl.u32 v17, $0x10;
	vm0 =	veq.s32 v20, v12;
	v20 =	vld [tilespmem:s29+$0xB0]  }
0x47b: {  	[tilespmem:v15+s17+$0x0] =	vst.idx.add.f32.msk vm1, v2;
	vm1 =	veq.s32 v14, v12;
	v14 =	vand.u32 $0xFFFF, v16;
	v15 =	vshra.s32 v18, $0x1F  }
0x47c: {  	v16 =	vand.u32 $0xFFFF, v17;
	v21 =	vshra.s32 v22, $0x1F;
	v17 =	vld [tilespmem:s29+$0x20];
	v15 =	vor.u32 $0x80000000, v15  }
0x47d: {  	v15 =	vxor.u32 v18, v15;
	v18 =	vor.u32 $0x80000000, v21;
	[tilespmem:v13+s17+$0x0] =	vst.idx.add.f32.msk vm2, v2  }
0x47e: {  	v13 =	vshrl.u32 v15, $0x10;
	v18 =	vxor.u32 v22, v18;
	v21 =	vld [tilespmem:s28+$0x90]  }
0x47f: {  	v19 =	vld [tilespmem:s26+$0xFFFFFF70];
	vm2 =	veq.s32 v13, v12;
	v13 =	vshrl.u32 v18, $0x10;
	v22 =	vshra.s32 v20, $0x1F  }
0x480: {  	[tilespmem:v14+s17+$0x0] =	vst.idx.add.f32.msk vm0, v2;
	v14 =	vand.u32 $0xFFFF, v15;
	vm0 =	veq.s32 v13, v12;
	v13 =	vor.u32 $0x80000000, v22  }
0x481: {  	v15 =	vshra.s32 v17, $0x1F;
	[tilespmem:v16+s17+$0x0] =	vst.idx.add.f32.msk vm1, v2;
	v16 =	vand.u32 $0xFFFF, v18;
	v13 =	vxor.u32 v20, v13  }
0x482: {  	v15 =	vor.u32 $0x80000000, v15;
	v22 =	vshrl.u32 v13, $0x10  }
0x483: {  	v20 =	vld [tilespmem:s26+$0xFFFFFFF0];
	v15 =	vxor.u32 v17, v15;
	v23 =	vshra.s32 v21, $0x1F;
	vm1 =	veq.s32 v22, v12  }
0x484: {  	v17 =	vld [tilespmem:s26+$0x70];
	v13 =	vand.u32 $0xFFFF, v13;
	v22 =	vshrl.u32 v15, $0x10;
	v23 =	vor.u32 $0x80000000, v23  }
0x485: {  	v18 =	vshra.s32 v19, $0x1F;
	vm3 =	veq.s32 v22, v12;
	[tilespmem:v14+s17+$0x0] =	vst.idx.add.f32.msk vm2, v2;
	v14 =	vxor.u32 v21, v23  }
0x486: {  	v18 =	vor.u32 $0x80000000, v18;
	v15 =	vand.u32 $0xFFFF, v15;
	[tilespmem:v16+s17+$0x0] =	vst.idx.add.f32.msk vm0, v2;
	v16 =	vshrl.u32 v14, $0x10  }
0x487: {  	v18 =	vxor.u32 v19, v18;
	v22 =	vld [tilespmem:s29+$0xFFFFFF30];
	vm0 =	veq.s32 v16, v12  }
0x488: {  	v19 =	vshrl.u32 v18, $0x10;
	v21 =	vshra.s32 v20, $0x1F;
	v23 =	vld [tilespmem:s29+$0xFFFFFFB0];
	v14 =	vand.u32 $0xFFFF, v14  }
0x489: {  	vm2 =	veq.s32 v19, v12;
	v16 =	vshra.s32 v17, $0x1F;
	v21 =	vor.u32 $0x80000000, v21;
	[tilespmem:v13+s17+$0x0] =	vst.idx.add.f32.msk vm1, v2  }
0x48a: {  	v16 =	vor.u32 $0x80000000, v16;
	v19 =	vxor.u32 v20, v21;
	v13 =	vand.u32 $0xFFFF, v18;
	v18 =	vld [tilespmem:s29+$0xC0]  }
0x48b: {  	v16 =	vxor.u32 v17, v16;
	v17 =	vshrl.u32 v19, $0x10;
	[tilespmem:v15+s17+$0x0] =	vst.idx.add.f32.msk vm3, v2  }
0x48c: {  	v19 =	vand.u32 $0xFFFF, v19;
	v15 =	vshrl.u32 v16, $0x10;
	vm1 =	veq.s32 v17, v12;
	v17 =	vld [tilespmem:s29+$0x30]  }
0x48d: {  	vm3 =	veq.s32 v15, v12;
	v15 =	vand.u32 $0xFFFF, v16;
	v16 =	vshra.s32 v22, $0x1F;
	[tilespmem:v14+s17+$0x0] =	vst.idx.add.f32.msk vm0, v2  }
0x48e: {  	v14 =	vor.u32 $0x80000000, v16;
	v20 =	vld [tilespmem:s28+$0xA0]  }
0x48f: {  	v16 =	vshra.s32 v23, $0x1F;
	[tilespmem:v13+s17+$0x0] =	vst.idx.add.f32.msk vm2, v2;
	v13 =	vxor.u32 v22, v14  }
0x490: {  	v14 =	vor.u32 $0x80000000, v16;
	v16 =	vshra.s32 v18, $0x1F;
	v22 =	vshrl.u32 v13, $0x10  }
0x491: {  	v21 =	vld [tilespmem:s28+$0xFFFFFF00];
	v14 =	vxor.u32 v23, v14;
	v13 =	vand.u32 $0xFFFF, v13;
	v16 =	vor.u32 $0x80000000, v16  }
0x492: {  	v23 =	vshra.s32 v17, $0x1F;
	vm0 =	veq.s32 v22, v12;
	[tilespmem:v19+s17+$0x0] =	vst.idx.add.f32.msk vm1, v2;
	v19 =	vshrl.u32 v14, $0x10  }
0x493: {  	v14 =	vand.u32 $0xFFFF, v14;
	v16 =	vxor.u32 v18, v16;
	v18 =	vor.u32 $0x80000000, v23;
	[tilespmem:v15+s17+$0x0] =	vst.idx.add.f32.msk vm3, v2  }
0x494: {  	v22 =	vld [tilespmem:s28+$0xFFFFFF80];
	vm2 =	veq.s32 v19, v12;
	v15 =	vshrl.u32 v16, $0x10;
	v23 =	vshra.s32 v20, $0x1F  }
0x495: {  	vm1 =	veq.s32 v15, v12;
	v15 =	vxor.u32 v17, v18;
	v17 =	vld [tilespmem:s28+$0x0];
	v18 =	vor.u32 $0x80000000, v23  }
0x496: {  	v16 =	vand.u32 $0xFFFF, v16;
	v19 =	vshrl.u32 v15, $0x10;
	v18 =	vxor.u32 v20, v18  }
0x497: {  	vm3 =	veq.s32 v19, v12;
	v19 =	vshrl.u32 v18, $0x10  }
0x498: {  	v15 =	vand.u32 $0xFFFF, v15;
	v20 =	vshra.s32 v21, $0x1F;
	[tilespmem:v13+s17+$0x0] =	vst.idx.add.f32.msk vm0, v2;
	vm0 =	veq.s32 v19, v12  }
0x499: {  	v13 =	vor.u32 $0x80000000, v20;
	v18 =	vand.u32 $0xFFFF, v18;
	v19 =	vshra.s32 v22, $0x1F;
	v20 =	vld [tilespmem:s29+$0xFFFFFF40]  }
0x49a: {  	v13 =	vxor.u32 v21, v13;
	[tilespmem:v14+s17+$0x0] =	vst.idx.add.f32.msk vm2, v2;
	v19 =	vor.u32 $0x80000000, v19;
	v21 =	vshra.s32 v17, $0x1F  }
0x49b: {  	[tilespmem:v16+s17+$0x0] =	vst.idx.add.f32.msk vm1, v2;
	v16 =	vshrl.u32 v13, $0x10;
	v19 =	vxor.u32 v22, v19;
	v21 =	vor.u32 $0x80000000, v21  }
0x49c: {  	v22 =	vld [tilespmem:s29+$0xD0];
	vm1 =	veq.s32 v16, v12;
	v14 =	vshrl.u32 v19, $0x10;
	v16 =	vxor.u32 v17, v21  }
0x49d: {  	v13 =	vand.u32 $0xFFFF, v13;
	[tilespmem:v15+s17+$0x0] =	vst.idx.add.f32.msk vm3, v2;
	vm2 =	veq.s32 v14, v12;
	v14 =	vshrl.u32 v16, $0x10  }
0x49e: {  	v15 =	vand.u32 $0xFFFF, v19;
	vm3 =	veq.s32 v14, v12;
	v14 =	vshra.s32 v20, $0x1F;
	[tilespmem:v18+s17+$0x0] =	vst.idx.add.f32.msk vm0, v2  }
0x49f: {  	v16 =	vand.u32 $0xFFFF, v16;
	v14 =	vor.u32 $0x80000000, v14;
	v18 =	vld [tilespmem:s29+$0xFFFFFFC0]  }
0x4a0: {  	v17 =	vld [tilespmem:s28+$0xB0];
	v14 =	vxor.u32 v20, v14  }
0x4a1: {  	v20 =	vld [tilespmem:s29+$0x40];
	v19 =	vshra.s32 v22, $0x1F;
	v21 =	vshrl.u32 v14, $0x10  }
0x4a2: {  	v19 =	vor.u32 $0x80000000, v19;
	[tilespmem:v13+s17+$0x0] =	vst.idx.add.f32.msk vm1, v2;
	vm0 =	veq.s32 v21, v12  }
0x4a3: {  	v14 =	vand.u32 $0xFFFF, v14;
	v13 =	vxor.u32 v22, v19;
	[tilespmem:v15+s17+$0x0] =	vst.idx.add.f32.msk vm2, v2  }
0x4a4: {  	v15 =	vshrl.u32 v13, $0x10;
	[tilespmem:v16+s17+$0x0] =	vst.idx.add.f32.msk vm3, v2  }
0x4a5: {  	v16 =	vld [tilespmem:s28+$0xFFFFFF10];
	vm1 =	veq.s32 v15, v12;
	v15 =	vshra.s32 v17, $0x1F  }
0x4a6: {  	v19 =	vand.u32 $0xFFFF, v13;
	v13 =	vor.u32 $0x80000000, v15;
	v15 =	vld [tilespmem:s28+$0xFFFFFF90]  }
0x4a7: {  	v21 =	vshra.s32 v18, $0x1F;
	v22 =	vshra.s32 v20, $0x1F;
	v13 =	vxor.u32 v17, v13;
	v17 =	vld [tilespmem:s28+$0x10]  }
0x4a8: {  	s30 =	simm.s32 $0x500;
	v21 =	vor.u32 $0x80000000, v21;
	v22 =	vor.u32 $0x80000000, v22;
	[tilespmem:v14+s17+$0x0] =	vst.idx.add.f32.msk vm0, v2  }
0x4a9: {  	v23 =	vshrl.u32 v13, $0x10;
	v14 =	vxor.u32 v18, v21;
	v18 =	vxor.u32 v20, v22;
	v20 =	vld [tilespmem:s30+$0x80]  }
0x4aa: {  	vm0 =	veq.s32 v23, v12;
	v21 =	vshrl.u32 v14, $0x10;
	v22 =	vshrl.u32 v18, $0x10  }
0x4ab: {  	v14 =	vand.u32 $0xFFFF, v14;
	v18 =	vand.u32 $0xFFFF, v18;
	vm3 =	veq.s32 v21, v12;
	[tilespmem:v19+s17+$0x0] =	vst.idx.add.f32.msk vm1, v2  }
0x4ac: {  	vm2 =	veq.s32 v22, v12;
	v22 =	vshra.s32 v16, $0x1F;
	v23 =	vshra.s32 v15, $0x1F;
	v19 =	vld [tilespmem:s29+$0xE0]  }
0x4ad: {  	v21 =	vld [tilespmem:s29+$0xFFFFFF50];
	v22 =	vor.u32 $0x80000000, v22;
	v24 =	vshra.s32 v17, $0x1F;
	v23 =	vor.u32 $0x80000000, v23  }
0x4ae: {  	v26 =	vld [tilespmem:s30+$0xFFFFFF00];
	v16 =	vxor.u32 v16, v22;
	v22 =	vshra.s32 v20, $0x1F;
	v15 =	vxor.u32 v15, v23  }
0x4af: {  	v23 =	vshrl.u32 v16, $0x10;
	v16 =	vand.u32 $0xFFFF, v16;
	v22 =	vor.u32 $0x80000000, v22  }
0x4b0: {  	v25 =	vshrl.u32 v15, $0x10;
	vm1 =	veq.s32 v23, v12;
	v20 =	vxor.u32 v20, v22  }
0x4b1: {  	v23 =	vld [tilespmem:s30+$0x0];
	v15 =	vand.u32 $0xFFFF, v15;
	v29 =	vshrl.u32 v20, $0x10;
	v22 =	vshra.s32 v19, $0x1F  }
0x4b2: {  	v27 =	vld [tilespmem:s30+$0xFFFFFF80];
	v28 =	vshra.s32 v21, $0x1F;
	vm4 =	veq.s32 v29, v12;
	v22 =	vor.u32 $0x80000000, v22  }
0x4b3: {  	v20 =	vand.u32 $0xFFFF, v20;
	[tilespmem:v18+s17+$0x0] =	vst.idx.add.f32.msk vm2, v2;
	v18 =	vshra.s32 v26, $0x1F;
	v19 =	vxor.u32 v19, v22  }
0x4b4: {  	[tilespmem:v14+s17+$0x0] =	vst.idx.add.f32.msk vm3, v2;
	v18 =	vor.u32 $0x80000000, v18;
	v22 =	vor.u32 $0x80000000, v28;
	v61 =	vshrl.u32 v19, $0x10  }
0x4b5: {  	v63 =	vld [tilespmem:s29+$0x50];
	v18 =	vxor.u32 v26, v18;
	v21 =	vxor.u32 v21, v22;
	vm3 =	veq.s32 v61, v12  }
0x4b6: {  	v62 =	vshra.s32 v23, $0x1F;
	v19 =	vand.u32 $0xFFFF, v19;
	[tilespmem:v16+s17+$0x0] =	vst.idx.add.f32.msk vm1, v2;
	v14 =	vshrl.u32 v21, $0x10  }
0x4b7: {  	v22 =	vshra.s32 v27, $0x1F;
	vm1 =	veq.s32 v25, v12;
	vm5 =	veq.s32 v14, v12;
	v14 =	vld [tilespmem:s29+$0xFFFFFFD0]  }
0x4b8: {  	v33 =	vshrl.u32 v18, $0x10;
	v32 =	vor.u32 $0x80000000, v62;
	v22 =	vor.u32 $0x80000000, v22;
	[tilespmem:v20+s17+$0x0] =	vst.idx.add.f32.msk vm4, v2  }
0x4b9: {  	v21 =	vand.u32 $0xFFFF, v21;
	v20 =	vxor.u32 v27, v22;
	v22 =	vxor.u32 v23, v32;
	v23 =	vld [tilespmem:s30+$0x90]  }
0x4ba: {  	v24 =	vor.u32 $0x80000000, v24;
	v37 =	vld [tilespmem:s28+$0xFFFFFF20];
	vm4 =	veq.s32 v33, v12;
	v34 =	vshrl.u32 v20, $0x10  }
0x4bb: {  	v18 =	vand.u32 $0xFFFF, v18;
	v35 =	vshrl.u32 v22, $0x10;
	[tilespmem:v19+s17+$0x0] =	vst.idx.add.f32.msk vm3, v2;
	vm3 =	veq.s32 v34, v12  }
0x4bc: {  	v16 =	vand.u32 $0xFFFF, v20;
	v20 =	vshra.s32 v63, $0x1F;
	v19 =	vshra.s32 v14, $0x1F;
	v36 =	vld [tilespmem:s29+$0xF0]  }
0x4bd: {  	v22 =	vand.u32 $0xFFFF, v22;
	vm2 =	veq.s32 v35, v12;
	[tilespmem:v15+s17+$0x0] =	vst.idx.add.f32.msk vm1, v2;
	v19 =	vor.u32 $0x80000000, v19  }
0x4be: {  	[tilespmem:v21+s17+$0x0] =	vst.idx.add.f32.msk vm5, v2;
	v14 =	vxor.u32 v14, v19;
	v19 =	vor.u32 $0x80000000, v20;
	v21 =	vshra.s32 v23, $0x1F  }
0x4bf: {  	v38 =	vld [tilespmem:s29+$0xFFFFFF60];
	v20 =	vshrl.u32 v14, $0x10;
	v14 =	vand.u32 $0xFFFF, v14;
	v19 =	vxor.u32 v63, v19  }
0x4c0: {  	[tilespmem:v18+s17+$0x0] =	vst.idx.add.f32.msk vm4, v2;
	vm5 =	veq.s32 v20, v12;
	v20 =	vor.u32 $0x80000000, v21;
	v18 =	vshrl.u32 v19, $0x10  }
0x4c1: {  	v20 =	vxor.u32 v23, v20;
	v21 =	vshra.s32 v36, $0x1F;
	[tilespmem:v16+s17+$0x0] =	vst.idx.add.f32.msk vm3, v2;
	vm3 =	veq.s32 v18, v12  }
0x4c2: {  	v19 =	vand.u32 $0xFFFF, v19;
	v16 =	vshrl.u32 v20, $0x10;
	v18 =	vor.u32 $0x80000000, v21;
	v21 =	vld [tilespmem:s30+$0xFFFFFF10]  }
0x4c3: {  	v17 =	vxor.u32 v17, v24;
	vm4 =	veq.s32 v16, v12;
	v16 =	vxor.u32 v36, v18;
	v18 =	vld [tilespmem:s30+$0xFFFFFF90]  }
0x4c4: {  	v24 =	vshrl.u32 v17, $0x10;
	[tilespmem:v22+s17+$0x0] =	vst.idx.add.f32.msk vm2, v2;
	v20 =	vand.u32 $0xFFFF, v20;
	v23 =	vshrl.u32 v16, $0x10  }
0x4c5: {  	v17 =	vand.u32 $0xFFFF, v17;
	v22 =	vshra.s32 v38, $0x1F;
	vm6 =	veq.s32 v23, v12;
	v23 =	vld [tilespmem:s30+$0x10]  }
0x4c6: {  	vm2 =	veq.s32 v24, v12;
	v22 =	vor.u32 $0x80000000, v22;
	v16 =	vand.u32 $0xFFFF, v16;
	[tilespmem:v14+s17+$0x0] =	vst.idx.add.f32.msk vm5, v2  }
0x4c7: {  	v22 =	vxor.u32 v38, v22;
	v14 =	vshra.s32 v37, $0x1F;
	[tilespmem:v19+s17+$0x0] =	vst.idx.add.f32.msk vm3, v2;
	v19 =	vshra.s32 v21, $0x1F  }
0x4c8: {  	v39 =	vshrl.u32 v22, $0x10;
	v43 =	vld [tilespmem:s29+$0xFFFFFFE0];
	v19 =	vor.u32 $0x80000000, v19;
	v40 =	vshra.s32 v18, $0x1F  }
0x4c9: {  	vm3 =	veq.s32 v39, v12;
	[tilespmem:v20+s17+$0x0] =	vst.idx.add.f32.msk vm4, v2;
	v19 =	vxor.u32 v21, v19;
	v20 =	vor.u32 $0x80000000, v40  }
0x4ca: {  	v22 =	vand.u32 $0xFFFF, v22;
	v21 =	vld [tilespmem:s30+$0xA0];
	v41 =	vshrl.u32 v19, $0x10;
	v18 =	vxor.u32 v18, v20  }
0x4cb: {  	s26 =	simm.s32 $0x7300;
	v14 =	vor.u32 $0x80000000, v14;
	[tilespmem:v16+s17+$0x0] =	vst.idx.add.f32.msk vm6, v2;
	vm4 =	veq.s32 v41, v12;
	v20 =	vshrl.u32 v18, $0x10  }
0x4cc: {  	v19 =	vand.u32 $0xFFFF, v19;
	v16 =	vshra.s32 v23, $0x1F;
	v42 =	vld [tilespmem:s26+$0x80];
	vm5 =	veq.s32 v20, v12  }
0x4cd: {  	[tilespmem:v17+s17+$0x0] =	vst.idx.add.f32.msk vm2, v2;
	v14 =	vxor.u32 v37, v14;
	v18 =	vand.u32 $0xFFFF, v18;
	v16 =	vor.u32 $0x80000000, v16  }
0x4ce: {  	v44 =	vshrl.u32 v14, $0x10;
	v14 =	vand.u32 $0xFFFF, v14;
	v20 =	vld [tilespmem:s29+$0x60];
	v16 =	vxor.u32 v23, v16  }
0x4cf: {  	vm1 =	veq.s32 v44, v12;
	[tilespmem:v22+s17+$0x0] =	vst.idx.add.f32.msk vm3, v2;
	v15 =	vshrl.u32 v16, $0x10;
	v23 =	vshra.s32 v21, $0x1F  }
0x4d0: {  	v16 =	vand.u32 $0xFFFF, v16;
	v22 =	vld [tilespmem:s29+$0xFFFFFF70];
	vm6 =	veq.s32 v15, v12;
	v15 =	vor.u32 $0x80000000, v23  }
0x4d1: {  	v23 =	vshra.s32 v43, $0x1F;
	v15 =	vxor.u32 v21, v15;
	v21 =	vshra.s32 v42, $0x1F;
	[tilespmem:v19+s17+$0x0] =	vst.idx.add.f32.msk vm4, v2  }
0x4d2: {  	v23 =	vor.u32 $0x80000000, v23;
	v19 =	vshrl.u32 v15, $0x10;
	v21 =	vor.u32 $0x80000000, v21;
	[tilespmem:v18+s17+$0x0] =	vst.idx.add.f32.msk vm5, v2  }
0x4d3: {  	v45 =	vshra.s32 v20, $0x1F;
	vm4 =	veq.s32 v19, v12;
	v19 =	vld [tilespmem:s30+$0xFFFFFF20];
	v18 =	vxor.u32 v42, v21  }
0x4d4: {  	v15 =	vand.u32 $0xFFFF, v15;
	v46 =	vor.u32 $0x80000000, v45;
	v47 =	vld [tilespmem:s30+$0xFFFFFFA0];
	v21 =	vshrl.u32 v18, $0x10  }
0x4d5: {  	v49 =	vld [tilespmem:s28+$0xFFFFFFA0];
	v20 =	vxor.u32 v20, v46;
	vm5 =	veq.s32 v21, v12;
	v21 =	vxor.u32 v43, v23  }
0x4d6: {  	v17 =	vand.u32 $0xFFFF, v18;
	v23 =	vshrl.u32 v20, $0x10;
	[tilespmem:v16+s17+$0x0] =	vst.idx.add.f32.msk vm6, v2;
	v18 =	vshrl.u32 v21, $0x10  }
0x4d7: {  	v20 =	vand.u32 $0xFFFF, v20;
	vm3 =	veq.s32 v23, v12;
	vm2 =	veq.s32 v18, v12;
	v18 =	vld [tilespmem:s30+$0x20]  }
0x4d8: {  	v51 =	vld [tilespmem:s28+$0x20];
	v16 =	vand.u32 $0xFFFF, v21;
	v21 =	vshra.s32 v22, $0x1F;
	v23 =	vshra.s32 v19, $0x1F  }
0x4d9: {  	[tilespmem:v15+s17+$0x0] =	vst.idx.add.f32.msk vm4, v2;
	v15 =	vor.u32 $0x80000000, v21;
	v21 =	vor.u32 $0x80000000, v23;
	v23 =	vshra.s32 v47, $0x1F  }
0x4da: {  	v48 =	vld [tilespmem:s30+$0xB0];
	v15 =	vxor.u32 v22, v15;
	v19 =	vxor.u32 v19, v21;
	v21 =	vor.u32 $0x80000000, v23  }
0x4db: {  	v22 =	vshrl.u32 v19, $0x10;
	v21 =	vxor.u32 v47, v21;
	v19 =	vand.u32 $0xFFFF, v19;
	[tilespmem:v17+s17+$0x0] =	vst.idx.add.f32.msk vm5, v2  }
0x4dc: {  	vm4 =	veq.s32 v22, v12;
	v22 =	vshrl.u32 v21, $0x10;
	v23 =	vld [tilespmem:s26+$0x90];
	v50 =	vshra.s32 v18, $0x1F  }
0x4dd: {  	[tilespmem:v14+s17+$0x0] =	vst.idx.add.f32.msk vm1, v2;
	v17 =	vshrl.u32 v15, $0x10;
	vm5 =	veq.s32 v22, v12;
	v26 =	vor.u32 $0x80000000, v50  }
0x4de: {  	[tilespmem:v16+s17+$0x0] =	vst.idx.add.f32.msk vm2, v2;
	vm2 =	veq.s32 v17, v12;
	v16 =	vxor.u32 v18, v26  }
0x4df: {  	[tilespmem:v20+s17+$0x0] =	vst.idx.add.f32.msk vm3, v2;
	v18 =	vand.u32 $0xFFFF, v21;
	v21 =	vshra.s32 v48, $0x1F;
	v17 =	vshrl.u32 v16, $0x10  }
0x4e0: {  	v20 =	vor.u32 $0x80000000, v21;
	vm3 =	veq.s32 v17, v12;
	v17 =	vld [tilespmem:s29+$0xFFFFFFF0]  }
0x4e1: {  	v22 =	vld [tilespmem:s29+$0x70];
	v16 =	vand.u32 $0xFFFF, v16;
	v20 =	vxor.u32 v48, v20;
	v21 =	vshra.s32 v23, $0x1F  }
0x4e2: {  	v24 =	vshrl.u32 v20, $0x10;
	[tilespmem:v19+s17+$0x0] =	vst.idx.add.f32.msk vm4, v2;
	v21 =	vor.u32 $0x80000000, v21  }
0x4e3: {  	vm4 =	veq.s32 v24, v12;
	v52 =	vld [tilespmem:s30+$0xFFFFFF30];
	v19 =	vxor.u32 v23, v21  }
0x4e4: {  	[tilespmem:v18+s17+$0x0] =	vst.idx.add.f32.msk vm5, v2;
	v18 =	vand.u32 $0xFFFF, v20;
	v23 =	vshra.s32 v51, $0x1F;
	v20 =	vshrl.u32 v19, $0x10  }
0x4e5: {  	v53 =	vld [tilespmem:s30+$0xFFFFFFB0];
	vm5 =	veq.s32 v20, v12;
	v20 =	vor.u32 $0x80000000, v23;
	v23 =	vshra.s32 v17, $0x1F  }
0x4e6: {  	v15 =	vand.u32 $0xFFFF, v15;
	s29 =	simm.s32 $0x700;
	[tilespmem:v16+s17+$0x0] =	vst.idx.add.f32.msk vm3, v2;
	v16 =	vshra.s32 v22, $0x1F;
	v23 =	vor.u32 $0x80000000, v23  }
0x4e7: {  	v38 =	vld [tilespmem:s29+$0xFFFFFF80];
	v19 =	vand.u32 $0xFFFF, v19;
	v16 =	vor.u32 $0x80000000, v16;
	v17 =	vxor.u32 v17, v23  }
0x4e8: {  	v21 =	vshra.s32 v49, $0x1F;
	v23 =	vld [tilespmem:s30+$0x30];
	v16 =	vxor.u32 v22, v16;
	v22 =	vshrl.u32 v17, $0x10  }
0x4e9: {  	v21 =	vor.u32 $0x80000000, v21;
	[tilespmem:v18+s17+$0x0] =	vst.idx.add.f32.msk vm4, v2;
	v18 =	vshrl.u32 v16, $0x10;
	vm3 =	veq.s32 v22, v12  }
0x4ea: {  	v17 =	vand.u32 $0xFFFF, v17;
	v22 =	vshra.s32 v52, $0x1F;
	v54 =	vld [tilespmem:s30+$0xC0];
	vm4 =	veq.s32 v18, v12  }
0x4eb: {  	[tilespmem:v15+s17+$0x0] =	vst.idx.add.f32.msk vm2, v2;
	v16 =	vand.u32 $0xFFFF, v16;
	v18 =	vor.u32 $0x80000000, v22;
	v22 =	vshra.s32 v53, $0x1F  }
0x4ec: {  	v21 =	vxor.u32 v49, v21;
	[tilespmem:v19+s17+$0x0] =	vst.idx.add.f32.msk vm5, v2;
	v18 =	vxor.u32 v52, v18;
	v19 =	vor.u32 $0x80000000, v22  }
0x4ed: {  	v55 =	vld [tilespmem:s26+$0xFFFFFF00];
	v15 =	vshra.s32 v23, $0x1F;
	v24 =	vshrl.u32 v18, $0x10;
	v19 =	vxor.u32 v53, v19  }
0x4ee: {  	v22 =	vld [tilespmem:s26+$0xA0];
	v18 =	vand.u32 $0xFFFF, v18;
	v15 =	vor.u32 $0x80000000, v15;
	vm2 =	veq.s32 v24, v12  }
0x4ef: {  	v56 =	vshrl.u32 v19, $0x10;
	v14 =	vxor.u32 v23, v15;
	v15 =	vshra.s32 v54, $0x1F;
	[tilespmem:v17+s17+$0x0] =	vst.idx.add.f32.msk vm3, v2  }
0x4f0: {  	vm1 =	veq.s32 v56, v12;
	v17 =	vshrl.u32 v14, $0x10;
	v15 =	vor.u32 $0x80000000, v15;
	[tilespmem:v16+s17+$0x0] =	vst.idx.add.f32.msk vm4, v2  }
0x4f1: {  	v16 =	vand.u32 $0xFFFF, v19;
	v15 =	vxor.u32 v54, v15;
	vm3 =	veq.s32 v17, v12;
	v17 =	vld [tilespmem:s26+$0xFFFFFF80]  }
0x4f2: {  	v59 =	vshrl.u32 v21, $0x10;
	v14 =	vand.u32 $0xFFFF, v14;
	v23 =	vshrl.u32 v15, $0x10;
	v57 =	vld [tilespmem:s26+$0x0]  }
0x4f3: {  	vm4 =	veq.s32 v59, v12;
	v19 =	vshra.s32 v22, $0x1F;
	vm5 =	veq.s32 v23, v12;
	v23 =	vld [tilespmem:s28+$0xFFFFFF30]  }
0x4f4: {  	v20 =	vxor.u32 v51, v20;
	v21 =	vand.u32 $0xFFFF, v21;
	v19 =	vor.u32 $0x80000000, v19;
	[tilespmem:v18+s17+$0x0] =	vst.idx.add.f32.msk vm2, v2  }
0x4f5: {  	v43 =	vshra.s32 v38, $0x1F;
	v19 =	vxor.u32 v22, v19;
	v22 =	vshra.s32 v55, $0x1F;
	v61 =	vld [tilespmem:s30+$0xFFFFFF40]  }
0x4f6: {  	v15 =	vand.u32 $0xFFFF, v15;
	v58 =	vshrl.u32 v19, $0x10;
	v22 =	vor.u32 $0x80000000, v22;
	[tilespmem:v16+s17+$0x0] =	vst.idx.add.f32.msk vm1, v2  }
0x4f7: {  	v18 =	vshrl.u32 v20, $0x10;
	vm2 =	veq.s32 v58, v12;
	v22 =	vxor.u32 v55, v22;
	[tilespmem:v14+s17+$0x0] =	vst.idx.add.f32.msk vm3, v2  }
0x4f8: {  	v16 =	vand.u32 $0xFFFF, v19;
	v60 =	vshra.s32 v17, $0x1F;
	v19 =	vshrl.u32 v22, $0x10;
	v63 =	vld [tilespmem:s30+$0xFFFFFFC0]  }
0x4f9: {  	v62 =	vshra.s32 v57, $0x1F;
	[tilespmem:v21+s17+$0x0] =	vst.idx.add.f32.msk vm4, v2;
	vm1 =	veq.s32 v19, v12;
	v19 =	vor.u32 $0x80000000, v60  }
0x4fa: {  	v14 =	vand.u32 $0xFFFF, v22;
	v21 =	vld [tilespmem:s29+$0x80];
	v17 =	vxor.u32 v17, v19;
	v19 =	vor.u32 $0x80000000, v62  }
0x4fb: {  	vm3 =	veq.s32 v18, v12;
	[tilespmem:v15+s17+$0x0] =	vst.idx.add.f32.msk vm5, v2;
	v15 =	vshrl.u32 v17, $0x10;
	v18 =	vxor.u32 v57, v19  }
0x4fc: {  	v19 =	vld [tilespmem:s30+$0xD0];
	v22 =	vshra.s32 v61, $0x1F;
	vm5 =	veq.s32 v15, v12;
	v15 =	vshrl.u32 v18, $0x10  }
0x4fd: {  	v17 =	vand.u32 $0xFFFF, v17;
	v22 =	vor.u32 $0x80000000, v22;
	[tilespmem:v16+s17+$0x0] =	vst.idx.add.f32.msk vm2, v2;
	vm2 =	veq.s32 v15, v12  }
0x4fe: {  	v18 =	vand.u32 $0xFFFF, v18;
	v15 =	vshra.s32 v23, $0x1F;
	v22 =	vxor.u32 v61, v22;
	v16 =	vld [tilespmem:s26+$0xB0]  }
0x4ff: {  	v20 =	vand.u32 $0xFFFF, v20;
	v15 =	vor.u32 $0x80000000, v15;
	v26 =	vshrl.u32 v22, $0x10  }
0x500: {  	v41 =	vshra.s32 v21, $0x1F;
	v15 =	vxor.u32 v23, v15;
	v23 =	vld [tilespmem:s30+$0x40];
	vm6 =	veq.s32 v26, v12  }
0x501: {  	v22 =	vand.u32 $0xFFFF, v22;
	[tilespmem:v14+s17+$0x0] =	vst.idx.add.f32.msk vm1, v2;
	v29 =	vshrl.u32 v15, $0x10;
	v14 =	vshra.s32 v19, $0x1F  }
0x502: {  	vm1 =	veq.s32 v29, v12;
	v14 =	vor.u32 $0x80000000, v14;
	v29 =	vor.u32 $0x80000000, v41;
	[tilespmem:v17+s17+$0x0] =	vst.idx.add.f32.msk vm5, v2  }
0x503: {  	v14 =	vxor.u32 v19, v14;
	v17 =	vshra.s32 v16, $0x1F;
	[tilespmem:v18+s17+$0x0] =	vst.idx.add.f32.msk vm2, v2;
	v18 =	vshra.s32 v63, $0x1F  }
0x504: {  	v19 =	vld [tilespmem:s26+$0xFFFFFF10];
	v31 =	vshrl.u32 v14, $0x10;
	v34 =	vand.u32 $0xFFFF, v14;
	v14 =	vand.u32 $0xFFFF, v15  }
0x505: {  	v42 =	vld [tilespmem:s29+$0x0];
	v17 =	vor.u32 $0x80000000, v17;
	v30 =	vshra.s32 v23, $0x1F;
	vm5 =	veq.s32 v31, v12  }
0x506: {  	v18 =	vor.u32 $0x80000000, v18;
	v16 =	vxor.u32 v16, v17;
	v25 =	vor.u32 $0x80000000, v30;
	[tilespmem:v22+s17+$0x0] =	vst.idx.add.f32.msk vm6, v2  }
0x507: {  	v18 =	vxor.u32 v63, v18;
	v32 =	vshrl.u32 v16, $0x10;
	v23 =	vxor.u32 v23, v25;
	v35 =	vld [tilespmem:s30+$0xFFFFFF50]  }
0x508: {  	v33 =	vld [tilespmem:s26+$0x10];
	v15 =	vand.u32 $0xFFFF, v16;
	v16 =	vshrl.u32 v18, $0x10;
	v22 =	vshrl.u32 v23, $0x10  }
0x509: {  	v17 =	vld [tilespmem:s26+$0xFFFFFF90];
	vm6 =	veq.s32 v16, v12;
	vm4 =	veq.s32 v22, v12;
	v22 =	vshra.s32 v19, $0x1F  }
0x50a: {  	[tilespmem:v20+s17+$0x0] =	vst.idx.add.f32.msk vm3, v2;
	v18 =	vand.u32 $0xFFFF, v18;
	vm2 =	veq.s32 v32, v12;
	v22 =	vor.u32 $0x80000000, v22  }
0x50b: {  	v16 =	vand.u32 $0xFFFF, v23;
	v32 =	vshra.s32 v42, $0x1F;
	[tilespmem:v34+s17+$0x0] =	vst.idx.add.f32.msk vm5, v2;
	v19 =	vxor.u32 v19, v22  }
0x50c: {  	v46 =	vor.u32 $0x80000000, v32;
	v22 =	vld [tilespmem:s30+$0xE0];
	v20 =	vshrl.u32 v19, $0x10;
	v37 =	vshra.s32 v35, $0x1F  }
0x50d: {  	v36 =	vshra.s32 v33, $0x1F;
	vm3 =	veq.s32 v20, v12;
	v20 =	vor.u32 $0x80000000, v37  }
0x50e: {  	v40 =	vld [tilespmem:s29+$0xFFFFFF00];
	v23 =	vshra.s32 v17, $0x1F;
	v25 =	vor.u32 $0x80000000, v36;
	v20 =	vxor.u32 v35, v20  }
0x50f: {  	v19 =	vand.u32 $0xFFFF, v19;
	[tilespmem:v18+s17+$0x0] =	vst.idx.add.f32.msk vm6, v2;
	v18 =	vxor.u32 v21, v29;
	v30 =	vshrl.u32 v20, $0x10  }
0x510: {  	v23 =	vor.u32 $0x80000000, v23;
	[tilespmem:v16+s17+$0x0] =	vst.idx.add.f32.msk vm4, v2;
	v16 =	vshrl.u32 v18, $0x10;
	vm5 =	veq.s32 v30, v12  }
0x511: {  	v51 =	vld [tilespmem:s28+$0xFFFFFFB0];
	v20 =	vand.u32 $0xFFFF, v20;
	vm4 =	veq.s32 v16, v12;
	v21 =	vshra.s32 v22, $0x1F  }
0x512: {  	v17 =	vxor.u32 v17, v23;
	v44 =	vld [tilespmem:s30+$0xFFFFFFD0];
	v18 =	vand.u32 $0xFFFF, v18;
	v21 =	vor.u32 $0x80000000, v21  }
0x513: {  	v25 =	vxor.u32 v33, v25;
	v23 =	vshrl.u32 v17, $0x10;
	v16 =	vxor.u32 v22, v21;
	v21 =	vld [tilespmem:s30+$0x50]  }
0x514: {  	v39 =	vshrl.u32 v25, $0x10;
	v25 =	vand.u32 $0xFFFF, v25;
	[tilespmem:v19+s17+$0x0] =	vst.idx.add.f32.msk vm3, v2;
	vm3 =	veq.s32 v23, v12  }
0x515: {  	v17 =	vand.u32 $0xFFFF, v17;
	v22 =	vshra.s32 v40, $0x1F;
	v31 =	vshrl.u32 v16, $0x10;
	v45 =	vld [tilespmem:s26+$0xFFFFFF20]  }
0x516: {  	v19 =	vor.u32 $0x80000000, v22;
	v22 =	vor.u32 $0x80000000, v43;
	vm6 =	veq.s32 v31, v12;
	[tilespmem:v20+s17+$0x0] =	vst.idx.add.f32.msk vm5, v2  }
0x517: {  	v16 =	vand.u32 $0xFFFF, v16;
	v19 =	vxor.u32 v40, v19;
	v22 =	vxor.u32 v38, v22;
	[tilespmem:v18+s17+$0x0] =	vst.idx.add.f32.msk vm4, v2  }
0x518: {  	v47 =	vshrl.u32 v19, $0x10;
	v20 =	vxor.u32 v42, v46;
	vm4 =	veq.s32 v39, v12;
	v49 =	vld [tilespmem:s30+$0xFFFFFF60]  }
0x519: {  	v48 =	vshrl.u32 v22, $0x10;
	v18 =	vand.u32 $0xFFFF, v22;
	vm5 =	veq.s32 v47, v12;
	v22 =	vld [tilespmem:s29+$0x90]  }
0x51a: {  	v19 =	vand.u32 $0xFFFF, v19;
	v28 =	vshrl.u32 v20, $0x10;
	vm7 =	veq.s32 v48, v12;
	[tilespmem:v17+s17+$0x0] =	vst.idx.add.f32.msk vm3, v2  }
0x51b: {  	v50 =	vshra.s32 v44, $0x1F;
	vm8 =	veq.s32 v28, v12;
	v46 =	vld [tilespmem:s26+$0xFFFFFFA0]  }
0x51c: {  	v23 =	vor.u32 $0x80000000, v50;
	v20 =	vand.u32 $0xFFFF, v20;
	[tilespmem:v16+s17+$0x0] =	vst.idx.add.f32.msk vm6, v2  }
0x51d: {  	v23 =	vxor.u32 v44, v23;
	v16 =	vshra.s32 v21, $0x1F;
	v52 =	vld [tilespmem:s30+$0xF0]  }
0x51e: {  	v53 =	vshrl.u32 v23, $0x10;
	v16 =	vor.u32 $0x80000000, v16;
	[tilespmem:v25+s17+$0x0] =	vst.idx.add.f32.msk vm4, v2  }
0x51f: {  	v13 =	vand.u32 $0xFFFF, v13;
	v16 =	vxor.u32 v21, v16;
	[tilespmem:v19+s17+$0x0] =	vst.idx.add.f32.msk vm5, v2;
	vm5 =	veq.s32 v53, v12  }
0x520: {  	v58 =	vshra.s32 v51, $0x1F;
	v19 =	vand.u32 $0xFFFF, v23;
	[tilespmem:v18+s17+$0x0] =	vst.idx.add.f32.msk vm7, v2;
	v21 =	vshrl.u32 v16, $0x10  }
0x521: {  	v18 =	vshra.s32 v22, $0x1F;
	v23 =	vshra.s32 v49, $0x1F;
	[tilespmem:v20+s17+$0x0] =	vst.idx.add.f32.msk vm8, v2;
	vm6 =	veq.s32 v21, v12  }
0x522: {  	v18 =	vor.u32 $0x80000000, v18;
	v20 =	vand.u32 $0xFFFF, v16;
	v16 =	vor.u32 $0x80000000, v23;
	v23 =	vld [tilespmem:s29+$0xFFFFFF90]  }
0x523: {  	v21 =	vld [tilespmem:s29+$0xFFFFFF10];
	v18 =	vxor.u32 v22, v18;
	v22 =	vxor.u32 v49, v16;
	v16 =	vshra.s32 v52, $0x1F  }
0x524: {  	v57 =	vshra.s32 v45, $0x1F;
	v56 =	vld [tilespmem:s29+$0x10];
	v54 =	vshrl.u32 v18, $0x10;
	v16 =	vor.u32 $0x80000000, v16  }
0x525: {  	v55 =	vshrl.u32 v22, $0x10;
	vm7 =	veq.s32 v54, v12;
	[tilespmem:v19+s17+$0x0] =	vst.idx.add.f32.msk vm5, v2;
	v19 =	vxor.u32 v52, v16  }
0x526: {  	v48 =	vld [tilespmem:s26+$0x20];
	v18 =	vand.u32 $0xFFFF, v18;
	v22 =	vand.u32 $0xFFFF, v22;
	v26 =	vshrl.u32 v19, $0x10  }
0x527: {  	vm5 =	veq.s32 v55, v12;
	v61 =	vshra.s32 v23, $0x1F;
	[tilespmem:v20+s17+$0x0] =	vst.idx.add.f32.msk vm6, v2;
	vm6 =	veq.s32 v26, v12  }
0x528: {  	v16 =	vld [tilespmem:s28+$0x30];
	v59 =	vshra.s32 v21, $0x1F;
	v19 =	vand.u32 $0xFFFF, v19;
	v35 =	vor.u32 $0x80000000, v61  }
0x529: {  	v60 =	vld [tilespmem:s30+$0xFFFFFFE0];
	v36 =	vshra.s32 v56, $0x1F;
	v20 =	vor.u32 $0x80000000, v57;
	v27 =	vor.u32 $0x80000000, v59  }
0x52a: {  	v23 =	vxor.u32 v23, v35;
	v37 =	vor.u32 $0x80000000, v36;
	v62 =	vld [tilespmem:s30+$0x60];
	v21 =	vxor.u32 v21, v27  }
0x52b: {  	v59 =	vshra.s32 v46, $0x1F;
	v20 =	vxor.u32 v45, v20;
	v17 =	vshrl.u32 v21, $0x10;
	[tilespmem:v18+s17+$0x0] =	vst.idx.add.f32.msk vm7, v2  }
0x52c: {  	v18 =	vxor.u32 v56, v37;
	vm7 =	veq.s32 v17, v12;
	v17 =	vshrl.u32 v23, $0x10;
	v38 =	vld [tilespmem:s29+$0xA0]  }
0x52d: {  	s28 =	simm.s32 $0x7500;
	v21 =	vand.u32 $0xFFFF, v21;
	vm8 =	veq.s32 v17, v12;
	v17 =	vshrl.u32 v18, $0x10;
	[tilespmem:v19+s17+$0x0] =	vst.idx.add.f32.msk vm6, v2  }
0x52e: {  	v23 =	vand.u32 $0xFFFF, v23;
	vm6 =	veq.s32 v17, v12;
	v17 =	vand.u32 $0xFFFF, v18;
	v18 =	vld [tilespmem:s28+$0x80]  }
0x52f: {  	v61 =	vor.u32 $0x80000000, v59;
	[tilespmem:v22+s17+$0x0] =	vst.idx.add.f32.msk vm5, v2;
	v19 =	vshra.s32 v60, $0x1F;
	v22 =	vshra.s32 v62, $0x1F  }
0x530: {  	v63 =	vshrl.u32 v20, $0x10;
	v40 =	vor.u32 $0x80000000, v19;
	v22 =	vor.u32 $0x80000000, v22  }
0x531: {  	v39 =	vld [tilespmem:s30+$0xFFFFFF70];
	v19 =	vand.u32 $0xFFFF, v20;
	v20 =	vshra.s32 v38, $0x1F;
	v28 =	vxor.u32 v60, v40  }
0x532: {  	v22 =	vxor.u32 v62, v22;
	[tilespmem:v21+s17+$0x0] =	vst.idx.add.f32.msk vm7, v2;
	v20 =	vor.u32 $0x80000000, v20;
	v21 =	vshrl.u32 v28, $0x10  }
0x533: {  	[tilespmem:v23+s17+$0x0] =	vst.idx.add.f32.msk vm8, v2;
	v20 =	vxor.u32 v38, v20;
	vm5 =	veq.s32 v21, v12;
	v21 =	vshra.s32 v18, $0x1F  }
0x534: {  	v60 =	vshra.s32 v48, $0x1F;
	[tilespmem:v17+s17+$0x0] =	vst.idx.add.f32.msk vm6, v2;
	v17 =	vshrl.u32 v20, $0x10;
	v21 =	vor.u32 $0x80000000, v21  }
0x535: {  	v42 =	vand.u32 $0xFFFF, v28;
	v23 =	vld [tilespmem:s29+$0xFFFFFF20];
	vm6 =	veq.s32 v17, v12;
	v17 =	vxor.u32 v18, v21  }
0x536: {  	v44 =	vshra.s32 v39, $0x1F;
	v20 =	vand.u32 $0xFFFF, v20;
	v21 =	vld [tilespmem:s29+$0xFFFFFFA0];
	v18 =	vshrl.u32 v17, $0x10  }
0x537: {  	v41 =	vshrl.u32 v22, $0x10;
	v28 =	vor.u32 $0x80000000, v44;
	v43 =	vld [tilespmem:s29+$0x20];
	vm7 =	veq.s32 v18, v12  }
0x538: {  	v22 =	vand.u32 $0xFFFF, v22;
	v47 =	vxor.u32 v39, v28;
	v45 =	vand.u32 $0xFFFF, v17  }
0x539: {  	[tilespmem:v13+s17+$0x0] =	vst.idx.add.f32.msk vm0, v2;
	vm4 =	veq.s32 v41, v12;
	v29 =	vshrl.u32 v47, $0x10;
	v17 =	vor.u32 $0x80000000, v58  }
0x53a: {  	v26 =	vand.u32 $0xFFFF, v47;
	v49 =	vshra.s32 v23, $0x1F;
	v17 =	vxor.u32 v51, v17;
	[tilespmem:v42+s17+$0x0] =	vst.idx.add.f32.msk vm5, v2  }
0x53b: {  	v24 =	vor.u32 $0x80000000, v49;
	vm5 =	veq.s32 v29, v12;
	v50 =	vshra.s32 v21, $0x1F;
	[tilespmem:v20+s17+$0x0] =	vst.idx.add.f32.msk vm6, v2  }
0x53c: {  	v51 =	vshra.s32 v43, $0x1F;
	v20 =	vxor.u32 v23, v24;
	v23 =	vor.u32 $0x80000000, v50;
	v52 =	vld [tilespmem:s29+$0xB0]  }
0x53d: {  	v53 =	vshrl.u32 v20, $0x10;
	v21 =	vxor.u32 v21, v23;
	v23 =	vor.u32 $0x80000000, v51;
	[tilespmem:v45+s17+$0x0] =	vst.idx.add.f32.msk vm7, v2  }
0x53e: {  	vm6 =	veq.s32 v53, v12;
	v54 =	vshrl.u32 v21, $0x10;
	v23 =	vxor.u32 v43, v23;
	v55 =	vld [tilespmem:s28+$0x90]  }
0x53f: {  	[tilespmem:v22+s17+$0x0] =	vst.idx.add.f32.msk vm4, v2;
	v20 =	vand.u32 $0xFFFF, v20;
	vm7 =	veq.s32 v54, v12;
	v56 =	vshrl.u32 v23, $0x10  }
0x540: {  	v62 =	vor.u32 $0x80000000, v60;
	v58 =	vld [tilespmem:s30+$0x70];
	v21 =	vand.u32 $0xFFFF, v21;
	vm4 =	veq.s32 v56, v12  }
0x541: {  	v28 =	vxor.u32 v48, v62;
	v22 =	vand.u32 $0xFFFF, v23;
	v23 =	vld [tilespmem:s30+$0xFFFFFFF0];
	v57 =	vshra.s32 v52, $0x1F  }
0x542: {  	vm3 =	veq.s32 v63, v12;
	v40 =	vshrl.u32 v28, $0x10;
	[tilespmem:v26+s17+$0x0] =	vst.idx.add.f32.msk vm5, v2;
	v24 =	vor.u32 $0x80000000, v57  }
0x543: {  	v18 =	vshra.s32 v16, $0x1F;
	v63 =	vld [tilespmem:s28+$0xFFFFFF00];
	v24 =	vxor.u32 v52, v24;
	v33 =	vshra.s32 v55, $0x1F  }
0x544: {  	v26 =	vxor.u32 v46, v61;
	[tilespmem:v20+s17+$0x0] =	vst.idx.add.f32.msk vm6, v2;
	v20 =	vshrl.u32 v24, $0x10;
	v31 =	vor.u32 $0x80000000, v33  }
0x545: {  	v18 =	vor.u32 $0x80000000, v18;
	[tilespmem:v21+s17+$0x0] =	vst.idx.add.f32.msk vm7, v2;
	vm5 =	veq.s32 v20, v12;
	v21 =	vxor.u32 v55, v31  }
0x546: {  	v20 =	vshra.s32 v23, $0x1F;
	[tilespmem:v22+s17+$0x0] =	vst.idx.add.f32.msk vm4, v2;
	v22 =	vand.u32 $0xFFFF, v24;
	v27 =	vshrl.u32 v21, $0x10  }
0x547: {  	v34 =	vshra.s32 v58, $0x1F;
	v20 =	vor.u32 $0x80000000, v20;
	v36 =	vld [tilespmem:s29+$0xFFFFFFB0];
	vm6 =	veq.s32 v27, v12  }
0x548: {  	v35 =	vld [tilespmem:s29+$0xFFFFFF30];
	v24 =	vor.u32 $0x80000000, v34;
	v20 =	vxor.u32 v23, v20;
	v21 =	vand.u32 $0xFFFF, v21  }
0x549: {  	v56 =	vand.u32 $0xFFFF, v28;
	v23 =	vxor.u32 v58, v24;
	v37 =	vld [tilespmem:s29+$0x30];
	v38 =	vshrl.u32 v20, $0x10  }
0x54a: {  	[tilespmem:v15+s17+$0x0] =	vst.idx.add.f32.msk vm2, v2;
	v20 =	vand.u32 $0xFFFF, v20;
	v39 =	vshrl.u32 v23, $0x10;
	vm0 =	veq.s32 v38, v12  }
0x54b: {  	v13 =	vand.u32 $0xFFFF, v23;
	v23 =	vshrl.u32 v26, $0x10;
	vm7 =	veq.s32 v39, v12;
	[tilespmem:v22+s17+$0x0] =	vst.idx.add.f32.msk vm5, v2  }
0x54c: {  	v55 =	vand.u32 $0xFFFF, v26;
	vm4 =	veq.s32 v23, v12;
	v42 =	vshra.s32 v36, $0x1F;
	v23 =	vld [tilespmem:s29+$0xC0]  }
0x54d: {  	v41 =	vshra.s32 v35, $0x1F;
	v22 =	vshra.s32 v63, $0x1F;
	v43 =	vor.u32 $0x80000000, v42;
	[tilespmem:v21+s17+$0x0] =	vst.idx.add.f32.msk vm6, v2  }
0x54e: {  	v44 =	vshra.s32 v37, $0x1F;
	v15 =	vxor.u32 v36, v43;
	v21 =	vor.u32 $0x80000000, v41;
	v45 =	vld [tilespmem:s28+$0xA0]  }
0x54f: {  	v47 =	vor.u32 $0x80000000, v44;
	v48 =	vshrl.u32 v15, $0x10;
	v21 =	vxor.u32 v35, v21  }
0x550: {  	v24 =	vxor.u32 v37, v47;
	[tilespmem:v20+s17+$0x0] =	vst.idx.add.f32.msk vm0, v2;
	vm0 =	veq.s32 v48, v12;
	v46 =	vshrl.u32 v21, $0x10  }
0x551: {  	v20 =	vshrl.u32 v24, $0x10;
	[tilespmem:v13+s17+$0x0] =	vst.idx.add.f32.msk vm7, v2;
	vm5 =	veq.s32 v46, v12;
	v49 =	vshra.s32 v23, $0x1F  }
0x552: {  	v13 =	vand.u32 $0xFFFF, v21;
	vm6 =	veq.s32 v20, v12;
	v21 =	vld [tilespmem:s28+$0xFFFFFF80];
	v20 =	vor.u32 $0x80000000, v49  }
0x553: {  	[tilespmem:v19+s17+$0x0] =	vst.idx.add.f32.msk vm3, v2;
	v15 =	vand.u32 $0xFFFF, v15;
	v20 =	vxor.u32 v23, v20;
	v50 =	vshra.s32 v45, $0x1F  }
0x554: {  	v19 =	vand.u32 $0xFFFF, v24;
	v23 =	vld [tilespmem:s28+$0x0];
	v51 =	vshrl.u32 v20, $0x10;
	v25 =	vor.u32 $0x80000000, v50  }
0x555: {  	[tilespmem:v14+s17+$0x0] =	vst.idx.add.f32.msk vm1, v2;
	v22 =	vor.u32 $0x80000000, v22;
	vm3 =	veq.s32 v51, v12;
	v25 =	vxor.u32 v45, v25  }
0x556: {  	v52 =	vld [tilespmem:s26+$0xFFFFFF30];
	v22 =	vxor.u32 v63, v22;
	v14 =	vand.u32 $0xFFFF, v20;
	v20 =	vshrl.u32 v25, $0x10  }
0x557: {  	v53 =	vshrl.u32 v22, $0x10;
	[tilespmem:v13+s17+$0x0] =	vst.idx.add.f32.msk vm5, v2;
	v13 =	vshra.s32 v21, $0x1F;
	vm1 =	veq.s32 v20, v12  }
0x558: {  	v22 =	vand.u32 $0xFFFF, v22;
	[tilespmem:v15+s17+$0x0] =	vst.idx.add.f32.msk vm0, v2;
	v13 =	vor.u32 $0x80000000, v13;
	v20 =	vand.u32 $0xFFFF, v25  }
0x559: {  	vm2 =	veq.s32 v53, v12;
	[tilespmem:v19+s17+$0x0] =	vst.idx.add.f32.msk vm6, v2;
	v15 =	vshra.s32 v23, $0x1F;
	v13 =	vxor.u32 v21, v13  }
0x55a: {  	vm5 =	veq.s32 v40, v12;
	v19 =	vld [tilespmem:s29+$0xFFFFFF40];
	v15 =	vor.u32 $0x80000000, v15;
	v21 =	vshrl.u32 v13, $0x10  }
0x55b: {  	v54 =	vand.u32 $0xFFFF, v13;
	v13 =	vxor.u32 v23, v15;
	v15 =	vxor.u32 v16, v18;
	[tilespmem:v14+s17+$0x0] =	vst.idx.add.f32.msk vm3, v2  }
0x55c: {  	vm3 =	veq.s32 v21, v12;
	v14 =	vshrl.u32 v13, $0x10;
	v21 =	vand.u32 $0xFFFF, v13;
	v23 =	vld [tilespmem:s29+$0xD0]  }
0x55d: {  	v13 =	vshra.s32 v52, $0x1F;
	vm6 =	veq.s32 v14, v12;
	v14 =	vshrl.u32 v17, $0x10;
	[tilespmem:v20+s17+$0x0] =	vst.idx.add.f32.msk vm1, v2  }
0x55e: {  	v13 =	vor.u32 $0x80000000, v13;
	vm0 =	veq.s32 v14, v12;
	v14 =	vshrl.u32 v15, $0x10;
	v16 =	vld [tilespmem:s28+$0xB0]  }
0x55f: {  	v57 =	vld [tilespmem:s29+$0xFFFFFFC0];
	v18 =	vshra.s32 v19, $0x1F;
	v13 =	vxor.u32 v52, v13;
	vm1 =	veq.s32 v14, v12  }
0x560: {  	[tilespmem:v22+s17+$0x0] =	vst.idx.add.f32.msk vm2, v2;
	v14 =	vor.u32 $0x80000000, v18;
	v18 =	vshrl.u32 v13, $0x10;
	v13 =	vand.u32 $0xFFFF, v13  }
0x561: {  	v58 =	vld [tilespmem:s29+$0x40];
	v19 =	vxor.u32 v19, v14;
	vm2 =	veq.s32 v18, v12;
	v14 =	vand.u32 $0xFFFF, v17  }
0x562: {  	v17 =	vshrl.u32 v19, $0x10;
	v22 =	vand.u32 $0xFFFF, v19;
	v19 =	vld [tilespmem:s28+$0xFFFFFF10];
	v18 =	vshra.s32 v23, $0x1F  }
0x563: {  	[tilespmem:v54+s17+$0x0] =	vst.idx.add.f32.msk vm3, v2;
	vm7 =	veq.s32 v17, v12;
	v17 =	vor.u32 $0x80000000, v18;
	v18 =	vshra.s32 v16, $0x1F  }
0x564: {  	v20 =	vshra.s32 v57, $0x1F;
	[tilespmem:v21+s17+$0x0] =	vst.idx.add.f32.msk vm6, v2;
	v21 =	vxor.u32 v23, v17;
	v17 =	vor.u32 $0x80000000, v18  }
0x565: {  	v60 =	vor.u32 $0x80000000, v20;
	v59 =	vshrl.u32 v21, $0x10;
	v18 =	vld [tilespmem:s28+$0xFFFFFF90];
	v16 =	vxor.u32 v16, v17  }
0x566: {  	v23 =	vshra.s32 v58, $0x1F;
	vm6 =	veq.s32 v59, v12;
	v17 =	vld [tilespmem:s28+$0x10];
	v61 =	vshrl.u32 v16, $0x10  }
0x567: {  	[tilespmem:v55+s17+$0x0] =	vst.idx.add.f32.msk vm4, v2;
	v23 =	vor.u32 $0x80000000, v23;
	v20 =	vand.u32 $0xFFFF, v21;
	vm3 =	veq.s32 v61, v12  }
0x568: {  	[tilespmem:v56+s17+$0x0] =	vst.idx.add.f32.msk vm5, v2;
	v21 =	vxor.u32 v57, v60;
	v23 =	vxor.u32 v58, v23;
	v16 =	vand.u32 $0xFFFF, v16  }
0x569: {  	v62 =	vshrl.u32 v21, $0x10;
	v21 =	vand.u32 $0xFFFF, v21;
	v63 =	vshrl.u32 v23, $0x10;
	[tilespmem:v22+s17+$0x0] =	vst.idx.add.f32.msk vm7, v2  }
0x56a: {  	s31 =	simm.s32 $0x900;
	s30 =	simm.s32 $0xC;
	v23 =	vand.u32 $0xFFFF, v23;
	vm7 =	veq.s32 v62, v12;
	vm5 =	veq.s32 v63, v12;
	v22 =	vld [tilespmem:s29+$0xFFFFFF50]  }
.LBB2_19:
0x56b: {  	v24 =	vld [tilespmem:s31+$0x80];
	v25 =	vshra.s32 v19, $0x1F;
	v26 =	vshra.s32 v18, $0x1F;
	v27 =	vshra.s32 v17, $0x1F  }
0x56c: {  	[tilespmem:v20+s17+$0x0] =	vst.idx.add.f32.msk vm6, v2;
	v20 =	vor.u32 $0x80000000, v25;
	v25 =	vor.u32 $0x80000000, v26;
	v26 =	vor.u32 $0x80000000, v27  }
0x56d: {  	v15 =	vand.u32 $0xFFFF, v15;
	v19 =	vxor.u32 v19, v20;
	v18 =	vxor.u32 v18, v25;
	[tilespmem:v16+s17+$0x0] =	vst.idx.add.f32.msk vm3, v2  }
0x56e: {  	s30 =	sadd.s32 $0x4, s30;
	v26 =	vxor.u32 v17, v26;
	v16 =	vld [tilespmem:s29+$0xE0];
	v20 =	vshrl.u32 v19, $0x10;
	v25 =	vshrl.u32 v18, $0x10  }
0x56f: {  	p0 =	slt.u32 s30, $0x6C;
	v27 =	vld [tilespmem:s31+$0xFFFFFF80];
	v17 =	vshra.s32 v22, $0x1F;
	vm6 =	veq.s32 v20, v12;
	v20 =	vshrl.u32 v26, $0x10  }
0x570: {  	vm4 =	veq.s32 v25, v12;
	v28 =	vld [tilespmem:s31+$0x0];
	v17 =	vor.u32 $0x80000000, v17;
	vm3 =	veq.s32 v20, v12  }
0x571: {  	v19 =	vand.u32 $0xFFFF, v19;
	v25 =	vshra.s32 v24, $0x1F;
	v20 =	vld [tilespmem:s31+$0xFFFFFF00];
	v17 =	vxor.u32 v22, v17  }
0x572: {  	v22 =	vor.u32 $0x80000000, v25;
	v25 =	vshrl.u32 v17, $0x10;
	v29 =	vand.u32 $0xFFFF, v17;
	[tilespmem:v21+s17+$0x0] =	vst.idx.add.f32.msk vm7, v2  }
0x573: {  	v17 =	vxor.u32 v24, v22;
	vm7 =	veq.s32 v25, v12;
	[tilespmem:v23+s17+$0x0] =	vst.idx.add.f32.msk vm5, v2;
	v21 =	vshra.s32 v16, $0x1F  }
0x574: {  	v23 =	vshrl.u32 v17, $0x10;
	v22 =	vshra.s32 v27, $0x1F;
	v24 =	vld [tilespmem:s29+$0xFFFFFFD0];
	v21 =	vor.u32 $0x80000000, v21  }
0x575: {  	vm8 =	veq.s32 v23, v12;
	v25 =	vshra.s32 v28, $0x1F;
	v23 =	vld [tilespmem:s29+$0x50];
	v16 =	vxor.u32 v16, v21  }
0x576: {  	v30 =	vand.u32 $0xFFFF, v17;
	v21 =	vshra.s32 v20, $0x1F;
	v17 =	vshrl.u32 v16, $0x10;
	[tilespmem:v19+s17+$0x0] =	vst.idx.add.f32.msk vm6, v2  }
0x577: {  	v19 =	vor.u32 $0x80000000, v21;
	v21 =	vor.u32 $0x80000000, v22;
	vm6 =	veq.s32 v17, v12;
	v22 =	vld [tilespmem:s28+$0xFFFFFF20]  }
0x578: {  	v16 =	vand.u32 $0xFFFF, v16;
	v19 =	vxor.u32 v20, v19;
	v20 =	vor.u32 $0x80000000, v25;
	v17 =	vld [tilespmem:s26+$0xFFFFFFB0]  }
0x579: {  	v21 =	vxor.u32 v27, v21;
	v25 =	vshrl.u32 v19, $0x10;
	v20 =	vxor.u32 v28, v20;
	[tilespmem:v29+s17+$0x0] =	vst.idx.add.f32.msk vm7, v2  }
0x57a: {  	vm7 =	veq.s32 v25, v12;
	v25 =	vshrl.u32 v21, $0x10;
	v27 =	vshrl.u32 v20, $0x10;
	v28 =	vld [tilespmem:s29+$0xFFFFFF60]  }
0x57b: {  	v19 =	vand.u32 $0xFFFF, v19;
	vm9 =	veq.s32 v25, v12;
	vm5 =	veq.s32 v27, v12;
	[tilespmem:v30+s17+$0x0] =	vst.idx.add.f32.msk vm8, v2  }
0x57c: {  	v21 =	vand.u32 $0xFFFF, v21;
	v20 =	vand.u32 $0xFFFF, v20;
	v27 =	vshra.s32 v24, $0x1F;
	v25 =	vld [tilespmem:s31+$0x90]  }
0x57d: {  	v18 =	vand.u32 $0xFFFF, v18;
	v29 =	vshra.s32 v23, $0x1F;
	v27 =	vor.u32 $0x80000000, v27;
	[tilespmem:v16+s17+$0x0] =	vst.idx.add.f32.msk vm6, v2  }
0x57e: {  	v26 =	vand.u32 $0xFFFF, v26;
	v16 =	vxor.u32 v24, v27;
	v24 =	vor.u32 $0x80000000, v29;
	v27 =	vld [tilespmem:s29+$0xF0]  }
0x57f: {  	v29 =	vshrl.u32 v16, $0x10;
	v30 =	vand.u32 $0xFFFF, v16;
	v23 =	vxor.u32 v23, v24;
	v16 =	vld [tilespmem:s26+$0x30];
	s26 =	smov.u32 s28  }
0x580: {  	vm6 =	veq.s32 v29, v12;
	[tilespmem:v19+s17+$0x0] =	vst.idx.add.f32.msk vm7, v2;
	v19 =	vshrl.u32 v23, $0x10;
	v23 =	vand.u32 $0xFFFF, v23  }
0x581: {  	v24 =	vshra.s32 v28, $0x1F;
	[tilespmem:v21+s17+$0x0] =	vst.idx.add.f32.msk vm9, v2;
	v21 =	vshra.s32 v25, $0x1F;
	vm7 =	veq.s32 v19, v12  }
0x582: {  	[tilespmem:v20+s17+$0x0] =	vst.idx.add.f32.msk vm5, v2;
	v19 =	vor.u32 $0x80000000, v21;
	v20 =	vor.u32 $0x80000000, v24;
	v21 =	vshra.s32 v22, $0x1F  }
0x583: {  	v24 =	vld [tilespmem:s31+$0xFFFFFF10];
	v19 =	vxor.u32 v25, v19;
	v20 =	vxor.u32 v28, v20;
	v25 =	vshra.s32 v27, $0x1F  }
0x584: {  	v28 =	vld [tilespmem:s31+$0xFFFFFF90];
	v29 =	vshrl.u32 v19, $0x10;
	v31 =	vshrl.u32 v20, $0x10;
	v25 =	vor.u32 $0x80000000, v25  }
0x585: {  	v32 =	vld [tilespmem:s31+$0x10];
	vm8 =	veq.s32 v29, v12;
	vm5 =	veq.s32 v31, v12;
	v25 =	vxor.u32 v27, v25  }
0x586: {  	v19 =	vand.u32 $0xFFFF, v19;
	v20 =	vand.u32 $0xFFFF, v20;
	[tilespmem:v30+s17+$0x0] =	vst.idx.add.f32.msk vm6, v2;
	v27 =	vshrl.u32 v25, $0x10  }
0x587: {  	v21 =	vor.u32 $0x80000000, v21;
	[tilespmem:v23+s17+$0x0] =	vst.idx.add.f32.msk vm7, v2;
	vm6 =	veq.s32 v27, v12;
	v23 =	vshra.s32 v17, $0x1F  }
0x588: {  	v21 =	vxor.u32 v22, v21;
	v25 =	vand.u32 $0xFFFF, v25;
	v27 =	vshra.s32 v24, $0x1F;
	v29 =	vld [tilespmem:s29+$0xFFFFFFE0]  }
0x589: {  	v31 =	vshrl.u32 v21, $0x10;
	v22 =	vor.u32 $0x80000000, v27;
	v27 =	vshra.s32 v28, $0x1F;
	v30 =	vld [tilespmem:s29+$0x60]  }
0x58a: {  	v22 =	vxor.u32 v24, v22;
	v24 =	vor.u32 $0x80000000, v27;
	v27 =	vshra.s32 v32, $0x1F;
	[tilespmem:v18+s17+$0x0] =	vst.idx.add.f32.msk vm4, v2  }
0x58b: {  	v18 =	vshrl.u32 v22, $0x10;
	v24 =	vxor.u32 v28, v24;
	v27 =	vor.u32 $0x80000000, v27;
	[tilespmem:v19+s17+$0x0] =	vst.idx.add.f32.msk vm8, v2  }
0x58c: {  	vm7 =	veq.s32 v18, v12;
	v18 =	vshrl.u32 v24, $0x10;
	v19 =	vxor.u32 v32, v27;
	v27 =	vld [tilespmem:s31+$0xA0]  }
0x58d: {  	s28 =	sadd.s32 $0x200, s28;
	v22 =	vand.u32 $0xFFFF, v22;
	vm8 =	veq.s32 v18, v12;
	v18 =	vshrl.u32 v19, $0x10;
	[tilespmem:v25+s17+$0x0] =	vst.idx.add.f32.msk vm6, v2  }
0x58e: {  	v24 =	vand.u32 $0xFFFF, v24;
	vm6 =	veq.s32 v18, v12;
	v18 =	vand.u32 $0xFFFF, v19;
	v25 =	vld [tilespmem:s28+$0x80]  }
0x58f: {  	vm4 =	veq.s32 v31, v12;
	v19 =	vshra.s32 v29, $0x1F;
	[tilespmem:v20+s17+$0x0] =	vst.idx.add.f32.msk vm5, v2;
	v20 =	vshra.s32 v30, $0x1F  }
0x590: {  	v31 =	vor.u32 $0x80000000, v19;
	v19 =	vand.u32 $0xFFFF, v21;
	v28 =	vld [tilespmem:s29+$0xFFFFFF70];
	v20 =	vor.u32 $0x80000000, v20  }
0x591: {  	v29 =	vxor.u32 v29, v31;
	v21 =	vshra.s32 v27, $0x1F;
	v20 =	vxor.u32 v30, v20;
	[tilespmem:v26+s17+$0x0] =	vst.idx.add.f32.msk vm3, v2  }
0x592: {  	[tilespmem:v22+s17+$0x0] =	vst.idx.add.f32.msk vm7, v2;
	v21 =	vor.u32 $0x80000000, v21;
	v22 =	vshrl.u32 v29, $0x10;
	v26 =	vshrl.u32 v20, $0x10  }
0x593: {  	[tilespmem:v24+s17+$0x0] =	vst.idx.add.f32.msk vm8, v2;
	v21 =	vxor.u32 v27, v21;
	vm5 =	veq.s32 v22, v12;
	v22 =	vshra.s32 v25, $0x1F  }
0x594: {  	vm3 =	veq.s32 v26, v12;
	[tilespmem:v18+s17+$0x0] =	vst.idx.add.f32.msk vm6, v2;
	v18 =	vshrl.u32 v21, $0x10;
	v22 =	vor.u32 $0x80000000, v22  }
0x595: {  	v26 =	vand.u32 $0xFFFF, v29;
	v24 =	vld [tilespmem:s31+$0xFFFFFF20];
	vm6 =	veq.s32 v18, v12;
	v18 =	vxor.u32 v25, v22  }
0x596: {  	v20 =	vand.u32 $0xFFFF, v20;
	v21 =	vand.u32 $0xFFFF, v21;
	v22 =	vld [tilespmem:s31+$0xFFFFFFA0];
	v25 =	vshrl.u32 v18, $0x10  }
0x597: {  	v29 =	vshra.s32 v28, $0x1F;
	v27 =	vld [tilespmem:s31+$0x20];
	vm7 =	veq.s32 v25, v12;
	v25 =	vshra.s32 v16, $0x1F  }
0x598: {  	v29 =	vor.u32 $0x80000000, v29;
	v30 =	vand.u32 $0xFFFF, v18;
	v18 =	vor.u32 $0x80000000, v23;
	v31 =	vld [tilespmem:s26+$0xFFFFFFA0]  }
0x599: {  	v23 =	vxor.u32 v28, v29;
	v17 =	vxor.u32 v17, v18;
	v18 =	vor.u32 $0x80000000, v25;
	v28 =	vld [tilespmem:s26+$0x20]  }
0x59a: {  	v29 =	vshrl.u32 v23, $0x10;
	v23 =	vand.u32 $0xFFFF, v23;
	v25 =	vshra.s32 v24, $0x1F;
	[tilespmem:v26+s17+$0x0] =	vst.idx.add.f32.msk vm5, v2  }
0x59b: {  	vm5 =	veq.s32 v29, v12;
	v25 =	vor.u32 $0x80000000, v25;
	v26 =	vshra.s32 v22, $0x1F;
	[tilespmem:v21+s17+$0x0] =	vst.idx.add.f32.msk vm6, v2  }
0x59c: {  	v21 =	vxor.u32 v24, v25;
	v24 =	vor.u32 $0x80000000, v26;
	v25 =	vshra.s32 v27, $0x1F;
	v26 =	vld [tilespmem:s31+$0xB0]  }
0x59d: {  	v29 =	vshrl.u32 v21, $0x10;
	v22 =	vxor.u32 v22, v24;
	v24 =	vor.u32 $0x80000000, v25;
	[tilespmem:v30+s17+$0x0] =	vst.idx.add.f32.msk vm7, v2  }
0x59e: {  	vm6 =	veq.s32 v29, v12;
	v25 =	vshrl.u32 v22, $0x10;
	v24 =	vxor.u32 v27, v24;
	v27 =	vld [tilespmem:s28+$0x90]  }
0x59f: {  	v21 =	vand.u32 $0xFFFF, v21;
	vm7 =	veq.s32 v25, v12;
	v25 =	vshrl.u32 v24, $0x10;
	[tilespmem:v20+s17+$0x0] =	vst.idx.add.f32.msk vm3, v2  }
0x5a0: {  	v20 =	vand.u32 $0xFFFF, v22;
	v22 =	vand.u32 $0xFFFF, v24;
	vm3 =	veq.s32 v25, v12;
	v24 =	vld [tilespmem:s29+$0xFFFFFFF0]  }
0x5a1: {  	v30 =	vshra.s32 v31, $0x1F;
	v32 =	vshra.s32 v28, $0x1F;
	v25 =	vshra.s32 v26, $0x1F;
	v29 =	vld [tilespmem:s29+$0x70];
	s29 =	smov.u32 s31  }
0x5a2: {  	v25 =	vor.u32 $0x80000000, v25;
	[tilespmem:v23+s17+$0x0] =	vst.idx.add.f32.msk vm5, v2;
	v23 =	vor.u32 $0x80000000, v30;
	v30 =	vor.u32 $0x80000000, v32  }
0x5a3: {  	v25 =	vxor.u32 v26, v25;
	v26 =	vld [tilespmem:s28+$0xFFFFFF00];
	v32 =	vshra.s32 v27, $0x1F;
	v23 =	vxor.u32 v31, v23  }
0x5a4: {  	v28 =	vxor.u32 v28, v30;
	[tilespmem:v21+s17+$0x0] =	vst.idx.add.f32.msk vm6, v2;
	v21 =	vshrl.u32 v25, $0x10;
	v31 =	vor.u32 $0x80000000, v32  }
0x5a5: {  	[tilespmem:v20+s17+$0x0] =	vst.idx.add.f32.msk vm7, v2;
	vm5 =	veq.s32 v21, v12;
	v20 =	vshra.s32 v24, $0x1F;
	v21 =	vxor.u32 v27, v31  }
0x5a6: {  	[tilespmem:v22+s17+$0x0] =	vst.idx.add.f32.msk vm3, v2;
	v22 =	vand.u32 $0xFFFF, v25;
	v25 =	vshra.s32 v29, $0x1F;
	v27 =	vshrl.u32 v21, $0x10  }
0x5a7: {  	v20 =	vor.u32 $0x80000000, v20;
	v30 =	vld [tilespmem:s31+$0xFFFFFF30];
	v25 =	vor.u32 $0x80000000, v25;
	vm7 =	veq.s32 v27, v12  }
0x5a8: {  	v21 =	vand.u32 $0xFFFF, v21;
	v20 =	vxor.u32 v24, v20;
	v27 =	vld [tilespmem:s31+$0xFFFFFFB0];
	v24 =	vxor.u32 v29, v25  }
0x5a9: {  	v29 =	vshrl.u32 v20, $0x10;
	v20 =	vand.u32 $0xFFFF, v20;
	v25 =	vld [tilespmem:s31+$0x30];
	v31 =	vshrl.u32 v24, $0x10  }
0x5aa: {  	vm6 =	veq.s32 v29, v12;
	v24 =	vand.u32 $0xFFFF, v24;
	vm3 =	veq.s32 v31, v12;
	[tilespmem:v19+s17+$0x0] =	vst.idx.add.f32.msk vm4, v2  }
0x5ab: {  	v29 =	vshrl.u32 v28, $0x10;
	v19 =	vshra.s32 v26, $0x1F;
	[tilespmem:v22+s17+$0x0] =	vst.idx.add.f32.msk vm5, v2;
	v22 =	vshrl.u32 v23, $0x10  }
0x5ac: {  	v19 =	vor.u32 $0x80000000, v19;
	v31 =	vshra.s32 v30, $0x1F;
	v32 =	vld [tilespmem:s31+$0xC0];
	vm4 =	veq.s32 v22, v12  }
0x5ad: {  	v19 =	vxor.u32 v26, v19;
	v22 =	vor.u32 $0x80000000, v31;
	v31 =	vshra.s32 v27, $0x1F;
	[tilespmem:v21+s17+$0x0] =	vst.idx.add.f32.msk vm7, v2  }
0x5ae: {  	v21 =	vxor.u32 v30, v22;
	v22 =	vor.u32 $0x80000000, v31;
	v26 =	vshra.s32 v25, $0x1F;
	v30 =	vld [tilespmem:s28+$0xA0]  }
0x5af: {  	v31 =	vshrl.u32 v21, $0x10;
	v22 =	vxor.u32 v27, v22;
	v26 =	vor.u32 $0x80000000, v26;
	v27 =	vld [tilespmem:s26+$0xFFFFFF30]  }
0x5b0: {  	vm5 =	veq.s32 v31, v12;
	v31 =	vshrl.u32 v22, $0x10;
	v25 =	vxor.u32 v25, v26;
	[tilespmem:v20+s17+$0x0] =	vst.idx.add.f32.msk vm6, v2  }
0x5b1: {  	vm6 =	veq.s32 v31, v12;
	v20 =	vshrl.u32 v25, $0x10;
	v26 =	vshra.s32 v32, $0x1F;
	[tilespmem:v24+s17+$0x0] =	vst.idx.add.f32.msk vm3, v2  }
0x5b2: {  	v21 =	vand.u32 $0xFFFF, v21;
	vm3 =	veq.s32 v20, v12;
	v20 =	vor.u32 $0x80000000, v26;
	v24 =	vld [tilespmem:s28+$0xFFFFFF80]  }
0x5b3: {  	v22 =	vand.u32 $0xFFFF, v22;
	v20 =	vxor.u32 v32, v20;
	v26 =	vld [tilespmem:s28+$0x0];
	v31 =	vshra.s32 v30, $0x1F  }
0x5b4: {  	v25 =	vand.u32 $0xFFFF, v25;
	v32 =	vshrl.u32 v20, $0x10;
	v31 =	vor.u32 $0x80000000, v31;
	[tilespmem:v13+s17+$0x0] =	vst.idx.add.f32.msk vm2, v2  }
0x5b5: {  	v13 =	vshrl.u32 v19, $0x10;
	vm7 =	veq.s32 v32, v12;
	v30 =	vxor.u32 v30, v31;
	[tilespmem:v14+s17+$0x0] =	vst.idx.add.f32.msk vm0, v2  }
0x5b6: {  	v14 =	vand.u32 $0xFFFF, v20;
	vm2 =	veq.s32 v13, v12;
	v13 =	vshrl.u32 v30, $0x10;
	[tilespmem:v15+s17+$0x0] =	vst.idx.add.f32.msk vm1, v2  }
0x5b7: {  	v19 =	vand.u32 $0xFFFF, v19;
	[tilespmem:v21+s17+$0x0] =	vst.idx.add.f32.msk vm5, v2;
	v15 =	vshra.s32 v24, $0x1F;
	vm0 =	veq.s32 v13, v12  }
0x5b8: {  	v20 =	vand.u32 $0xFFFF, v30;
	[tilespmem:v22+s17+$0x0] =	vst.idx.add.f32.msk vm6, v2;
	v13 =	vor.u32 $0x80000000, v15;
	v15 =	vshra.s32 v26, $0x1F  }
0x5b9: {  	vm5 =	veq.s32 v29, v12;
	[tilespmem:v25+s17+$0x0] =	vst.idx.add.f32.msk vm3, v2;
	v13 =	vxor.u32 v24, v13;
	v15 =	vor.u32 $0x80000000, v15  }
0x5ba: {  	v21 =	vld [tilespmem:s31+$0xFFFFFF40];
	v22 =	vshrl.u32 v13, $0x10;
	v24 =	vand.u32 $0xFFFF, v13;
	v13 =	vxor.u32 v26, v15  }
0x5bb: {  	[tilespmem:v14+s17+$0x0] =	vst.idx.add.f32.msk vm7, v2;
	vm3 =	veq.s32 v22, v12;
	v14 =	vshrl.u32 v13, $0x10;
	v22 =	vand.u32 $0xFFFF, v13  }
0x5bc: {  	v23 =	vand.u32 $0xFFFF, v23;
	v26 =	vand.u32 $0xFFFF, v28;
	v25 =	vld [tilespmem:s31+$0xD0];
	vm6 =	veq.s32 v14, v12  }
0x5bd: {  	v15 =	vxor.u32 v16, v18;
	v13 =	vshra.s32 v27, $0x1F;
	v14 =	vshrl.u32 v17, $0x10;
	[tilespmem:v20+s17+$0x0] =	vst.idx.add.f32.msk vm0, v2  }
0x5be: {  	v13 =	vor.u32 $0x80000000, v13;
	vm0 =	veq.s32 v14, v12;
	v14 =	vshrl.u32 v15, $0x10;
	v16 =	vld [tilespmem:s28+$0xB0]  }
0x5bf: {  	v13 =	vxor.u32 v27, v13;
	vm1 =	veq.s32 v14, v12;
	v18 =	vshra.s32 v21, $0x1F;
	v28 =	vld [tilespmem:s31+$0xFFFFFFC0]  }
0x5c0: {  	v14 =	vor.u32 $0x80000000, v18;
	v27 =	vld [tilespmem:s31+$0x40];
	v18 =	vshrl.u32 v13, $0x10;
	v13 =	vand.u32 $0xFFFF, v13  }
0x5c1: {  	v20 =	vxor.u32 v21, v14;
	[tilespmem:v19+s17+$0x0] =	vst.idx.add.f32.msk vm2, v2;
	vm2 =	veq.s32 v18, v12;
	v14 =	vand.u32 $0xFFFF, v17  }
0x5c2: {  	v18 =	vshra.s32 v25, $0x1F;
	v17 =	vshrl.u32 v20, $0x10;
	v21 =	vand.u32 $0xFFFF, v20;
	[tilespmem:v24+s17+$0x0] =	vst.idx.add.f32.msk vm3, v2  }
0x5c3: {  	vm7 =	veq.s32 v17, v12;
	v17 =	vor.u32 $0x80000000, v18;
	[tilespmem:v22+s17+$0x0] =	vst.idx.add.f32.msk vm6, v2;
	v18 =	vshra.s32 v16, $0x1F  }
0x5c4: {  	v20 =	vshra.s32 v28, $0x1F;
	v22 =	vxor.u32 v25, v17;
	v19 =	vld [tilespmem:s28+$0xFFFFFF10];
	v17 =	vor.u32 $0x80000000, v18  }
0x5c5: {  	v24 =	vshra.s32 v27, $0x1F;
	v25 =	vshrl.u32 v22, $0x10;
	v18 =	vld [tilespmem:s28+$0xFFFFFF90];
	v16 =	vxor.u32 v16, v17  }
.Ltmp8:
0x5c6: {  	v29 =	vor.u32 $0x80000000, v20;
	vm6 =	veq.s32 v25, v12;
	v17 =	vld [tilespmem:s28+$0x10];
	v25 =	vshrl.u32 v16, $0x10;
	(pc) =	sbr.rel @p0 .LBB2_19-.Ltmp8, $4  }
0x5c7: {  	v20 =	vand.u32 $0xFFFF, v22;
	v24 =	vor.u32 $0x80000000, v24;
	vm3 =	veq.s32 v25, v12;
	[tilespmem:v23+s17+$0x0] =	vst.idx.add.f32.msk vm4, v2  }
0x5c8: {  	v22 =	vxor.u32 v28, v29;
	v16 =	vand.u32 $0xFFFF, v16;
	v23 =	vxor.u32 v27, v24;
	[tilespmem:v26+s17+$0x0] =	vst.idx.add.f32.msk vm5, v2  }
0x5c9: {  	v24 =	vshrl.u32 v22, $0x10;
	v25 =	vshrl.u32 v23, $0x10;
	[tilespmem:v21+s17+$0x0] =	vst.idx.add.f32.msk vm7, v2;
	v21 =	vand.u32 $0xFFFF, v22  }
0x5ca: {  	s31 =	sadd.s32 $0x200, s31;
	v23 =	vand.u32 $0xFFFF, v23;
	vm7 =	veq.s32 v24, v12;
	vm5 =	veq.s32 v25, v12;
	v22 =	vld [tilespmem:s29+$0xFFFFFF50]  }
0x5cb: {  	_ =	sdelay $0x4  }
0x5cc: {  	[tilespmem:v21+s17+$0x0] =	vst.idx.add.f32.msk vm7, v2  }
0x5cd: {  	v21 =	vld [tilespmem:s29+$0xFFFFFFD0]  }
0x5ce: {  	[tilespmem:v23+s17+$0x0] =	vst.idx.add.f32.msk vm5, v2  }
0x5cf: {  	v23 =	vld [tilespmem:s29+$0x50]  }
0x5d0: {  	v24 =	vshra.s32 v22, $0x1F  }
0x5d1: {  	v24 =	vor.u32 $0x80000000, v24  }
0x5d2: {  	v22 =	vxor.u32 v22, v24;
	v58 =	vshra.s32 v21, $0x1F  }
0x5d3: {  	v25 =	vshrl.u32 v22, $0x10;
	v24 =	vor.u32 $0x80000000, v58  }
0x5d4: {  	v59 =	vshra.s32 v23, $0x1F;
	vm4 =	veq.s32 v25, v12;
	v21 =	vxor.u32 v21, v24  }
0x5d5: {  	v22 =	vand.u32 $0xFFFF, v22;
	v60 =	vor.u32 $0x80000000, v59;
	v61 =	vshrl.u32 v21, $0x10  }
0x5d6: {  	[tilespmem:v20+s17+$0x0] =	vst.idx.add.f32.msk vm6, v2;
	v23 =	vxor.u32 v23, v60;
	vm5 =	veq.s32 v61, v12  }
0x5d7: {  	v62 =	vld [tilespmem:s29+$0xE0];
	v20 =	vand.u32 $0xFFFF, v21;
	v21 =	vshrl.u32 v23, $0x10  }
0x5d8: {  	vm6 =	veq.s32 v21, v12  }
0x5d9: {  	v21 =	vand.u32 $0xFFFF, v23  }
0x5da: {  	[tilespmem:v22+s17+$0x0] =	vst.idx.add.f32.msk vm4, v2  }
0x5db: {  	v22 =	vld [tilespmem:s29+$0xFFFFFF60]  }
0x5dc: {  	[tilespmem:v20+s17+$0x0] =	vst.idx.add.f32.msk vm5, v2;
	v20 =	vshra.s32 v62, $0x1F  }
0x5dd: {  	v23 =	vld [tilespmem:s29+$0xFFFFFFE0];
	v20 =	vor.u32 $0x80000000, v20  }
0x5de: {  	[tilespmem:v21+s17+$0x0] =	vst.idx.add.f32.msk vm6, v2;
	v20 =	vxor.u32 v62, v20  }
0x5df: {  	v21 =	vld [tilespmem:s29+$0x60];
	v24 =	vshrl.u32 v20, $0x10  }
0x5e0: {  	v63 =	vshra.s32 v22, $0x1F;
	vm4 =	veq.s32 v24, v12  }
0x5e1: {  	v20 =	vand.u32 $0xFFFF, v20;
	v28 =	vor.u32 $0x80000000, v63  }
0x5e2: {  	v22 =	vxor.u32 v22, v28;
	v29 =	vshra.s32 v23, $0x1F  }
0x5e3: {  	v30 =	vshrl.u32 v22, $0x10;
	v24 =	vor.u32 $0x80000000, v29  }
0x5e4: {  	v31 =	vshra.s32 v21, $0x1F;
	vm5 =	veq.s32 v30, v12;
	v23 =	vxor.u32 v23, v24  }
0x5e5: {  	v22 =	vand.u32 $0xFFFF, v22;
	v32 =	vor.u32 $0x80000000, v31;
	v33 =	vshrl.u32 v23, $0x10  }
0x5e6: {  	v21 =	vxor.u32 v21, v32;
	vm6 =	veq.s32 v33, v12;
	[tilespmem:v20+s17+$0x0] =	vst.idx.add.f32.msk vm4, v2  }
0x5e7: {  	v23 =	vand.u32 $0xFFFF, v23;
	v20 =	vshrl.u32 v21, $0x10;
	v34 =	vld [tilespmem:s29+$0xF0]  }
0x5e8: {  	vm4 =	veq.s32 v20, v12  }
0x5e9: {  	v20 =	vand.u32 $0xFFFF, v21  }
0x5ea: {  	[tilespmem:v22+s17+$0x0] =	vst.idx.add.f32.msk vm5, v2  }
0x5eb: {  	v21 =	vld [tilespmem:s29+$0xFFFFFF70]  }
0x5ec: {  	[tilespmem:v23+s17+$0x0] =	vst.idx.add.f32.msk vm6, v2;
	v22 =	vshra.s32 v34, $0x1F  }
0x5ed: {  	v23 =	vld [tilespmem:s29+$0xFFFFFFF0];
	v22 =	vor.u32 $0x80000000, v22  }
0x5ee: {  	[tilespmem:v20+s17+$0x0] =	vst.idx.add.f32.msk vm4, v2;
	v20 =	vxor.u32 v34, v22  }
0x5ef: {  	v22 =	vld [tilespmem:s29+$0x70];
	v24 =	vshrl.u32 v20, $0x10  }
0x5f0: {  	v35 =	vshra.s32 v21, $0x1F;
	vm4 =	veq.s32 v24, v12  }
0x5f1: {  	v20 =	vand.u32 $0xFFFF, v20;
	v36 =	vor.u32 $0x80000000, v35  }
0x5f2: {  	v21 =	vxor.u32 v21, v36;
	v37 =	vshra.s32 v23, $0x1F  }
0x5f3: {  	v38 =	vshrl.u32 v21, $0x10;
	v24 =	vor.u32 $0x80000000, v37  }
0x5f4: {  	v39 =	vshra.s32 v22, $0x1F;
	vm5 =	veq.s32 v38, v12;
	v23 =	vxor.u32 v23, v24  }
0x5f5: {  	v21 =	vand.u32 $0xFFFF, v21;
	v40 =	vor.u32 $0x80000000, v39;
	v41 =	vshrl.u32 v23, $0x10  }
0x5f6: {  	s29 =	sadd.s32 $0x200, s28;
	v22 =	vxor.u32 v22, v40;
	vm6 =	veq.s32 v41, v12;
	[tilespmem:v20+s17+$0x0] =	vst.idx.add.f32.msk vm4, v2  }
0x5f7: {  	v20 =	vand.u32 $0xFFFF, v23;
	v23 =	vshrl.u32 v22, $0x10;
	v42 =	vld [tilespmem:s29+$0x80]  }
0x5f8: {  	vm4 =	veq.s32 v23, v12  }
0x5f9: {  	v22 =	vand.u32 $0xFFFF, v22  }
0x5fa: {  	[tilespmem:v21+s17+$0x0] =	vst.idx.add.f32.msk vm5, v2  }
0x5fb: {  	v21 =	vld [tilespmem:s29+$0xFFFFFF00]  }
0x5fc: {  	[tilespmem:v20+s17+$0x0] =	vst.idx.add.f32.msk vm6, v2;
	v20 =	vshra.s32 v42, $0x1F  }
0x5fd: {  	v23 =	vld [tilespmem:s29+$0xFFFFFF80];
	v20 =	vor.u32 $0x80000000, v20  }
0x5fe: {  	[tilespmem:v22+s17+$0x0] =	vst.idx.add.f32.msk vm4, v2;
	v20 =	vxor.u32 v42, v20  }
0x5ff: {  	v22 =	vld [tilespmem:s29+$0x0];
	v24 =	vshrl.u32 v20, $0x10  }
0x600: {  	vm4 =	veq.s32 v24, v12  }
0x601: {  	v20 =	vand.u32 $0xFFFF, v20;
	v43 =	vshra.s32 v21, $0x1F  }
0x602: {  	v24 =	vor.u32 $0x80000000, v43;
	v44 =	vshra.s32 v23, $0x1F  }
0x603: {  	v21 =	vxor.u32 v21, v24;
	v45 =	vor.u32 $0x80000000, v44  }
0x604: {  	v46 =	vshrl.u32 v21, $0x10;
	v26 =	vshra.s32 v22, $0x1F;
	v23 =	vxor.u32 v23, v45  }
0x605: {  	vm5 =	veq.s32 v46, v12;
	v47 =	vor.u32 $0x80000000, v26;
	v48 =	vshrl.u32 v23, $0x10  }
0x606: {  	v21 =	vand.u32 $0xFFFF, v21;
	v22 =	vxor.u32 v22, v47;
	vm6 =	veq.s32 v48, v12;
	[tilespmem:v20+s17+$0x0] =	vst.idx.add.f32.msk vm4, v2  }
0x607: {  	v49 =	vshra.s32 v19, $0x1F;
	v20 =	vand.u32 $0xFFFF, v23;
	v23 =	vshrl.u32 v22, $0x10;
	v50 =	vld [tilespmem:s29+$0x90]  }
0x608: {  	vm4 =	veq.s32 v23, v12;
	v23 =	vor.u32 $0x80000000, v49  }
0x609: {  	v22 =	vand.u32 $0xFFFF, v22;
	v19 =	vxor.u32 v19, v23  }
0x60a: {  	v23 =	vshrl.u32 v19, $0x10  }
0x60b: {  	[tilespmem:v21+s17+$0x0] =	vst.idx.add.f32.msk vm5, v2;
	v21 =	vshra.s32 v18, $0x1F;
	vm5 =	veq.s32 v23, v12  }
0x60c: {  	v19 =	vand.u32 $0xFFFF, v19;
	[tilespmem:v20+s17+$0x0] =	vst.idx.add.f32.msk vm6, v2;
	v20 =	vor.u32 $0x80000000, v21;
	v21 =	vshra.s32 v50, $0x1F  }
0x60d: {  	v23 =	vld [tilespmem:s29+$0xFFFFFF10];
	v18 =	vxor.u32 v18, v20;
	v20 =	vor.u32 $0x80000000, v21  }
0x60e: {  	[tilespmem:v22+s17+$0x0] =	vst.idx.add.f32.msk vm4, v2;
	v22 =	vshrl.u32 v18, $0x10;
	v20 =	vxor.u32 v50, v20  }
0x60f: {  	v21 =	vshra.s32 v17, $0x1F;
	v51 =	vld [tilespmem:s29+$0xFFFFFF90];
	vm4 =	veq.s32 v22, v12;
	v22 =	vshrl.u32 v20, $0x10  }
0x610: {  	v21 =	vor.u32 $0x80000000, v21;
	v52 =	vld [tilespmem:s29+$0x10];
	v18 =	vand.u32 $0xFFFF, v18;
	vm6 =	veq.s32 v22, v12  }
0x611: {  	v17 =	vxor.u32 v17, v21;
	[tilespmem:v19+s17+$0x0] =	vst.idx.add.f32.msk vm5, v2;
	v19 =	vand.u32 $0xFFFF, v20  }
0x612: {  	v21 =	vshrl.u32 v17, $0x10;
	v20 =	vshra.s32 v23, $0x1F  }
0x613: {  	vm5 =	veq.s32 v21, v12;
	v20 =	vor.u32 $0x80000000, v20  }
0x614: {  	v17 =	vand.u32 $0xFFFF, v17;
	v21 =	vld [tilespmem:s28+$0xFFFFFF20];
	v53 =	vshra.s32 v51, $0x1F;
	v20 =	vxor.u32 v23, v20  }
0x615: {  	v27 =	vshra.s32 v52, $0x1F;
	v26 =	vor.u32 $0x80000000, v53;
	v28 =	vshrl.u32 v20, $0x10;
	[tilespmem:v18+s17+$0x0] =	vst.idx.add.f32.msk vm4, v2  }
0x616: {  	v24 =	vxor.u32 v51, v26;
	v18 =	vor.u32 $0x80000000, v27;
	vm4 =	veq.s32 v28, v12;
	[tilespmem:v19+s17+$0x0] =	vst.idx.add.f32.msk vm6, v2  }
0x617: {  	v20 =	vand.u32 $0xFFFF, v20;
	v19 =	vshrl.u32 v24, $0x10;
	v18 =	vxor.u32 v52, v18;
	v56 =	vld [tilespmem:s28+$0xFFFFFFA0]  }
0x618: {  	v54 =	vld [tilespmem:s29+$0xA0];
	v55 =	vshrl.u32 v18, $0x10;
	vm6 =	veq.s32 v19, v12  }
0x619: {  	[tilespmem:v17+s17+$0x0] =	vst.idx.add.f32.msk vm5, v2;
	v17 =	vand.u32 $0xFFFF, v24;
	vm5 =	veq.s32 v55, v12  }
0x61a: {  	v22 =	vld [tilespmem:s26+$0xFFFFFFB0];
	v19 =	vshra.s32 v21, $0x1F;
	v18 =	vand.u32 $0xFFFF, v18  }
0x61b: {  	v19 =	vor.u32 $0x80000000, v19;
	v57 =	vld [tilespmem:s28+$0x20]  }
0x61c: {  	v15 =	vand.u32 $0xFFFF, v15;
	v19 =	vxor.u32 v21, v19;
	[tilespmem:v20+s17+$0x0] =	vst.idx.add.f32.msk vm4, v2  }
0x61d: {  	v21 =	vshrl.u32 v19, $0x10;
	v19 =	vand.u32 $0xFFFF, v19;
	v58 =	vshra.s32 v54, $0x1F;
	v59 =	vld [tilespmem:s29+$0xFFFFFF20]  }
0x61e: {  	vm4 =	veq.s32 v21, v12;
	v60 =	vshra.s32 v56, $0x1F;
	v21 =	vor.u32 $0x80000000, v58;
	[tilespmem:v17+s17+$0x0] =	vst.idx.add.f32.msk vm6, v2  }
0x61f: {  	v20 =	vshra.s32 v22, $0x1F;
	v61 =	vor.u32 $0x80000000, v60;
	v21 =	vxor.u32 v54, v21;
	[tilespmem:v18+s17+$0x0] =	vst.idx.add.f32.msk vm5, v2  }
0x620: {  	v20 =	vor.u32 $0x80000000, v20;
	v18 =	vshra.s32 v57, $0x1F;
	v29 =	vld [tilespmem:s29+$0xFFFFFFA0];
	v62 =	vshrl.u32 v21, $0x10  }
0x621: {  	v24 =	vxor.u32 v56, v61;
	v18 =	vor.u32 $0x80000000, v18;
	v63 =	vld [tilespmem:s29+$0x20];
	vm5 =	veq.s32 v62, v12  }
0x622: {  	v33 =	vshrl.u32 v24, $0x10;
	v21 =	vand.u32 $0xFFFF, v21;
	v18 =	vxor.u32 v57, v18  }
0x623: {  	vm6 =	veq.s32 v33, v12;
	v34 =	vshrl.u32 v18, $0x10;
	v35 =	vshra.s32 v59, $0x1F  }
0x624: {  	v23 =	vld [tilespmem:s26+$0x30];
	v24 =	vand.u32 $0xFFFF, v24;
	vm7 =	veq.s32 v34, v12;
	v26 =	vor.u32 $0x80000000, v35  }
0x625: {  	[tilespmem:v19+s17+$0x0] =	vst.idx.add.f32.msk vm4, v2;
	v18 =	vand.u32 $0xFFFF, v18;
	v19 =	vxor.u32 v59, v26;
	v36 =	vshra.s32 v29, $0x1F  }
0x626: {  	v37 =	vld [tilespmem:s28+$0xFFFFFF30];
	v28 =	vshrl.u32 v19, $0x10;
	v30 =	vshra.s32 v63, $0x1F;
	v26 =	vor.u32 $0x80000000, v36  }
0x627: {  	v26 =	vxor.u32 v29, v26;
	[tilespmem:v21+s17+$0x0] =	vst.idx.add.f32.msk vm5, v2;
	vm5 =	veq.s32 v28, v12;
	v21 =	vor.u32 $0x80000000, v30  }
0x628: {  	v19 =	vand.u32 $0xFFFF, v19;
	v39 =	vshrl.u32 v26, $0x10;
	v38 =	vld [tilespmem:s29+$0xB0];
	v21 =	vxor.u32 v63, v21  }
0x629: {  	v17 =	vshra.s32 v23, $0x1F;
	[tilespmem:v24+s17+$0x0] =	vst.idx.add.f32.msk vm6, v2;
	vm6 =	veq.s32 v39, v12;
	v40 =	vshrl.u32 v21, $0x10  }
0x62a: {  	v17 =	vor.u32 $0x80000000, v17;
	[tilespmem:v18+s17+$0x0] =	vst.idx.add.f32.msk vm7, v2;
	v18 =	vand.u32 $0xFFFF, v26;
	vm7 =	veq.s32 v40, v12  }
0x62b: {  	v20 =	vxor.u32 v22, v20;
	v17 =	vxor.u32 v23, v17;
	v41 =	vld [tilespmem:s28+$0xFFFFFFB0];
	v21 =	vand.u32 $0xFFFF, v21  }
0x62c: {  	v42 =	vshrl.u32 v20, $0x10;
	v43 =	vshrl.u32 v17, $0x10;
	v22 =	vshra.s32 v37, $0x1F;
	v23 =	vld [tilespmem:s28+$0x30]  }
0x62d: {  	v17 =	vand.u32 $0xFFFF, v17;
	v22 =	vor.u32 $0x80000000, v22;
	v44 =	vshra.s32 v38, $0x1F;
	[tilespmem:v19+s17+$0x0] =	vst.idx.add.f32.msk vm5, v2  }
0x62e: {  	vm4 =	veq.s32 v42, v12;
	v19 =	vxor.u32 v37, v22;
	v22 =	vor.u32 $0x80000000, v44;
	v45 =	vld [tilespmem:s29+$0xFFFFFF30]  }
0x62f: {  	vm5 =	veq.s32 v43, v12;
	v46 =	vshrl.u32 v19, $0x10;
	[tilespmem:v18+s17+$0x0] =	vst.idx.add.f32.msk vm6, v2;
	v22 =	vxor.u32 v38, v22  }
0x630: {  	v19 =	vand.u32 $0xFFFF, v19;
	v18 =	vand.u32 $0xFFFF, v20;
	v20 =	vshrl.u32 v22, $0x10;
	[tilespmem:v21+s17+$0x0] =	vst.idx.add.f32.msk vm7, v2  }
0x631: {  	v47 =	vshra.s32 v23, $0x1F;
	vm7 =	veq.s32 v20, v12;
	v20 =	vand.u32 $0xFFFF, v22;
	v22 =	vld [tilespmem:s29+$0xFFFFFFB0]  }
0x632: {  	vm6 =	veq.s32 v46, v12;
	v21 =	vshra.s32 v41, $0x1F;
	v49 =	vor.u32 $0x80000000, v47;
	v48 =	vld [tilespmem:s29+$0x30]  }
0x633: {  	v21 =	vor.u32 $0x80000000, v21;
	v23 =	vxor.u32 v23, v49;
	v50 =	vshra.s32 v45, $0x1F  }
0x634: {  	[tilespmem:v16+s17+$0x0] =	vst.idx.add.f32.msk vm3, v2;
	v21 =	vxor.u32 v41, v21;
	v16 =	vshrl.u32 v23, $0x10;
	v52 =	vor.u32 $0x80000000, v50  }
0x635: {  	[tilespmem:v13+s17+$0x0] =	vst.idx.add.f32.msk vm2, v2;
	v51 =	vshrl.u32 v21, $0x10;
	vm2 =	veq.s32 v16, v12;
	v24 =	vxor.u32 v45, v52  }
0x636: {  	vm3 =	veq.s32 v51, v12;
	v13 =	vshrl.u32 v24, $0x10;
	v16 =	vshra.s32 v22, $0x1F  }
0x637: {  	[tilespmem:v14+s17+$0x0] =	vst.idx.add.f32.msk vm0, v2;
	vm0 =	veq.s32 v13, v12;
	v13 =	vshra.s32 v48, $0x1F;
	v14 =	vor.u32 $0x80000000, v16  }
0x638: {  	[tilespmem:v19+s17+$0x0] =	vst.idx.add.f32.msk vm6, v2;
	v19 =	vand.u32 $0xFFFF, v23;
	v14 =	vxor.u32 v22, v14;
	v13 =	vor.u32 $0x80000000, v13  }
0x639: {  	[tilespmem:v20+s17+$0x0] =	vst.idx.add.f32.msk vm7, v2;
	v16 =	vand.u32 $0xFFFF, v21;
	v20 =	vshrl.u32 v14, $0x10;
	v13 =	vxor.u32 v48, v13  }
0x63a: {  	[tilespmem:v15+s17+$0x0] =	vst.idx.add.f32.msk vm1, v2;
	v15 =	vand.u32 $0xFFFF, v24;
	vm1 =	veq.s32 v20, v12;
	v20 =	vshrl.u32 v13, $0x10  }
0x63b: {  	[tilespmem:v18+s17+$0x0] =	vst.idx.add.f32.msk vm4, v2;
	v14 =	vand.u32 $0xFFFF, v14;
	vm4 =	veq.s32 v20, v12  }
0x63c: {  	[tilespmem:v17+s17+$0x0] =	vst.idx.add.f32.msk vm5, v2;
	v13 =	vand.u32 $0xFFFF, v13  }
0x63d: {  	[tilespmem:v19+s17+$0x0] =	vst.idx.add.f32.msk vm2, v2  }
0x63e: {  	p0 =	seq.s32 s24, $0xD;
	[tilespmem:v16+s17+$0x0] =	vst.idx.add.f32.msk vm3, v2  }
0x63f: {  	s25 =	sadd.s32 @!p0 s25, s8;
	[tilespmem:v15+s17+$0x0] =	vst.idx.add.f32.msk vm0, v2  }
0x640: {  	s30 =	simm.s32 @!p0 $0x0;
	s25 =	sshrl.u32 @!p0 s25, $0x3;
	[tilespmem:v14+s17+$0x0] =	vst.idx.add.f32.msk vm1, v2  }
0x641: {  	s26 =	sadd.s32 @!p0 s2, s25;
	s28 =	simm.s32 @!p0 $0x400;
	s29 =	simm.s32 @!p0 $0x800;
	[tilespmem:v13+s17+$0x0] =	vst.idx.add.f32.msk vm4, v2  }
0x642: {  	[tilespmem:s30], [sflag:$0x1] =	stream.strided.gather @!p0 [hbm4b:s26+s28], $0x3800, s29, s28, $0x38;
	[tilespmem:$0x1E080] =	vst v63  }
0x643: {  	s25 =	sadd.s32 @!p0 s25, s4;
	s26 =	simm.s32 @!p0 $0x7000  }
0x644: {  	[tilespmem:s26], [sflag:$0x1] =	stream.strided.gather @!p0 [hbm4b:s25+s28], $0x3800, s29, s28, $0x38;
	[tilespmem:$0x1E080] =	vst v63  }
0x645: {  	_ =	swait.ge [sflag:s18], $0x3800  }
0x646: {  	[sflag:s18] =	ssyncset.done $0x0  }
0x647: {  	[sflag:s18] =	ssyncadd.s32 $0xFFFFC800  }
0x648: {  	_ =	swait.ge [sflag:s18], $0x3800  }
0x649: {  	[sflag:s18] =	ssyncset.done $0x0  }
0x64a: {  	s26 =	simm.s32 $0x3900;
	[sflag:s18] =	ssyncadd.s32 $0xFFFFC800  }
0x64b: {  	v13 =	vld [tilespmem:s26+$0x80];
	_ =	sdelay $0x4  }
0x64c: {  	v14 =	vshra.s32 v13, $0x1F  }
0x64d: {  	v14 =	vor.u32 $0x80000000, v14  }
0x64e: {  	v13 =	vxor.u32 v13, v14  }
0x64f: {  	v14 =	vshrl.u32 v13, $0x10  }
0x650: {  	vm0 =	veq.s32 v14, v12  }
0x651: {  	v13 =	vand.u32 $0xFFFF, v13;
	_ =	sdelay $0x4  }
0x652: {  	[tilespmem:v13+s17+$0x0] =	vst.idx.add.f32.msk vm0, v2  }
0x653: {  	v13 =	vld [tilespmem:s26+$0x90];
	_ =	sdelay $0x3  }
0x654: {  	v14 =	vld [tilespmem:s26+$0xFFFFFF00]  }
0x655: {  	v15 =	vshra.s32 v13, $0x1F  }
0x656: {  	v15 =	vor.u32 $0x80000000, v15  }
0x657: {  	v13 =	vxor.u32 v13, v15  }
0x658: {  	v15 =	vld [tilespmem:s26+$0xFFFFFF80];
	v16 =	vshrl.u32 v13, $0x10  }
0x659: {  	v17 =	vld [tilespmem:s26+$0x0];
	v18 =	vshra.s32 v14, $0x1F;
	vm0 =	veq.s32 v16, v12  }
0x65a: {  	v13 =	vand.u32 $0xFFFF, v13;
	v16 =	vor.u32 $0x80000000, v18  }
0x65b: {  	v14 =	vxor.u32 v14, v16  }
0x65c: {  	v16 =	vshrl.u32 v14, $0x10  }
0x65d: {  	v18 =	vshra.s32 v15, $0x1F;
	vm1 =	veq.s32 v16, v12  }
0x65e: {  	v14 =	vand.u32 $0xFFFF, v14;
	v16 =	vshra.s32 v17, $0x1F;
	v18 =	vor.u32 $0x80000000, v18  }
0x65f: {  	v16 =	vor.u32 $0x80000000, v16;
	v15 =	vxor.u32 v15, v18;
	[tilespmem:v13+s17+$0x0] =	vst.idx.add.f32.msk vm0, v2  }
0x660: {  	v13 =	vxor.u32 v17, v16;
	v16 =	vshrl.u32 v15, $0x10;
	v17 =	vld [tilespmem:s26+$0xA0]  }
0x661: {  	v18 =	vshrl.u32 v13, $0x10;
	vm0 =	veq.s32 v16, v12  }
0x662: {  	v15 =	vand.u32 $0xFFFF, v15;
	vm2 =	veq.s32 v18, v12  }
0x663: {  	v13 =	vand.u32 $0xFFFF, v13;
	[tilespmem:v14+s17+$0x0] =	vst.idx.add.f32.msk vm1, v2  }
0x664: {  	v14 =	vld [tilespmem:s26+$0xFFFFFF10]  }
0x665: {  	v16 =	vshra.s32 v17, $0x1F  }
0x666: {  	v16 =	vor.u32 $0x80000000, v16  }
0x667: {  	[tilespmem:v15+s17+$0x0] =	vst.idx.add.f32.msk vm0, v2;
	v15 =	vxor.u32 v17, v16  }
0x668: {  	[tilespmem:v13+s17+$0x0] =	vst.idx.add.f32.msk vm2, v2;
	v13 =	vshrl.u32 v15, $0x10  }
0x669: {  	v16 =	vld [tilespmem:s26+$0xFFFFFF90];
	v17 =	vshra.s32 v14, $0x1F;
	vm0 =	veq.s32 v13, v12  }
0x66a: {  	v15 =	vand.u32 $0xFFFF, v15;
	v13 =	vld [tilespmem:s26+$0x10];
	v17 =	vor.u32 $0x80000000, v17  }
0x66b: {  	v14 =	vxor.u32 v14, v17  }
0x66c: {  	v17 =	vshrl.u32 v14, $0x10  }
0x66d: {  	vm1 =	veq.s32 v17, v12  }
0x66e: {  	v14 =	vand.u32 $0xFFFF, v14;
	v17 =	vshra.s32 v16, $0x1F  }
0x66f: {  	v17 =	vor.u32 $0x80000000, v17;
	v18 =	vshra.s32 v13, $0x1F;
	[tilespmem:v15+s17+$0x0] =	vst.idx.add.f32.msk vm0, v2  }
0x670: {  	v15 =	vxor.u32 v16, v17;
	v16 =	vor.u32 $0x80000000, v18;
	v17 =	vld [tilespmem:s26+$0xB0]  }
0x671: {  	v18 =	vshrl.u32 v15, $0x10;
	v13 =	vxor.u32 v13, v16  }
0x672: {  	vm0 =	veq.s32 v18, v12;
	v16 =	vshrl.u32 v13, $0x10  }
0x673: {  	v15 =	vand.u32 $0xFFFF, v15;
	vm2 =	veq.s32 v16, v12;
	[tilespmem:v14+s17+$0x0] =	vst.idx.add.f32.msk vm1, v2  }
0x674: {  	v13 =	vand.u32 $0xFFFF, v13;
	v14 =	vld [tilespmem:s26+$0xFFFFFF20]  }
0x675: {  	v16 =	vshra.s32 v17, $0x1F  }
0x676: {  	v16 =	vor.u32 $0x80000000, v16  }
0x677: {  	v16 =	vxor.u32 v17, v16  }
0x678: {  	[tilespmem:v15+s17+$0x0] =	vst.idx.add.f32.msk vm0, v2;
	v15 =	vshrl.u32 v16, $0x10  }
0x679: {  	[tilespmem:v13+s17+$0x0] =	vst.idx.add.f32.msk vm2, v2;
	v13 =	vshra.s32 v14, $0x1F;
	vm0 =	veq.s32 v15, v12  }
0x67a: {  	v16 =	vand.u32 $0xFFFF, v16;
	v15 =	vld [tilespmem:s26+$0xFFFFFFA0];
	v13 =	vor.u32 $0x80000000, v13  }
0x67b: {  	v17 =	vld [tilespmem:s26+$0x20];
	v13 =	vxor.u32 v14, v13  }
0x67c: {  	v14 =	vshrl.u32 v13, $0x10  }
0x67d: {  	vm1 =	veq.s32 v14, v12  }
0x67e: {  	v13 =	vand.u32 $0xFFFF, v13  }
0x67f: {  	v14 =	vshra.s32 v15, $0x1F;
	[tilespmem:v16+s17+$0x0] =	vst.idx.add.f32.msk vm0, v2  }
0x680: {  	v14 =	vor.u32 $0x80000000, v14;
	v16 =	vshra.s32 v17, $0x1F;
	v18 =	vld [tilespmem:s26+$0xC0]  }
0x681: {  	v14 =	vxor.u32 v15, v14;
	v15 =	vor.u32 $0x80000000, v16  }
0x682: {  	v16 =	vshrl.u32 v14, $0x10;
	v15 =	vxor.u32 v17, v15  }
0x683: {  	vm0 =	veq.s32 v16, v12;
	v16 =	vshrl.u32 v15, $0x10;
	[tilespmem:v13+s17+$0x0] =	vst.idx.add.f32.msk vm1, v2  }
0x684: {  	v13 =	vand.u32 $0xFFFF, v14;
	vm1 =	veq.s32 v16, v12;
	v14 =	vld [tilespmem:s26+$0xFFFFFF30]  }
0x685: {  	v15 =	vand.u32 $0xFFFF, v15;
	v16 =	vshra.s32 v18, $0x1F  }
0x686: {  	v16 =	vor.u32 $0x80000000, v16  }
0x687: {  	v16 =	vxor.u32 v18, v16  }
0x688: {  	v17 =	vshrl.u32 v16, $0x10  }
0x689: {  	[tilespmem:v13+s17+$0x0] =	vst.idx.add.f32.msk vm0, v2;
	v13 =	vshra.s32 v14, $0x1F;
	vm0 =	veq.s32 v17, v12  }
0x68a: {  	[tilespmem:v15+s17+$0x0] =	vst.idx.add.f32.msk vm1, v2;
	v13 =	vor.u32 $0x80000000, v13;
	v15 =	vand.u32 $0xFFFF, v16  }
0x68b: {  	v16 =	vld [tilespmem:s26+$0xFFFFFFB0];
	v13 =	vxor.u32 v14, v13  }
0x68c: {  	v14 =	vld [tilespmem:s26+$0x30];
	v17 =	vshrl.u32 v13, $0x10  }
0x68d: {  	vm1 =	veq.s32 v17, v12  }
0x68e: {  	v13 =	vand.u32 $0xFFFF, v13  }
0x68f: {  	[tilespmem:v15+s17+$0x0] =	vst.idx.add.f32.msk vm0, v2  }
0x690: {  	v15 =	vshra.s32 v16, $0x1F;
	v17 =	vld [tilespmem:s26+$0xD0]  }
0x691: {  	v18 =	vshra.s32 v14, $0x1F;
	v15 =	vor.u32 $0x80000000, v15  }
0x692: {  	v15 =	vxor.u32 v16, v15;
	v16 =	vor.u32 $0x80000000, v18  }
0x693: {  	v18 =	vshrl.u32 v15, $0x10;
	v14 =	vxor.u32 v14, v16;
	[tilespmem:v13+s17+$0x0] =	vst.idx.add.f32.msk vm1, v2  }
0x694: {  	vm0 =	veq.s32 v18, v12;
	v13 =	vshrl.u32 v14, $0x10;
	v16 =	vld [tilespmem:s26+$0xFFFFFF40]  }
0x695: {  	vm1 =	veq.s32 v13, v12;
	v13 =	vand.u32 $0xFFFF, v15;
	v15 =	vshra.s32 v17, $0x1F  }
0x696: {  	v14 =	vand.u32 $0xFFFF, v14;
	v15 =	vor.u32 $0x80000000, v15  }
0x697: {  	v15 =	vxor.u32 v17, v15  }
0x698: {  	v17 =	vshrl.u32 v15, $0x10  }
0x699: {  	v18 =	vshra.s32 v16, $0x1F;
	vm2 =	veq.s32 v17, v12  }
0x69a: {  	v15 =	vand.u32 $0xFFFF, v15;
	[tilespmem:v13+s17+$0x0] =	vst.idx.add.f32.msk vm0, v2;
	v13 =	vor.u32 $0x80000000, v18  }
0x69b: {  	s28 =	simm.s32 $0x3B00;
	[tilespmem:v14+s17+$0x0] =	vst.idx.add.f32.msk vm1, v2;
	v13 =	vxor.u32 v16, v13  }
0x69c: {  	v16 =	vld [tilespmem:s28+$0x80];
	v14 =	vshrl.u32 v13, $0x10  }
0x69d: {  	v17 =	vld [tilespmem:s26+$0xFFFFFFC0];
	vm0 =	veq.s32 v14, v12  }
0x69e: {  	v13 =	vand.u32 $0xFFFF, v13;
	v14 =	vld [tilespmem:s26+$0x40]  }
0x69f: {  	[tilespmem:v15+s17+$0x0] =	vst.idx.add.f32.msk vm2, v2  }
0x6a0: {  	v15 =	vld [tilespmem:s26+$0xE0]  }
0x6a1: {  	v18 =	vshra.s32 v16, $0x1F  }
0x6a2: {  	v19 =	vshra.s32 v17, $0x1F;
	v18 =	vor.u32 $0x80000000, v18  }
0x6a3: {  	v19 =	vor.u32 $0x80000000, v19;
	v20 =	vshra.s32 v14, $0x1F;
	[tilespmem:v13+s17+$0x0] =	vst.idx.add.f32.msk vm0, v2;
	v13 =	vxor.u32 v16, v18  }
0x6a4: {  	v17 =	vxor.u32 v17, v19;
	v16 =	vor.u32 $0x80000000, v20;
	v18 =	vld [tilespmem:s26+$0xFFFFFF50];
	v19 =	vshrl.u32 v13, $0x10  }
0x6a5: {  	v14 =	vxor.u32 v14, v16;
	vm0 =	veq.s32 v19, v12;
	v16 =	vshra.s32 v15, $0x1F  }
0x6a6: {  	v20 =	vld [tilespmem:s28+$0xFFFFFF00];
	v13 =	vand.u32 $0xFFFF, v13;
	v19 =	vshrl.u32 v17, $0x10;
	v16 =	vor.u32 $0x80000000, v16  }
0x6a7: {  	v21 =	vshrl.u32 v14, $0x10;
	vm1 =	veq.s32 v19, v12;
	v19 =	vld [tilespmem:s28+$0xFFFFFF80];
	v15 =	vxor.u32 v15, v16  }
0x6a8: {  	vm2 =	veq.s32 v21, v12;
	v16 =	vand.u32 $0xFFFF, v17;
	v17 =	vshrl.u32 v15, $0x10  }
0x6a9: {  	v14 =	vand.u32 $0xFFFF, v14;
	v21 =	vshra.s32 v18, $0x1F;
	vm3 =	veq.s32 v17, v12  }
0x6aa: {  	v15 =	vand.u32 $0xFFFF, v15;
	v17 =	vld [tilespmem:s28+$0x0];
	v21 =	vor.u32 $0x80000000, v21  }
0x6ab: {  	v18 =	vxor.u32 v18, v21;
	v21 =	vshra.s32 v20, $0x1F;
	[tilespmem:v13+s17+$0x0] =	vst.idx.add.f32.msk vm0, v2  }
0x6ac: {  	v22 =	vshra.s32 v19, $0x1F;
	v13 =	vshrl.u32 v18, $0x10;
	v21 =	vor.u32 $0x80000000, v21;
	v23 =	vld [tilespmem:s28+$0x90]  }
0x6ad: {  	[tilespmem:v16+s17+$0x0] =	vst.idx.add.f32.msk vm1, v2;
	vm0 =	veq.s32 v13, v12;
	v13 =	vor.u32 $0x80000000, v22;
	v16 =	vxor.u32 v20, v21  }
0x6ae: {  	v18 =	vand.u32 $0xFFFF, v18;
	[tilespmem:v14+s17+$0x0] =	vst.idx.add.f32.msk vm2, v2;
	v14 =	vshrl.u32 v16, $0x10;
	v13 =	vxor.u32 v19, v13  }
0x6af: {  	vm1 =	veq.s32 v14, v12;
	v14 =	vshrl.u32 v13, $0x10;
	[tilespmem:v15+s17+$0x0] =	vst.idx.add.f32.msk vm3, v2  }
0x6b0: {  	v16 =	vand.u32 $0xFFFF, v16;
	v15 =	vshra.s32 v17, $0x1F;
	vm2 =	veq.s32 v14, v12;
	v14 =	vld [tilespmem:s26+$0xF0]  }
0x6b1: {  	v19 =	vld [tilespmem:s26+$0xFFFFFFD0];
	v13 =	vand.u32 $0xFFFF, v13;
	v15 =	vor.u32 $0x80000000, v15;
	v20 =	vshra.s32 v23, $0x1F  }
0x6b2: {  	v21 =	vld [tilespmem:s26+$0x50];
	v15 =	vxor.u32 v17, v15;
	v17 =	vor.u32 $0x80000000, v20  }
0x6b3: {  	[tilespmem:v18+s17+$0x0] =	vst.idx.add.f32.msk vm0, v2;
	v18 =	vshrl.u32 v15, $0x10;
	v17 =	vxor.u32 v23, v17  }
0x6b4: {  	v20 =	vld [tilespmem:s26+$0xFFFFFF60];
	vm0 =	veq.s32 v18, v12;
	v18 =	vshrl.u32 v17, $0x10  }
0x6b5: {  	v15 =	vand.u32 $0xFFFF, v15;
	[tilespmem:v16+s17+$0x0] =	vst.idx.add.f32.msk vm1, v2;
	vm1 =	veq.s32 v18, v12;
	v16 =	vshra.s32 v14, $0x1F  }
0x6b6: {  	v18 =	vshra.s32 v19, $0x1F;
	[tilespmem:v13+s17+$0x0] =	vst.idx.add.f32.msk vm2, v2;
	v13 =	vor.u32 $0x80000000, v16;
	v16 =	vand.u32 $0xFFFF, v17  }
0x6b7: {  	v22 =	vld [tilespmem:s28+$0xFFFFFF10];
	v17 =	vor.u32 $0x80000000, v18;
	v18 =	vshra.s32 v21, $0x1F;
	v13 =	vxor.u32 v14, v13  }
0x6b8: {  	v14 =	vxor.u32 v19, v17;
	v17 =	vor.u32 $0x80000000, v18;
	v18 =	vld [tilespmem:s28+$0xFFFFFF90];
	v19 =	vshrl.u32 v13, $0x10  }
0x6b9: {  	v23 =	vshrl.u32 v14, $0x10;
	v14 =	vand.u32 $0xFFFF, v14;
	vm2 =	veq.s32 v19, v12  }
0x6ba: {  	v17 =	vxor.u32 v21, v17;
	v13 =	vand.u32 $0xFFFF, v13;
	v21 =	vshra.s32 v20, $0x1F  }
0x6bb: {  	vm3 =	veq.s32 v23, v12;
	v19 =	vshrl.u32 v17, $0x10;
	v17 =	vand.u32 $0xFFFF, v17;
	[tilespmem:v16+s17+$0x0] =	vst.idx.add.f32.msk vm1, v2  }
0x6bc: {  	vm1 =	veq.s32 v19, v12;
	v16 =	vor.u32 $0x80000000, v21;
	v19 =	vshra.s32 v22, $0x1F;
	v21 =	vld [tilespmem:s28+$0xA0]  }
0x6bd: {  	[tilespmem:v15+s17+$0x0] =	vst.idx.add.f32.msk vm0, v2;
	v15 =	vxor.u32 v20, v16;
	v16 =	vor.u32 $0x80000000, v19;
	v19 =	vshra.s32 v18, $0x1F  }
0x6be: {  	v23 =	vld [tilespmem:s28+$0x10];
	v20 =	vshrl.u32 v15, $0x10;
	v16 =	vxor.u32 v22, v16;
	v19 =	vor.u32 $0x80000000, v19  }
0x6bf: {  	s31 =	simm.s32 $0xA900;
	vm0 =	veq.s32 v20, v12;
	v20 =	vshrl.u32 v16, $0x10;
	v18 =	vxor.u32 v18, v19;
	[tilespmem:v13+s17+$0x0] =	vst.idx.add.f32.msk vm2, v2  }
0x6c0: {  	v13 =	vand.u32 $0xFFFF, v15;
	vm2 =	veq.s32 v20, v12;
	v15 =	vshrl.u32 v18, $0x10;
	v19 =	vld [tilespmem:s31+$0x80]  }
0x6c1: {  	[tilespmem:v14+s17+$0x0] =	vst.idx.add.f32.msk vm3, v2;
	v14 =	vand.u32 $0xFFFF, v16;
	vm3 =	veq.s32 v15, v12;
	v15 =	vshra.s32 v21, $0x1F  }
0x6c2: {  	v16 =	vand.u32 $0xFFFF, v18;
	[tilespmem:v17+s17+$0x0] =	vst.idx.add.f32.msk vm1, v2;
	v15 =	vor.u32 $0x80000000, v15  }
0x6c3: {  	v18 =	vshra.s32 v23, $0x1F;
	v17 =	vld [tilespmem:s26+$0xFFFFFFE0];
	v15 =	vxor.u32 v21, v15  }
0x6c4: {  	v18 =	vor.u32 $0x80000000, v18;
	v20 =	vld [tilespmem:s26+$0x60];
	v21 =	vshrl.u32 v15, $0x10  }
0x6c5: {  	v18 =	vxor.u32 v23, v18;
	[tilespmem:v13+s17+$0x0] =	vst.idx.add.f32.msk vm0, v2;
	v13 =	vshra.s32 v19, $0x1F;
	vm0 =	veq.s32 v21, v12  }
0x6c6: {  	v21 =	vshrl.u32 v18, $0x10;
	[tilespmem:v14+s17+$0x0] =	vst.idx.add.f32.msk vm2, v2;
	v14 =	vand.u32 $0xFFFF, v15;
	v13 =	vor.u32 $0x80000000, v13  }
0x6c7: {  	vm1 =	veq.s32 v21, v12;
	[tilespmem:v16+s17+$0x0] =	vst.idx.add.f32.msk vm3, v2;
	v13 =	vxor.u32 v19, v13  }
0x6c8: {  	v15 =	vand.u32 $0xFFFF, v18;
	v16 =	vshra.s32 v17, $0x1F;
	v18 =	vld [tilespmem:s28+$0xFFFFFF20];
	v19 =	vshrl.u32 v13, $0x10  }
0x6c9: {  	v21 =	vshra.s32 v20, $0x1F;
	v16 =	vor.u32 $0x80000000, v16;
	v22 =	vld [tilespmem:s28+$0xFFFFFFA0];
	vm2 =	veq.s32 v19, v12  }
0x6ca: {  	v21 =	vor.u32 $0x80000000, v21;
	v16 =	vxor.u32 v17, v16;
	v13 =	vand.u32 $0xFFFF, v13  }
0x6cb: {  	v17 =	vxor.u32 v20, v21;
	v20 =	vshrl.u32 v16, $0x10;
	[tilespmem:v14+s17+$0x0] =	vst.idx.add.f32.msk vm0, v2  }
0x6cc: {  	v14 =	vshrl.u32 v17, $0x10;
	vm0 =	veq.s32 v20, v12;
	v20 =	vld [tilespmem:s28+$0xB0]  }
0x6cd: {  	[tilespmem:v15+s17+$0x0] =	vst.idx.add.f32.msk vm1, v2;
	vm1 =	veq.s32 v14, v12;
	v14 =	vand.u32 $0xFFFF, v16;
	v15 =	vshra.s32 v18, $0x1F  }
0x6ce: {  	v16 =	vand.u32 $0xFFFF, v17;
	v21 =	vshra.s32 v22, $0x1F;
	v17 =	vld [tilespmem:s28+$0x20];
	v15 =	vor.u32 $0x80000000, v15  }
0x6cf: {  	v15 =	vxor.u32 v18, v15;
	v18 =	vor.u32 $0x80000000, v21;
	[tilespmem:v13+s17+$0x0] =	vst.idx.add.f32.msk vm2, v2  }
0x6d0: {  	v13 =	vshrl.u32 v15, $0x10;
	v18 =	vxor.u32 v22, v18;
	v21 =	vld [tilespmem:s31+$0x90]  }
0x6d1: {  	v19 =	vld [tilespmem:s26+$0xFFFFFF70];
	vm2 =	veq.s32 v13, v12;
	v13 =	vshrl.u32 v18, $0x10;
	v22 =	vshra.s32 v20, $0x1F  }
0x6d2: {  	[tilespmem:v14+s17+$0x0] =	vst.idx.add.f32.msk vm0, v2;
	v14 =	vand.u32 $0xFFFF, v15;
	vm0 =	veq.s32 v13, v12;
	v13 =	vor.u32 $0x80000000, v22  }
0x6d3: {  	v15 =	vshra.s32 v17, $0x1F;
	[tilespmem:v16+s17+$0x0] =	vst.idx.add.f32.msk vm1, v2;
	v16 =	vand.u32 $0xFFFF, v18;
	v13 =	vxor.u32 v20, v13  }
0x6d4: {  	v15 =	vor.u32 $0x80000000, v15;
	v22 =	vshrl.u32 v13, $0x10  }
0x6d5: {  	v20 =	vld [tilespmem:s26+$0xFFFFFFF0];
	v15 =	vxor.u32 v17, v15;
	v23 =	vshra.s32 v21, $0x1F;
	vm1 =	veq.s32 v22, v12  }
0x6d6: {  	v17 =	vld [tilespmem:s26+$0x70];
	v13 =	vand.u32 $0xFFFF, v13;
	v22 =	vshrl.u32 v15, $0x10;
	v23 =	vor.u32 $0x80000000, v23  }
0x6d7: {  	v18 =	vshra.s32 v19, $0x1F;
	vm3 =	veq.s32 v22, v12;
	[tilespmem:v14+s17+$0x0] =	vst.idx.add.f32.msk vm2, v2;
	v14 =	vxor.u32 v21, v23  }
0x6d8: {  	v18 =	vor.u32 $0x80000000, v18;
	v15 =	vand.u32 $0xFFFF, v15;
	[tilespmem:v16+s17+$0x0] =	vst.idx.add.f32.msk vm0, v2;
	v16 =	vshrl.u32 v14, $0x10  }
0x6d9: {  	v18 =	vxor.u32 v19, v18;
	v22 =	vld [tilespmem:s28+$0xFFFFFF30];
	vm0 =	veq.s32 v16, v12  }
0x6da: {  	v19 =	vshrl.u32 v18, $0x10;
	v21 =	vshra.s32 v20, $0x1F;
	v23 =	vld [tilespmem:s28+$0xFFFFFFB0];
	v14 =	vand.u32 $0xFFFF, v14  }
0x6db: {  	vm2 =	veq.s32 v19, v12;
	v16 =	vshra.s32 v17, $0x1F;
	v21 =	vor.u32 $0x80000000, v21;
	[tilespmem:v13+s17+$0x0] =	vst.idx.add.f32.msk vm1, v2  }
0x6dc: {  	v16 =	vor.u32 $0x80000000, v16;
	v19 =	vxor.u32 v20, v21;
	v13 =	vand.u32 $0xFFFF, v18;
	v18 =	vld [tilespmem:s28+$0xC0]  }
0x6dd: {  	v16 =	vxor.u32 v17, v16;
	v17 =	vshrl.u32 v19, $0x10;
	[tilespmem:v15+s17+$0x0] =	vst.idx.add.f32.msk vm3, v2  }
0x6de: {  	v19 =	vand.u32 $0xFFFF, v19;
	v15 =	vshrl.u32 v16, $0x10;
	vm1 =	veq.s32 v17, v12;
	v17 =	vld [tilespmem:s28+$0x30]  }
0x6df: {  	vm3 =	veq.s32 v15, v12;
	v15 =	vand.u32 $0xFFFF, v16;
	v16 =	vshra.s32 v22, $0x1F;
	[tilespmem:v14+s17+$0x0] =	vst.idx.add.f32.msk vm0, v2  }
0x6e0: {  	v14 =	vor.u32 $0x80000000, v16;
	v20 =	vld [tilespmem:s31+$0xA0]  }
0x6e1: {  	v16 =	vshra.s32 v23, $0x1F;
	[tilespmem:v13+s17+$0x0] =	vst.idx.add.f32.msk vm2, v2;
	v13 =	vxor.u32 v22, v14  }
0x6e2: {  	v14 =	vor.u32 $0x80000000, v16;
	v16 =	vshra.s32 v18, $0x1F;
	v22 =	vshrl.u32 v13, $0x10  }
0x6e3: {  	v21 =	vld [tilespmem:s31+$0xFFFFFF00];
	v14 =	vxor.u32 v23, v14;
	v13 =	vand.u32 $0xFFFF, v13;
	v16 =	vor.u32 $0x80000000, v16  }
0x6e4: {  	v23 =	vshra.s32 v17, $0x1F;
	vm0 =	veq.s32 v22, v12;
	[tilespmem:v19+s17+$0x0] =	vst.idx.add.f32.msk vm1, v2;
	v19 =	vshrl.u32 v14, $0x10  }
0x6e5: {  	v14 =	vand.u32 $0xFFFF, v14;
	v16 =	vxor.u32 v18, v16;
	v18 =	vor.u32 $0x80000000, v23;
	[tilespmem:v15+s17+$0x0] =	vst.idx.add.f32.msk vm3, v2  }
0x6e6: {  	v22 =	vld [tilespmem:s31+$0xFFFFFF80];
	vm2 =	veq.s32 v19, v12;
	v15 =	vshrl.u32 v16, $0x10;
	v23 =	vshra.s32 v20, $0x1F  }
0x6e7: {  	vm1 =	veq.s32 v15, v12;
	v15 =	vxor.u32 v17, v18;
	v17 =	vld [tilespmem:s31+$0x0];
	v18 =	vor.u32 $0x80000000, v23  }
0x6e8: {  	v16 =	vand.u32 $0xFFFF, v16;
	v19 =	vshrl.u32 v15, $0x10;
	v18 =	vxor.u32 v20, v18  }
0x6e9: {  	vm3 =	veq.s32 v19, v12;
	v19 =	vshrl.u32 v18, $0x10  }
0x6ea: {  	v15 =	vand.u32 $0xFFFF, v15;
	v20 =	vshra.s32 v21, $0x1F;
	[tilespmem:v13+s17+$0x0] =	vst.idx.add.f32.msk vm0, v2;
	vm0 =	veq.s32 v19, v12  }
0x6eb: {  	v13 =	vor.u32 $0x80000000, v20;
	v18 =	vand.u32 $0xFFFF, v18;
	v19 =	vshra.s32 v22, $0x1F;
	v20 =	vld [tilespmem:s28+$0xFFFFFF40]  }
0x6ec: {  	v13 =	vxor.u32 v21, v13;
	[tilespmem:v14+s17+$0x0] =	vst.idx.add.f32.msk vm2, v2;
	v19 =	vor.u32 $0x80000000, v19;
	v21 =	vshra.s32 v17, $0x1F  }
0x6ed: {  	[tilespmem:v16+s17+$0x0] =	vst.idx.add.f32.msk vm1, v2;
	v16 =	vshrl.u32 v13, $0x10;
	v19 =	vxor.u32 v22, v19;
	v21 =	vor.u32 $0x80000000, v21  }
0x6ee: {  	v22 =	vld [tilespmem:s28+$0xD0];
	vm1 =	veq.s32 v16, v12;
	v14 =	vshrl.u32 v19, $0x10;
	v16 =	vxor.u32 v17, v21  }
0x6ef: {  	v13 =	vand.u32 $0xFFFF, v13;
	[tilespmem:v15+s17+$0x0] =	vst.idx.add.f32.msk vm3, v2;
	vm2 =	veq.s32 v14, v12;
	v14 =	vshrl.u32 v16, $0x10  }
0x6f0: {  	v15 =	vand.u32 $0xFFFF, v19;
	vm3 =	veq.s32 v14, v12;
	v14 =	vshra.s32 v20, $0x1F;
	[tilespmem:v18+s17+$0x0] =	vst.idx.add.f32.msk vm0, v2  }
0x6f1: {  	v16 =	vand.u32 $0xFFFF, v16;
	v14 =	vor.u32 $0x80000000, v14;
	v18 =	vld [tilespmem:s28+$0xFFFFFFC0]  }
0x6f2: {  	v17 =	vld [tilespmem:s31+$0xB0];
	v14 =	vxor.u32 v20, v14  }
0x6f3: {  	v20 =	vld [tilespmem:s28+$0x40];
	v19 =	vshra.s32 v22, $0x1F;
	v21 =	vshrl.u32 v14, $0x10  }
0x6f4: {  	v19 =	vor.u32 $0x80000000, v19;
	[tilespmem:v13+s17+$0x0] =	vst.idx.add.f32.msk vm1, v2;
	vm0 =	veq.s32 v21, v12  }
0x6f5: {  	v14 =	vand.u32 $0xFFFF, v14;
	v13 =	vxor.u32 v22, v19;
	[tilespmem:v15+s17+$0x0] =	vst.idx.add.f32.msk vm2, v2  }
0x6f6: {  	v15 =	vshrl.u32 v13, $0x10;
	[tilespmem:v16+s17+$0x0] =	vst.idx.add.f32.msk vm3, v2  }
0x6f7: {  	v16 =	vld [tilespmem:s31+$0xFFFFFF10];
	vm1 =	veq.s32 v15, v12;
	v15 =	vshra.s32 v17, $0x1F  }
0x6f8: {  	v19 =	vand.u32 $0xFFFF, v13;
	v13 =	vor.u32 $0x80000000, v15;
	v15 =	vld [tilespmem:s31+$0xFFFFFF90]  }
0x6f9: {  	v21 =	vshra.s32 v18, $0x1F;
	v22 =	vshra.s32 v20, $0x1F;
	v13 =	vxor.u32 v17, v13;
	v17 =	vld [tilespmem:s31+$0x10]  }
0x6fa: {  	s29 =	simm.s32 $0x3D00;
	v21 =	vor.u32 $0x80000000, v21;
	v22 =	vor.u32 $0x80000000, v22;
	[tilespmem:v14+s17+$0x0] =	vst.idx.add.f32.msk vm0, v2  }
0x6fb: {  	v23 =	vshrl.u32 v13, $0x10;
	v14 =	vxor.u32 v18, v21;
	v18 =	vxor.u32 v20, v22;
	v20 =	vld [tilespmem:s29+$0x80]  }
0x6fc: {  	vm0 =	veq.s32 v23, v12;
	v21 =	vshrl.u32 v14, $0x10;
	v22 =	vshrl.u32 v18, $0x10  }
0x6fd: {  	v14 =	vand.u32 $0xFFFF, v14;
	v18 =	vand.u32 $0xFFFF, v18;
	vm3 =	veq.s32 v21, v12;
	[tilespmem:v19+s17+$0x0] =	vst.idx.add.f32.msk vm1, v2  }
0x6fe: {  	vm2 =	veq.s32 v22, v12;
	v22 =	vshra.s32 v16, $0x1F;
	v23 =	vshra.s32 v15, $0x1F;
	v19 =	vld [tilespmem:s28+$0xE0]  }
0x6ff: {  	v21 =	vld [tilespmem:s28+$0xFFFFFF50];
	v22 =	vor.u32 $0x80000000, v22;
	v53 =	vshra.s32 v17, $0x1F;
	v23 =	vor.u32 $0x80000000, v23  }
0x700: {  	v55 =	vld [tilespmem:s29+$0xFFFFFF00];
	v16 =	vxor.u32 v16, v22;
	v22 =	vshra.s32 v20, $0x1F;
	v15 =	vxor.u32 v15, v23  }
0x701: {  	v23 =	vshrl.u32 v16, $0x10;
	v16 =	vand.u32 $0xFFFF, v16;
	v22 =	vor.u32 $0x80000000, v22  }
0x702: {  	v54 =	vshrl.u32 v15, $0x10;
	vm1 =	veq.s32 v23, v12;
	v20 =	vxor.u32 v20, v22  }
0x703: {  	v23 =	vld [tilespmem:s29+$0x0];
	v15 =	vand.u32 $0xFFFF, v15;
	v58 =	vshrl.u32 v20, $0x10;
	v22 =	vshra.s32 v19, $0x1F  }
0x704: {  	v56 =	vld [tilespmem:s29+$0xFFFFFF80];
	v57 =	vshra.s32 v21, $0x1F;
	vm4 =	veq.s32 v58, v12;
	v22 =	vor.u32 $0x80000000, v22  }
0x705: {  	v20 =	vand.u32 $0xFFFF, v20;
	[tilespmem:v18+s17+$0x0] =	vst.idx.add.f32.msk vm2, v2;
	v18 =	vshra.s32 v55, $0x1F;
	v19 =	vxor.u32 v19, v22  }
0x706: {  	[tilespmem:v14+s17+$0x0] =	vst.idx.add.f32.msk vm3, v2;
	v18 =	vor.u32 $0x80000000, v18;
	v22 =	vor.u32 $0x80000000, v57;
	v59 =	vshrl.u32 v19, $0x10  }
0x707: {  	v61 =	vld [tilespmem:s28+$0x50];
	v18 =	vxor.u32 v55, v18;
	v21 =	vxor.u32 v21, v22;
	vm3 =	veq.s32 v59, v12  }
0x708: {  	v60 =	vshra.s32 v23, $0x1F;
	v19 =	vand.u32 $0xFFFF, v19;
	[tilespmem:v16+s17+$0x0] =	vst.idx.add.f32.msk vm1, v2;
	v14 =	vshrl.u32 v21, $0x10  }
0x709: {  	v22 =	vshra.s32 v56, $0x1F;
	vm1 =	veq.s32 v54, v12;
	vm5 =	veq.s32 v14, v12;
	v14 =	vld [tilespmem:s28+$0xFFFFFFD0]  }
0x70a: {  	v63 =	vshrl.u32 v18, $0x10;
	v62 =	vor.u32 $0x80000000, v60;
	v22 =	vor.u32 $0x80000000, v22;
	[tilespmem:v20+s17+$0x0] =	vst.idx.add.f32.msk vm4, v2  }
0x70b: {  	v21 =	vand.u32 $0xFFFF, v21;
	v20 =	vxor.u32 v56, v22;
	v22 =	vxor.u32 v23, v62;
	v23 =	vld [tilespmem:s29+$0x90]  }
0x70c: {  	v24 =	vor.u32 $0x80000000, v53;
	v33 =	vld [tilespmem:s31+$0xFFFFFF20];
	vm4 =	veq.s32 v63, v12;
	v30 =	vshrl.u32 v20, $0x10  }
0x70d: {  	v18 =	vand.u32 $0xFFFF, v18;
	v31 =	vshrl.u32 v22, $0x10;
	[tilespmem:v19+s17+$0x0] =	vst.idx.add.f32.msk vm3, v2;
	vm3 =	veq.s32 v30, v12  }
0x70e: {  	v16 =	vand.u32 $0xFFFF, v20;
	v20 =	vshra.s32 v61, $0x1F;
	v19 =	vshra.s32 v14, $0x1F;
	v32 =	vld [tilespmem:s28+$0xF0]  }
0x70f: {  	v22 =	vand.u32 $0xFFFF, v22;
	vm2 =	veq.s32 v31, v12;
	[tilespmem:v15+s17+$0x0] =	vst.idx.add.f32.msk vm1, v2;
	v19 =	vor.u32 $0x80000000, v19  }
0x710: {  	[tilespmem:v21+s17+$0x0] =	vst.idx.add.f32.msk vm5, v2;
	v14 =	vxor.u32 v14, v19;
	v19 =	vor.u32 $0x80000000, v20;
	v21 =	vshra.s32 v23, $0x1F  }
0x711: {  	v34 =	vld [tilespmem:s28+$0xFFFFFF60];
	v20 =	vshrl.u32 v14, $0x10;
	v14 =	vand.u32 $0xFFFF, v14;
	v19 =	vxor.u32 v61, v19  }
0x712: {  	[tilespmem:v18+s17+$0x0] =	vst.idx.add.f32.msk vm4, v2;
	vm5 =	veq.s32 v20, v12;
	v20 =	vor.u32 $0x80000000, v21;
	v18 =	vshrl.u32 v19, $0x10  }
0x713: {  	v20 =	vxor.u32 v23, v20;
	v21 =	vshra.s32 v32, $0x1F;
	[tilespmem:v16+s17+$0x0] =	vst.idx.add.f32.msk vm3, v2;
	vm3 =	veq.s32 v18, v12  }
0x714: {  	v19 =	vand.u32 $0xFFFF, v19;
	v16 =	vshrl.u32 v20, $0x10;
	v18 =	vor.u32 $0x80000000, v21;
	v21 =	vld [tilespmem:s29+$0xFFFFFF10]  }
0x715: {  	v17 =	vxor.u32 v17, v24;
	vm4 =	veq.s32 v16, v12;
	v16 =	vxor.u32 v32, v18;
	v18 =	vld [tilespmem:s29+$0xFFFFFF90]  }
0x716: {  	v24 =	vshrl.u32 v17, $0x10;
	[tilespmem:v22+s17+$0x0] =	vst.idx.add.f32.msk vm2, v2;
	v20 =	vand.u32 $0xFFFF, v20;
	v23 =	vshrl.u32 v16, $0x10  }
0x717: {  	v17 =	vand.u32 $0xFFFF, v17;
	v22 =	vshra.s32 v34, $0x1F;
	vm6 =	veq.s32 v23, v12;
	v23 =	vld [tilespmem:s29+$0x10]  }
0x718: {  	vm2 =	veq.s32 v24, v12;
	v22 =	vor.u32 $0x80000000, v22;
	v16 =	vand.u32 $0xFFFF, v16;
	[tilespmem:v14+s17+$0x0] =	vst.idx.add.f32.msk vm5, v2  }
0x719: {  	v22 =	vxor.u32 v34, v22;
	v14 =	vshra.s32 v33, $0x1F;
	[tilespmem:v19+s17+$0x0] =	vst.idx.add.f32.msk vm3, v2;
	v19 =	vshra.s32 v21, $0x1F  }
0x71a: {  	v35 =	vshrl.u32 v22, $0x10;
	v39 =	vld [tilespmem:s28+$0xFFFFFFE0];
	v19 =	vor.u32 $0x80000000, v19;
	v36 =	vshra.s32 v18, $0x1F  }
0x71b: {  	vm3 =	veq.s32 v35, v12;
	[tilespmem:v20+s17+$0x0] =	vst.idx.add.f32.msk vm4, v2;
	v19 =	vxor.u32 v21, v19;
	v20 =	vor.u32 $0x80000000, v36  }
0x71c: {  	v22 =	vand.u32 $0xFFFF, v22;
	v21 =	vld [tilespmem:s29+$0xA0];
	v37 =	vshrl.u32 v19, $0x10;
	v18 =	vxor.u32 v18, v20  }
0x71d: {  	s25 =	simm.s32 $0xAB00;
	v14 =	vor.u32 $0x80000000, v14;
	[tilespmem:v16+s17+$0x0] =	vst.idx.add.f32.msk vm6, v2;
	vm4 =	veq.s32 v37, v12;
	v20 =	vshrl.u32 v18, $0x10  }
0x71e: {  	v19 =	vand.u32 $0xFFFF, v19;
	v16 =	vshra.s32 v23, $0x1F;
	v38 =	vld [tilespmem:s25+$0x80];
	vm5 =	veq.s32 v20, v12  }
0x71f: {  	[tilespmem:v17+s17+$0x0] =	vst.idx.add.f32.msk vm2, v2;
	v14 =	vxor.u32 v33, v14;
	v18 =	vand.u32 $0xFFFF, v18;
	v16 =	vor.u32 $0x80000000, v16  }
0x720: {  	v40 =	vshrl.u32 v14, $0x10;
	v14 =	vand.u32 $0xFFFF, v14;
	v20 =	vld [tilespmem:s28+$0x60];
	v16 =	vxor.u32 v23, v16  }
0x721: {  	vm1 =	veq.s32 v40, v12;
	[tilespmem:v22+s17+$0x0] =	vst.idx.add.f32.msk vm3, v2;
	v15 =	vshrl.u32 v16, $0x10;
	v23 =	vshra.s32 v21, $0x1F  }
0x722: {  	v16 =	vand.u32 $0xFFFF, v16;
	v22 =	vld [tilespmem:s28+$0xFFFFFF70];
	vm6 =	veq.s32 v15, v12;
	v15 =	vor.u32 $0x80000000, v23  }
0x723: {  	v23 =	vshra.s32 v39, $0x1F;
	v15 =	vxor.u32 v21, v15;
	v21 =	vshra.s32 v38, $0x1F;
	[tilespmem:v19+s17+$0x0] =	vst.idx.add.f32.msk vm4, v2  }
0x724: {  	v23 =	vor.u32 $0x80000000, v23;
	v19 =	vshrl.u32 v15, $0x10;
	v21 =	vor.u32 $0x80000000, v21;
	[tilespmem:v18+s17+$0x0] =	vst.idx.add.f32.msk vm5, v2  }
0x725: {  	v41 =	vshra.s32 v20, $0x1F;
	vm4 =	veq.s32 v19, v12;
	v19 =	vld [tilespmem:s29+$0xFFFFFF20];
	v18 =	vxor.u32 v38, v21  }
0x726: {  	v15 =	vand.u32 $0xFFFF, v15;
	v42 =	vor.u32 $0x80000000, v41;
	v43 =	vld [tilespmem:s29+$0xFFFFFFA0];
	v21 =	vshrl.u32 v18, $0x10  }
0x727: {  	v45 =	vld [tilespmem:s31+$0xFFFFFFA0];
	v20 =	vxor.u32 v20, v42;
	vm5 =	veq.s32 v21, v12;
	v21 =	vxor.u32 v39, v23  }
0x728: {  	v17 =	vand.u32 $0xFFFF, v18;
	v23 =	vshrl.u32 v20, $0x10;
	[tilespmem:v16+s17+$0x0] =	vst.idx.add.f32.msk vm6, v2;
	v18 =	vshrl.u32 v21, $0x10  }
0x729: {  	v20 =	vand.u32 $0xFFFF, v20;
	vm3 =	veq.s32 v23, v12;
	vm2 =	veq.s32 v18, v12;
	v18 =	vld [tilespmem:s29+$0x20]  }
0x72a: {  	v47 =	vld [tilespmem:s31+$0x20];
	v16 =	vand.u32 $0xFFFF, v21;
	v21 =	vshra.s32 v22, $0x1F;
	v23 =	vshra.s32 v19, $0x1F  }
0x72b: {  	[tilespmem:v15+s17+$0x0] =	vst.idx.add.f32.msk vm4, v2;
	v15 =	vor.u32 $0x80000000, v21;
	v21 =	vor.u32 $0x80000000, v23;
	v23 =	vshra.s32 v43, $0x1F  }
0x72c: {  	v44 =	vld [tilespmem:s29+$0xB0];
	v15 =	vxor.u32 v22, v15;
	v19 =	vxor.u32 v19, v21;
	v21 =	vor.u32 $0x80000000, v23  }
0x72d: {  	v22 =	vshrl.u32 v19, $0x10;
	v21 =	vxor.u32 v43, v21;
	v19 =	vand.u32 $0xFFFF, v19;
	[tilespmem:v17+s17+$0x0] =	vst.idx.add.f32.msk vm5, v2  }
0x72e: {  	vm4 =	veq.s32 v22, v12;
	v22 =	vshrl.u32 v21, $0x10;
	v23 =	vld [tilespmem:s25+$0x90];
	v46 =	vshra.s32 v18, $0x1F  }
0x72f: {  	[tilespmem:v14+s17+$0x0] =	vst.idx.add.f32.msk vm1, v2;
	v17 =	vshrl.u32 v15, $0x10;
	vm5 =	veq.s32 v22, v12;
	v26 =	vor.u32 $0x80000000, v46  }
0x730: {  	[tilespmem:v16+s17+$0x0] =	vst.idx.add.f32.msk vm2, v2;
	vm2 =	veq.s32 v17, v12;
	v16 =	vxor.u32 v18, v26  }
0x731: {  	[tilespmem:v20+s17+$0x0] =	vst.idx.add.f32.msk vm3, v2;
	v18 =	vand.u32 $0xFFFF, v21;
	v21 =	vshra.s32 v44, $0x1F;
	v17 =	vshrl.u32 v16, $0x10  }
0x732: {  	v20 =	vor.u32 $0x80000000, v21;
	vm3 =	veq.s32 v17, v12;
	v17 =	vld [tilespmem:s28+$0xFFFFFFF0]  }
0x733: {  	v22 =	vld [tilespmem:s28+$0x70];
	v16 =	vand.u32 $0xFFFF, v16;
	v20 =	vxor.u32 v44, v20;
	v21 =	vshra.s32 v23, $0x1F  }
0x734: {  	v24 =	vshrl.u32 v20, $0x10;
	[tilespmem:v19+s17+$0x0] =	vst.idx.add.f32.msk vm4, v2;
	v21 =	vor.u32 $0x80000000, v21  }
0x735: {  	v15 =	vand.u32 $0xFFFF, v15;
	vm4 =	veq.s32 v24, v12;
	v48 =	vld [tilespmem:s29+$0xFFFFFF30];
	v19 =	vxor.u32 v23, v21  }
0x736: {  	[tilespmem:v18+s17+$0x0] =	vst.idx.add.f32.msk vm5, v2;
	v18 =	vand.u32 $0xFFFF, v20;
	v23 =	vshra.s32 v47, $0x1F;
	v20 =	vshrl.u32 v19, $0x10  }
0x737: {  	v49 =	vld [tilespmem:s29+$0xFFFFFFB0];
	vm5 =	veq.s32 v20, v12;
	v20 =	vor.u32 $0x80000000, v23;
	v23 =	vshra.s32 v17, $0x1F  }
0x738: {  	s28 =	simm.s32 $0x3F00;
	v21 =	vshra.s32 v45, $0x1F;
	[tilespmem:v16+s17+$0x0] =	vst.idx.add.f32.msk vm3, v2;
	v16 =	vshra.s32 v22, $0x1F;
	v23 =	vor.u32 $0x80000000, v23  }
0x739: {  	v37 =	vld [tilespmem:s28+$0xFFFFFF80];
	v19 =	vand.u32 $0xFFFF, v19;
	v16 =	vor.u32 $0x80000000, v16;
	v17 =	vxor.u32 v17, v23  }
0x73a: {  	v21 =	vor.u32 $0x80000000, v21;
	v23 =	vld [tilespmem:s29+$0x30];
	v16 =	vxor.u32 v22, v16;
	v22 =	vshrl.u32 v17, $0x10  }
0x73b: {  	v21 =	vxor.u32 v45, v21;
	[tilespmem:v18+s17+$0x0] =	vst.idx.add.f32.msk vm4, v2;
	v18 =	vshrl.u32 v16, $0x10;
	vm3 =	veq.s32 v22, v12  }
0x73c: {  	v17 =	vand.u32 $0xFFFF, v17;
	v22 =	vshra.s32 v48, $0x1F;
	v50 =	vld [tilespmem:s29+$0xC0];
	vm4 =	veq.s32 v18, v12  }
0x73d: {  	[tilespmem:v15+s17+$0x0] =	vst.idx.add.f32.msk vm2, v2;
	v16 =	vand.u32 $0xFFFF, v16;
	v18 =	vor.u32 $0x80000000, v22;
	v22 =	vshra.s32 v49, $0x1F  }
0x73e: {  	v55 =	vshrl.u32 v21, $0x10;
	[tilespmem:v19+s17+$0x0] =	vst.idx.add.f32.msk vm5, v2;
	v18 =	vxor.u32 v48, v18;
	v19 =	vor.u32 $0x80000000, v22  }
0x73f: {  	v22 =	vld [tilespmem:s25+$0xA0];
	v15 =	vshra.s32 v23, $0x1F;
	v24 =	vshrl.u32 v18, $0x10;
	v19 =	vxor.u32 v49, v19  }
0x740: {  	v51 =	vld [tilespmem:s25+$0xFFFFFF00];
	v18 =	vand.u32 $0xFFFF, v18;
	v15 =	vor.u32 $0x80000000, v15;
	vm2 =	veq.s32 v24, v12  }
0x741: {  	v52 =	vshrl.u32 v19, $0x10;
	v14 =	vxor.u32 v23, v15;
	v15 =	vshra.s32 v50, $0x1F;
	[tilespmem:v17+s17+$0x0] =	vst.idx.add.f32.msk vm3, v2  }
0x742: {  	vm1 =	veq.s32 v52, v12;
	v17 =	vshrl.u32 v14, $0x10;
	v15 =	vor.u32 $0x80000000, v15;
	[tilespmem:v16+s17+$0x0] =	vst.idx.add.f32.msk vm4, v2  }
0x743: {  	v16 =	vand.u32 $0xFFFF, v19;
	v15 =	vxor.u32 v50, v15;
	vm3 =	veq.s32 v17, v12;
	v17 =	vld [tilespmem:s25+$0xFFFFFF80]  }
0x744: {  	v14 =	vand.u32 $0xFFFF, v14;
	v19 =	vshra.s32 v22, $0x1F;
	v23 =	vshrl.u32 v15, $0x10;
	v53 =	vld [tilespmem:s25+$0x0]  }
0x745: {  	vm4 =	veq.s32 v55, v12;
	v19 =	vor.u32 $0x80000000, v19;
	vm5 =	veq.s32 v23, v12;
	v23 =	vld [tilespmem:s31+$0xFFFFFF30]  }
0x746: {  	v21 =	vand.u32 $0xFFFF, v21;
	v19 =	vxor.u32 v22, v19;
	v22 =	vshra.s32 v51, $0x1F;
	[tilespmem:v18+s17+$0x0] =	vst.idx.add.f32.msk vm2, v2  }
0x747: {  	v15 =	vand.u32 $0xFFFF, v15;
	v54 =	vshrl.u32 v19, $0x10;
	v22 =	vor.u32 $0x80000000, v22;
	v57 =	vld [tilespmem:s29+$0xFFFFFF40]  }
0x748: {  	vm2 =	veq.s32 v54, v12;
	v22 =	vxor.u32 v51, v22;
	[tilespmem:v16+s17+$0x0] =	vst.idx.add.f32.msk vm1, v2  }
0x749: {  	v16 =	vand.u32 $0xFFFF, v19;
	v56 =	vshra.s32 v17, $0x1F;
	v19 =	vshrl.u32 v22, $0x10;
	[tilespmem:v14+s17+$0x0] =	vst.idx.add.f32.msk vm3, v2  }
0x74a: {  	v20 =	vxor.u32 v47, v20;
	v59 =	vld [tilespmem:s29+$0xFFFFFFC0];
	vm1 =	veq.s32 v19, v12;
	v19 =	vor.u32 $0x80000000, v56  }
0x74b: {  	v18 =	vshrl.u32 v20, $0x10;
	v58 =	vshra.s32 v53, $0x1F;
	[tilespmem:v21+s17+$0x0] =	vst.idx.add.f32.msk vm4, v2;
	v17 =	vxor.u32 v17, v19  }
0x74c: {  	v14 =	vand.u32 $0xFFFF, v22;
	v19 =	vor.u32 $0x80000000, v58;
	[tilespmem:v15+s17+$0x0] =	vst.idx.add.f32.msk vm5, v2;
	v15 =	vshrl.u32 v17, $0x10  }
0x74d: {  	vm3 =	veq.s32 v18, v12;
	v18 =	vxor.u32 v53, v19;
	v19 =	vld [tilespmem:s29+$0xD0];
	vm5 =	veq.s32 v15, v12  }
0x74e: {  	v21 =	vld [tilespmem:s28+$0x80];
	v17 =	vand.u32 $0xFFFF, v17;
	v22 =	vshra.s32 v57, $0x1F;
	v15 =	vshrl.u32 v18, $0x10  }
0x74f: {  	v22 =	vor.u32 $0x80000000, v22;
	[tilespmem:v16+s17+$0x0] =	vst.idx.add.f32.msk vm2, v2;
	vm2 =	veq.s32 v15, v12;
	v15 =	vshra.s32 v23, $0x1F  }
0x750: {  	v18 =	vand.u32 $0xFFFF, v18;
	v22 =	vxor.u32 v57, v22;
	v16 =	vld [tilespmem:s25+$0xB0];
	v15 =	vor.u32 $0x80000000, v15  }
0x751: {  	v26 =	vshrl.u32 v22, $0x10;
	v15 =	vxor.u32 v23, v15;
	v23 =	vld [tilespmem:s29+$0x40]  }
0x752: {  	v13 =	vand.u32 $0xFFFF, v13;
	[tilespmem:v14+s17+$0x0] =	vst.idx.add.f32.msk vm1, v2;
	vm6 =	veq.s32 v26, v12;
	v14 =	vshra.s32 v19, $0x1F  }
0x753: {  	v43 =	vshra.s32 v37, $0x1F;
	v22 =	vand.u32 $0xFFFF, v22;
	v14 =	vor.u32 $0x80000000, v14;
	[tilespmem:v17+s17+$0x0] =	vst.idx.add.f32.msk vm5, v2  }
0x754: {  	v20 =	vand.u32 $0xFFFF, v20;
	v40 =	vshra.s32 v21, $0x1F;
	v14 =	vxor.u32 v19, v14;
	v19 =	vld [tilespmem:s25+$0xFFFFFF10]  }
0x755: {  	v60 =	vshrl.u32 v15, $0x10;
	v17 =	vshra.s32 v16, $0x1F;
	[tilespmem:v18+s17+$0x0] =	vst.idx.add.f32.msk vm2, v2;
	v18 =	vshra.s32 v59, $0x1F  }
0x756: {  	v62 =	vshrl.u32 v14, $0x10;
	v33 =	vand.u32 $0xFFFF, v14;
	v17 =	vor.u32 $0x80000000, v17;
	v32 =	vld [tilespmem:s25+$0x10]  }
0x757: {  	v61 =	vshra.s32 v23, $0x1F;
	vm5 =	veq.s32 v62, v12;
	v16 =	vxor.u32 v16, v17;
	v17 =	vld [tilespmem:s25+$0xFFFFFF90]  }
0x758: {  	v14 =	vand.u32 $0xFFFF, v15;
	v18 =	vor.u32 $0x80000000, v18;
	v25 =	vor.u32 $0x80000000, v61;
	[tilespmem:v22+s17+$0x0] =	vst.idx.add.f32.msk vm6, v2  }
0x759: {  	v18 =	vxor.u32 v59, v18;
	v63 =	vshrl.u32 v16, $0x10;
	v23 =	vxor.u32 v23, v25;
	v34 =	vld [tilespmem:s29+$0xFFFFFF50]  }
0x75a: {  	v15 =	vand.u32 $0xFFFF, v16;
	v16 =	vshrl.u32 v18, $0x10;
	v22 =	vshrl.u32 v23, $0x10  }
0x75b: {  	v41 =	vld [tilespmem:s28+$0x0];
	vm6 =	veq.s32 v16, v12;
	vm4 =	veq.s32 v22, v12;
	v22 =	vshra.s32 v19, $0x1F  }
0x75c: {  	[tilespmem:v20+s17+$0x0] =	vst.idx.add.f32.msk vm3, v2;
	v29 =	vor.u32 $0x80000000, v40;
	v18 =	vand.u32 $0xFFFF, v18;
	v22 =	vor.u32 $0x80000000, v22  }
0x75d: {  	v16 =	vand.u32 $0xFFFF, v23;
	v35 =	vshra.s32 v32, $0x1F;
	[tilespmem:v33+s17+$0x0] =	vst.idx.add.f32.msk vm5, v2;
	v19 =	vxor.u32 v19, v22  }
0x75e: {  	v23 =	vshra.s32 v17, $0x1F;
	v22 =	vld [tilespmem:s29+$0xE0];
	v20 =	vshrl.u32 v19, $0x10;
	v36 =	vshra.s32 v34, $0x1F  }
0x75f: {  	v25 =	vor.u32 $0x80000000, v35;
	vm3 =	veq.s32 v20, v12;
	v20 =	vor.u32 $0x80000000, v36  }
0x760: {  	v39 =	vld [tilespmem:s28+$0xFFFFFF00];
	v23 =	vor.u32 $0x80000000, v23;
	v25 =	vxor.u32 v32, v25;
	v20 =	vxor.u32 v34, v20  }
0x761: {  	v19 =	vand.u32 $0xFFFF, v19;
	[tilespmem:v18+s17+$0x0] =	vst.idx.add.f32.msk vm6, v2;
	v18 =	vxor.u32 v21, v29;
	v42 =	vshrl.u32 v20, $0x10  }
0x762: {  	v32 =	vshra.s32 v41, $0x1F;
	[tilespmem:v16+s17+$0x0] =	vst.idx.add.f32.msk vm4, v2;
	v16 =	vshrl.u32 v18, $0x10;
	vm5 =	veq.s32 v42, v12  }
0x763: {  	v51 =	vld [tilespmem:s31+$0xFFFFFFB0];
	v20 =	vand.u32 $0xFFFF, v20;
	vm4 =	veq.s32 v16, v12;
	v21 =	vshra.s32 v22, $0x1F  }
0x764: {  	v17 =	vxor.u32 v17, v23;
	v44 =	vld [tilespmem:s29+$0xFFFFFFD0];
	v18 =	vand.u32 $0xFFFF, v18;
	v21 =	vor.u32 $0x80000000, v21  }
0x765: {  	v46 =	vor.u32 $0x80000000, v32;
	v23 =	vshrl.u32 v17, $0x10;
	v16 =	vxor.u32 v22, v21;
	v21 =	vld [tilespmem:s29+$0x50]  }
0x766: {  	v17 =	vand.u32 $0xFFFF, v17;
	v22 =	vshra.s32 v39, $0x1F;
	[tilespmem:v19+s17+$0x0] =	vst.idx.add.f32.msk vm3, v2;
	vm3 =	veq.s32 v23, v12  }
0x767: {  	v31 =	vshrl.u32 v16, $0x10;
	v19 =	vor.u32 $0x80000000, v22;
	v22 =	vor.u32 $0x80000000, v43;
	v45 =	vld [tilespmem:s25+$0xFFFFFF20]  }
0x768: {  	v16 =	vand.u32 $0xFFFF, v16;
	vm6 =	veq.s32 v31, v12;
	v19 =	vxor.u32 v39, v19;
	[tilespmem:v20+s17+$0x0] =	vst.idx.add.f32.msk vm5, v2  }
0x769: {  	v22 =	vxor.u32 v37, v22;
	v47 =	vshrl.u32 v19, $0x10;
	v20 =	vxor.u32 v41, v46;
	[tilespmem:v18+s17+$0x0] =	vst.idx.add.f32.msk vm4, v2  }
0x76a: {  	v48 =	vshrl.u32 v22, $0x10;
	v19 =	vand.u32 $0xFFFF, v19;
	vm5 =	veq.s32 v47, v12;
	v49 =	vld [tilespmem:s29+$0xFFFFFF60]  }
0x76b: {  	v18 =	vand.u32 $0xFFFF, v22;
	v28 =	vshrl.u32 v20, $0x10;
	vm7 =	veq.s32 v48, v12;
	v22 =	vld [tilespmem:s28+$0x90]  }
0x76c: {  	v58 =	vshra.s32 v51, $0x1F;
	v50 =	vshra.s32 v44, $0x1F;
	vm8 =	veq.s32 v28, v12;
	[tilespmem:v17+s17+$0x0] =	vst.idx.add.f32.msk vm3, v2  }
0x76d: {  	vm1 =	veq.s32 v60, v12;
	v23 =	vor.u32 $0x80000000, v50;
	v20 =	vand.u32 $0xFFFF, v20;
	v46 =	vld [tilespmem:s25+$0xFFFFFFA0]  }
0x76e: {  	vm2 =	veq.s32 v63, v12;
	v23 =	vxor.u32 v44, v23;
	[tilespmem:v16+s17+$0x0] =	vst.idx.add.f32.msk vm6, v2;
	v16 =	vshra.s32 v21, $0x1F  }
0x76f: {  	v38 =	vshrl.u32 v25, $0x10;
	v53 =	vshrl.u32 v23, $0x10;
	v16 =	vor.u32 $0x80000000, v16;
	v52 =	vld [tilespmem:s29+$0xF0]  }
0x770: {  	v25 =	vand.u32 $0xFFFF, v25;
	v16 =	vxor.u32 v21, v16;
	[tilespmem:v19+s17+$0x0] =	vst.idx.add.f32.msk vm5, v2;
	vm5 =	veq.s32 v53, v12  }
0x771: {  	vm4 =	veq.s32 v38, v12;
	v19 =	vand.u32 $0xFFFF, v23;
	[tilespmem:v18+s17+$0x0] =	vst.idx.add.f32.msk vm7, v2;
	v21 =	vshrl.u32 v16, $0x10  }
0x772: {  	v18 =	vshra.s32 v22, $0x1F;
	v23 =	vshra.s32 v49, $0x1F;
	[tilespmem:v20+s17+$0x0] =	vst.idx.add.f32.msk vm8, v2;
	vm6 =	veq.s32 v21, v12  }
0x773: {  	v18 =	vor.u32 $0x80000000, v18;
	v20 =	vand.u32 $0xFFFF, v16;
	v16 =	vor.u32 $0x80000000, v23;
	v23 =	vld [tilespmem:s28+$0xFFFFFF90]  }
0x774: {  	v21 =	vld [tilespmem:s28+$0xFFFFFF10];
	v18 =	vxor.u32 v22, v18;
	v22 =	vxor.u32 v49, v16;
	v16 =	vshra.s32 v52, $0x1F  }
0x775: {  	v57 =	vshra.s32 v45, $0x1F;
	v56 =	vld [tilespmem:s28+$0x10];
	v54 =	vshrl.u32 v18, $0x10;
	v16 =	vor.u32 $0x80000000, v16  }
0x776: {  	v55 =	vshrl.u32 v22, $0x10;
	vm7 =	veq.s32 v54, v12;
	[tilespmem:v19+s17+$0x0] =	vst.idx.add.f32.msk vm5, v2;
	v19 =	vxor.u32 v52, v16  }
0x777: {  	[tilespmem:v25+s17+$0x0] =	vst.idx.add.f32.msk vm4, v2;
	v18 =	vand.u32 $0xFFFF, v18;
	v22 =	vand.u32 $0xFFFF, v22;
	v26 =	vshrl.u32 v19, $0x10  }
0x778: {  	vm5 =	veq.s32 v55, v12;
	v61 =	vshra.s32 v23, $0x1F;
	[tilespmem:v20+s17+$0x0] =	vst.idx.add.f32.msk vm6, v2;
	vm6 =	veq.s32 v26, v12  }
0x779: {  	v48 =	vld [tilespmem:s25+$0x20];
	v59 =	vshra.s32 v21, $0x1F;
	v19 =	vand.u32 $0xFFFF, v19;
	v35 =	vor.u32 $0x80000000, v61  }
0x77a: {  	v60 =	vld [tilespmem:s29+$0xFFFFFFE0];
	v36 =	vshra.s32 v56, $0x1F;
	v20 =	vor.u32 $0x80000000, v57;
	v27 =	vor.u32 $0x80000000, v59  }
0x77b: {  	v23 =	vxor.u32 v23, v35;
	v37 =	vor.u32 $0x80000000, v36;
	v62 =	vld [tilespmem:s29+$0x60];
	v21 =	vxor.u32 v21, v27  }
0x77c: {  	v59 =	vshra.s32 v46, $0x1F;
	v20 =	vxor.u32 v45, v20;
	v17 =	vshrl.u32 v21, $0x10;
	[tilespmem:v18+s17+$0x0] =	vst.idx.add.f32.msk vm7, v2  }
0x77d: {  	v18 =	vxor.u32 v56, v37;
	vm7 =	veq.s32 v17, v12;
	v17 =	vshrl.u32 v23, $0x10;
	v38 =	vld [tilespmem:s28+$0xA0]  }
0x77e: {  	s26 =	simm.s32 $0xAD00;
	v21 =	vand.u32 $0xFFFF, v21;
	vm8 =	veq.s32 v17, v12;
	v17 =	vshrl.u32 v18, $0x10;
	[tilespmem:v19+s17+$0x0] =	vst.idx.add.f32.msk vm6, v2  }
0x77f: {  	v23 =	vand.u32 $0xFFFF, v23;
	vm6 =	veq.s32 v17, v12;
	v17 =	vand.u32 $0xFFFF, v18;
	v18 =	vld [tilespmem:s26+$0x80]  }
0x780: {  	v61 =	vor.u32 $0x80000000, v59;
	[tilespmem:v22+s17+$0x0] =	vst.idx.add.f32.msk vm5, v2;
	v19 =	vshra.s32 v60, $0x1F;
	v22 =	vshra.s32 v62, $0x1F  }
0x781: {  	v63 =	vshrl.u32 v20, $0x10;
	v40 =	vor.u32 $0x80000000, v19;
	v22 =	vor.u32 $0x80000000, v22  }
0x782: {  	v39 =	vld [tilespmem:s29+$0xFFFFFF70];
	v19 =	vand.u32 $0xFFFF, v20;
	v20 =	vshra.s32 v38, $0x1F;
	v28 =	vxor.u32 v60, v40  }
0x783: {  	v22 =	vxor.u32 v62, v22;
	[tilespmem:v21+s17+$0x0] =	vst.idx.add.f32.msk vm7, v2;
	v20 =	vor.u32 $0x80000000, v20;
	v21 =	vshrl.u32 v28, $0x10  }
0x784: {  	[tilespmem:v23+s17+$0x0] =	vst.idx.add.f32.msk vm8, v2;
	v20 =	vxor.u32 v38, v20;
	vm5 =	veq.s32 v21, v12;
	v21 =	vshra.s32 v18, $0x1F  }
0x785: {  	v60 =	vshra.s32 v48, $0x1F;
	[tilespmem:v17+s17+$0x0] =	vst.idx.add.f32.msk vm6, v2;
	v17 =	vshrl.u32 v20, $0x10;
	v21 =	vor.u32 $0x80000000, v21  }
0x786: {  	v42 =	vand.u32 $0xFFFF, v28;
	v23 =	vld [tilespmem:s28+$0xFFFFFF20];
	vm6 =	veq.s32 v17, v12;
	v17 =	vxor.u32 v18, v21  }
0x787: {  	v44 =	vshra.s32 v39, $0x1F;
	v20 =	vand.u32 $0xFFFF, v20;
	v21 =	vld [tilespmem:s28+$0xFFFFFFA0];
	v18 =	vshrl.u32 v17, $0x10  }
0x788: {  	v41 =	vshrl.u32 v22, $0x10;
	v28 =	vor.u32 $0x80000000, v44;
	v43 =	vld [tilespmem:s28+$0x20];
	vm7 =	veq.s32 v18, v12  }
0x789: {  	[tilespmem:v13+s17+$0x0] =	vst.idx.add.f32.msk vm0, v2;
	v22 =	vand.u32 $0xFFFF, v22;
	v47 =	vxor.u32 v39, v28;
	v45 =	vand.u32 $0xFFFF, v17  }
0x78a: {  	v16 =	vld [tilespmem:s31+$0x30];
	vm4 =	veq.s32 v41, v12;
	v29 =	vshrl.u32 v47, $0x10;
	v17 =	vor.u32 $0x80000000, v58  }
0x78b: {  	v26 =	vand.u32 $0xFFFF, v47;
	v49 =	vshra.s32 v23, $0x1F;
	v17 =	vxor.u32 v51, v17;
	[tilespmem:v42+s17+$0x0] =	vst.idx.add.f32.msk vm5, v2  }
0x78c: {  	v24 =	vor.u32 $0x80000000, v49;
	vm5 =	veq.s32 v29, v12;
	v50 =	vshra.s32 v21, $0x1F;
	[tilespmem:v20+s17+$0x0] =	vst.idx.add.f32.msk vm6, v2  }
0x78d: {  	v51 =	vshra.s32 v43, $0x1F;
	v20 =	vxor.u32 v23, v24;
	v23 =	vor.u32 $0x80000000, v50;
	v52 =	vld [tilespmem:s28+$0xB0]  }
0x78e: {  	v53 =	vshrl.u32 v20, $0x10;
	v21 =	vxor.u32 v21, v23;
	v23 =	vor.u32 $0x80000000, v51;
	[tilespmem:v45+s17+$0x0] =	vst.idx.add.f32.msk vm7, v2  }
0x78f: {  	vm6 =	veq.s32 v53, v12;
	v54 =	vshrl.u32 v21, $0x10;
	v23 =	vxor.u32 v43, v23;
	v55 =	vld [tilespmem:s26+$0x90]  }
0x790: {  	[tilespmem:v22+s17+$0x0] =	vst.idx.add.f32.msk vm4, v2;
	v20 =	vand.u32 $0xFFFF, v20;
	vm7 =	veq.s32 v54, v12;
	v56 =	vshrl.u32 v23, $0x10  }
0x791: {  	v62 =	vor.u32 $0x80000000, v60;
	v58 =	vld [tilespmem:s29+$0x70];
	v21 =	vand.u32 $0xFFFF, v21;
	vm4 =	veq.s32 v56, v12  }
0x792: {  	v28 =	vxor.u32 v48, v62;
	v22 =	vand.u32 $0xFFFF, v23;
	v23 =	vld [tilespmem:s29+$0xFFFFFFF0];
	v57 =	vshra.s32 v52, $0x1F  }
0x793: {  	vm3 =	veq.s32 v63, v12;
	v40 =	vshrl.u32 v28, $0x10;
	[tilespmem:v26+s17+$0x0] =	vst.idx.add.f32.msk vm5, v2;
	v24 =	vor.u32 $0x80000000, v57  }
0x794: {  	v18 =	vshra.s32 v16, $0x1F;
	v63 =	vld [tilespmem:s26+$0xFFFFFF00];
	v24 =	vxor.u32 v52, v24;
	v33 =	vshra.s32 v55, $0x1F  }
0x795: {  	v26 =	vxor.u32 v46, v61;
	[tilespmem:v20+s17+$0x0] =	vst.idx.add.f32.msk vm6, v2;
	v20 =	vshrl.u32 v24, $0x10;
	v31 =	vor.u32 $0x80000000, v33  }
0x796: {  	v18 =	vor.u32 $0x80000000, v18;
	[tilespmem:v21+s17+$0x0] =	vst.idx.add.f32.msk vm7, v2;
	vm5 =	veq.s32 v20, v12;
	v21 =	vxor.u32 v55, v31  }
0x797: {  	v20 =	vshra.s32 v23, $0x1F;
	[tilespmem:v22+s17+$0x0] =	vst.idx.add.f32.msk vm4, v2;
	v22 =	vand.u32 $0xFFFF, v24;
	v27 =	vshrl.u32 v21, $0x10  }
0x798: {  	v34 =	vshra.s32 v58, $0x1F;
	v20 =	vor.u32 $0x80000000, v20;
	v36 =	vld [tilespmem:s28+$0xFFFFFFB0];
	vm6 =	veq.s32 v27, v12  }
0x799: {  	v35 =	vld [tilespmem:s28+$0xFFFFFF30];
	v24 =	vor.u32 $0x80000000, v34;
	v20 =	vxor.u32 v23, v20;
	v21 =	vand.u32 $0xFFFF, v21  }
0x79a: {  	v56 =	vand.u32 $0xFFFF, v28;
	v23 =	vxor.u32 v58, v24;
	v37 =	vld [tilespmem:s28+$0x30];
	v38 =	vshrl.u32 v20, $0x10  }
0x79b: {  	[tilespmem:v15+s17+$0x0] =	vst.idx.add.f32.msk vm2, v2;
	v20 =	vand.u32 $0xFFFF, v20;
	v39 =	vshrl.u32 v23, $0x10;
	vm0 =	veq.s32 v38, v12  }
0x79c: {  	v13 =	vand.u32 $0xFFFF, v23;
	v23 =	vshrl.u32 v26, $0x10;
	vm7 =	veq.s32 v39, v12;
	[tilespmem:v22+s17+$0x0] =	vst.idx.add.f32.msk vm5, v2  }
0x79d: {  	v55 =	vand.u32 $0xFFFF, v26;
	vm4 =	veq.s32 v23, v12;
	v42 =	vshra.s32 v36, $0x1F;
	v23 =	vld [tilespmem:s28+$0xC0]  }
0x79e: {  	v41 =	vshra.s32 v35, $0x1F;
	v22 =	vshra.s32 v63, $0x1F;
	v43 =	vor.u32 $0x80000000, v42;
	[tilespmem:v21+s17+$0x0] =	vst.idx.add.f32.msk vm6, v2  }
0x79f: {  	v44 =	vshra.s32 v37, $0x1F;
	v15 =	vxor.u32 v36, v43;
	v21 =	vor.u32 $0x80000000, v41;
	v45 =	vld [tilespmem:s26+$0xA0]  }
0x7a0: {  	v47 =	vor.u32 $0x80000000, v44;
	v48 =	vshrl.u32 v15, $0x10;
	v21 =	vxor.u32 v35, v21  }
0x7a1: {  	v24 =	vxor.u32 v37, v47;
	[tilespmem:v20+s17+$0x0] =	vst.idx.add.f32.msk vm0, v2;
	vm0 =	veq.s32 v48, v12;
	v46 =	vshrl.u32 v21, $0x10  }
0x7a2: {  	v20 =	vshrl.u32 v24, $0x10;
	[tilespmem:v13+s17+$0x0] =	vst.idx.add.f32.msk vm7, v2;
	vm5 =	veq.s32 v46, v12;
	v49 =	vshra.s32 v23, $0x1F  }
0x7a3: {  	v13 =	vand.u32 $0xFFFF, v21;
	vm6 =	veq.s32 v20, v12;
	v21 =	vld [tilespmem:s26+$0xFFFFFF80];
	v20 =	vor.u32 $0x80000000, v49  }
0x7a4: {  	[tilespmem:v19+s17+$0x0] =	vst.idx.add.f32.msk vm3, v2;
	v15 =	vand.u32 $0xFFFF, v15;
	v20 =	vxor.u32 v23, v20;
	v50 =	vshra.s32 v45, $0x1F  }
0x7a5: {  	v19 =	vand.u32 $0xFFFF, v24;
	v23 =	vld [tilespmem:s26+$0x0];
	v51 =	vshrl.u32 v20, $0x10;
	v25 =	vor.u32 $0x80000000, v50  }
0x7a6: {  	[tilespmem:v14+s17+$0x0] =	vst.idx.add.f32.msk vm1, v2;
	v22 =	vor.u32 $0x80000000, v22;
	vm3 =	veq.s32 v51, v12;
	v25 =	vxor.u32 v45, v25  }
0x7a7: {  	v52 =	vld [tilespmem:s25+$0xFFFFFF30];
	v22 =	vxor.u32 v63, v22;
	v14 =	vand.u32 $0xFFFF, v20;
	v20 =	vshrl.u32 v25, $0x10  }
0x7a8: {  	v53 =	vshrl.u32 v22, $0x10;
	[tilespmem:v13+s17+$0x0] =	vst.idx.add.f32.msk vm5, v2;
	v13 =	vshra.s32 v21, $0x1F;
	vm1 =	veq.s32 v20, v12  }
0x7a9: {  	v22 =	vand.u32 $0xFFFF, v22;
	[tilespmem:v15+s17+$0x0] =	vst.idx.add.f32.msk vm0, v2;
	v13 =	vor.u32 $0x80000000, v13;
	v20 =	vand.u32 $0xFFFF, v25  }
0x7aa: {  	vm2 =	veq.s32 v53, v12;
	[tilespmem:v19+s17+$0x0] =	vst.idx.add.f32.msk vm6, v2;
	v15 =	vshra.s32 v23, $0x1F;
	v13 =	vxor.u32 v21, v13  }
0x7ab: {  	vm5 =	veq.s32 v40, v12;
	v19 =	vld [tilespmem:s28+$0xFFFFFF40];
	v15 =	vor.u32 $0x80000000, v15;
	v21 =	vshrl.u32 v13, $0x10  }
0x7ac: {  	v54 =	vand.u32 $0xFFFF, v13;
	v13 =	vxor.u32 v23, v15;
	v15 =	vxor.u32 v16, v18;
	[tilespmem:v14+s17+$0x0] =	vst.idx.add.f32.msk vm3, v2  }
0x7ad: {  	vm3 =	veq.s32 v21, v12;
	v14 =	vshrl.u32 v13, $0x10;
	v21 =	vand.u32 $0xFFFF, v13;
	v23 =	vld [tilespmem:s28+$0xD0]  }
0x7ae: {  	v13 =	vshra.s32 v52, $0x1F;
	vm6 =	veq.s32 v14, v12;
	v14 =	vshrl.u32 v17, $0x10;
	[tilespmem:v20+s17+$0x0] =	vst.idx.add.f32.msk vm1, v2  }
0x7af: {  	v13 =	vor.u32 $0x80000000, v13;
	vm0 =	veq.s32 v14, v12;
	v14 =	vshrl.u32 v15, $0x10;
	v16 =	vld [tilespmem:s26+$0xB0]  }
0x7b0: {  	v57 =	vld [tilespmem:s28+$0xFFFFFFC0];
	v18 =	vshra.s32 v19, $0x1F;
	v13 =	vxor.u32 v52, v13;
	vm1 =	veq.s32 v14, v12  }
0x7b1: {  	[tilespmem:v22+s17+$0x0] =	vst.idx.add.f32.msk vm2, v2;
	v14 =	vor.u32 $0x80000000, v18;
	v18 =	vshrl.u32 v13, $0x10;
	v13 =	vand.u32 $0xFFFF, v13  }
0x7b2: {  	v58 =	vld [tilespmem:s28+$0x40];
	v19 =	vxor.u32 v19, v14;
	vm2 =	veq.s32 v18, v12;
	v14 =	vand.u32 $0xFFFF, v17  }
0x7b3: {  	v17 =	vshrl.u32 v19, $0x10;
	v22 =	vand.u32 $0xFFFF, v19;
	v19 =	vld [tilespmem:s26+$0xFFFFFF10];
	v18 =	vshra.s32 v23, $0x1F  }
0x7b4: {  	[tilespmem:v54+s17+$0x0] =	vst.idx.add.f32.msk vm3, v2;
	vm7 =	veq.s32 v17, v12;
	v17 =	vor.u32 $0x80000000, v18;
	v18 =	vshra.s32 v16, $0x1F  }
0x7b5: {  	v20 =	vshra.s32 v57, $0x1F;
	[tilespmem:v21+s17+$0x0] =	vst.idx.add.f32.msk vm6, v2;
	v21 =	vxor.u32 v23, v17;
	v17 =	vor.u32 $0x80000000, v18  }
0x7b6: {  	v60 =	vor.u32 $0x80000000, v20;
	v59 =	vshrl.u32 v21, $0x10;
	v18 =	vld [tilespmem:s26+$0xFFFFFF90];
	v16 =	vxor.u32 v16, v17  }
0x7b7: {  	v23 =	vshra.s32 v58, $0x1F;
	vm6 =	veq.s32 v59, v12;
	v17 =	vld [tilespmem:s26+$0x10];
	v61 =	vshrl.u32 v16, $0x10  }
0x7b8: {  	[tilespmem:v55+s17+$0x0] =	vst.idx.add.f32.msk vm4, v2;
	v23 =	vor.u32 $0x80000000, v23;
	v20 =	vand.u32 $0xFFFF, v21;
	vm3 =	veq.s32 v61, v12  }
0x7b9: {  	[tilespmem:v56+s17+$0x0] =	vst.idx.add.f32.msk vm5, v2;
	v21 =	vxor.u32 v57, v60;
	v23 =	vxor.u32 v58, v23;
	v16 =	vand.u32 $0xFFFF, v16  }
0x7ba: {  	v62 =	vshrl.u32 v21, $0x10;
	v21 =	vand.u32 $0xFFFF, v21;
	v63 =	vshrl.u32 v23, $0x10;
	[tilespmem:v22+s17+$0x0] =	vst.idx.add.f32.msk vm7, v2  }
0x7bb: {  	s30 =	simm.s32 $0x4100;
	s29 =	simm.s32 $0xC;
	v23 =	vand.u32 $0xFFFF, v23;
	vm7 =	veq.s32 v62, v12;
	vm5 =	veq.s32 v63, v12;
	v22 =	vld [tilespmem:s28+$0xFFFFFF50]  }
.LBB2_21:
0x7bc: {  	v24 =	vld [tilespmem:s30+$0x80];
	v25 =	vshra.s32 v19, $0x1F;
	v26 =	vshra.s32 v18, $0x1F;
	v27 =	vshra.s32 v17, $0x1F  }
0x7bd: {  	[tilespmem:v20+s17+$0x0] =	vst.idx.add.f32.msk vm6, v2;
	v20 =	vor.u32 $0x80000000, v25;
	v25 =	vor.u32 $0x80000000, v26;
	v26 =	vor.u32 $0x80000000, v27  }
0x7be: {  	v15 =	vand.u32 $0xFFFF, v15;
	v19 =	vxor.u32 v19, v20;
	v18 =	vxor.u32 v18, v25;
	[tilespmem:v16+s17+$0x0] =	vst.idx.add.f32.msk vm3, v2  }
0x7bf: {  	s29 =	sadd.s32 $0x4, s29;
	v26 =	vxor.u32 v17, v26;
	v16 =	vld [tilespmem:s28+$0xE0];
	v20 =	vshrl.u32 v19, $0x10;
	v25 =	vshrl.u32 v18, $0x10  }
0x7c0: {  	p0 =	slt.u32 s29, $0x6C;
	v27 =	vld [tilespmem:s30+$0xFFFFFF80];
	v17 =	vshra.s32 v22, $0x1F;
	vm6 =	veq.s32 v20, v12;
	v20 =	vshrl.u32 v26, $0x10  }
0x7c1: {  	vm4 =	veq.s32 v25, v12;
	v28 =	vld [tilespmem:s30+$0x0];
	v17 =	vor.u32 $0x80000000, v17;
	vm3 =	veq.s32 v20, v12  }
0x7c2: {  	v19 =	vand.u32 $0xFFFF, v19;
	v25 =	vshra.s32 v24, $0x1F;
	v20 =	vld [tilespmem:s30+$0xFFFFFF00];
	v17 =	vxor.u32 v22, v17  }
0x7c3: {  	v22 =	vor.u32 $0x80000000, v25;
	v25 =	vshrl.u32 v17, $0x10;
	v29 =	vand.u32 $0xFFFF, v17;
	[tilespmem:v21+s17+$0x0] =	vst.idx.add.f32.msk vm7, v2  }
0x7c4: {  	v17 =	vxor.u32 v24, v22;
	vm7 =	veq.s32 v25, v12;
	[tilespmem:v23+s17+$0x0] =	vst.idx.add.f32.msk vm5, v2;
	v21 =	vshra.s32 v16, $0x1F  }
0x7c5: {  	v23 =	vshrl.u32 v17, $0x10;
	v22 =	vshra.s32 v27, $0x1F;
	v24 =	vld [tilespmem:s28+$0xFFFFFFD0];
	v21 =	vor.u32 $0x80000000, v21  }
0x7c6: {  	vm8 =	veq.s32 v23, v12;
	v25 =	vshra.s32 v28, $0x1F;
	v23 =	vld [tilespmem:s28+$0x50];
	v16 =	vxor.u32 v16, v21  }
0x7c7: {  	v30 =	vand.u32 $0xFFFF, v17;
	v21 =	vshra.s32 v20, $0x1F;
	v17 =	vshrl.u32 v16, $0x10;
	[tilespmem:v19+s17+$0x0] =	vst.idx.add.f32.msk vm6, v2  }
0x7c8: {  	v19 =	vor.u32 $0x80000000, v21;
	v21 =	vor.u32 $0x80000000, v22;
	vm6 =	veq.s32 v17, v12;
	v22 =	vld [tilespmem:s26+$0xFFFFFF20]  }
0x7c9: {  	v16 =	vand.u32 $0xFFFF, v16;
	v19 =	vxor.u32 v20, v19;
	v20 =	vor.u32 $0x80000000, v25;
	v17 =	vld [tilespmem:s25+$0xFFFFFFB0]  }
0x7ca: {  	v21 =	vxor.u32 v27, v21;
	v25 =	vshrl.u32 v19, $0x10;
	v20 =	vxor.u32 v28, v20;
	[tilespmem:v29+s17+$0x0] =	vst.idx.add.f32.msk vm7, v2  }
0x7cb: {  	vm7 =	veq.s32 v25, v12;
	v25 =	vshrl.u32 v21, $0x10;
	v27 =	vshrl.u32 v20, $0x10;
	v28 =	vld [tilespmem:s28+$0xFFFFFF60]  }
0x7cc: {  	v19 =	vand.u32 $0xFFFF, v19;
	vm9 =	veq.s32 v25, v12;
	vm5 =	veq.s32 v27, v12;
	[tilespmem:v30+s17+$0x0] =	vst.idx.add.f32.msk vm8, v2  }
0x7cd: {  	v21 =	vand.u32 $0xFFFF, v21;
	v20 =	vand.u32 $0xFFFF, v20;
	v27 =	vshra.s32 v24, $0x1F;
	v25 =	vld [tilespmem:s30+$0x90]  }
0x7ce: {  	v18 =	vand.u32 $0xFFFF, v18;
	v29 =	vshra.s32 v23, $0x1F;
	v27 =	vor.u32 $0x80000000, v27;
	[tilespmem:v16+s17+$0x0] =	vst.idx.add.f32.msk vm6, v2  }
0x7cf: {  	v26 =	vand.u32 $0xFFFF, v26;
	v16 =	vxor.u32 v24, v27;
	v24 =	vor.u32 $0x80000000, v29;
	v27 =	vld [tilespmem:s28+$0xF0]  }
0x7d0: {  	v29 =	vshrl.u32 v16, $0x10;
	v30 =	vand.u32 $0xFFFF, v16;
	v23 =	vxor.u32 v23, v24;
	v16 =	vld [tilespmem:s25+$0x30];
	s25 =	smov.u32 s26  }
0x7d1: {  	vm6 =	veq.s32 v29, v12;
	[tilespmem:v19+s17+$0x0] =	vst.idx.add.f32.msk vm7, v2;
	v19 =	vshrl.u32 v23, $0x10;
	v23 =	vand.u32 $0xFFFF, v23  }
0x7d2: {  	v24 =	vshra.s32 v28, $0x1F;
	[tilespmem:v21+s17+$0x0] =	vst.idx.add.f32.msk vm9, v2;
	v21 =	vshra.s32 v25, $0x1F;
	vm7 =	veq.s32 v19, v12  }
0x7d3: {  	[tilespmem:v20+s17+$0x0] =	vst.idx.add.f32.msk vm5, v2;
	v19 =	vor.u32 $0x80000000, v21;
	v20 =	vor.u32 $0x80000000, v24;
	v21 =	vshra.s32 v22, $0x1F  }
0x7d4: {  	v24 =	vld [tilespmem:s30+$0xFFFFFF10];
	v19 =	vxor.u32 v25, v19;
	v20 =	vxor.u32 v28, v20;
	v25 =	vshra.s32 v27, $0x1F  }
0x7d5: {  	v28 =	vld [tilespmem:s30+$0xFFFFFF90];
	v29 =	vshrl.u32 v19, $0x10;
	v31 =	vshrl.u32 v20, $0x10;
	v25 =	vor.u32 $0x80000000, v25  }
0x7d6: {  	v32 =	vld [tilespmem:s30+$0x10];
	vm8 =	veq.s32 v29, v12;
	vm5 =	veq.s32 v31, v12;
	v25 =	vxor.u32 v27, v25  }
0x7d7: {  	v19 =	vand.u32 $0xFFFF, v19;
	v20 =	vand.u32 $0xFFFF, v20;
	[tilespmem:v30+s17+$0x0] =	vst.idx.add.f32.msk vm6, v2;
	v27 =	vshrl.u32 v25, $0x10  }
0x7d8: {  	v21 =	vor.u32 $0x80000000, v21;
	[tilespmem:v23+s17+$0x0] =	vst.idx.add.f32.msk vm7, v2;
	vm6 =	veq.s32 v27, v12;
	v23 =	vshra.s32 v17, $0x1F  }
0x7d9: {  	v21 =	vxor.u32 v22, v21;
	v25 =	vand.u32 $0xFFFF, v25;
	v27 =	vshra.s32 v24, $0x1F;
	v29 =	vld [tilespmem:s28+$0xFFFFFFE0]  }
0x7da: {  	v31 =	vshrl.u32 v21, $0x10;
	v22 =	vor.u32 $0x80000000, v27;
	v27 =	vshra.s32 v28, $0x1F;
	v30 =	vld [tilespmem:s28+$0x60]  }
0x7db: {  	v22 =	vxor.u32 v24, v22;
	v24 =	vor.u32 $0x80000000, v27;
	v27 =	vshra.s32 v32, $0x1F;
	[tilespmem:v18+s17+$0x0] =	vst.idx.add.f32.msk vm4, v2  }
0x7dc: {  	v18 =	vshrl.u32 v22, $0x10;
	v24 =	vxor.u32 v28, v24;
	v27 =	vor.u32 $0x80000000, v27;
	[tilespmem:v19+s17+$0x0] =	vst.idx.add.f32.msk vm8, v2  }
0x7dd: {  	vm7 =	veq.s32 v18, v12;
	v18 =	vshrl.u32 v24, $0x10;
	v19 =	vxor.u32 v32, v27;
	v27 =	vld [tilespmem:s30+$0xA0]  }
0x7de: {  	s26 =	sadd.s32 $0x200, s26;
	v22 =	vand.u32 $0xFFFF, v22;
	vm8 =	veq.s32 v18, v12;
	v18 =	vshrl.u32 v19, $0x10;
	[tilespmem:v25+s17+$0x0] =	vst.idx.add.f32.msk vm6, v2  }
0x7df: {  	v24 =	vand.u32 $0xFFFF, v24;
	vm6 =	veq.s32 v18, v12;
	v18 =	vand.u32 $0xFFFF, v19;
	v25 =	vld [tilespmem:s26+$0x80]  }
0x7e0: {  	vm4 =	veq.s32 v31, v12;
	v19 =	vshra.s32 v29, $0x1F;
	[tilespmem:v20+s17+$0x0] =	vst.idx.add.f32.msk vm5, v2;
	v20 =	vshra.s32 v30, $0x1F  }
0x7e1: {  	v31 =	vor.u32 $0x80000000, v19;
	v19 =	vand.u32 $0xFFFF, v21;
	v28 =	vld [tilespmem:s28+$0xFFFFFF70];
	v20 =	vor.u32 $0x80000000, v20  }
0x7e2: {  	v29 =	vxor.u32 v29, v31;
	v21 =	vshra.s32 v27, $0x1F;
	v20 =	vxor.u32 v30, v20;
	[tilespmem:v26+s17+$0x0] =	vst.idx.add.f32.msk vm3, v2  }
0x7e3: {  	[tilespmem:v22+s17+$0x0] =	vst.idx.add.f32.msk vm7, v2;
	v21 =	vor.u32 $0x80000000, v21;
	v22 =	vshrl.u32 v29, $0x10;
	v26 =	vshrl.u32 v20, $0x10  }
0x7e4: {  	[tilespmem:v24+s17+$0x0] =	vst.idx.add.f32.msk vm8, v2;
	v21 =	vxor.u32 v27, v21;
	vm5 =	veq.s32 v22, v12;
	v22 =	vshra.s32 v25, $0x1F  }
0x7e5: {  	vm3 =	veq.s32 v26, v12;
	[tilespmem:v18+s17+$0x0] =	vst.idx.add.f32.msk vm6, v2;
	v18 =	vshrl.u32 v21, $0x10;
	v22 =	vor.u32 $0x80000000, v22  }
0x7e6: {  	v26 =	vand.u32 $0xFFFF, v29;
	v24 =	vld [tilespmem:s30+$0xFFFFFF20];
	vm6 =	veq.s32 v18, v12;
	v18 =	vxor.u32 v25, v22  }
0x7e7: {  	v20 =	vand.u32 $0xFFFF, v20;
	v21 =	vand.u32 $0xFFFF, v21;
	v22 =	vld [tilespmem:s30+$0xFFFFFFA0];
	v25 =	vshrl.u32 v18, $0x10  }
0x7e8: {  	v29 =	vshra.s32 v28, $0x1F;
	v27 =	vld [tilespmem:s30+$0x20];
	vm7 =	veq.s32 v25, v12;
	v25 =	vshra.s32 v16, $0x1F  }
0x7e9: {  	v29 =	vor.u32 $0x80000000, v29;
	v30 =	vand.u32 $0xFFFF, v18;
	v18 =	vor.u32 $0x80000000, v23;
	v31 =	vld [tilespmem:s25+$0xFFFFFFA0]  }
0x7ea: {  	v23 =	vxor.u32 v28, v29;
	v17 =	vxor.u32 v17, v18;
	v18 =	vor.u32 $0x80000000, v25;
	v28 =	vld [tilespmem:s25+$0x20]  }
0x7eb: {  	v29 =	vshrl.u32 v23, $0x10;
	v23 =	vand.u32 $0xFFFF, v23;
	v25 =	vshra.s32 v24, $0x1F;
	[tilespmem:v26+s17+$0x0] =	vst.idx.add.f32.msk vm5, v2  }
0x7ec: {  	vm5 =	veq.s32 v29, v12;
	v25 =	vor.u32 $0x80000000, v25;
	v26 =	vshra.s32 v22, $0x1F;
	[tilespmem:v21+s17+$0x0] =	vst.idx.add.f32.msk vm6, v2  }
0x7ed: {  	v21 =	vxor.u32 v24, v25;
	v24 =	vor.u32 $0x80000000, v26;
	v25 =	vshra.s32 v27, $0x1F;
	v26 =	vld [tilespmem:s30+$0xB0]  }
0x7ee: {  	v29 =	vshrl.u32 v21, $0x10;
	v22 =	vxor.u32 v22, v24;
	v24 =	vor.u32 $0x80000000, v25;
	[tilespmem:v30+s17+$0x0] =	vst.idx.add.f32.msk vm7, v2  }
0x7ef: {  	vm6 =	veq.s32 v29, v12;
	v25 =	vshrl.u32 v22, $0x10;
	v24 =	vxor.u32 v27, v24;
	v27 =	vld [tilespmem:s26+$0x90]  }
0x7f0: {  	v21 =	vand.u32 $0xFFFF, v21;
	vm7 =	veq.s32 v25, v12;
	v25 =	vshrl.u32 v24, $0x10;
	[tilespmem:v20+s17+$0x0] =	vst.idx.add.f32.msk vm3, v2  }
0x7f1: {  	v20 =	vand.u32 $0xFFFF, v22;
	v22 =	vand.u32 $0xFFFF, v24;
	vm3 =	veq.s32 v25, v12;
	v24 =	vld [tilespmem:s28+$0xFFFFFFF0]  }
0x7f2: {  	v30 =	vshra.s32 v31, $0x1F;
	v32 =	vshra.s32 v28, $0x1F;
	v25 =	vshra.s32 v26, $0x1F;
	v29 =	vld [tilespmem:s28+$0x70];
	s28 =	smov.u32 s30  }
0x7f3: {  	v25 =	vor.u32 $0x80000000, v25;
	[tilespmem:v23+s17+$0x0] =	vst.idx.add.f32.msk vm5, v2;
	v23 =	vor.u32 $0x80000000, v30;
	v30 =	vor.u32 $0x80000000, v32  }
0x7f4: {  	v25 =	vxor.u32 v26, v25;
	v26 =	vld [tilespmem:s26+$0xFFFFFF00];
	v32 =	vshra.s32 v27, $0x1F;
	v23 =	vxor.u32 v31, v23  }
0x7f5: {  	v28 =	vxor.u32 v28, v30;
	[tilespmem:v21+s17+$0x0] =	vst.idx.add.f32.msk vm6, v2;
	v21 =	vshrl.u32 v25, $0x10;
	v31 =	vor.u32 $0x80000000, v32  }
0x7f6: {  	[tilespmem:v20+s17+$0x0] =	vst.idx.add.f32.msk vm7, v2;
	vm5 =	veq.s32 v21, v12;
	v20 =	vshra.s32 v24, $0x1F;
	v21 =	vxor.u32 v27, v31  }
0x7f7: {  	[tilespmem:v22+s17+$0x0] =	vst.idx.add.f32.msk vm3, v2;
	v22 =	vand.u32 $0xFFFF, v25;
	v25 =	vshra.s32 v29, $0x1F;
	v27 =	vshrl.u32 v21, $0x10  }
0x7f8: {  	v20 =	vor.u32 $0x80000000, v20;
	v30 =	vld [tilespmem:s30+$0xFFFFFF30];
	v25 =	vor.u32 $0x80000000, v25;
	vm7 =	veq.s32 v27, v12  }
0x7f9: {  	v21 =	vand.u32 $0xFFFF, v21;
	v20 =	vxor.u32 v24, v20;
	v27 =	vld [tilespmem:s30+$0xFFFFFFB0];
	v24 =	vxor.u32 v29, v25  }
0x7fa: {  	v29 =	vshrl.u32 v20, $0x10;
	v20 =	vand.u32 $0xFFFF, v20;
	v25 =	vld [tilespmem:s30+$0x30];
	v31 =	vshrl.u32 v24, $0x10  }
0x7fb: {  	vm6 =	veq.s32 v29, v12;
	v24 =	vand.u32 $0xFFFF, v24;
	vm3 =	veq.s32 v31, v12;
	[tilespmem:v19+s17+$0x0] =	vst.idx.add.f32.msk vm4, v2  }
0x7fc: {  	v29 =	vshrl.u32 v28, $0x10;
	v19 =	vshra.s32 v26, $0x1F;
	[tilespmem:v22+s17+$0x0] =	vst.idx.add.f32.msk vm5, v2;
	v22 =	vshrl.u32 v23, $0x10  }
0x7fd: {  	v19 =	vor.u32 $0x80000000, v19;
	v31 =	vshra.s32 v30, $0x1F;
	v32 =	vld [tilespmem:s30+$0xC0];
	vm4 =	veq.s32 v22, v12  }
0x7fe: {  	v19 =	vxor.u32 v26, v19;
	v22 =	vor.u32 $0x80000000, v31;
	v31 =	vshra.s32 v27, $0x1F;
	[tilespmem:v21+s17+$0x0] =	vst.idx.add.f32.msk vm7, v2  }
0x7ff: {  	v21 =	vxor.u32 v30, v22;
	v22 =	vor.u32 $0x80000000, v31;
	v26 =	vshra.s32 v25, $0x1F;
	v30 =	vld [tilespmem:s26+$0xA0]  }
0x800: {  	v31 =	vshrl.u32 v21, $0x10;
	v22 =	vxor.u32 v27, v22;
	v26 =	vor.u32 $0x80000000, v26;
	v27 =	vld [tilespmem:s25+$0xFFFFFF30]  }
0x801: {  	vm5 =	veq.s32 v31, v12;
	v31 =	vshrl.u32 v22, $0x10;
	v25 =	vxor.u32 v25, v26;
	[tilespmem:v20+s17+$0x0] =	vst.idx.add.f32.msk vm6, v2  }
0x802: {  	vm6 =	veq.s32 v31, v12;
	v20 =	vshrl.u32 v25, $0x10;
	v26 =	vshra.s32 v32, $0x1F;
	[tilespmem:v24+s17+$0x0] =	vst.idx.add.f32.msk vm3, v2  }
0x803: {  	v21 =	vand.u32 $0xFFFF, v21;
	vm3 =	veq.s32 v20, v12;
	v20 =	vor.u32 $0x80000000, v26;
	v24 =	vld [tilespmem:s26+$0xFFFFFF80]  }
0x804: {  	v22 =	vand.u32 $0xFFFF, v22;
	v20 =	vxor.u32 v32, v20;
	v26 =	vld [tilespmem:s26+$0x0];
	v31 =	vshra.s32 v30, $0x1F  }
0x805: {  	v25 =	vand.u32 $0xFFFF, v25;
	v32 =	vshrl.u32 v20, $0x10;
	v31 =	vor.u32 $0x80000000, v31;
	[tilespmem:v13+s17+$0x0] =	vst.idx.add.f32.msk vm2, v2  }
0x806: {  	v13 =	vshrl.u32 v19, $0x10;
	vm7 =	veq.s32 v32, v12;
	v30 =	vxor.u32 v30, v31;
	[tilespmem:v14+s17+$0x0] =	vst.idx.add.f32.msk vm0, v2  }
0x807: {  	v14 =	vand.u32 $0xFFFF, v20;
	vm2 =	veq.s32 v13, v12;
	v13 =	vshrl.u32 v30, $0x10;
	[tilespmem:v15+s17+$0x0] =	vst.idx.add.f32.msk vm1, v2  }
0x808: {  	v19 =	vand.u32 $0xFFFF, v19;
	[tilespmem:v21+s17+$0x0] =	vst.idx.add.f32.msk vm5, v2;
	v15 =	vshra.s32 v24, $0x1F;
	vm0 =	veq.s32 v13, v12  }
0x809: {  	v20 =	vand.u32 $0xFFFF, v30;
	[tilespmem:v22+s17+$0x0] =	vst.idx.add.f32.msk vm6, v2;
	v13 =	vor.u32 $0x80000000, v15;
	v15 =	vshra.s32 v26, $0x1F  }
0x80a: {  	vm5 =	veq.s32 v29, v12;
	[tilespmem:v25+s17+$0x0] =	vst.idx.add.f32.msk vm3, v2;
	v13 =	vxor.u32 v24, v13;
	v15 =	vor.u32 $0x80000000, v15  }
0x80b: {  	v21 =	vld [tilespmem:s30+$0xFFFFFF40];
	v22 =	vshrl.u32 v13, $0x10;
	v24 =	vand.u32 $0xFFFF, v13;
	v13 =	vxor.u32 v26, v15  }
0x80c: {  	[tilespmem:v14+s17+$0x0] =	vst.idx.add.f32.msk vm7, v2;
	vm3 =	veq.s32 v22, v12;
	v14 =	vshrl.u32 v13, $0x10;
	v22 =	vand.u32 $0xFFFF, v13  }
0x80d: {  	v23 =	vand.u32 $0xFFFF, v23;
	v26 =	vand.u32 $0xFFFF, v28;
	v25 =	vld [tilespmem:s30+$0xD0];
	vm6 =	veq.s32 v14, v12  }
0x80e: {  	v15 =	vxor.u32 v16, v18;
	v13 =	vshra.s32 v27, $0x1F;
	v14 =	vshrl.u32 v17, $0x10;
	[tilespmem:v20+s17+$0x0] =	vst.idx.add.f32.msk vm0, v2  }
0x80f: {  	v13 =	vor.u32 $0x80000000, v13;
	vm0 =	veq.s32 v14, v12;
	v14 =	vshrl.u32 v15, $0x10;
	v16 =	vld [tilespmem:s26+$0xB0]  }
0x810: {  	v13 =	vxor.u32 v27, v13;
	vm1 =	veq.s32 v14, v12;
	v18 =	vshra.s32 v21, $0x1F;
	v28 =	vld [tilespmem:s30+$0xFFFFFFC0]  }
0x811: {  	v14 =	vor.u32 $0x80000000, v18;
	v27 =	vld [tilespmem:s30+$0x40];
	v18 =	vshrl.u32 v13, $0x10;
	v13 =	vand.u32 $0xFFFF, v13  }
0x812: {  	v20 =	vxor.u32 v21, v14;
	[tilespmem:v19+s17+$0x0] =	vst.idx.add.f32.msk vm2, v2;
	vm2 =	veq.s32 v18, v12;
	v14 =	vand.u32 $0xFFFF, v17  }
0x813: {  	v18 =	vshra.s32 v25, $0x1F;
	v17 =	vshrl.u32 v20, $0x10;
	v21 =	vand.u32 $0xFFFF, v20;
	[tilespmem:v24+s17+$0x0] =	vst.idx.add.f32.msk vm3, v2  }
0x814: {  	vm7 =	veq.s32 v17, v12;
	v17 =	vor.u32 $0x80000000, v18;
	[tilespmem:v22+s17+$0x0] =	vst.idx.add.f32.msk vm6, v2;
	v18 =	vshra.s32 v16, $0x1F  }
0x815: {  	v20 =	vshra.s32 v28, $0x1F;
	v22 =	vxor.u32 v25, v17;
	v19 =	vld [tilespmem:s26+$0xFFFFFF10];
	v17 =	vor.u32 $0x80000000, v18  }
0x816: {  	v24 =	vshra.s32 v27, $0x1F;
	v25 =	vshrl.u32 v22, $0x10;
	v18 =	vld [tilespmem:s26+$0xFFFFFF90];
	v16 =	vxor.u32 v16, v17  }
.Ltmp9:
0x817: {  	v29 =	vor.u32 $0x80000000, v20;
	vm6 =	veq.s32 v25, v12;
	v17 =	vld [tilespmem:s26+$0x10];
	v25 =	vshrl.u32 v16, $0x10;
	(pc) =	sbr.rel @p0 .LBB2_21-.Ltmp9, $4  }
0x818: {  	v20 =	vand.u32 $0xFFFF, v22;
	v24 =	vor.u32 $0x80000000, v24;
	vm3 =	veq.s32 v25, v12;
	[tilespmem:v23+s17+$0x0] =	vst.idx.add.f32.msk vm4, v2  }
0x819: {  	v22 =	vxor.u32 v28, v29;
	v16 =	vand.u32 $0xFFFF, v16;
	v23 =	vxor.u32 v27, v24;
	[tilespmem:v26+s17+$0x0] =	vst.idx.add.f32.msk vm5, v2  }
0x81a: {  	v24 =	vshrl.u32 v22, $0x10;
	v25 =	vshrl.u32 v23, $0x10;
	[tilespmem:v21+s17+$0x0] =	vst.idx.add.f32.msk vm7, v2;
	v21 =	vand.u32 $0xFFFF, v22  }
0x81b: {  	s30 =	sadd.s32 $0x200, s30;
	v23 =	vand.u32 $0xFFFF, v23;
	vm7 =	veq.s32 v24, v12;
	vm5 =	veq.s32 v25, v12;
	v22 =	vld [tilespmem:s28+$0xFFFFFF50]  }
0x81c: {  	_ =	sdelay $0x4  }
0x81d: {  	[tilespmem:v21+s17+$0x0] =	vst.idx.add.f32.msk vm7, v2  }
0x81e: {  	[tilespmem:v23+s17+$0x0] =	vst.idx.add.f32.msk vm5, v2  }
0x81f: {  	v21 =	vld [tilespmem:s28+$0xFFFFFFD0]  }
0x820: {  	v23 =	vld [tilespmem:s28+$0x50];
	_ =	sdelay $0x1  }
0x821: {  	v24 =	vshra.s32 v22, $0x1F  }
0x822: {  	v24 =	vor.u32 $0x80000000, v24  }
0x823: {  	v44 =	vxor.u32 v22, v24;
	v45 =	vshra.s32 v21, $0x1F  }
0x824: {  	v46 =	vshra.s32 v23, $0x1F;
	v25 =	vshrl.u32 v44, $0x10;
	v24 =	vor.u32 $0x80000000, v45  }
0x825: {  	v47 =	vor.u32 $0x80000000, v46;
	vm4 =	veq.s32 v25, v12;
	v21 =	vxor.u32 v21, v24  }
0x826: {  	v22 =	vand.u32 $0xFFFF, v44;
	v23 =	vxor.u32 v23, v47;
	v48 =	vshrl.u32 v21, $0x10  }
0x827: {  	v50 =	vshrl.u32 v23, $0x10;
	vm15 =	veq.s32 v48, v12  }
0x828: {  	v49 =	vand.u32 $0xFFFF, v21;
	vm9 =	veq.s32 v50, v12  }
0x829: {  	[tilespmem:v20+s17+$0x0] =	vst.idx.add.f32.msk vm6, v2;
	v52 =	vand.u32 $0xFFFF, v23  }
0x82a: {  	v51 =	vld [tilespmem:s28+$0xE0]  }
0x82b: {  	[tilespmem:v22+s17+$0x0] =	vst.idx.add.f32.msk vm4, v2  }
0x82c: {  	v22 =	vld [tilespmem:s28+$0xFFFFFF60]  }
0x82d: {  	[tilespmem:v49+s17+$0x0] =	vst.idx.add.f32.msk vm15, v2  }
0x82e: {  	[tilespmem:v52+s17+$0x0] =	vst.idx.add.f32.msk vm9, v2  }
0x82f: {  	v54 =	vld [tilespmem:s28+$0xFFFFFFE0]  }
0x830: {  	v53 =	vshra.s32 v51, $0x1F;
	v21 =	vld [tilespmem:s28+$0x60]  }
0x831: {  	v20 =	vor.u32 $0x80000000, v53  }
0x832: {  	v20 =	vxor.u32 v51, v20;
	v55 =	vshra.s32 v22, $0x1F  }
0x833: {  	v24 =	vshrl.u32 v20, $0x10;
	v20 =	vand.u32 $0xFFFF, v20;
	v56 =	vor.u32 $0x80000000, v55  }
0x834: {  	vm10 =	veq.s32 v24, v12;
	v22 =	vxor.u32 v22, v56;
	v57 =	vshra.s32 v54, $0x1F  }
0x835: {  	v59 =	vshra.s32 v21, $0x1F;
	v58 =	vshrl.u32 v22, $0x10;
	v24 =	vor.u32 $0x80000000, v57  }
0x836: {  	v60 =	vor.u32 $0x80000000, v59;
	vm11 =	veq.s32 v58, v12;
	v23 =	vxor.u32 v54, v24  }
0x837: {  	v22 =	vand.u32 $0xFFFF, v22;
	v21 =	vxor.u32 v21, v60;
	v61 =	vshrl.u32 v23, $0x10  }
0x838: {  	v62 =	vshrl.u32 v21, $0x10;
	vm12 =	veq.s32 v61, v12  }
0x839: {  	v23 =	vand.u32 $0xFFFF, v23;
	vm13 =	veq.s32 v62, v12  }
0x83a: {  	[tilespmem:v20+s17+$0x0] =	vst.idx.add.f32.msk vm10, v2;
	v27 =	vand.u32 $0xFFFF, v21  }
0x83b: {  	v63 =	vld [tilespmem:s28+$0xF0]  }
0x83c: {  	[tilespmem:v22+s17+$0x0] =	vst.idx.add.f32.msk vm11, v2  }
0x83d: {  	v28 =	vld [tilespmem:s28+$0xFFFFFF70]  }
0x83e: {  	[tilespmem:v23+s17+$0x0] =	vst.idx.add.f32.msk vm12, v2  }
0x83f: {  	[tilespmem:v27+s17+$0x0] =	vst.idx.add.f32.msk vm13, v2  }
0x840: {  	v29 =	vshra.s32 v63, $0x1F;
	v23 =	vld [tilespmem:s28+$0xFFFFFFF0]  }
0x841: {  	v22 =	vor.u32 $0x80000000, v29;
	v31 =	vld [tilespmem:s28+$0x70]  }
0x842: {  	v30 =	vxor.u32 v63, v22  }
0x843: {  	v24 =	vshrl.u32 v30, $0x10;
	v32 =	vshra.s32 v28, $0x1F  }
0x844: {  	vm14 =	veq.s32 v24, v12;
	v33 =	vor.u32 $0x80000000, v32  }
0x845: {  	v20 =	vand.u32 $0xFFFF, v30;
	v21 =	vxor.u32 v28, v33;
	v34 =	vshra.s32 v23, $0x1F  }
0x846: {  	v36 =	vshra.s32 v31, $0x1F;
	v35 =	vshrl.u32 v21, $0x10;
	v24 =	vor.u32 $0x80000000, v34  }
0x847: {  	v37 =	vor.u32 $0x80000000, v36;
	vm15 =	veq.s32 v35, v12;
	v23 =	vxor.u32 v23, v24  }
0x848: {  	v21 =	vand.u32 $0xFFFF, v21;
	v22 =	vxor.u32 v31, v37;
	v38 =	vshrl.u32 v23, $0x10  }
0x849: {  	v40 =	vshrl.u32 v22, $0x10;
	vm9 =	veq.s32 v38, v12  }
0x84a: {  	s31 =	sadd.s32 $0x200, s26;
	[tilespmem:v20+s17+$0x0] =	vst.idx.add.f32.msk vm14, v2;
	v39 =	vand.u32 $0xFFFF, v23;
	vm10 =	veq.s32 v40, v12  }
0x84b: {  	v41 =	vld [tilespmem:s31+$0x80];
	v22 =	vand.u32 $0xFFFF, v22;
	_ =	sdelay $0x1  }
0x84c: {  	[tilespmem:v21+s17+$0x0] =	vst.idx.add.f32.msk vm15, v2  }
0x84d: {  	v21 =	vld [tilespmem:s31+$0xFFFFFF00]  }
0x84e: {  	[tilespmem:v39+s17+$0x0] =	vst.idx.add.f32.msk vm9, v2  }
0x84f: {  	v42 =	vshra.s32 v41, $0x1F;
	[tilespmem:v22+s17+$0x0] =	vst.idx.add.f32.msk vm10, v2  }
0x850: {  	v20 =	vor.u32 $0x80000000, v42;
	v43 =	vld [tilespmem:s31+$0xFFFFFF80]  }
0x851: {  	v20 =	vxor.u32 v41, v20;
	v22 =	vld [tilespmem:s31+$0x0]  }
0x852: {  	v24 =	vshrl.u32 v20, $0x10  }
0x853: {  	vm11 =	veq.s32 v24, v12;
	v44 =	vshra.s32 v21, $0x1F  }
0x854: {  	v20 =	vand.u32 $0xFFFF, v20;
	v24 =	vor.u32 $0x80000000, v44  }
0x855: {  	v45 =	vshra.s32 v43, $0x1F;
	v21 =	vxor.u32 v21, v24  }
0x856: {  	v26 =	vshra.s32 v22, $0x1F;
	v46 =	vor.u32 $0x80000000, v45;
	v47 =	vshrl.u32 v21, $0x10  }
0x857: {  	v48 =	vor.u32 $0x80000000, v26;
	v23 =	vxor.u32 v43, v46;
	vm12 =	veq.s32 v47, v12  }
0x858: {  	v21 =	vand.u32 $0xFFFF, v21;
	v22 =	vxor.u32 v22, v48;
	v49 =	vshrl.u32 v23, $0x10  }
0x859: {  	[tilespmem:v20+s17+$0x0] =	vst.idx.add.f32.msk vm11, v2;
	v51 =	vshrl.u32 v22, $0x10;
	vm13 =	veq.s32 v49, v12  }
0x85a: {  	v52 =	vshra.s32 v19, $0x1F;
	v53 =	vld [tilespmem:s31+$0x90];
	v50 =	vand.u32 $0xFFFF, v23;
	vm14 =	veq.s32 v51, v12  }
0x85b: {  	v54 =	vor.u32 $0x80000000, v52;
	v22 =	vand.u32 $0xFFFF, v22  }
0x85c: {  	v56 =	vshra.s32 v18, $0x1F;
	v57 =	vshra.s32 v17, $0x1F;
	v55 =	vxor.u32 v19, v54  }
0x85d: {  	v59 =	vor.u32 $0x80000000, v56;
	v60 =	vor.u32 $0x80000000, v57;
	v58 =	vshrl.u32 v55, $0x10;
	[tilespmem:v21+s17+$0x0] =	vst.idx.add.f32.msk vm12, v2  }
0x85e: {  	v61 =	vxor.u32 v18, v59;
	v19 =	vand.u32 $0xFFFF, v55;
	vm15 =	veq.s32 v58, v12;
	v63 =	vld [tilespmem:s31+$0xFFFFFF10]  }
0x85f: {  	v29 =	vxor.u32 v17, v60;
	v28 =	vshrl.u32 v61, $0x10;
	v62 =	vshra.s32 v53, $0x1F;
	[tilespmem:v50+s17+$0x0] =	vst.idx.add.f32.msk vm13, v2  }
0x860: {  	v30 =	vshrl.u32 v29, $0x10;
	vm9 =	veq.s32 v28, v12;
	v20 =	vor.u32 $0x80000000, v62;
	[tilespmem:v22+s17+$0x0] =	vst.idx.add.f32.msk vm14, v2  }
0x861: {  	v18 =	vand.u32 $0xFFFF, v61;
	vm10 =	veq.s32 v30, v12;
	v20 =	vxor.u32 v53, v20;
	v31 =	vld [tilespmem:s31+$0xFFFFFF90]  }
0x862: {  	v17 =	vand.u32 $0xFFFF, v29;
	v32 =	vshrl.u32 v20, $0x10;
	v33 =	vld [tilespmem:s31+$0x10]  }
0x863: {  	v25 =	vld [tilespmem:s25+$0xFFFFFFB0];
	vm11 =	veq.s32 v32, v12  }
0x864: {  	[tilespmem:v19+s17+$0x0] =	vst.idx.add.f32.msk vm15, v2;
	v34 =	vand.u32 $0xFFFF, v20;
	v35 =	vshra.s32 v63, $0x1F  }
0x865: {  	v36 =	vld [tilespmem:s26+$0xFFFFFF20];
	v20 =	vor.u32 $0x80000000, v35  }
0x866: {  	[tilespmem:v18+s17+$0x0] =	vst.idx.add.f32.msk vm9, v2;
	v37 =	vshra.s32 v31, $0x1F;
	v20 =	vxor.u32 v63, v20  }
0x867: {  	[tilespmem:v17+s17+$0x0] =	vst.idx.add.f32.msk vm10, v2;
	v38 =	vshra.s32 v33, $0x1F;
	v39 =	vor.u32 $0x80000000, v37;
	v40 =	vshrl.u32 v20, $0x10  }
0x868: {  	v46 =	vld [tilespmem:s26+$0xFFFFFFA0];
	v41 =	vor.u32 $0x80000000, v38;
	v42 =	vxor.u32 v31, v39;
	vm12 =	veq.s32 v40, v12  }
0x869: {  	[tilespmem:v34+s17+$0x0] =	vst.idx.add.f32.msk vm11, v2;
	v20 =	vand.u32 $0xFFFF, v20;
	v17 =	vxor.u32 v33, v41;
	v43 =	vshrl.u32 v42, $0x10  }
0x86a: {  	v44 =	vld [tilespmem:s31+$0xA0];
	v45 =	vshrl.u32 v17, $0x10;
	vm13 =	veq.s32 v43, v12  }
0x86b: {  	v18 =	vand.u32 $0xFFFF, v42;
	vm14 =	veq.s32 v45, v12  }
0x86c: {  	v48 =	vld [tilespmem:s26+$0x20];
	v17 =	vand.u32 $0xFFFF, v17  }
0x86d: {  	v28 =	vld [tilespmem:s25+$0x30];
	v47 =	vshra.s32 v36, $0x1F  }
0x86e: {  	v15 =	vand.u32 $0xFFFF, v15;
	v49 =	vshra.s32 v25, $0x1F;
	v23 =	vor.u32 $0x80000000, v47;
	[tilespmem:v20+s17+$0x0] =	vst.idx.add.f32.msk vm12, v2  }
0x86f: {  	v52 =	vshra.s32 v46, $0x1F;
	v22 =	vxor.u32 v36, v23;
	v50 =	vshra.s32 v44, $0x1F;
	v27 =	vld [tilespmem:s31+$0xFFFFFF20]  }
0x870: {  	v54 =	vor.u32 $0x80000000, v52;
	v23 =	vshrl.u32 v22, $0x10;
	v51 =	vor.u32 $0x80000000, v50;
	[tilespmem:v18+s17+$0x0] =	vst.idx.add.f32.msk vm13, v2  }
0x871: {  	v53 =	vshra.s32 v48, $0x1F;
	vm15 =	veq.s32 v23, v12;
	v21 =	vxor.u32 v44, v51;
	[tilespmem:v17+s17+$0x0] =	vst.idx.add.f32.msk vm14, v2  }
0x872: {  	v55 =	vor.u32 $0x80000000, v53;
	v22 =	vand.u32 $0xFFFF, v22;
	v23 =	vshrl.u32 v21, $0x10;
	v56 =	vld [tilespmem:s31+$0xFFFFFFA0]  }
0x873: {  	v34 =	vshra.s32 v28, $0x1F;
	v17 =	vxor.u32 v46, v54;
	vm9 =	veq.s32 v23, v12;
	v57 =	vld [tilespmem:s31+$0x20]  }
0x874: {  	v18 =	vxor.u32 v48, v55;
	v21 =	vand.u32 $0xFFFF, v21;
	v58 =	vshrl.u32 v17, $0x10  }
0x875: {  	v60 =	vshrl.u32 v18, $0x10;
	vm10 =	veq.s32 v58, v12;
	v59 =	vshra.s32 v27, $0x1F  }
0x876: {  	v17 =	vand.u32 $0xFFFF, v17;
	vm11 =	veq.s32 v60, v12;
	v24 =	vor.u32 $0x80000000, v59  }
0x877: {  	[tilespmem:v22+s17+$0x0] =	vst.idx.add.f32.msk vm15, v2;
	v18 =	vand.u32 $0xFFFF, v18;
	v61 =	vxor.u32 v27, v24;
	v63 =	vshra.s32 v56, $0x1F  }
0x878: {  	v30 =	vld [tilespmem:s26+$0xFFFFFF30];
	v31 =	vshra.s32 v57, $0x1F;
	v62 =	vshrl.u32 v61, $0x10;
	v24 =	vor.u32 $0x80000000, v63  }
0x879: {  	[tilespmem:v21+s17+$0x0] =	vst.idx.add.f32.msk vm9, v2;
	v22 =	vor.u32 $0x80000000, v31;
	vm12 =	veq.s32 v62, v12;
	v33 =	vxor.u32 v56, v24  }
0x87a: {  	v32 =	vand.u32 $0xFFFF, v61;
	v35 =	vld [tilespmem:s31+$0xB0];
	v19 =	vxor.u32 v57, v22;
	v36 =	vshrl.u32 v33, $0x10  }
0x87b: {  	v39 =	vor.u32 $0x80000000, v34;
	[tilespmem:v17+s17+$0x0] =	vst.idx.add.f32.msk vm10, v2;
	v37 =	vshrl.u32 v19, $0x10;
	vm13 =	veq.s32 v36, v12  }
0x87c: {  	v20 =	vor.u32 $0x80000000, v49;
	[tilespmem:v18+s17+$0x0] =	vst.idx.add.f32.msk vm11, v2;
	v38 =	vand.u32 $0xFFFF, v33;
	vm14 =	veq.s32 v37, v12  }
0x87d: {  	v40 =	vshra.s32 v30, $0x1F;
	v20 =	vxor.u32 v25, v20;
	v41 =	vld [tilespmem:s26+$0xFFFFFFB0];
	v19 =	vand.u32 $0xFFFF, v19  }
0x87e: {  	v42 =	vshrl.u32 v20, $0x10;
	v48 =	vand.u32 $0xFFFF, v20;
	v18 =	vxor.u32 v28, v39;
	v45 =	vld [tilespmem:s26+$0x30]  }
0x87f: {  	vm15 =	veq.s32 v42, v12;
	v22 =	vor.u32 $0x80000000, v40;
	v43 =	vshrl.u32 v18, $0x10;
	[tilespmem:v32+s17+$0x0] =	vst.idx.add.f32.msk vm12, v2  }
0x880: {  	v22 =	vxor.u32 v30, v22;
	v18 =	vand.u32 $0xFFFF, v18;
	vm5 =	veq.s32 v43, v12;
	v47 =	vld [tilespmem:s31+$0xFFFFFF30]  }
0x881: {  	v27 =	vshrl.u32 v22, $0x10;
	v22 =	vand.u32 $0xFFFF, v22;
	v44 =	vshra.s32 v35, $0x1F;
	[tilespmem:v38+s17+$0x0] =	vst.idx.add.f32.msk vm13, v2  }
0x882: {  	vm9 =	veq.s32 v27, v12;
	v46 =	vor.u32 $0x80000000, v44;
	v51 =	vshra.s32 v41, $0x1F;
	[tilespmem:v19+s17+$0x0] =	vst.idx.add.f32.msk vm14, v2  }
0x883: {  	v53 =	vshra.s32 v45, $0x1F;
	v21 =	vxor.u32 v35, v46;
	v20 =	vor.u32 $0x80000000, v51;
	v52 =	vld [tilespmem:s31+$0xFFFFFFB0]  }
0x884: {  	v55 =	vor.u32 $0x80000000, v53;
	v49 =	vshrl.u32 v21, $0x10;
	v50 =	vand.u32 $0xFFFF, v21;
	v54 =	vld [tilespmem:s31+$0x30]  }
0x885: {  	v20 =	vxor.u32 v41, v20;
	v23 =	vxor.u32 v45, v55;
	v56 =	vshra.s32 v47, $0x1F  }
0x886: {  	vm10 =	veq.s32 v49, v12;
	v57 =	vshrl.u32 v20, $0x10;
	v26 =	vor.u32 $0x80000000, v56  }
0x887: {  	[tilespmem:v16+s17+$0x0] =	vst.idx.add.f32.msk vm3, v2;
	v58 =	vshrl.u32 v23, $0x10;
	v60 =	vand.u32 $0xFFFF, v20;
	v24 =	vxor.u32 v47, v26  }
0x888: {  	[tilespmem:v13+s17+$0x0] =	vst.idx.add.f32.msk vm2, v2;
	vm11 =	veq.s32 v57, v12;
	v59 =	vshra.s32 v52, $0x1F;
	v13 =	vshrl.u32 v24, $0x10  }
0x889: {  	[tilespmem:v14+s17+$0x0] =	vst.idx.add.f32.msk vm0, v2;
	v14 =	vor.u32 $0x80000000, v59;
	vm13 =	veq.s32 v13, v12;
	v13 =	vshra.s32 v54, $0x1F  }
0x88a: {  	[tilespmem:v15+s17+$0x0] =	vst.idx.add.f32.msk vm1, v2;
	vm12 =	veq.s32 v58, v12;
	v14 =	vxor.u32 v52, v14;
	v13 =	vor.u32 $0x80000000, v13  }
0x88b: {  	[tilespmem:v48+s17+$0x0] =	vst.idx.add.f32.msk vm15, v2;
	v62 =	vand.u32 $0xFFFF, v23;
	v61 =	vshrl.u32 v14, $0x10;
	v13 =	vxor.u32 v54, v13  }
0x88c: {  	[tilespmem:v18+s17+$0x0] =	vst.idx.add.f32.msk vm5, v2;
	v15 =	vand.u32 $0xFFFF, v24;
	vm14 =	veq.s32 v61, v12;
	v63 =	vshrl.u32 v13, $0x10  }
0x88d: {  	s24 =	sadd.s32 $0x1, s24;
	[tilespmem:v22+s17+$0x0] =	vst.idx.add.f32.msk vm9, v2;
	v14 =	vand.u32 $0xFFFF, v14;
	vm15 =	veq.s32 v63, v12  }
0x88e: {  	p0 =	sne.s32 s24, $0xE;
	[tilespmem:v50+s17+$0x0] =	vst.idx.add.f32.msk vm10, v2;
	v13 =	vand.u32 $0xFFFF, v13  }
.Ltmp10:
0x88f: {  	[tilespmem:v60+s17+$0x0] =	vst.idx.add.f32.msk vm11, v2;
	(pc) =	sbr.rel @p0 .LBB2_18-.Ltmp10, $4  }
0x890: {  	[tilespmem:v62+s17+$0x0] =	vst.idx.add.f32.msk vm12, v2  }
0x891: {  	[tilespmem:v15+s17+$0x0] =	vst.idx.add.f32.msk vm13, v2  }
0x892: {  	[tilespmem:v14+s17+$0x0] =	vst.idx.add.f32.msk vm14, v2  }
0x893: {  	[tilespmem:v13+s17+$0x0] =	vst.idx.add.f32.msk vm15, v2  }
0x894: {  	s24 =	simm.s32 $0x0  }
0x895: {  	v12 =	vor.u32 s24, v3  }
0x896: {  	s25 =	simm.s32 $0x1  }
0x897: {  	v13 =	vor.u32 s25, v3  }
0x898: {  	s26 =	simm.s32 $0x2  }
0x899: {  	v14 =	vor.u32 s26, v3  }
0x89a: {  	s28 =	simm.s32 $0x3;
	v12 =	vld.idx.msk [tilespmem:v12+s17+$0x0], $0xffff  }
0x89b: {  	v15 =	vor.u32 s28, v3  }
0x89c: {  	s29 =	simm.s32 $0x4;
	v13 =	vld.idx.msk [tilespmem:v13+s17+$0x0], $0xffff  }
0x89d: {  	v16 =	vor.u32 s29, v3  }
0x89e: {  	s30 =	simm.s32 $0x5;
	v17 =	vimm.f32 $0.0e+00;
	v14 =	vld.idx.msk [tilespmem:v14+s17+$0x0], $0xffff  }
0x89f: {  	v19 =	vor.u32 s30, v3;
	s25 =	simm.s32 $0x6;
	v17 =	vadd.f32 v12, v17  }
0x8a0: {  	v12 =	vld.idx.msk [tilespmem:v15+s17+$0x0], $0xffff;
	v15 =	vor.u32 s25, v3  }
0x8a1: {  	s31 =	simm.s32 $0x7;
	v17 =	vadd.f32 v13, v17  }
0x8a2: {  	v13 =	vld.idx.msk [tilespmem:v16+s17+$0x0], $0xffff;
	v16 =	vor.u32 s31, v3  }
0x8a3: {  	s24 =	simm.s32 $0x8;
	v18 =	vadd.f32 v14, v17  }
0x8a4: {  	s25 =	simm.s32 $0x10;
	v14 =	vld.idx.msk [tilespmem:v19+s17+$0x0], $0xffff;
	v17 =	vor.u32 s24, v3  }
.LBB2_24:
0x8a5: {  	p0 =	slt.u32 s25, $0xFF8;
	s26 =	sadd.s32 $0x1, s24;
	v12 =	vadd.f32 v12, v18;
	v15 =	vld.idx.msk [tilespmem:v15+s17+$0x0], $0xffff  }
0x8a6: {  	v18 =	vor.u32 s26, v3  }
0x8a7: {  	s26 =	sadd.s32 $0x2, s24;
	v12 =	vadd.f32 v13, v12;
	v13 =	vld.idx.msk [tilespmem:v16+s17+$0x0], $0xffff  }
0x8a8: {  	v16 =	vor.u32 s26, v3  }
0x8a9: {  	s26 =	sadd.s32 $0x3, s24;
	v17 =	vld.idx.msk [tilespmem:v17+s17+$0x0], $0xffff;
	v12 =	vadd.f32 v14, v12  }
0x8aa: {  	v14 =	vor.u32 s26, v3  }
0x8ab: {  	s26 =	sadd.s32 $0x4, s24;
	v18 =	vld.idx.msk [tilespmem:v18+s17+$0x0], $0xffff;
	v12 =	vadd.f32 v15, v12  }
0x8ac: {  	v19 =	vor.u32 s26, v3  }
0x8ad: {  	s26 =	sadd.s32 $0x5, s24;
	v20 =	vld.idx.msk [tilespmem:v16+s17+$0x0], $0xffff;
	v12 =	vadd.f32 v13, v12  }
0x8ae: {  	v21 =	vor.u32 s26, v3  }
0x8af: {  	s26 =	sadd.s32 $0x6, s24;
	v13 =	vadd.f32 v17, v12;
	v12 =	vld.idx.msk [tilespmem:v14+s17+$0x0], $0xffff  }
.Ltmp11:
0x8b0: {  	v15 =	vor.u32 s26, v3;
	(pc) =	sbr.rel @p0 .LBB2_24-.Ltmp11, $4  }
0x8b1: {  	s26 =	sadd.s32 $0x7, s24;
	s24 =	smov.u32 s25;
	v14 =	vadd.f32 v18, v13;
	v13 =	vld.idx.msk [tilespmem:v19+s17+$0x0], $0xffff  }
0x8b2: {  	v16 =	vor.u32 s26, v3  }
0x8b3: {  	v18 =	vadd.f32 v20, v14;
	v14 =	vld.idx.msk [tilespmem:v21+s17+$0x0], $0xffff  }
0x8b4: {  	s25 =	sadd.s32 $0x8, s25;
	v17 =	vor.u32 s24, v3  }
0x8b5: {  	_ =	sdelay $0x2  }
0x8b6: {  	v12 =	vadd.f32 v12, v18  }
0x8b7: {  	s25 =	sadd.s32 $0x1, s24;
	v15 =	vld.idx.msk [tilespmem:v15+s17+$0x0], $0xffff  }
0x8b8: {  	v18 =	vor.u32 s25, v3;
	v12 =	vadd.f32 v13, v12  }
0x8b9: {  	s30 =	sadd.s32 $0x2, s24;
	v13 =	vld.idx.msk [tilespmem:v16+s17+$0x0], $0xffff  }
0x8ba: {  	v16 =	vor.u32 s30, v3;
	v12 =	vadd.f32 v14, v12  }
0x8bb: {  	s31 =	sadd.s32 $0x3, s24;
	v14 =	vld.idx.msk [tilespmem:v17+s17+$0x0], $0xffff  }
0x8bc: {  	vm0 =	veq.s32 v11, v6;
	v17 =	vor.u32 s31, v3;
	v12 =	vadd.f32 v15, v12  }
0x8bd: {  	s26 =	sadd.s32 $0x4, s24;
	v10 =	vnsel vm0, $0x0, v10;
	v11 =	vld.idx.msk [tilespmem:v18+s17+$0x0], $0xffff  }
0x8be: {  	(xrf2) =	vadd.scan.msk.f32 $0xffff, v10;
	v15 =	vor.u32 s26, v3;
	v12 =	vadd.f32 v13, v12  }
0x8bf: {  	s28 =	sadd.s32 $0x5, s24;
	v9 =	vnsel vm0, $0x0, v9;
	v10 =	vld.idx.msk [tilespmem:v16+s17+$0x0], $0xffff  }
0x8c0: {  	(xrf2) =	vadd.scan.msk.f32 $0xffff, v9;
	v13 =	vor.u32 s28, v3;
	v12 =	vadd.f32 v14, v12  }
0x8c1: {  	s29 =	sadd.s32 $0x6, s24;
	v9 =	vld.idx.msk [tilespmem:v17+s17+$0x0], $0xffff  }
0x8c2: {  	v14 =	vor.u32 s29, v3;
	v11 =	vadd.f32 v11, v12  }
0x8c3: {  	s30 =	sadd.s32 $0x7, s24;
	v12 =	vld.idx.msk [tilespmem:v15+s17+$0x0], $0xffff  }
0x8c4: {  	v15 =	vor.u32 s30, v3;
	v10 =	vadd.f32 v10, v11  }
0x8c5: {  	v11 =	vld.idx.msk [tilespmem:v13+s17+$0x0], $0xffff  }
0x8c6: {  	v9 =	vadd.f32 v9, v10  }
0x8c7: {  	v10 =	vld.idx.msk [tilespmem:v14+s17+$0x0], $0xffff  }
0x8c8: {  	v13, _, _ =	vpop (xrf2);
	v9 =	vadd.f32 v12, v9  }
0x8c9: {  	(v2sf) =	vpush v13, $0xF;
	v12 =	vld.idx.msk [tilespmem:v15+s17+$0x0], $0xffff  }
0x8ca: {  	v9 =	vadd.f32 v11, v9;
	v11, _, _ =	vpop (xrf2)  }
0x8cb: {  	(v2sf) =	vpush v11, $0xF  }
0x8cc: {  	v9 =	vadd.f32 v10, v9;
	_ =	sdelay $0x1  }
0x8cd: {  	v9 =	vadd.f32 v12, v9;
	_ =	sdelay $0x1  }
0x8ce: {  	v10 =	vperm.xlane v9, v5;
	_ =	sdelay $0x1  }
0x8cf: {  	(xrf2) =	vadd.scan.msk.f32 $0xffff, v10;
	_ =	sdelay $0x5  }
0x8d0: {  	s31 =	spop (v2sf)  }
0x8d1: {  	s23 =	sadd.f32 s31, s23  }
0x8d2: {  	s25 =	spop (v2sf)  }
0x8d3: {  	s23 =	ssub.f32 s25, s23  }
0x8d4: {  	v10, _, _ =	vpop (xrf2)  }
0x8d5: {  	s24 =	sadd.f32 $3.010600000e+04, s23;
	v10 =	vperm.xlane v10, v5;
	_ =	sdelay $0x1  }
0x8d6: {  	vm15 =	vge.f32 v10, s24  }
0x8d7: {  	v12 =	vmpcnt.ones.xlane vm15;
	_ =	sdelay $0x1  }
0x8d8: {  	v11 =	vadd.s32 $0x7FFFFFFF, v12  }
0x8d9: {  	(xrf0) =	vmax.scan.msk.u32 $0xffff, v11;
	_ =	sdelay $0x5  }
0x8da: {  	v11, _, _ =	vpop (xrf0)  }
0x8db: {  	(v2sf) =	vpush v11, $0xF;
	_ =	sdelay $0xd  }
0x8dc: {  	s25 =	simm.s32 $0x0  }
0x8dd: {  	v11 =	vmov s25;
	s26 =	spop (v2sf)  }
0x8de: {  	v11 =	vand.u32 $0xF8, v11;
	s23 =	sshll.u32 s26, $0xC;
	s26 =	simm.s32 $0x1  }
0x8df: {  	v13 =	vbroadcast v11, $0x0;
	v11 =	vor.u32 s23, v7;
	v7 =	vmov s26  }
0x8e0: {  	s28 =	simm.s32 $0x2;
	v7 =	vand.u32 $0xF9, v7  }
0x8e1: {  	s29 =	simm.s32 $0x3;
	v14 =	vmov s28;
	v13 =	vor.u32 v11, v13;
	v7 =	vbroadcast v7, $0x0  }
0x8e2: {  	v14 =	vand.u32 $0xFA, v14;
	v15 =	vmov s29  }
0x8e3: {  	s30 =	simm.s32 $0x4;
	v14 =	vbroadcast v14, $0x0;
	v15 =	vand.u32 $0xFB, v15;
	v7 =	vor.u32 v11, v7  }
0x8e4: {  	v16 =	vmov s30;
	v15 =	vbroadcast v15, $0x0  }
0x8e5: {  	v16 =	vand.u32 $0xFC, v16;
	s28 =	simm.s32 $0x5;
	v14 =	vor.u32 v11, v14  }
0x8e6: {  	v16 =	vbroadcast v16, $0x0;
	s31 =	simm.s32 $0x6;
	v20 =	vor.u32 v11, v15;
	v15 =	vmov s28;
	v13 =	vld.idx.msk [tilespmem:v13+s17+$0x0], $0xffff  }
0x8e7: {  	v17 =	vmov s31;
	v15 =	vand.u32 $0xFD, v15  }
0x8e8: {  	v18 =	vor.u32 v11, v16;
	v19 =	vbroadcast v15, $0x0;
	v15 =	vand.u32 $0xFE, v17;
	v17 =	vld.idx.msk [tilespmem:v7+s17+$0x0], $0xffff;
	_ =	sdelay $0x1  }
0x8e9: {  	v21 =	vimm.f32 $0.0e+00;
	v22 =	vbroadcast v15, $0x0;
	v16 =	vor.u32 v11, v19;
	v15 =	vld.idx.msk [tilespmem:v14+s17+$0x0], $0xffff  }
0x8ea: {  	v7 =	vmov s24;
	s24 =	simm.s32 $0x8;
	v19 =	vadd.f32 v13, v21  }
0x8eb: {  	s26 =	simm.s32 $0x10;
	v14 =	vor.u32 v11, v22;
	v13 =	vld.idx.msk [tilespmem:v20+s17+$0x0], $0xffff;
	v20 =	vmov s24  }
.LBB2_26:
0x8ec: {  	p0 =	slt.u32 s26, $0xF8;
	v20 =	vand.u32 $0xF8, v20;
	s28 =	sadd.s32 $0x1, s24;
	v17 =	vadd.f32 v17, v19;
	v18 =	vld.idx.msk [tilespmem:v18+s17+$0x0], $0xffff;
	s25 =	sadd.s32 $0x7, s25  }
0x8ed: {  	v19 =	vbroadcast v20, $0x0;
	v20 =	vmov s28;
	v21 =	vor.u32 s25, v11;
	s25 =	smov.u32 s24;
	s24 =	smov.u32 s26  }
0x8ee: {  	v20 =	vand.u32 $0xF9, v20;
	s28 =	sadd.s32 $0x2, s25;
	v15 =	vadd.f32 v15, v17;
	v16 =	vld.idx.msk [tilespmem:v16+s17+$0x0], $0xffff  }
0x8ef: {  	v17 =	vor.u32 v11, v19;
	v19 =	vbroadcast v20, $0x0;
	v20 =	vmov s28  }
0x8f0: {  	s28 =	sadd.s32 $0x3, s25;
	v20 =	vand.u32 $0xFA, v20;
	v13 =	vadd.f32 v13, v15;
	v14 =	vld.idx.msk [tilespmem:v14+s17+$0x0], $0xffff  }
0x8f1: {  	v15 =	vor.u32 v11, v19;
	v19 =	vbroadcast v20, $0x0;
	v20 =	vmov s28  }
0x8f2: {  	s28 =	sadd.s32 $0x4, s25;
	v20 =	vand.u32 $0xFB, v20;
	v13 =	vadd.f32 v18, v13;
	v21 =	vld.idx.msk [tilespmem:v21+s17+$0x0], $0xffff  }
0x8f3: {  	v19 =	vor.u32 v11, v19;
	v18 =	vbroadcast v20, $0x0;
	v20 =	vmov s28  }
0x8f4: {  	s28 =	sadd.s32 $0x5, s25;
	v22 =	vld.idx.msk [tilespmem:v17+s17+$0x0], $0xffff;
	v17 =	vand.u32 $0xFC, v20;
	v13 =	vadd.f32 v16, v13  }
0x8f5: {  	v20 =	vor.u32 v11, v18;
	v16 =	vbroadcast v17, $0x0;
	v18 =	vmov s28  }
0x8f6: {  	s28 =	sadd.s32 $0x6, s25;
	v17 =	vld.idx.msk [tilespmem:v15+s17+$0x0], $0xffff;
	v15 =	vand.u32 $0xFD, v18;
	v13 =	vadd.f32 v14, v13  }
.Ltmp12:
0x8f7: {  	v18 =	vor.u32 v11, v16;
	v14 =	vbroadcast v15, $0x0;
	v16 =	vmov s28;
	(pc) =	sbr.rel @p0 .LBB2_26-.Ltmp12, $4  }
0x8f8: {  	v15 =	vld.idx.msk [tilespmem:v19+s17+$0x0], $0xffff;
	v19 =	vand.u32 $0xFE, v16;
	v13 =	vadd.f32 v21, v13  }
0x8f9: {  	v16 =	vor.u32 v11, v14;
	v14 =	vbroadcast v19, $0x0  }
0x8fa: {  	v19 =	vadd.f32 v22, v13;
	v13 =	vld.idx.msk [tilespmem:v20+s17+$0x0], $0xffff  }
0x8fb: {  	s26 =	sadd.s32 $0x8, s26;
	v20 =	vmov s24;
	v14 =	vor.u32 v11, v14  }
0x8fc: {  	_ =	sdelay $0x2  }
0x8fd: {  	v20 =	vand.u32 $0xF8, v20;
	v17 =	vadd.f32 v17, v19  }
0x8fe: {  	s26 =	sadd.s32 $0x1, s24;
	v18 =	vld.idx.msk [tilespmem:v18+s17+$0x0], $0xffff;
	s25 =	sadd.s32 $0x7, s25;
	v50 =	vbroadcast v20, $0x0  }
0x8ff: {  	s28 =	sadd.s32 $0x2, s24;
	v51 =	vmov s26;
	v21 =	vor.u32 s25, v11;
	v15 =	vadd.f32 v15, v17  }
0x900: {  	v16 =	vld.idx.msk [tilespmem:v16+s17+$0x0], $0xffff;
	v53 =	vmov s28;
	v52 =	vand.u32 $0xF9, v51  }
0x901: {  	s29 =	sadd.s32 $0x3, s24;
	v19 =	vor.u32 v11, v50;
	v17 =	vbroadcast v52, $0x0;
	v13 =	vadd.f32 v13, v15  }
0x902: {  	v14 =	vld.idx.msk [tilespmem:v14+s17+$0x0], $0xffff;
	v54 =	vmov s29;
	v20 =	vand.u32 $0xFA, v53  }
0x903: {  	s30 =	sadd.s32 $0x4, s24;
	v15 =	vbroadcast v20, $0x0;
	v17 =	vor.u32 v11, v17;
	v13 =	vadd.f32 v18, v13  }
0x904: {  	v57 =	vmov s30;
	v55 =	vand.u32 $0xFB, v54;
	v56 =	vld.idx.msk [tilespmem:v21+s17+$0x0], $0xffff  }
0x905: {  	s31 =	sadd.s32 $0x5, s24;
	v15 =	vor.u32 v11, v15;
	v18 =	vbroadcast v55, $0x0;
	v13 =	vadd.f32 v16, v13  }
0x906: {  	v60 =	vmov s31;
	v21 =	vand.u32 $0xFC, v57;
	v58 =	vld.idx.msk [tilespmem:v19+s17+$0x0], $0xffff  }
0x907: {  	s26 =	sadd.s32 $0x6, s24;
	v59 =	vbroadcast v21, $0x0;
	v18 =	vor.u32 v11, v18;
	v13 =	vadd.f32 v14, v13  }
0x908: {  	vm0 =	veq.s32 v12, v6;
	v63 =	vmov s26;
	v21 =	vand.u32 $0xFD, v60;
	v14 =	vld.idx.msk [tilespmem:v17+s17+$0x0], $0xffff  }
0x909: {  	v62 =	vbroadcast v21, $0x0;
	v61 =	vor.u32 v11, v59;
	v13 =	vadd.f32 v56, v13  }
0x90a: {  	v10 =	vnsel vm0, $0x0, v10;
	v12 =	vld.idx.msk [tilespmem:v15+s17+$0x0], $0xffff;
	v15 =	vand.u32 $0xFE, v63  }
0x90b: {  	(xrf2) =	vadd.scan.msk.f32 $0xffff, v10;
	v19 =	vor.u32 v11, v62;
	v15 =	vbroadcast v15, $0x0;
	v13 =	vadd.f32 v58, v13  }
0x90c: {  	v9 =	vnsel vm0, $0x0, v9;
	v10 =	vld.idx.msk [tilespmem:v18+s17+$0x0], $0xffff  }
0x90d: {  	(xrf2) =	vadd.scan.msk.f32 $0xffff, v9;
	v15 =	vor.u32 v11, v15;
	v13 =	vadd.f32 v14, v13  }
0x90e: {  	s28 =	sadd.s32 $0x7, s24;
	v9 =	vld.idx.msk [tilespmem:v61+s17+$0x0], $0xffff  }
0x90f: {  	v11 =	vor.u32 s28, v11;
	v12 =	vadd.f32 v12, v13  }
0x910: {  	v13 =	vld.idx.msk [tilespmem:v19+s17+$0x0], $0xffff  }
0x911: {  	v10 =	vadd.f32 v10, v12  }
0x912: {  	v12 =	vld.idx.msk [tilespmem:v15+s17+$0x0], $0xffff  }
0x913: {  	v9 =	vadd.f32 v9, v10  }
0x914: {  	v10 =	vld.idx.msk [tilespmem:v11+s17+$0x0], $0xffff  }
0x915: {  	v11, _, _ =	vpop (xrf2);
	v9 =	vadd.f32 v13, v9  }
0x916: {  	(v2sf) =	vpush v11, $0xF  }
0x917: {  	v11, _, _ =	vpop (xrf2);
	v9 =	vadd.f32 v12, v9  }
0x918: {  	(v2sf) =	vpush v11, $0xF  }
0x919: {  	v9 =	vadd.f32 v10, v9;
	_ =	sdelay $0x1  }
0x91a: {  	v10 =	vperm.xlane v9, v5;
	_ =	sdelay $0x1  }
0x91b: {  	(xrf2) =	vadd.scan.msk.f32 $0xffff, v10;
	_ =	sdelay $0x7  }
0x91c: {  	s29 =	spop (v2sf)  }
0x91d: {  	s24 =	sadd.f32 $0.0e+00, s29  }
0x91e: {  	s30 =	spop (v2sf);
	v10, _, _ =	vpop (xrf2)  }
0x91f: {  	s24 =	ssub.f32 s24, s30;
	v10 =	vperm.xlane v10, v5;
	_ =	sdelay $0x1  }
0x920: {  	v11 =	vadd.f32 s24, v10;
	_ =	sdelay $0x1  }
0x921: {  	vm15 =	vge.f32 v11, v7  }
0x922: {  	v11 =	vmpcnt.ones.xlane vm15;
	_ =	sdelay $0x1  }
0x923: {  	v12 =	vadd.s32 $0x7FFFFFFF, v11  }
0x924: {  	(xrf0) =	vmax.scan.msk.u32 $0xffff, v12;
	_ =	sdelay $0x5  }
0x925: {  	v12, _, _ =	vpop (xrf0)  }
0x926: {  	(v2sf) =	vpush v12, $0xF;
	_ =	sdelay $0xe  }
0x927: {  	s31 =	spop (v2sf)  }
0x928: {  	s25 =	sshll.u32 s31, $0x8  }
0x929: {  	s23 =	sadd.s32 s23, s25  }
0x92a: {  	p0 =	por $0x1, $0x1;
	v12 =	vimm.f32 $0.0e+00;
	s25 =	simm.s32 $0x0;
	v8 =	vor.u32 s23, v8  }
.LBB2_28:
0x92b: {  	v13 =	vor.u32 s25, v8  }
0x92c: {  	s26 =	sor.u32 $0x1, s25  }
0x92d: {  	v14 =	vor.u32 s26, v8  }
0x92e: {  	s30 =	sor.u32 $0x2, s25  }
0x92f: {  	v15 =	vor.u32 s30, v8  }
0x930: {  	s31 =	sor.u32 $0x3, s25;
	v13 =	vld.idx.msk [tilespmem:v13+s17+$0x0], $0xffff  }
0x931: {  	v16 =	vor.u32 s31, v8  }
0x932: {  	s28 =	sor.u32 $0x4, s25;
	v14 =	vld.idx.msk [tilespmem:v14+s17+$0x0], $0xffff  }
0x933: {  	v17 =	vor.u32 s28, v8  }
0x934: {  	s29 =	sor.u32 $0x5, s25;
	v15 =	vld.idx.msk [tilespmem:v15+s17+$0x0], $0xffff  }
0x935: {  	v12 =	vadd.f32 v13, v12;
	v13 =	vor.u32 s29, v8  }
0x936: {  	s30 =	sor.u32 $0x6, s25;
	v16 =	vld.idx.msk [tilespmem:v16+s17+$0x0], $0xffff  }
0x937: {  	v12 =	vadd.f32 v14, v12;
	v14 =	vor.u32 s30, v8  }
0x938: {  	s31 =	sor.u32 $0x7, s25;
	v17 =	vld.idx.msk [tilespmem:v17+s17+$0x0], $0xffff  }
0x939: {  	v12 =	vadd.f32 v15, v12;
	v15 =	vor.u32 s31, v8  }
0x93a: {  	v13 =	vld.idx.msk [tilespmem:v13+s17+$0x0], $0xffff  }
0x93b: {  	v12 =	vadd.f32 v16, v12  }
0x93c: {  	v14 =	vld.idx.msk [tilespmem:v14+s17+$0x0], $0xffff  }
0x93d: {  	v12 =	vadd.f32 v17, v12  }
0x93e: {  	p1 =	por p0, p0;
	v15 =	vld.idx.msk [tilespmem:v15+s17+$0x0], $0xffff  }
.Ltmp13:
0x93f: {  	v12 =	vadd.f32 v13, v12;
	(pc) =	sbr.rel @p1 .LBB2_28-.Ltmp13, $3  }
0x940: {  	_ = 	snop  }
0x941: {  	v12 =	vadd.f32 v14, v12;
	_ =	sdelay $0x1  }
0x942: {  	p0 =	por $0x0, $0x0;
	s25 =	simm.s32 $0x8;
	v12 =	vadd.f32 v15, v12  }
0x943: {  	vm0 =	veq.s32 v11, v6  }
0x944: {  	v8 =	vnsel vm0, $0x0, v10  }
0x945: {  	(xrf2) =	vadd.scan.msk.f32 $0xffff, v8  }
0x946: {  	v59 =	vnsel vm0, $0x0, v9  }
0x947: {  	(xrf2) =	vadd.scan.msk.f32 $0xffff, v59;
	_ =	sdelay $0x7  }
0x948: {  	v60, _, _ =	vpop (xrf2)  }
0x949: {  	(v2sf) =	vpush v60, $0xF  }
0x94a: {  	v61, _, _ =	vpop (xrf2)  }
0x94b: {  	(v2sf) =	vpush v61, $0xF;
	_ =	sdelay $0x2  }
0x94c: {  	v62 =	vperm.xlane v12, v5;
	_ =	sdelay $0x1  }
0x94d: {  	(xrf2) =	vadd.scan.msk.f32 $0xffff, v62;
	_ =	sdelay $0x7  }
0x94e: {  	s25 =	spop (v2sf)  }
0x94f: {  	s24 =	sadd.f32 s25, s24  }
0x950: {  	v8, _, _ =	vpop (xrf2);
	s29 =	spop (v2sf)  }
0x951: {  	v8 =	vperm.xlane v8, v5;
	s24 =	ssub.f32 s24, s29;
	_ =	sdelay $0x1  }
0x952: {  	v63 =	vadd.f32 s24, v8;
	_ =	sdelay $0x1  }
0x953: {  	vm13 =	vge.f32 v63, v7  }
0x954: {  	v9 =	vmpcnt.ones.xlane vm13;
	_ =	sdelay $0x1  }
0x955: {  	vm0 =	veq.s32 v9, v6  }
0x956: {  	v6 =	vnsel vm0, $0x0, v8  }
0x957: {  	(xrf2) =	vadd.scan.msk.f32 $0xffff, v6;
	v6 =	vnsel vm0, $0x0, v12  }
0x958: {  	(xrf2) =	vadd.scan.msk.f32 $0xffff, v6;
	_ =	sdelay $0x3  }
0x959: {  	v6 =	vadd.s32 $0x7FFFFFFF, v9  }
0x95a: {  	(xrf0) =	vmax.scan.msk.u32 $0xffff, v6;
	_ =	sdelay $0x3  }
0x95b: {  	v6, _, _ =	vpop (xrf2)  }
0x95c: {  	(v2sf) =	vpush v6, $0xF;
	v6, _, _ =	vpop (xrf2)  }
0x95d: {  	(v2sf) =	vpush v6, $0xF;
	v6, _, _ =	vpop (xrf0)  }
0x95e: {  	(v2sf) =	vpush v6, $0xF;
	_ =	sdelay $0xc  }
0x95f: {  	s30 =	spop (v2sf)  }
0x960: {  	s26 =	spop (v2sf)  }
0x961: {  	s28 =	spop (v2sf)  }
0x962: {  	s28 =	sshll.u32 s28, $0x4  }
0x963: {  	s23 =	sadd.s32 s23, s28  }
0x964: {  	v6 =	vor.u32 s23, v1;
	_ =	sdelay $0x4  }
0x965: {  	v6 =	vld.idx.msk [tilespmem:v6+s17+$0x0], $0xffff;
	_ =	sdelay $0x4  }
0x966: {  	v6 =	vperm.xlane v6, v5;
	_ =	sdelay $0x1  }
0x967: {  	(xrf2) =	vadd.scan.msk.f32 $0xffff, v6;
	_ =	sdelay $0x8  }
0x968: {  	s24 =	sadd.f32 s30, s24  }
0x969: {  	v6, _, _ =	vpop (xrf2)  }
0x96a: {  	s24 =	ssub.f32 s24, s26;
	v5 =	vperm.xlane v6, v5;
	_ =	sdelay $0x1  }
0x96b: {  	v5 =	vadd.f32 s24, v5;
	_ =	sdelay $0x1  }
0x96c: {  	vm14 =	vge.f32 v5, v7  }
0x96d: {  	v5 =	vmpcnt.ones.xlane vm14;
	_ =	sdelay $0x1  }
0x96e: {  	v5 =	vadd.s32 $0x7FFFFFFF, v5  }
0x96f: {  	(xrf0) =	vmax.scan.msk.u32 $0xffff, v5;
	_ =	sdelay $0x5  }
0x970: {  	v5, _, _ =	vpop (xrf0)  }
0x971: {  	(v2sf) =	vpush v5, $0xF;
	_ =	sdelay $0xe  }
0x972: {  	s31 =	spop (v2sf)  }
0x973: {  	s23 =	sadd.s32 s31, s23  }
0x974: {  	s22 =	sshll.u32 s22, $0x10;
	s23 =	sadd.s32 $0x80000000, s23  }
0x975: {  	s22 =	sor.u32 s22, s23  }
0x976: {  	v5 =	vmov s22  }
0x977: {  	vm15 =	vgt.s32 v5, $0xFFFFFFFF  }
0x978: {  	s21 =	sadd.s32 $0x1, s21;
	v5 =	vsel vm15, $0xFFFFFFFF, v4  }
0x979: {  	p0 =	sne.s32 s21, s10;
	v5 =	vxor.u32 s22, v5  }
.Ltmp14:
0x97a: {  	[tilespmem:$0x1E000] =	vst v5;
	(pc) =	sbr.rel @p0 .LBB2_1-.Ltmp14, $4  }
0x97b: {  	[hbm4b:s9+s3] =	stream.linear.scatter [tilespmem:s19], [sflag:$0x3], $0x10, $0x38;
	[tilespmem:$0x1E080] =	vst v63  }
0x97c: {  	_ =	swait.ge [sflag:s20], $0x10  }
0x97d: {  	[sflag:s20] =	ssyncset.done $0x0  }
0x97e: {  	[sflag:s20] =	ssyncadd.s32 $0xFFFFFFF0  }
0x97f: {  	_ =	sfence.sel $0x180000  }
0x980: {  	[bflag:$0x0] =	sbarrier.arrive $0xFFFF  }
0x981: {  	p0 =	sne.s32 s0, $0x0;
	_ =	strace $0x90000047  }
0x982: {  	s0 =	sadd.s32 @!p0 $0x100000, s1;
	[bflag:$0x2] =	sbarrier.arrive $0xFFFF  }
0x983: {  	[sflag:s0] =	ssyncadd.tile.s32 @!p0 $0x1;
	_ =	shalt  }
.Lfunc_end2:
_tile_overlayer_lowered:
.L_overlay_start_2:
0x984: {  	(tag) =	ssettag $0x2  }
0x985: {  	s0 =	rddreg [dreg:$0x0];
	s2 =	stileid.u32  }
0x986: {  	s1 =	rddreg [dreg:$0x1];
	p0 =	sne.s32 s2, $0x0  }
0x987: {  	s3 =	rddreg [dreg:$0x2];
	[bflag:$0x3] =	sbarrier.arrive $0xFFFF;
	s2 =	simm.s32 @!p0 $0x1C03  }
0x988: {  	[timem:s3], [sflag:s2] =	dma.local @!p0 [hbm:s0], s1  }
0x989: {  	s0 =	simm.s32 @!p0 $0x3  }
0x98a: {  	_ =	swait.ge @!p0 [sflag:s0], s1  }
0x98b: {  	s1 =	ssub.s32 @!p0 $0x0, s1;
	[sflag:s0] =	ssyncset.done @!p0 $0x0  }
0x98c: {  	[sflag:s0] =	ssyncadd.s32 @!p0 s1  }
0x98d: {  	[bflag:$0x3] =	sbarrier.arrive $0xFFFF  }
0x98e: {  	_ =	shalt  }

</sc_bundles>
